<compile_context>
chip_gen: v7x
topology: tpu7x:2x2x1
jax: 0.10.2.dev20260603
libtpu: 0.0.44.dev20260713+nightly
codegen_flags: <defaults>
</compile_context>

<pallas_src>
import functools

import jax
import jax.numpy as jnp
import numpy as np
from jax import lax
from jax.experimental import pallas as pl
from jax.experimental.pallas import tpu as pltpu
from jax.experimental.pallas import tpu_sc as plsc

NUM_BUCKETS = 32
MAX_DISTANCE = 128
N_HEADS = 16
SEQ = 2048
NSHIFT = 16
TABW = 4096
PADW = 4224
BW = 3072
BUILD_W = 2944
ROWS_PER_SUBCORE = SEQ // 2
NGROUPS = 16


def _tables_tc_kernel(bias_t_ref, d_ref, bid_ref, out_ref):
    d = d_ref[0, 0]
    bid = bid_ref[0, 0]
    pos = lax.broadcasted_iota(jnp.int32, (NUM_BUCKETS, PADW), 1)
    rel = pos - (SEQ - 1) + d
    half = NUM_BUCKETS // 2
    max_exact = half // 2
    rel_buckets = (rel > 0).astype(jnp.int32) * half * bid
    a = jnp.abs(rel)
    is_small = a < max_exact
    rp_large = max_exact + (
        jnp.log(a.astype(jnp.float32) / max_exact)
        / np.log(MAX_DISTANCE / max_exact)
        * (half - max_exact)
    ).astype(jnp.int32)
    rp_large = jnp.minimum(rp_large, jnp.full_like(rp_large, half - 1))
    bucket = jnp.where(is_small, a, rp_large) + rel_buckets
    onehot = (bucket == lax.broadcasted_iota(jnp.int32, (NUM_BUCKETS, PADW), 0))
    table = jnp.dot(
        bias_t_ref[...],
        onehot.astype(jnp.float32),
        preferred_element_type=jnp.float32,
        precision=lax.Precision.HIGHEST,
    )
    for s in range(NSHIFT):
        out_ref[:, s, :] = table[:, s : s + TABW]


def _compute_tables(bias_t, d_arr, bid_arr):
    return pl.pallas_call(
        _tables_tc_kernel,
        out_shape=jax.ShapeDtypeStruct((N_HEADS, NSHIFT, TABW), jnp.float32),
        in_specs=[
            pl.BlockSpec((N_HEADS, NUM_BUCKETS), lambda: (0, 0)),
            pl.BlockSpec(memory_space=pltpu.SMEM),
            pl.BlockSpec(memory_space=pltpu.SMEM),
        ],
        out_specs=pl.BlockSpec((N_HEADS, NSHIFT, TABW), lambda: (0, 0, 0)),
    )(bias_t, d_arr, bid_arr)


def _sc_expand_body(tables_hbm, out_hbm, tab16_v, b_v, sem0, sem1):
    wid = lax.axis_index("s") * 2 + lax.axis_index("c")
    head = wid // 2
    half = wid % 2
    pltpu.sync_copy(
        tables_hbm.at[pl.ds(pl.multiple_of(head * (NSHIFT * TABW), 8), NSHIFT * TABW)],
        tab16_v,
    )
    s0 = (SEQ - 1) - half * ROWS_PER_SUBCORE
    i_base = half * ROWS_PER_SUBCORE

    def build_and_fire(g, slot, sem):
        a0 = s0 - 8 * g - 896
        fbases = []
        for r in range(8):
            ar = a0 - r
            sh = lax.bitwise_and(ar, NSHIFT - 1)
            fbases.append(sh * TABW + (ar - sh))

        @plsc.parallel_loop(0, BUILD_W // 128)
        def build_body(u):
            col = u * 128
            for r in range(8):
                for j in range(8):
                    off = col + 16 * j
                    v = tab16_v[pl.ds(pl.multiple_of(fbases[r] + off, 16), 16)]
                    b_v[slot, r, pl.ds(pl.multiple_of(off, 16), 16)] = v
        for n in range(8):
            i0 = i_base + 8 * g + 128 * n
            pltpu.make_async_copy(
                b_v.at[slot, :, pl.ds(pl.multiple_of(896 - 128 * n, 128), SEQ)],
                out_hbm.at[0, head, pl.ds(i0, 8), :],
                sem,
            ).start()

    def drain_group(slot, sem):
        for _ in range(8):
            pltpu.make_async_copy(
                b_v.at[slot, :, pl.ds(0, SEQ)],
                out_hbm.at[0, head, pl.ds(i_base, 8), :],
                sem,
            ).wait()

    def pair_body(gp, carry):
        @pl.when(gp > 0)
        def _():
            drain_group(0, sem0)

        build_and_fire(2 * gp, 0, sem0)

        @pl.when(gp > 0)
        def _():
            drain_group(1, sem1)

        build_and_fire(2 * gp + 1, 1, sem1)
        return carry

    lax.fori_loop(0, NGROUPS // 2, pair_body, 0)
    drain_group(0, sem0)
    drain_group(1, sem1)


@functools.cache
def _sc_expand():
    return pl.kernel(
        _sc_expand_body,
        out_type=jax.ShapeDtypeStruct((1, N_HEADS, SEQ, SEQ), jnp.float32),
        mesh=plsc.VectorSubcoreMesh(core_axis_name="c", subcore_axis_name="s"),
        scratch_types=[
            pltpu.VMEM((NSHIFT * TABW,), jnp.float32),
            pltpu.VMEM((2, 8, BW), jnp.float32),
            pltpu.SemaphoreType.DMA,
            pltpu.SemaphoreType.DMA,
        ],
    )


def kernel(relative_attention_bias, q_len, k_len, bidirectional):
    d = jnp.asarray(k_len, jnp.int32) - jnp.asarray(q_len, jnp.int32)
    d_arr = jnp.reshape(d, (1, 1))
    bid_arr = jnp.reshape(jnp.asarray(bidirectional, jnp.int32), (1, 1))
    bias_t = relative_attention_bias.T
    tables = _compute_tables(bias_t, d_arr, bid_arr)
    return _sc_expand()(jnp.reshape(tables, (N_HEADS * NSHIFT * TABW,)))

# --- scband reference (transcript-rebuilt; emitter-appended) ---
"""Pipeline reference for scband-t5-relative-position-bias-77927886619148 (READ-ONLY COPY).

The authoritative reference and input builder live on the scoring server;
editing this copy changes nothing except your own understanding.
"""

import jax, jax.numpy as jnp
import numpy as np

NUM_BUCKETS = 32
MAX_DISTANCE = 128
N_HEADS = 16


def _relative_position_bucket(relative_position, bidirectional, num_buckets, max_distance):
    relative_buckets = jnp.zeros_like(relative_position)
    bidir = jnp.asarray(bidirectional, dtype=jnp.int32)
    num_buckets = num_buckets // 2
    relative_buckets = relative_buckets + (relative_position > 0).astype(jnp.int32) * num_buckets * bidir
    relative_position = jnp.abs(relative_position)
    max_exact = num_buckets // 2
    is_small = relative_position < max_exact
    rp_large = max_exact + (
        jnp.log(relative_position.astype(jnp.float32) / max_exact)
        / np.log(max_distance / max_exact)
        * (num_buckets - max_exact)
    ).astype(jnp.int32)
    rp_large = jnp.minimum(rp_large, jnp.full_like(rp_large, num_buckets - 1))
    return jnp.where(is_small, relative_position, rp_large) + relative_buckets


def setup_inputs(seed: int = 0):
    key = jax.random.key(seed)
    relative_attention_bias = jax.random.normal(key, (NUM_BUCKETS, N_HEADS), dtype=jnp.float32) * 0.02
    return {
        "relative_attention_bias": relative_attention_bias,
        "q_len": 2048,
        "k_len": 2048,
        "bidirectional": 1,
    }


def reference(relative_attention_bias, q_len, k_len, bidirectional):
    q_off = jnp.asarray(q_len - 2048, dtype=jnp.int32)
    k_off = jnp.asarray(k_len - 2048, dtype=jnp.int32)
    context_position = (jnp.arange(2048, dtype=jnp.int32) + q_off)[:, None]
    memory_position = (jnp.arange(2048, dtype=jnp.int32) + k_off)[None, :]
    relative_position = memory_position - context_position
    rp_bucket = _relative_position_bucket(
        relative_position, bidirectional, NUM_BUCKETS, MAX_DISTANCE
    )
    values = jnp.take(relative_attention_bias, rp_bucket, axis=0)  # [q_len, k_len, n_heads]
    values = jnp.transpose(values, (2, 0, 1))[None, ...]  # [1, n_heads, q_len, k_len]
    return values

if __name__ == "__main__":
    import jax
    _d = setup_inputs()
    print(jax.jit(kernel)(*tuple(_d.values())))

</pallas_src>

<mosaic_0001>
#map = affine_map<(d0, d1) -> (0)>
#map1 = affine_map<(d0, d1) -> (0, 0, 0, 0)>
module attributes {stable_mosaic.version = 14 : i64} {
  func.func @_sc_expand_body(%arg0: i32, %arg1: i32, %arg2: memref<1048576xf32, #tpu.memory_space<hbm>>, %arg3: memref<1x16x2048x2048xf32, #tpu.memory_space<hbm>>, %arg4: memref<65536xf32, #tpu.memory_space<vmem>>, %arg5: memref<2x8x3072xf32, #tpu.memory_space<vmem>>, %arg6: memref<!tpu.dma_semaphore, #tpu.memory_space<semaphore_mem>>, %arg7: memref<!tpu.dma_semaphore, #tpu.memory_space<semaphore_mem>>) attributes {dimension_semantics = [#tpu.dimension_semantics<core_parallel>, #tpu.dimension_semantics<subcore_parallel>], iteration_bounds = array<i64: 2, 16>, scalar_prefetch = 0 : i64, scratch_operands = 4 : i64, tpu.core_type = #tpu.core_type<sc_vector_subcore>, window_params = [{transform_indices = #map}, {transform_indices = #map1}]} {
    %mul3A = arith.constant 2 : i32
    %mul3A_0 = arith.muli %arg1, %mul3A : i32
    %add3A = arith.addi %mul3A_0, %arg0 : i32
    %jit3A = arith.constant 2 : i32
    %div3A = arith.divsi %add3A, %jit3A : i32
    %sign3A = arith.constant 0 : i32
    %sign3A_1 = arith.cmpi sgt, %add3A, %sign3A : i32
    %sign3A_2 = arith.extui %sign3A_1 : i1 to i32
    %sign3A_3 = arith.constant 0 : i32
    %sign3A_4 = arith.cmpi slt, %add3A, %sign3A_3 : i32
    %sign3A_5 = arith.extui %sign3A_4 : i1 to i32
    %sign3A_6 = arith.subi %sign3A_2, %sign3A_5 : i32
    %sign3A_7 = arith.constant 0 : i32
    %sign3A_8 = arith.cmpi sgt, %jit3A, %sign3A_7 : i32
    %sign3A_9 = arith.extui %sign3A_8 : i1 to i32
    %sign3A_10 = arith.constant 0 : i32
    %sign3A_11 = arith.cmpi slt, %jit3A, %sign3A_10 : i32
    %sign3A_12 = arith.extui %sign3A_11 : i1 to i32
    %sign3A_13 = arith.subi %sign3A_9, %sign3A_12 : i32
    %ne3A = arith.cmpi ne, %sign3A_6, %sign3A_13 : i32
    %rem3A = arith.remsi %add3A, %jit3A : i32
    %ne3A_14 = arith.constant 0 : i32
    %ne3A_15 = arith.cmpi ne, %rem3A, %ne3A_14 : i32
    %and3A = arith.andi %ne3A, %ne3A_15 : i1
    %sub3A = arith.constant 1 : i32
    %sub3A_16 = arith.subi %div3A, %sub3A : i32
    %select_n3A = arith.select %and3A, %sub3A_16, %div3A : i32
    %jit3A_17 = arith.constant 2 : i32
    %eq3A = arith.constant 0 : i32
    %eq3A_18 = arith.cmpi eq, %jit3A_17, %eq3A : i32
    %jit3A_19 = arith.constant 1 : i32
    %select_n3A_20 = arith.select %eq3A_18, %jit3A_19, %jit3A_17 : i32
    %rem3A_21 = arith.remsi %add3A, %select_n3A_20 : i32
    %ne3A_22 = arith.constant 0 : i32
    %ne3A_23 = arith.cmpi ne, %rem3A_21, %ne3A_22 : i32
    %lt3A = arith.constant 0 : i32
    %lt3A_24 = arith.cmpi slt, %rem3A_21, %lt3A : i32
    %lt3A_25 = arith.constant 0 : i32
    %lt3A_26 = arith.cmpi slt, %select_n3A_20, %lt3A_25 : i32
    %ne3A_27 = arith.xori %lt3A_24, %lt3A_26 : i1
    %and3A_28 = arith.andi %ne3A_27, %ne3A_23 : i1
    %add3A_29 = arith.addi %rem3A_21, %select_n3A_20 : i32
    %select_n3A_30 = arith.select %and3A_28, %add3A_29, %rem3A_21 : i32
    %mul3A_31 = arith.constant 65536 : i32
    %mul3A_32 = arith.muli %select_n3A, %mul3A_31 : i32
    %multiple_of3A = tpu.assume_multiple %mul3A_32, 8 : i32
    "tpu.region"() ({
      %run_scoped3A = tpu.sem_alloc : memref<!tpu.dma_semaphore, #tpu.memory_space<semaphore_mem>>
      %dma_start3A = tpu.memref_slice %arg2[%multiple_of3A] : memref<1048576xf32, #tpu.memory_space<hbm>> -> memref<65536xf32, #tpu.memory_space<hbm>>
      %dma_start3A_299 = tpu.memref_slice %arg2[%multiple_of3A] : memref<1048576xf32, #tpu.memory_space<hbm>> -> memref<65536xf32, #tpu.memory_space<hbm>>
      tpu.enqueue_dma source(%dma_start3A_299 : memref<65536xf32, #tpu.memory_space<hbm>>) target(%arg4 : memref<65536xf32, #tpu.memory_space<vmem>>) target_semaphore(%run_scoped3A : memref<!tpu.dma_semaphore, #tpu.memory_space<semaphore_mem>>)
      %dma_wait3A_300 = tpu.memref_slice %arg2[%multiple_of3A] : memref<1048576xf32, #tpu.memory_space<hbm>> -> memref<65536xf32, #tpu.memory_space<hbm>>
      %dma_wait3A_301 = tpu.memref_slice %arg2[%multiple_of3A] : memref<1048576xf32, #tpu.memory_space<hbm>> -> memref<65536xf32, #tpu.memory_space<hbm>>
      tpu.wait_dma2 semaphore(%run_scoped3A : memref<!tpu.dma_semaphore, #tpu.memory_space<semaphore_mem>>) src(%dma_wait3A_301 : memref<65536xf32, #tpu.memory_space<hbm>>) dst(%arg4 : memref<65536xf32, #tpu.memory_space<vmem>>)
      tpu.yield
    }) : () -> ()
    %mul3A_33 = arith.constant 1024 : i32
    %mul3A_34 = arith.muli %select_n3A_30, %mul3A_33 : i32
    %sub3A_35 = arith.constant 2047 : i32
    %sub3A_36 = arith.subi %sub3A_35, %mul3A_34 : i32
    %mul3A_37 = arith.constant 1024 : i32
    %mul3A_38 = arith.muli %select_n3A_30, %mul3A_37 : i32
    %scan3A = arith.constant 0 : i32
    %scan3A_39 = arith.constant 0 : i32
    %scan3A_40 = arith.constant 8 : i32
    %scan3A_41 = arith.addi %scan3A_39, %scan3A_40 : i32
    %scan3A_42 = arith.constant 1 : i32
    scf.for %scan3A_299 = %scan3A_39 to %scan3A_41 step %scan3A_42  : i32 {
      %gt3A = arith.constant 0 : i32
      %gt3A_300 = arith.cmpi sgt, %scan3A_299, %gt3A : i32
      %convert_element_type3A = arith.extui %gt3A_300 : i1 to i32
      %cond3A = arith.constant 0 : i32
      %cond3A_301 = arith.cmpi ne, %convert_element_type3A, %cond3A : i32
      scf.if %cond3A_301 {
        %dma_wait3A_791 = arith.constant 0 : i32
        %dma_wait3A_792 = arith.constant 0 : i32
        %dma_wait3A_793 = arith.constant 0 : i32
        %dma_wait3A_794 = arith.constant 0 : i32
        %dma_wait3A_795 = tpu.memref_slice %arg5[%dma_wait3A_791, %dma_wait3A_793, %dma_wait3A_794] : memref<2x8x3072xf32, #tpu.memory_space<vmem>> -> memref<1x8x2048xf32, #tpu.memory_space<vmem>>
        %dma_wait3A_796 = tpu.memref_squeeze %dma_wait3A_795 : memref<1x8x2048xf32, #tpu.memory_space<vmem>> -> memref<8x2048xf32, #tpu.memory_space<vmem>>
        %dma_wait3A_797 = arith.constant 0 : i32
        %dma_wait3A_798 = tpu.memref_slice %arg3[%dma_wait3A_792, %select_n3A, %mul3A_38, %dma_wait3A_797] : memref<1x16x2048x2048xf32, #tpu.memory_space<hbm>> -> memref<1x1x8x2048xf32, #tpu.memory_space<hbm>>
        %dma_wait3A_799 = tpu.memref_squeeze %dma_wait3A_798 : memref<1x1x8x2048xf32, #tpu.memory_space<hbm>> -> memref<8x2048xf32, #tpu.memory_space<hbm>>
        %dma_wait3A_800 = arith.constant 0 : i32
        %dma_wait3A_801 = tpu.memref_slice %arg3[%dma_wait3A_792, %select_n3A, %mul3A_38, %dma_wait3A_800] : memref<1x16x2048x2048xf32, #tpu.memory_space<hbm>> -> memref<1x1x8x2048xf32, #tpu.memory_space<hbm>>
        %dma_wait3A_802 = tpu.memref_squeeze %dma_wait3A_801 : memref<1x1x8x2048xf32, #tpu.memory_space<hbm>> -> memref<8x2048xf32, #tpu.memory_space<hbm>>
        %dma_wait3A_803 = arith.constant 0 : i32
        %dma_wait3A_804 = arith.constant 0 : i32
        %dma_wait3A_805 = tpu.memref_slice %arg5[%dma_wait3A_791, %dma_wait3A_803, %dma_wait3A_804] : memref<2x8x3072xf32, #tpu.memory_space<vmem>> -> memref<1x8x2048xf32, #tpu.memory_space<vmem>>
        %dma_wait3A_806 = tpu.memref_squeeze %dma_wait3A_805 : memref<1x8x2048xf32, #tpu.memory_space<vmem>> -> memref<8x2048xf32, #tpu.memory_space<vmem>>
        tpu.wait_dma2 semaphore(%arg6 : memref<!tpu.dma_semaphore, #tpu.memory_space<semaphore_mem>>) src(%dma_wait3A_806 : memref<8x2048xf32, #tpu.memory_space<vmem>>) dst(%dma_wait3A_802 : memref<8x2048xf32, #tpu.memory_space<hbm>>)
        %dma_wait3A_807 = arith.constant 0 : i32
        %dma_wait3A_808 = arith.constant 0 : i32
        %dma_wait3A_809 = arith.constant 0 : i32
        %dma_wait3A_810 = arith.constant 0 : i32
        %dma_wait3A_811 = tpu.memref_slice %arg5[%dma_wait3A_807, %dma_wait3A_809, %dma_wait3A_810] : memref<2x8x3072xf32, #tpu.memory_space<vmem>> -> memref<1x8x2048xf32, #tpu.memory_space<vmem>>
        %dma_wait3A_812 = tpu.memref_squeeze %dma_wait3A_811 : memref<1x8x2048xf32, #tpu.memory_space<vmem>> -> memref<8x2048xf32, #tpu.memory_space<vmem>>
        %dma_wait3A_813 = arith.constant 0 : i32
        %dma_wait3A_814 = tpu.memref_slice %arg3[%dma_wait3A_808, %select_n3A, %mul3A_38, %dma_wait3A_813] : memref<1x16x2048x2048xf32, #tpu.memory_space<hbm>> -> memref<1x1x8x2048xf32, #tpu.memory_space<hbm>>
        %dma_wait3A_815 = tpu.memref_squeeze %dma_wait3A_814 : memref<1x1x8x2048xf32, #tpu.memory_space<hbm>> -> memref<8x2048xf32, #tpu.memory_space<hbm>>
        %dma_wait3A_816 = arith.constant 0 : i32
        %dma_wait3A_817 = tpu.memref_slice %arg3[%dma_wait3A_808, %select_n3A, %mul3A_38, %dma_wait3A_816] : memref<1x16x2048x2048xf32, #tpu.memory_space<hbm>> -> memref<1x1x8x2048xf32, #tpu.memory_space<hbm>>
        %dma_wait3A_818 = tpu.memref_squeeze %dma_wait3A_817 : memref<1x1x8x2048xf32, #tpu.memory_space<hbm>> -> memref<8x2048xf32, #tpu.memory_space<hbm>>
        %dma_wait3A_819 = arith.constant 0 : i32
        %dma_wait3A_820 = arith.constant 0 : i32
        %dma_wait3A_821 = tpu.memref_slice %arg5[%dma_wait3A_807, %dma_wait3A_819, %dma_wait3A_820] : memref<2x8x3072xf32, #tpu.memory_space<vmem>> -> memref<1x8x2048xf32, #tpu.memory_space<vmem>>
        %dma_wait3A_822 = tpu.memref_squeeze %dma_wait3A_821 : memref<1x8x2048xf32, #tpu.memory_space<vmem>> -> memref<8x2048xf32, #tpu.memory_space<vmem>>
        tpu.wait_dma2 semaphore(%arg6 : memref<!tpu.dma_semaphore, #tpu.memory_space<semaphore_mem>>) src(%dma_wait3A_822 : memref<8x2048xf32, #tpu.memory_space<vmem>>) dst(%dma_wait3A_818 : memref<8x2048xf32, #tpu.memory_space<hbm>>)
        %dma_wait3A_823 = arith.constant 0 : i32
        %dma_wait3A_824 = arith.constant 0 : i32
        %dma_wait3A_825 = arith.constant 0 : i32
        %dma_wait3A_826 = arith.constant 0 : i32
        %dma_wait3A_827 = tpu.memref_slice %arg5[%dma_wait3A_823, %dma_wait3A_825, %dma_wait3A_826] : memref<2x8x3072xf32, #tpu.memory_space<vmem>> -> memref<1x8x2048xf32, #tpu.memory_space<vmem>>
        %dma_wait3A_828 = tpu.memref_squeeze %dma_wait3A_827 : memref<1x8x2048xf32, #tpu.memory_space<vmem>> -> memref<8x2048xf32, #tpu.memory_space<vmem>>
        %dma_wait3A_829 = arith.constant 0 : i32
        %dma_wait3A_830 = tpu.memref_slice %arg3[%dma_wait3A_824, %select_n3A, %mul3A_38, %dma_wait3A_829] : memref<1x16x2048x2048xf32, #tpu.memory_space<hbm>> -> memref<1x1x8x2048xf32, #tpu.memory_space<hbm>>
        %dma_wait3A_831 = tpu.memref_squeeze %dma_wait3A_830 : memref<1x1x8x2048xf32, #tpu.memory_space<hbm>> -> memref<8x2048xf32, #tpu.memory_space<hbm>>
        %dma_wait3A_832 = arith.constant 0 : i32
        %dma_wait3A_833 = tpu.memref_slice %arg3[%dma_wait3A_824, %select_n3A, %mul3A_38, %dma_wait3A_832] : memref<1x16x2048x2048xf32, #tpu.memory_space<hbm>> -> memref<1x1x8x2048xf32, #tpu.memory_space<hbm>>
        %dma_wait3A_834 = tpu.memref_squeeze %dma_wait3A_833 : memref<1x1x8x2048xf32, #tpu.memory_space<hbm>> -> memref<8x2048xf32, #tpu.memory_space<hbm>>
        %dma_wait3A_835 = arith.constant 0 : i32
        %dma_wait3A_836 = arith.constant 0 : i32
        %dma_wait3A_837 = tpu.memref_slice %arg5[%dma_wait3A_823, %dma_wait3A_835, %dma_wait3A_836] : memref<2x8x3072xf32, #tpu.memory_space<vmem>> -> memref<1x8x2048xf32, #tpu.memory_space<vmem>>
        %dma_wait3A_838 = tpu.memref_squeeze %dma_wait3A_837 : memref<1x8x2048xf32, #tpu.memory_space<vmem>> -> memref<8x2048xf32, #tpu.memory_space<vmem>>
        tpu.wait_dma2 semaphore(%arg6 : memref<!tpu.dma_semaphore, #tpu.memory_space<semaphore_mem>>) src(%dma_wait3A_838 : memref<8x2048xf32, #tpu.memory_space<vmem>>) dst(%dma_wait3A_834 : memref<8x2048xf32, #tpu.memory_space<hbm>>)
        %dma_wait3A_839 = arith.constant 0 : i32
        %dma_wait3A_840 = arith.constant 0 : i32
        %dma_wait3A_841 = arith.constant 0 : i32
        %dma_wait3A_842 = arith.constant 0 : i32
        %dma_wait3A_843 = tpu.memref_slice %arg5[%dma_wait3A_839, %dma_wait3A_841, %dma_wait3A_842] : memref<2x8x3072xf32, #tpu.memory_space<vmem>> -> memref<1x8x2048xf32, #tpu.memory_space<vmem>>
        %dma_wait3A_844 = tpu.memref_squeeze %dma_wait3A_843 : memref<1x8x2048xf32, #tpu.memory_space<vmem>> -> memref<8x2048xf32, #tpu.memory_space<vmem>>
        %dma_wait3A_845 = arith.constant 0 : i32
        %dma_wait3A_846 = tpu.memref_slice %arg3[%dma_wait3A_840, %select_n3A, %mul3A_38, %dma_wait3A_845] : memref<1x16x2048x2048xf32, #tpu.memory_space<hbm>> -> memref<1x1x8x2048xf32, #tpu.memory_space<hbm>>
        %dma_wait3A_847 = tpu.memref_squeeze %dma_wait3A_846 : memref<1x1x8x2048xf32, #tpu.memory_space<hbm>> -> memref<8x2048xf32, #tpu.memory_space<hbm>>
        %dma_wait3A_848 = arith.constant 0 : i32
        %dma_wait3A_849 = tpu.memref_slice %arg3[%dma_wait3A_840, %select_n3A, %mul3A_38, %dma_wait3A_848] : memref<1x16x2048x2048xf32, #tpu.memory_space<hbm>> -> memref<1x1x8x2048xf32, #tpu.memory_space<hbm>>
        %dma_wait3A_850 = tpu.memref_squeeze %dma_wait3A_849 : memref<1x1x8x2048xf32, #tpu.memory_space<hbm>> -> memref<8x2048xf32, #tpu.memory_space<hbm>>
        %dma_wait3A_851 = arith.constant 0 : i32
        %dma_wait3A_852 = arith.constant 0 : i32
        %dma_wait3A_853 = tpu.memref_slice %arg5[%dma_wait3A_839, %dma_wait3A_851, %dma_wait3A_852] : memref<2x8x3072xf32, #tpu.memory_space<vmem>> -> memref<1x8x2048xf32, #tpu.memory_space<vmem>>
        %dma_wait3A_854 = tpu.memref_squeeze %dma_wait3A_853 : memref<1x8x2048xf32, #tpu.memory_space<vmem>> -> memref<8x2048xf32, #tpu.memory_space<vmem>>
        tpu.wait_dma2 semaphore(%arg6 : memref<!tpu.dma_semaphore, #tpu.memory_space<semaphore_mem>>) src(%dma_wait3A_854 : memref<8x2048xf32, #tpu.memory_space<vmem>>) dst(%dma_wait3A_850 : memref<8x2048xf32, #tpu.memory_space<hbm>>)
        %dma_wait3A_855 = arith.constant 0 : i32
        %dma_wait3A_856 = arith.constant 0 : i32
        %dma_wait3A_857 = arith.constant 0 : i32
        %dma_wait3A_858 = arith.constant 0 : i32
        %dma_wait3A_859 = tpu.memref_slice %arg5[%dma_wait3A_855, %dma_wait3A_857, %dma_wait3A_858] : memref<2x8x3072xf32, #tpu.memory_space<vmem>> -> memref<1x8x2048xf32, #tpu.memory_space<vmem>>
        %dma_wait3A_860 = tpu.memref_squeeze %dma_wait3A_859 : memref<1x8x2048xf32, #tpu.memory_space<vmem>> -> memref<8x2048xf32, #tpu.memory_space<vmem>>
        %dma_wait3A_861 = arith.constant 0 : i32
        %dma_wait3A_862 = tpu.memref_slice %arg3[%dma_wait3A_856, %select_n3A, %mul3A_38, %dma_wait3A_861] : memref<1x16x2048x2048xf32, #tpu.memory_space<hbm>> -> memref<1x1x8x2048xf32, #tpu.memory_space<hbm>>
        %dma_wait3A_863 = tpu.memref_squeeze %dma_wait3A_862 : memref<1x1x8x2048xf32, #tpu.memory_space<hbm>> -> memref<8x2048xf32, #tpu.memory_space<hbm>>
        %dma_wait3A_864 = arith.constant 0 : i32
        %dma_wait3A_865 = tpu.memref_slice %arg3[%dma_wait3A_856, %select_n3A, %mul3A_38, %dma_wait3A_864] : memref<1x16x2048x2048xf32, #tpu.memory_space<hbm>> -> memref<1x1x8x2048xf32, #tpu.memory_space<hbm>>
        %dma_wait3A_866 = tpu.memref_squeeze %dma_wait3A_865 : memref<1x1x8x2048xf32, #tpu.memory_space<hbm>> -> memref<8x2048xf32, #tpu.memory_space<hbm>>
        %dma_wait3A_867 = arith.constant 0 : i32
        %dma_wait3A_868 = arith.constant 0 : i32
        %dma_wait3A_869 = tpu.memref_slice %arg5[%dma_wait3A_855, %dma_wait3A_867, %dma_wait3A_868] : memref<2x8x3072xf32, #tpu.memory_space<vmem>> -> memref<1x8x2048xf32, #tpu.memory_space<vmem>>
        %dma_wait3A_870 = tpu.memref_squeeze %dma_wait3A_869 : memref<1x8x2048xf32, #tpu.memory_space<vmem>> -> memref<8x2048xf32, #tpu.memory_space<vmem>>
        tpu.wait_dma2 semaphore(%arg6 : memref<!tpu.dma_semaphore, #tpu.memory_space<semaphore_mem>>) src(%dma_wait3A_870 : memref<8x2048xf32, #tpu.memory_space<vmem>>) dst(%dma_wait3A_866 : memref<8x2048xf32, #tpu.memory_space<hbm>>)
        %dma_wait3A_871 = arith.constant 0 : i32
        %dma_wait3A_872 = arith.constant 0 : i32
        %dma_wait3A_873 = arith.constant 0 : i32
        %dma_wait3A_874 = arith.constant 0 : i32
        %dma_wait3A_875 = tpu.memref_slice %arg5[%dma_wait3A_871, %dma_wait3A_873, %dma_wait3A_874] : memref<2x8x3072xf32, #tpu.memory_space<vmem>> -> memref<1x8x2048xf32, #tpu.memory_space<vmem>>
        %dma_wait3A_876 = tpu.memref_squeeze %dma_wait3A_875 : memref<1x8x2048xf32, #tpu.memory_space<vmem>> -> memref<8x2048xf32, #tpu.memory_space<vmem>>
        %dma_wait3A_877 = arith.constant 0 : i32
        %dma_wait3A_878 = tpu.memref_slice %arg3[%dma_wait3A_872, %select_n3A, %mul3A_38, %dma_wait3A_877] : memref<1x16x2048x2048xf32, #tpu.memory_space<hbm>> -> memref<1x1x8x2048xf32, #tpu.memory_space<hbm>>
        %dma_wait3A_879 = tpu.memref_squeeze %dma_wait3A_878 : memref<1x1x8x2048xf32, #tpu.memory_space<hbm>> -> memref<8x2048xf32, #tpu.memory_space<hbm>>
        %dma_wait3A_880 = arith.constant 0 : i32
        %dma_wait3A_881 = tpu.memref_slice %arg3[%dma_wait3A_872, %select_n3A, %mul3A_38, %dma_wait3A_880] : memref<1x16x2048x2048xf32, #tpu.memory_space<hbm>> -> memref<1x1x8x2048xf32, #tpu.memory_space<hbm>>
        %dma_wait3A_882 = tpu.memref_squeeze %dma_wait3A_881 : memref<1x1x8x2048xf32, #tpu.memory_space<hbm>> -> memref<8x2048xf32, #tpu.memory_space<hbm>>
        %dma_wait3A_883 = arith.constant 0 : i32
        %dma_wait3A_884 = arith.constant 0 : i32
        %dma_wait3A_885 = tpu.memref_slice %arg5[%dma_wait3A_871, %dma_wait3A_883, %dma_wait3A_884] : memref<2x8x3072xf32, #tpu.memory_space<vmem>> -> memref<1x8x2048xf32, #tpu.memory_space<vmem>>
        %dma_wait3A_886 = tpu.memref_squeeze %dma_wait3A_885 : memref<1x8x2048xf32, #tpu.memory_space<vmem>> -> memref<8x2048xf32, #tpu.memory_space<vmem>>
        tpu.wait_dma2 semaphore(%arg6 : memref<!tpu.dma_semaphore, #tpu.memory_space<semaphore_mem>>) src(%dma_wait3A_886 : memref<8x2048xf32, #tpu.memory_space<vmem>>) dst(%dma_wait3A_882 : memref<8x2048xf32, #tpu.memory_space<hbm>>)
        %dma_wait3A_887 = arith.constant 0 : i32
        %dma_wait3A_888 = arith.constant 0 : i32
        %dma_wait3A_889 = arith.constant 0 : i32
        %dma_wait3A_890 = arith.constant 0 : i32
        %dma_wait3A_891 = tpu.memref_slice %arg5[%dma_wait3A_887, %dma_wait3A_889, %dma_wait3A_890] : memref<2x8x3072xf32, #tpu.memory_space<vmem>> -> memref<1x8x2048xf32, #tpu.memory_space<vmem>>
        %dma_wait3A_892 = tpu.memref_squeeze %dma_wait3A_891 : memref<1x8x2048xf32, #tpu.memory_space<vmem>> -> memref<8x2048xf32, #tpu.memory_space<vmem>>
        %dma_wait3A_893 = arith.constant 0 : i32
        %dma_wait3A_894 = tpu.memref_slice %arg3[%dma_wait3A_888, %select_n3A, %mul3A_38, %dma_wait3A_893] : memref<1x16x2048x2048xf32, #tpu.memory_space<hbm>> -> memref<1x1x8x2048xf32, #tpu.memory_space<hbm>>
        %dma_wait3A_895 = tpu.memref_squeeze %dma_wait3A_894 : memref<1x1x8x2048xf32, #tpu.memory_space<hbm>> -> memref<8x2048xf32, #tpu.memory_space<hbm>>
        %dma_wait3A_896 = arith.constant 0 : i32
        %dma_wait3A_897 = tpu.memref_slice %arg3[%dma_wait3A_888, %select_n3A, %mul3A_38, %dma_wait3A_896] : memref<1x16x2048x2048xf32, #tpu.memory_space<hbm>> -> memref<1x1x8x2048xf32, #tpu.memory_space<hbm>>
        %dma_wait3A_898 = tpu.memref_squeeze %dma_wait3A_897 : memref<1x1x8x2048xf32, #tpu.memory_space<hbm>> -> memref<8x2048xf32, #tpu.memory_space<hbm>>
        %dma_wait3A_899 = arith.constant 0 : i32
        %dma_wait3A_900 = arith.constant 0 : i32
        %dma_wait3A_901 = tpu.memref_slice %arg5[%dma_wait3A_887, %dma_wait3A_899, %dma_wait3A_900] : memref<2x8x3072xf32, #tpu.memory_space<vmem>> -> memref<1x8x2048xf32, #tpu.memory_space<vmem>>
        %dma_wait3A_902 = tpu.memref_squeeze %dma_wait3A_901 : memref<1x8x2048xf32, #tpu.memory_space<vmem>> -> memref<8x2048xf32, #tpu.memory_space<vmem>>
        tpu.wait_dma2 semaphore(%arg6 : memref<!tpu.dma_semaphore, #tpu.memory_space<semaphore_mem>>) src(%dma_wait3A_902 : memref<8x2048xf32, #tpu.memory_space<vmem>>) dst(%dma_wait3A_898 : memref<8x2048xf32, #tpu.memory_space<hbm>>)
        %dma_wait3A_903 = arith.constant 0 : i32
        %dma_wait3A_904 = arith.constant 0 : i32
        %dma_wait3A_905 = arith.constant 0 : i32
        %dma_wait3A_906 = arith.constant 0 : i32
        %dma_wait3A_907 = tpu.memref_slice %arg5[%dma_wait3A_903, %dma_wait3A_905, %dma_wait3A_906] : memref<2x8x3072xf32, #tpu.memory_space<vmem>> -> memref<1x8x2048xf32, #tpu.memory_space<vmem>>
        %dma_wait3A_908 = tpu.memref_squeeze %dma_wait3A_907 : memref<1x8x2048xf32, #tpu.memory_space<vmem>> -> memref<8x2048xf32, #tpu.memory_space<vmem>>
        %dma_wait3A_909 = arith.constant 0 : i32
        %dma_wait3A_910 = tpu.memref_slice %arg3[%dma_wait3A_904, %select_n3A, %mul3A_38, %dma_wait3A_909] : memref<1x16x2048x2048xf32, #tpu.memory_space<hbm>> -> memref<1x1x8x2048xf32, #tpu.memory_space<hbm>>
        %dma_wait3A_911 = tpu.memref_squeeze %dma_wait3A_910 : memref<1x1x8x2048xf32, #tpu.memory_space<hbm>> -> memref<8x2048xf32, #tpu.memory_space<hbm>>
        %dma_wait3A_912 = arith.constant 0 : i32
        %dma_wait3A_913 = tpu.memref_slice %arg3[%dma_wait3A_904, %select_n3A, %mul3A_38, %dma_wait3A_912] : memref<1x16x2048x2048xf32, #tpu.memory_space<hbm>> -> memref<1x1x8x2048xf32, #tpu.memory_space<hbm>>
        %dma_wait3A_914 = tpu.memref_squeeze %dma_wait3A_913 : memref<1x1x8x2048xf32, #tpu.memory_space<hbm>> -> memref<8x2048xf32, #tpu.memory_space<hbm>>
        %dma_wait3A_915 = arith.constant 0 : i32
        %dma_wait3A_916 = arith.constant 0 : i32
        %dma_wait3A_917 = tpu.memref_slice %arg5[%dma_wait3A_903, %dma_wait3A_915, %dma_wait3A_916] : memref<2x8x3072xf32, #tpu.memory_space<vmem>> -> memref<1x8x2048xf32, #tpu.memory_space<vmem>>
        %dma_wait3A_918 = tpu.memref_squeeze %dma_wait3A_917 : memref<1x8x2048xf32, #tpu.memory_space<vmem>> -> memref<8x2048xf32, #tpu.memory_space<vmem>>
        tpu.wait_dma2 semaphore(%arg6 : memref<!tpu.dma_semaphore, #tpu.memory_space<semaphore_mem>>) src(%dma_wait3A_918 : memref<8x2048xf32, #tpu.memory_space<vmem>>) dst(%dma_wait3A_914 : memref<8x2048xf32, #tpu.memory_space<hbm>>)
      } else {
      }
      %mul3A_302 = arith.constant 2 : i32
      %mul3A_303 = arith.muli %mul3A_302, %scan3A_299 : i32
      %mul3A_304 = arith.constant 8 : i32
      %mul3A_305 = arith.muli %mul3A_304, %mul3A_303 : i32
      %sub3A_306 = arith.subi %sub3A_36, %mul3A_305 : i32
      %sub3A_307 = arith.constant 896 : i32
      %sub3A_308 = arith.subi %sub3A_306, %sub3A_307 : i32
      %sub3A_309 = arith.constant 0 : i32
      %sub3A_310 = arith.subi %sub3A_308, %sub3A_309 : i32
      %and3A_311 = arith.constant 15 : i32
      %and3A_312 = arith.andi %sub3A_310, %and3A_311 : i32
      %mul3A_313 = arith.constant 4096 : i32
      %mul3A_314 = arith.muli %and3A_312, %mul3A_313 : i32
      %sub3A_315 = arith.subi %sub3A_310, %and3A_312 : i32
      %add3A_316 = arith.addi %mul3A_314, %sub3A_315 : i32
      %sub3A_317 = arith.constant 1 : i32
      %sub3A_318 = arith.subi %sub3A_308, %sub3A_317 : i32
      %and3A_319 = arith.constant 15 : i32
      %and3A_320 = arith.andi %sub3A_318, %and3A_319 : i32
      %mul3A_321 = arith.constant 4096 : i32
      %mul3A_322 = arith.muli %and3A_320, %mul3A_321 : i32
      %sub3A_323 = arith.subi %sub3A_318, %and3A_320 : i32
      %add3A_324 = arith.addi %mul3A_322, %sub3A_323 : i32
      %sub3A_325 = arith.constant 2 : i32
      %sub3A_326 = arith.subi %sub3A_308, %sub3A_325 : i32
      %and3A_327 = arith.constant 15 : i32
      %and3A_328 = arith.andi %sub3A_326, %and3A_327 : i32
      %mul3A_329 = arith.constant 4096 : i32
      %mul3A_330 = arith.muli %and3A_328, %mul3A_329 : i32
      %sub3A_331 = arith.subi %sub3A_326, %and3A_328 : i32
      %add3A_332 = arith.addi %mul3A_330, %sub3A_331 : i32
      %sub3A_333 = arith.constant 3 : i32
      %sub3A_334 = arith.subi %sub3A_308, %sub3A_333 : i32
      %and3A_335 = arith.constant 15 : i32
      %and3A_336 = arith.andi %sub3A_334, %and3A_335 : i32
      %mul3A_337 = arith.constant 4096 : i32
      %mul3A_338 = arith.muli %and3A_336, %mul3A_337 : i32
      %sub3A_339 = arith.subi %sub3A_334, %and3A_336 : i32
      %add3A_340 = arith.addi %mul3A_338, %sub3A_339 : i32
      %sub3A_341 = arith.constant 4 : i32
      %sub3A_342 = arith.subi %sub3A_308, %sub3A_341 : i32
      %and3A_343 = arith.constant 15 : i32
      %and3A_344 = arith.andi %sub3A_342, %and3A_343 : i32
      %mul3A_345 = arith.constant 4096 : i32
      %mul3A_346 = arith.muli %and3A_344, %mul3A_345 : i32
      %sub3A_347 = arith.subi %sub3A_342, %and3A_344 : i32
      %add3A_348 = arith.addi %mul3A_346, %sub3A_347 : i32
      %sub3A_349 = arith.constant 5 : i32
      %sub3A_350 = arith.subi %sub3A_308, %sub3A_349 : i32
      %and3A_351 = arith.constant 15 : i32
      %and3A_352 = arith.andi %sub3A_350, %and3A_351 : i32
      %mul3A_353 = arith.constant 4096 : i32
      %mul3A_354 = arith.muli %and3A_352, %mul3A_353 : i32
      %sub3A_355 = arith.subi %sub3A_350, %and3A_352 : i32
      %add3A_356 = arith.addi %mul3A_354, %sub3A_355 : i32
      %sub3A_357 = arith.constant 6 : i32
      %sub3A_358 = arith.subi %sub3A_308, %sub3A_357 : i32
      %and3A_359 = arith.constant 15 : i32
      %and3A_360 = arith.andi %sub3A_358, %and3A_359 : i32
      %mul3A_361 = arith.constant 4096 : i32
      %mul3A_362 = arith.muli %and3A_360, %mul3A_361 : i32
      %sub3A_363 = arith.subi %sub3A_358, %and3A_360 : i32
      %add3A_364 = arith.addi %mul3A_362, %sub3A_363 : i32
      %sub3A_365 = arith.constant 7 : i32
      %sub3A_366 = arith.subi %sub3A_308, %sub3A_365 : i32
      %and3A_367 = arith.constant 15 : i32
      %and3A_368 = arith.andi %sub3A_366, %and3A_367 : i32
      %mul3A_369 = arith.constant 4096 : i32
      %mul3A_370 = arith.muli %and3A_368, %mul3A_369 : i32
      %sub3A_371 = arith.subi %sub3A_366, %and3A_368 : i32
      %add3A_372 = arith.addi %mul3A_370, %sub3A_371 : i32
      %parallel_loop3A = arith.constant 0 : i32
      %parallel_loop3A_373 = arith.constant 23 : i32
      %parallel_loop3A_374 = arith.constant 1 : i32
      scf.for %parallel_loop3A_791 = %parallel_loop3A to %parallel_loop3A_373 step %parallel_loop3A_374  : i32 {
        %parallel_loop3A_792 = arith.constant 128 : i32
        %parallel_loop3A_793 = arith.muli %parallel_loop3A_791, %parallel_loop3A_792 : i32
        %parallel_loop3A_794 = arith.constant 0 : i32
        %parallel_loop3A_795 = arith.addi %parallel_loop3A_793, %parallel_loop3A_794 : i32
        %parallel_loop3A_796 = arith.addi %add3A_316, %parallel_loop3A_795 : i32
        %parallel_loop3A_797 = tpu.assume_multiple %parallel_loop3A_796, 16 : i32
        %parallel_loop3A_798 = arith.index_cast %parallel_loop3A_797 : i32 to index
        %parallel_loop3A_799 = tpu.vector_load %arg4[%parallel_loop3A_798] {strides = array<i32>} : memref<65536xf32, #tpu.memory_space<vmem>>, vector<16xf32>,
        %parallel_loop3A_800 = vector.shape_cast %parallel_loop3A_799 : vector<16xf32> to vector<16xf32>
        %parallel_loop3A_801 = tpu.assume_multiple %parallel_loop3A_795, 16 : i32
        %parallel_loop3A_802 = arith.constant 0 : i32
        %parallel_loop3A_803 = arith.constant 0 : i32
        %parallel_loop3A_804 = arith.index_cast %parallel_loop3A_802 : i32 to index
        %parallel_loop3A_805 = arith.index_cast %parallel_loop3A_803 : i32 to index
        %parallel_loop3A_806 = arith.index_cast %parallel_loop3A_801 : i32 to index
        %parallel_loop3A_807 = tpu.vector_load %arg5[%parallel_loop3A_804, %parallel_loop3A_805, %parallel_loop3A_806] {strides = array<i32>} : memref<2x8x3072xf32, #tpu.memory_space<vmem>>, vector<1x1x16xf32>,
        %parallel_loop3A_808 = vector.shape_cast %parallel_loop3A_807 : vector<1x1x16xf32> to vector<16xf32>
        %parallel_loop3A_809 = vector.shape_cast %parallel_loop3A_800 : vector<16xf32> to vector<1x1x16xf32>
        tpu.vector_store %arg5[%parallel_loop3A_804, %parallel_loop3A_805, %parallel_loop3A_806], %parallel_loop3A_809 {strides = array<i32>} : memref<2x8x3072xf32, #tpu.memory_space<vmem>>, vector<1x1x16xf32>,
        %parallel_loop3A_810 = arith.constant 16 : i32
        %parallel_loop3A_811 = arith.addi %parallel_loop3A_793, %parallel_loop3A_810 : i32
        %parallel_loop3A_812 = arith.addi %add3A_316, %parallel_loop3A_811 : i32
        %parallel_loop3A_813 = tpu.assume_multiple %parallel_loop3A_812, 16 : i32
        %parallel_loop3A_814 = arith.index_cast %parallel_loop3A_813 : i32 to index
        %parallel_loop3A_815 = tpu.vector_load %arg4[%parallel_loop3A_814] {strides = array<i32>} : memref<65536xf32, #tpu.memory_space<vmem>>, vector<16xf32>,
        %parallel_loop3A_816 = vector.shape_cast %parallel_loop3A_815 : vector<16xf32> to vector<16xf32>
        %parallel_loop3A_817 = tpu.assume_multiple %parallel_loop3A_811, 16 : i32
        %parallel_loop3A_818 = arith.constant 0 : i32
        %parallel_loop3A_819 = arith.constant 0 : i32
        %parallel_loop3A_820 = arith.index_cast %parallel_loop3A_818 : i32 to index
        %parallel_loop3A_821 = arith.index_cast %parallel_loop3A_819 : i32 to index
        %parallel_loop3A_822 = arith.index_cast %parallel_loop3A_817 : i32 to index
        %parallel_loop3A_823 = tpu.vector_load %arg5[%parallel_loop3A_820, %parallel_loop3A_821, %parallel_loop3A_822] {strides = array<i32>} : memref<2x8x3072xf32, #tpu.memory_space<vmem>>, vector<1x1x16xf32>,
        %parallel_loop3A_824 = vector.shape_cast %parallel_loop3A_823 : vector<1x1x16xf32> to vector<16xf32>
        %parallel_loop3A_825 = vector.shape_cast %parallel_loop3A_816 : vector<16xf32> to vector<1x1x16xf32>
        tpu.vector_store %arg5[%parallel_loop3A_820, %parallel_loop3A_821, %parallel_loop3A_822], %parallel_loop3A_825 {strides = array<i32>} : memref<2x8x3072xf32, #tpu.memory_space<vmem>>, vector<1x1x16xf32>,
        %parallel_loop3A_826 = arith.constant 32 : i32
        %parallel_loop3A_827 = arith.addi %parallel_loop3A_793, %parallel_loop3A_826 : i32
        %parallel_loop3A_828 = arith.addi %add3A_316, %parallel_loop3A_827 : i32
        %parallel_loop3A_829 = tpu.assume_multiple %parallel_loop3A_828, 16 : i32
        %parallel_loop3A_830 = arith.index_cast %parallel_loop3A_829 : i32 to index
        %parallel_loop3A_831 = tpu.vector_load %arg4[%parallel_loop3A_830] {strides = array<i32>} : memref<65536xf32, #tpu.memory_space<vmem>>, vector<16xf32>,
        %parallel_loop3A_832 = vector.shape_cast %parallel_loop3A_831 : vector<16xf32> to vector<16xf32>
        %parallel_loop3A_833 = tpu.assume_multiple %parallel_loop3A_827, 16 : i32
        %parallel_loop3A_834 = arith.constant 0 : i32
        %parallel_loop3A_835 = arith.constant 0 : i32
        %parallel_loop3A_836 = arith.index_cast %parallel_loop3A_834 : i32 to index
        %parallel_loop3A_837 = arith.index_cast %parallel_loop3A_835 : i32 to index
        %parallel_loop3A_838 = arith.index_cast %parallel_loop3A_833 : i32 to index
        %parallel_loop3A_839 = tpu.vector_load %arg5[%parallel_loop3A_836, %parallel_loop3A_837, %parallel_loop3A_838] {strides = array<i32>} : memref<2x8x3072xf32, #tpu.memory_space<vmem>>, vector<1x1x16xf32>,
        %parallel_loop3A_840 = vector.shape_cast %parallel_loop3A_839 : vector<1x1x16xf32> to vector<16xf32>
        %parallel_loop3A_841 = vector.shape_cast %parallel_loop3A_832 : vector<16xf32> to vector<1x1x16xf32>
        tpu.vector_store %arg5[%parallel_loop3A_836, %parallel_loop3A_837, %parallel_loop3A_838], %parallel_loop3A_841 {strides = array<i32>} : memref<2x8x3072xf32, #tpu.memory_space<vmem>>, vector<1x1x16xf32>,
        %parallel_loop3A_842 = arith.constant 48 : i32
        %parallel_loop3A_843 = arith.addi %parallel_loop3A_793, %parallel_loop3A_842 : i32
        %parallel_loop3A_844 = arith.addi %add3A_316, %parallel_loop3A_843 : i32
        %parallel_loop3A_845 = tpu.assume_multiple %parallel_loop3A_844, 16 : i32
        %parallel_loop3A_846 = arith.index_cast %parallel_loop3A_845 : i32 to index
        %parallel_loop3A_847 = tpu.vector_load %arg4[%parallel_loop3A_846] {strides = array<i32>} : memref<65536xf32, #tpu.memory_space<vmem>>, vector<16xf32>,
        %parallel_loop3A_848 = vector.shape_cast %parallel_loop3A_847 : vector<16xf32> to vector<16xf32>
        %parallel_loop3A_849 = tpu.assume_multiple %parallel_loop3A_843, 16 : i32
        %parallel_loop3A_850 = arith.constant 0 : i32
        %parallel_loop3A_851 = arith.constant 0 : i32
        %parallel_loop3A_852 = arith.index_cast %parallel_loop3A_850 : i32 to index
        %parallel_loop3A_853 = arith.index_cast %parallel_loop3A_851 : i32 to index
        %parallel_loop3A_854 = arith.index_cast %parallel_loop3A_849 : i32 to index
        %parallel_loop3A_855 = tpu.vector_load %arg5[%parallel_loop3A_852, %parallel_loop3A_853, %parallel_loop3A_854] {strides = array<i32>} : memref<2x8x3072xf32, #tpu.memory_space<vmem>>, vector<1x1x16xf32>,
        %parallel_loop3A_856 = vector.shape_cast %parallel_loop3A_855 : vector<1x1x16xf32> to vector<16xf32>
        %parallel_loop3A_857 = vector.shape_cast %parallel_loop3A_848 : vector<16xf32> to vector<1x1x16xf32>
        tpu.vector_store %arg5[%parallel_loop3A_852, %parallel_loop3A_853, %parallel_loop3A_854], %parallel_loop3A_857 {strides = array<i32>} : memref<2x8x3072xf32, #tpu.memory_space<vmem>>, vector<1x1x16xf32>,
        %parallel_loop3A_858 = arith.constant 64 : i32
        %parallel_loop3A_859 = arith.addi %parallel_loop3A_793, %parallel_loop3A_858 : i32
        %parallel_loop3A_860 = arith.addi %add3A_316, %parallel_loop3A_859 : i32
        %parallel_loop3A_861 = tpu.assume_multiple %parallel_loop3A_860, 16 : i32
        %parallel_loop3A_862 = arith.index_cast %parallel_loop3A_861 : i32 to index
        %parallel_loop3A_863 = tpu.vector_load %arg4[%parallel_loop3A_862] {strides = array<i32>} : memref<65536xf32, #tpu.memory_space<vmem>>, vector<16xf32>,
        %parallel_loop3A_864 = vector.shape_cast %parallel_loop3A_863 : vector<16xf32> to vector<16xf32>
        %parallel_loop3A_865 = tpu.assume_multiple %parallel_loop3A_859, 16 : i32
        %parallel_loop3A_866 = arith.constant 0 : i32
        %parallel_loop3A_867 = arith.constant 0 : i32
        %parallel_loop3A_868 = arith.index_cast %parallel_loop3A_866 : i32 to index
        %parallel_loop3A_869 = arith.index_cast %parallel_loop3A_867 : i32 to index
        %parallel_loop3A_870 = arith.index_cast %parallel_loop3A_865 : i32 to index
        %parallel_loop3A_871 = tpu.vector_load %arg5[%parallel_loop3A_868, %parallel_loop3A_869, %parallel_loop3A_870] {strides = array<i32>} : memref<2x8x3072xf32, #tpu.memory_space<vmem>>, vector<1x1x16xf32>,
        %parallel_loop3A_872 = vector.shape_cast %parallel_loop3A_871 : vector<1x1x16xf32> to vector<16xf32>
        %parallel_loop3A_873 = vector.shape_cast %parallel_loop3A_864 : vector<16xf32> to vector<1x1x16xf32>
        tpu.vector_store %arg5[%parallel_loop3A_868, %parallel_loop3A_869, %parallel_loop3A_870], %parallel_loop3A_873 {strides = array<i32>} : memref<2x8x3072xf32, #tpu.memory_space<vmem>>, vector<1x1x16xf32>,
        %parallel_loop3A_874 = arith.constant 80 : i32
        %parallel_loop3A_875 = arith.addi %parallel_loop3A_793, %parallel_loop3A_874 : i32
        %parallel_loop3A_876 = arith.addi %add3A_316, %parallel_loop3A_875 : i32
        %parallel_loop3A_877 = tpu.assume_multiple %parallel_loop3A_876, 16 : i32
        %parallel_loop3A_878 = arith.index_cast %parallel_loop3A_877 : i32 to index
        %parallel_loop3A_879 = tpu.vector_load %arg4[%parallel_loop3A_878] {strides = array<i32>} : memref<65536xf32, #tpu.memory_space<vmem>>, vector<16xf32>,
        %parallel_loop3A_880 = vector.shape_cast %parallel_loop3A_879 : vector<16xf32> to vector<16xf32>
        %parallel_loop3A_881 = tpu.assume_multiple %parallel_loop3A_875, 16 : i32
        %parallel_loop3A_882 = arith.constant 0 : i32
        %parallel_loop3A_883 = arith.constant 0 : i32
        %parallel_loop3A_884 = arith.index_cast %parallel_loop3A_882 : i32 to index
        %parallel_loop3A_885 = arith.index_cast %parallel_loop3A_883 : i32 to index
        %parallel_loop3A_886 = arith.index_cast %parallel_loop3A_881 : i32 to index
        %parallel_loop3A_887 = tpu.vector_load %arg5[%parallel_loop3A_884, %parallel_loop3A_885, %parallel_loop3A_886] {strides = array<i32>} : memref<2x8x3072xf32, #tpu.memory_space<vmem>>, vector<1x1x16xf32>,
        %parallel_loop3A_888 = vector.shape_cast %parallel_loop3A_887 : vector<1x1x16xf32> to vector<16xf32>
        %parallel_loop3A_889 = vector.shape_cast %parallel_loop3A_880 : vector<16xf32> to vector<1x1x16xf32>
        tpu.vector_store %arg5[%parallel_loop3A_884, %parallel_loop3A_885, %parallel_loop3A_886], %parallel_loop3A_889 {strides = array<i32>} : memref<2x8x3072xf32, #tpu.memory_space<vmem>>, vector<1x1x16xf32>,
        %parallel_loop3A_890 = arith.constant 96 : i32
        %parallel_loop3A_891 = arith.addi %parallel_loop3A_793, %parallel_loop3A_890 : i32
        %parallel_loop3A_892 = arith.addi %add3A_316, %parallel_loop3A_891 : i32
        %parallel_loop3A_893 = tpu.assume_multiple %parallel_loop3A_892, 16 : i32
        %parallel_loop3A_894 = arith.index_cast %parallel_loop3A_893 : i32 to index
        %parallel_loop3A_895 = tpu.vector_load %arg4[%parallel_loop3A_894] {strides = array<i32>} : memref<65536xf32, #tpu.memory_space<vmem>>, vector<16xf32>,
        %parallel_loop3A_896 = vector.shape_cast %parallel_loop3A_895 : vector<16xf32> to vector<16xf32>
        %parallel_loop3A_897 = tpu.assume_multiple %parallel_loop3A_891, 16 : i32
        %parallel_loop3A_898 = arith.constant 0 : i32
        %parallel_loop3A_899 = arith.constant 0 : i32
        %parallel_loop3A_900 = arith.index_cast %parallel_loop3A_898 : i32 to index
        %parallel_loop3A_901 = arith.index_cast %parallel_loop3A_899 : i32 to index
        %parallel_loop3A_902 = arith.index_cast %parallel_loop3A_897 : i32 to index
        %parallel_loop3A_903 = tpu.vector_load %arg5[%parallel_loop3A_900, %parallel_loop3A_901, %parallel_loop3A_902] {strides = array<i32>} : memref<2x8x3072xf32, #tpu.memory_space<vmem>>, vector<1x1x16xf32>,
        %parallel_loop3A_904 = vector.shape_cast %parallel_loop3A_903 : vector<1x1x16xf32> to vector<16xf32>
        %parallel_loop3A_905 = vector.shape_cast %parallel_loop3A_896 : vector<16xf32> to vector<1x1x16xf32>
        tpu.vector_store %arg5[%parallel_loop3A_900, %parallel_loop3A_901, %parallel_loop3A_902], %parallel_loop3A_905 {strides = array<i32>} : memref<2x8x3072xf32, #tpu.memory_space<vmem>>, vector<1x1x16xf32>,
        %parallel_loop3A_906 = arith.constant 112 : i32
        %parallel_loop3A_907 = arith.addi %parallel_loop3A_793, %parallel_loop3A_906 : i32
        %parallel_loop3A_908 = arith.addi %add3A_316, %parallel_loop3A_907 : i32
        %parallel_loop3A_909 = tpu.assume_multiple %parallel_loop3A_908, 16 : i32
        %parallel_loop3A_910 = arith.index_cast %parallel_loop3A_909 : i32 to index
        %parallel_loop3A_911 = tpu.vector_load %arg4[%parallel_loop3A_910] {strides = array<i32>} : memref<65536xf32, #tpu.memory_space<vmem>>, vector<16xf32>,
        %parallel_loop3A_912 = vector.shape_cast %parallel_loop3A_911 : vector<16xf32> to vector<16xf32>
        %parallel_loop3A_913 = tpu.assume_multiple %parallel_loop3A_907, 16 : i32
        %parallel_loop3A_914 = arith.constant 0 : i32
        %parallel_loop3A_915 = arith.constant 0 : i32
        %parallel_loop3A_916 = arith.index_cast %parallel_loop3A_914 : i32 to index
        %parallel_loop3A_917 = arith.index_cast %parallel_loop3A_915 : i32 to index
        %parallel_loop3A_918 = arith.index_cast %parallel_loop3A_913 : i32 to index
        %parallel_loop3A_919 = tpu.vector_load %arg5[%parallel_loop3A_916, %parallel_loop3A_917, %parallel_loop3A_918] {strides = array<i32>} : memref<2x8x3072xf32, #tpu.memory_space<vmem>>, vector<1x1x16xf32>,
        %parallel_loop3A_920 = vector.shape_cast %parallel_loop3A_919 : vector<1x1x16xf32> to vector<16xf32>
        %parallel_loop3A_921 = vector.shape_cast %parallel_loop3A_912 : vector<16xf32> to vector<1x1x16xf32>
        tpu.vector_store %arg5[%parallel_loop3A_916, %parallel_loop3A_917, %parallel_loop3A_918], %parallel_loop3A_921 {strides = array<i32>} : memref<2x8x3072xf32, #tpu.memory_space<vmem>>, vector<1x1x16xf32>,
        %parallel_loop3A_922 = arith.constant 0 : i32
        %parallel_loop3A_923 = arith.addi %parallel_loop3A_793, %parallel_loop3A_922 : i32
        %parallel_loop3A_924 = arith.addi %add3A_324, %parallel_loop3A_923 : i32
        %parallel_loop3A_925 = tpu.assume_multiple %parallel_loop3A_924, 16 : i32
        %parallel_loop3A_926 = arith.index_cast %parallel_loop3A_925 : i32 to index
        %parallel_loop3A_927 = tpu.vector_load %arg4[%parallel_loop3A_926] {strides = array<i32>} : memref<65536xf32, #tpu.memory_space<vmem>>, vector<16xf32>,
        %parallel_loop3A_928 = vector.shape_cast %parallel_loop3A_927 : vector<16xf32> to vector<16xf32>
        %parallel_loop3A_929 = tpu.assume_multiple %parallel_loop3A_923, 16 : i32
        %parallel_loop3A_930 = arith.constant 0 : i32
        %parallel_loop3A_931 = arith.constant 1 : i32
        %parallel_loop3A_932 = arith.index_cast %parallel_loop3A_930 : i32 to index
        %parallel_loop3A_933 = arith.index_cast %parallel_loop3A_931 : i32 to index
        %parallel_loop3A_934 = arith.index_cast %parallel_loop3A_929 : i32 to index
        %parallel_loop3A_935 = tpu.vector_load %arg5[%parallel_loop3A_932, %parallel_loop3A_933, %parallel_loop3A_934] {strides = array<i32>} : memref<2x8x3072xf32, #tpu.memory_space<vmem>>, vector<1x1x16xf32>,
        %parallel_loop3A_936 = vector.shape_cast %parallel_loop3A_935 : vector<1x1x16xf32> to vector<16xf32>
        %parallel_loop3A_937 = vector.shape_cast %parallel_loop3A_928 : vector<16xf32> to vector<1x1x16xf32>
        tpu.vector_store %arg5[%parallel_loop3A_932, %parallel_loop3A_933, %parallel_loop3A_934], %parallel_loop3A_937 {strides = array<i32>} : memref<2x8x3072xf32, #tpu.memory_space<vmem>>, vector<1x1x16xf32>,
        %parallel_loop3A_938 = arith.constant 16 : i32
        %parallel_loop3A_939 = arith.addi %parallel_loop3A_793, %parallel_loop3A_938 : i32
        %parallel_loop3A_940 = arith.addi %add3A_324, %parallel_loop3A_939 : i32
        %parallel_loop3A_941 = tpu.assume_multiple %parallel_loop3A_940, 16 : i32
        %parallel_loop3A_942 = arith.index_cast %parallel_loop3A_941 : i32 to index
        %parallel_loop3A_943 = tpu.vector_load %arg4[%parallel_loop3A_942] {strides = array<i32>} : memref<65536xf32, #tpu.memory_space<vmem>>, vector<16xf32>,
        %parallel_loop3A_944 = vector.shape_cast %parallel_loop3A_943 : vector<16xf32> to vector<16xf32>
        %parallel_loop3A_945 = tpu.assume_multiple %parallel_loop3A_939, 16 : i32
        %parallel_loop3A_946 = arith.constant 0 : i32
        %parallel_loop3A_947 = arith.constant 1 : i32
        %parallel_loop3A_948 = arith.index_cast %parallel_loop3A_946 : i32 to index
        %parallel_loop3A_949 = arith.index_cast %parallel_loop3A_947 : i32 to index
        %parallel_loop3A_950 = arith.index_cast %parallel_loop3A_945 : i32 to index
        %parallel_loop3A_951 = tpu.vector_load %arg5[%parallel_loop3A_948, %parallel_loop3A_949, %parallel_loop3A_950] {strides = array<i32>} : memref<2x8x3072xf32, #tpu.memory_space<vmem>>, vector<1x1x16xf32>,
        %parallel_loop3A_952 = vector.shape_cast %parallel_loop3A_951 : vector<1x1x16xf32> to vector<16xf32>
        %parallel_loop3A_953 = vector.shape_cast %parallel_loop3A_944 : vector<16xf32> to vector<1x1x16xf32>
        tpu.vector_store %arg5[%parallel_loop3A_948, %parallel_loop3A_949, %parallel_loop3A_950], %parallel_loop3A_953 {strides = array<i32>} : memref<2x8x3072xf32, #tpu.memory_space<vmem>>, vector<1x1x16xf32>,
        %parallel_loop3A_954 = arith.constant 32 : i32
        %parallel_loop3A_955 = arith.addi %parallel_loop3A_793, %parallel_loop3A_954 : i32
        %parallel_loop3A_956 = arith.addi %add3A_324, %parallel_loop3A_955 : i32
        %parallel_loop3A_957 = tpu.assume_multiple %parallel_loop3A_956, 16 : i32
        %parallel_loop3A_958 = arith.index_cast %parallel_loop3A_957 : i32 to index
        %parallel_loop3A_959 = tpu.vector_load %arg4[%parallel_loop3A_958] {strides = array<i32>} : memref<65536xf32, #tpu.memory_space<vmem>>, vector<16xf32>,
        %parallel_loop3A_960 = vector.shape_cast %parallel_loop3A_959 : vector<16xf32> to vector<16xf32>
        %parallel_loop3A_961 = tpu.assume_multiple %parallel_loop3A_955, 16 : i32
        %parallel_loop3A_962 = arith.constant 0 : i32
        %parallel_loop3A_963 = arith.constant 1 : i32
        %parallel_loop3A_964 = arith.index_cast %parallel_loop3A_962 : i32 to index
        %parallel_loop3A_965 = arith.index_cast %parallel_loop3A_963 : i32 to index
        %parallel_loop3A_966 = arith.index_cast %parallel_loop3A_961 : i32 to index
        %parallel_loop3A_967 = tpu.vector_load %arg5[%parallel_loop3A_964, %parallel_loop3A_965, %parallel_loop3A_966] {strides = array<i32>} : memref<2x8x3072xf32, #tpu.memory_space<vmem>>, vector<1x1x16xf32>,
        %parallel_loop3A_968 = vector.shape_cast %parallel_loop3A_967 : vector<1x1x16xf32> to vector<16xf32>
        %parallel_loop3A_969 = vector.shape_cast %parallel_loop3A_960 : vector<16xf32> to vector<1x1x16xf32>
        tpu.vector_store %arg5[%parallel_loop3A_964, %parallel_loop3A_965, %parallel_loop3A_966], %parallel_loop3A_969 {strides = array<i32>} : memref<2x8x3072xf32, #tpu.memory_space<vmem>>, vector<1x1x16xf32>,
        %parallel_loop3A_970 = arith.constant 48 : i32
        %parallel_loop3A_971 = arith.addi %parallel_loop3A_793, %parallel_loop3A_970 : i32
        %parallel_loop3A_972 = arith.addi %add3A_324, %parallel_loop3A_971 : i32
        %parallel_loop3A_973 = tpu.assume_multiple %parallel_loop3A_972, 16 : i32
        %parallel_loop3A_974 = arith.index_cast %parallel_loop3A_973 : i32 to index
        %parallel_loop3A_975 = tpu.vector_load %arg4[%parallel_loop3A_974] {strides = array<i32>} : memref<65536xf32, #tpu.memory_space<vmem>>, vector<16xf32>,
        %parallel_loop3A_976 = vector.shape_cast %parallel_loop3A_975 : vector<16xf32> to vector<16xf32>
        %parallel_loop3A_977 = tpu.assume_multiple %parallel_loop3A_971, 16 : i32
        %parallel_loop3A_978 = arith.constant 0 : i32
        %parallel_loop3A_979 = arith.constant 1 : i32
        %parallel_loop3A_980 = arith.index_cast %parallel_loop3A_978 : i32 to index
        %parallel_loop3A_981 = arith.index_cast %parallel_loop3A_979 : i32 to index
        %parallel_loop3A_982 = arith.index_cast %parallel_loop3A_977 : i32 to index
        %parallel_loop3A_983 = tpu.vector_load %arg5[%parallel_loop3A_980, %parallel_loop3A_981, %parallel_loop3A_982] {strides = array<i32>} : memref<2x8x3072xf32, #tpu.memory_space<vmem>>, vector<1x1x16xf32>,
        %parallel_loop3A_984 = vector.shape_cast %parallel_loop3A_983 : vector<1x1x16xf32> to vector<16xf32>
        %parallel_loop3A_985 = vector.shape_cast %parallel_loop3A_976 : vector<16xf32> to vector<1x1x16xf32>
        tpu.vector_store %arg5[%parallel_loop3A_980, %parallel_loop3A_981, %parallel_loop3A_982], %parallel_loop3A_985 {strides = array<i32>} : memref<2x8x3072xf32, #tpu.memory_space<vmem>>, vector<1x1x16xf32>,
        %parallel_loop3A_986 = arith.constant 64 : i32
        %parallel_loop3A_987 = arith.addi %parallel_loop3A_793, %parallel_loop3A_986 : i32
        %parallel_loop3A_988 = arith.addi %add3A_324, %parallel_loop3A_987 : i32
        %parallel_loop3A_989 = tpu.assume_multiple %parallel_loop3A_988, 16 : i32
        %parallel_loop3A_990 = arith.index_cast %parallel_loop3A_989 : i32 to index
        %parallel_loop3A_991 = tpu.vector_load %arg4[%parallel_loop3A_990] {strides = array<i32>} : memref<65536xf32, #tpu.memory_space<vmem>>, vector<16xf32>,
        %parallel_loop3A_992 = vector.shape_cast %parallel_loop3A_991 : vector<16xf32> to vector<16xf32>
        %parallel_loop3A_993 = tpu.assume_multiple %parallel_loop3A_987, 16 : i32
        %parallel_loop3A_994 = arith.constant 0 : i32
        %parallel_loop3A_995 = arith.constant 1 : i32
        %parallel_loop3A_996 = arith.index_cast %parallel_loop3A_994 : i32 to index
        %parallel_loop3A_997 = arith.index_cast %parallel_loop3A_995 : i32 to index
        %parallel_loop3A_998 = arith.index_cast %parallel_loop3A_993 : i32 to index
        %parallel_loop3A_999 = tpu.vector_load %arg5[%parallel_loop3A_996, %parallel_loop3A_997, %parallel_loop3A_998] {strides = array<i32>} : memref<2x8x3072xf32, #tpu.memory_space<vmem>>, vector<1x1x16xf32>,
        %parallel_loop3A_1000 = vector.shape_cast %parallel_loop3A_999 : vector<1x1x16xf32> to vector<16xf32>
        %parallel_loop3A_1001 = vector.shape_cast %parallel_loop3A_992 : vector<16xf32> to vector<1x1x16xf32>
        tpu.vector_store %arg5[%parallel_loop3A_996, %parallel_loop3A_997, %parallel_loop3A_998], %parallel_loop3A_1001 {strides = array<i32>} : memref<2x8x3072xf32, #tpu.memory_space<vmem>>, vector<1x1x16xf32>,
        %parallel_loop3A_1002 = arith.constant 80 : i32
        %parallel_loop3A_1003 = arith.addi %parallel_loop3A_793, %parallel_loop3A_1002 : i32
        %parallel_loop3A_1004 = arith.addi %add3A_324, %parallel_loop3A_1003 : i32
        %parallel_loop3A_1005 = tpu.assume_multiple %parallel_loop3A_1004, 16 : i32
        %parallel_loop3A_1006 = arith.index_cast %parallel_loop3A_1005 : i32 to index
        %parallel_loop3A_1007 = tpu.vector_load %arg4[%parallel_loop3A_1006] {strides = array<i32>} : memref<65536xf32, #tpu.memory_space<vmem>>, vector<16xf32>,
        %parallel_loop3A_1008 = vector.shape_cast %parallel_loop3A_1007 : vector<16xf32> to vector<16xf32>
        %parallel_loop3A_1009 = tpu.assume_multiple %parallel_loop3A_1003, 16 : i32
        %parallel_loop3A_1010 = arith.constant 0 : i32
        %parallel_loop3A_1011 = arith.constant 1 : i32
        %parallel_loop3A_1012 = arith.index_cast %parallel_loop3A_1010 : i32 to index
        %parallel_loop3A_1013 = arith.index_cast %parallel_loop3A_1011 : i32 to index
        %parallel_loop3A_1014 = arith.index_cast %parallel_loop3A_1009 : i32 to index
        %parallel_loop3A_1015 = tpu.vector_load %arg5[%parallel_loop3A_1012, %parallel_loop3A_1013, %parallel_loop3A_1014] {strides = array<i32>} : memref<2x8x3072xf32, #tpu.memory_space<vmem>>, vector<1x1x16xf32>,
        %parallel_loop3A_1016 = vector.shape_cast %parallel_loop3A_1015 : vector<1x1x16xf32> to vector<16xf32>
        %parallel_loop3A_1017 = vector.shape_cast %parallel_loop3A_1008 : vector<16xf32> to vector<1x1x16xf32>
        tpu.vector_store %arg5[%parallel_loop3A_1012, %parallel_loop3A_1013, %parallel_loop3A_1014], %parallel_loop3A_1017 {strides = array<i32>} : memref<2x8x3072xf32, #tpu.memory_space<vmem>>, vector<1x1x16xf32>,
        %parallel_loop3A_1018 = arith.constant 96 : i32
        %parallel_loop3A_1019 = arith.addi %parallel_loop3A_793, %parallel_loop3A_1018 : i32
        %parallel_loop3A_1020 = arith.addi %add3A_324, %parallel_loop3A_1019 : i32
        %parallel_loop3A_1021 = tpu.assume_multiple %parallel_loop3A_1020, 16 : i32
        %parallel_loop3A_1022 = arith.index_cast %parallel_loop3A_1021 : i32 to index
        %parallel_loop3A_1023 = tpu.vector_load %arg4[%parallel_loop3A_1022] {strides = array<i32>} : memref<65536xf32, #tpu.memory_space<vmem>>, vector<16xf32>,
        %parallel_loop3A_1024 = vector.shape_cast %parallel_loop3A_1023 : vector<16xf32> to vector<16xf32>
        %parallel_loop3A_1025 = tpu.assume_multiple %parallel_loop3A_1019, 16 : i32
        %parallel_loop3A_1026 = arith.constant 0 : i32
        %parallel_loop3A_1027 = arith.constant 1 : i32
        %parallel_loop3A_1028 = arith.index_cast %parallel_loop3A_1026 : i32 to index
        %parallel_loop3A_1029 = arith.index_cast %parallel_loop3A_1027 : i32 to index
        %parallel_loop3A_1030 = arith.index_cast %parallel_loop3A_1025 : i32 to index
        %parallel_loop3A_1031 = tpu.vector_load %arg5[%parallel_loop3A_1028, %parallel_loop3A_1029, %parallel_loop3A_1030] {strides = array<i32>} : memref<2x8x3072xf32, #tpu.memory_space<vmem>>, vector<1x1x16xf32>,
        %parallel_loop3A_1032 = vector.shape_cast %parallel_loop3A_1031 : vector<1x1x16xf32> to vector<16xf32>
        %parallel_loop3A_1033 = vector.shape_cast %parallel_loop3A_1024 : vector<16xf32> to vector<1x1x16xf32>
        tpu.vector_store %arg5[%parallel_loop3A_1028, %parallel_loop3A_1029, %parallel_loop3A_1030], %parallel_loop3A_1033 {strides = array<i32>} : memref<2x8x3072xf32, #tpu.memory_space<vmem>>, vector<1x1x16xf32>,
        %parallel_loop3A_1034 = arith.constant 112 : i32
        %parallel_loop3A_1035 = arith.addi %parallel_loop3A_793, %parallel_loop3A_1034 : i32
        %parallel_loop3A_1036 = arith.addi %add3A_324, %parallel_loop3A_1035 : i32
        %parallel_loop3A_1037 = tpu.assume_multiple %parallel_loop3A_1036, 16 : i32
        %parallel_loop3A_1038 = arith.index_cast %parallel_loop3A_1037 : i32 to index
        %parallel_loop3A_1039 = tpu.vector_load %arg4[%parallel_loop3A_1038] {strides = array<i32>} : memref<65536xf32, #tpu.memory_space<vmem>>, vector<16xf32>,
        %parallel_loop3A_1040 = vector.shape_cast %parallel_loop3A_1039 : vector<16xf32> to vector<16xf32>
        %parallel_loop3A_1041 = tpu.assume_multiple %parallel_loop3A_1035, 16 : i32
        %parallel_loop3A_1042 = arith.constant 0 : i32
        %parallel_loop3A_1043 = arith.constant 1 : i32
        %parallel_loop3A_1044 = arith.index_cast %parallel_loop3A_1042 : i32 to index
        %parallel_loop3A_1045 = arith.index_cast %parallel_loop3A_1043 : i32 to index
        %parallel_loop3A_1046 = arith.index_cast %parallel_loop3A_1041 : i32 to index
        %parallel_loop3A_1047 = tpu.vector_load %arg5[%parallel_loop3A_1044, %parallel_loop3A_1045, %parallel_loop3A_1046] {strides = array<i32>} : memref<2x8x3072xf32, #tpu.memory_space<vmem>>, vector<1x1x16xf32>,
        %parallel_loop3A_1048 = vector.shape_cast %parallel_loop3A_1047 : vector<1x1x16xf32> to vector<16xf32>
        %parallel_loop3A_1049 = vector.shape_cast %parallel_loop3A_1040 : vector<16xf32> to vector<1x1x16xf32>
        tpu.vector_store %arg5[%parallel_loop3A_1044, %parallel_loop3A_1045, %parallel_loop3A_1046], %parallel_loop3A_1049 {strides = array<i32>} : memref<2x8x3072xf32, #tpu.memory_space<vmem>>, vector<1x1x16xf32>,
        %parallel_loop3A_1050 = arith.constant 0 : i32
        %parallel_loop3A_1051 = arith.addi %parallel_loop3A_793, %parallel_loop3A_1050 : i32
        %parallel_loop3A_1052 = arith.addi %add3A_332, %parallel_loop3A_1051 : i32
        %parallel_loop3A_1053 = tpu.assume_multiple %parallel_loop3A_1052, 16 : i32
        %parallel_loop3A_1054 = arith.index_cast %parallel_loop3A_1053 : i32 to index
        %parallel_loop3A_1055 = tpu.vector_load %arg4[%parallel_loop3A_1054] {strides = array<i32>} : memref<65536xf32, #tpu.memory_space<vmem>>, vector<16xf32>,
        %parallel_loop3A_1056 = vector.shape_cast %parallel_loop3A_1055 : vector<16xf32> to vector<16xf32>
        %parallel_loop3A_1057 = tpu.assume_multiple %parallel_loop3A_1051, 16 : i32
        %parallel_loop3A_1058 = arith.constant 0 : i32
        %parallel_loop3A_1059 = arith.constant 2 : i32
        %parallel_loop3A_1060 = arith.index_cast %parallel_loop3A_1058 : i32 to index
        %parallel_loop3A_1061 = arith.index_cast %parallel_loop3A_1059 : i32 to index
        %parallel_loop3A_1062 = arith.index_cast %parallel_loop3A_1057 : i32 to index
        %parallel_loop3A_1063 = tpu.vector_load %arg5[%parallel_loop3A_1060, %parallel_loop3A_1061, %parallel_loop3A_1062] {strides = array<i32>} : memref<2x8x3072xf32, #tpu.memory_space<vmem>>, vector<1x1x16xf32>,
        %parallel_loop3A_1064 = vector.shape_cast %parallel_loop3A_1063 : vector<1x1x16xf32> to vector<16xf32>
        %parallel_loop3A_1065 = vector.shape_cast %parallel_loop3A_1056 : vector<16xf32> to vector<1x1x16xf32>
        tpu.vector_store %arg5[%parallel_loop3A_1060, %parallel_loop3A_1061, %parallel_loop3A_1062], %parallel_loop3A_1065 {strides = array<i32>} : memref<2x8x3072xf32, #tpu.memory_space<vmem>>, vector<1x1x16xf32>,
        %parallel_loop3A_1066 = arith.constant 16 : i32
        %parallel_loop3A_1067 = arith.addi %parallel_loop3A_793, %parallel_loop3A_1066 : i32
        %parallel_loop3A_1068 = arith.addi %add3A_332, %parallel_loop3A_1067 : i32
        %parallel_loop3A_1069 = tpu.assume_multiple %parallel_loop3A_1068, 16 : i32
        %parallel_loop3A_1070 = arith.index_cast %parallel_loop3A_1069 : i32 to index
        %parallel_loop3A_1071 = tpu.vector_load %arg4[%parallel_loop3A_1070] {strides = array<i32>} : memref<65536xf32, #tpu.memory_space<vmem>>, vector<16xf32>,
        %parallel_loop3A_1072 = vector.shape_cast %parallel_loop3A_1071 : vector<16xf32> to vector<16xf32>
        %parallel_loop3A_1073 = tpu.assume_multiple %parallel_loop3A_1067, 16 : i32
        %parallel_loop3A_1074 = arith.constant 0 : i32
        %parallel_loop3A_1075 = arith.constant 2 : i32
        %parallel_loop3A_1076 = arith.index_cast %parallel_loop3A_1074 : i32 to index
        %parallel_loop3A_1077 = arith.index_cast %parallel_loop3A_1075 : i32 to index
        %parallel_loop3A_1078 = arith.index_cast %parallel_loop3A_1073 : i32 to index
        %parallel_loop3A_1079 = tpu.vector_load %arg5[%parallel_loop3A_1076, %parallel_loop3A_1077, %parallel_loop3A_1078] {strides = array<i32>} : memref<2x8x3072xf32, #tpu.memory_space<vmem>>, vector<1x1x16xf32>,
        %parallel_loop3A_1080 = vector.shape_cast %parallel_loop3A_1079 : vector<1x1x16xf32> to vector<16xf32>
        %parallel_loop3A_1081 = vector.shape_cast %parallel_loop3A_1072 : vector<16xf32> to vector<1x1x16xf32>
        tpu.vector_store %arg5[%parallel_loop3A_1076, %parallel_loop3A_1077, %parallel_loop3A_1078], %parallel_loop3A_1081 {strides = array<i32>} : memref<2x8x3072xf32, #tpu.memory_space<vmem>>, vector<1x1x16xf32>,
        %parallel_loop3A_1082 = arith.constant 32 : i32
        %parallel_loop3A_1083 = arith.addi %parallel_loop3A_793, %parallel_loop3A_1082 : i32
        %parallel_loop3A_1084 = arith.addi %add3A_332, %parallel_loop3A_1083 : i32
        %parallel_loop3A_1085 = tpu.assume_multiple %parallel_loop3A_1084, 16 : i32
        %parallel_loop3A_1086 = arith.index_cast %parallel_loop3A_1085 : i32 to index
        %parallel_loop3A_1087 = tpu.vector_load %arg4[%parallel_loop3A_1086] {strides = array<i32>} : memref<65536xf32, #tpu.memory_space<vmem>>, vector<16xf32>,
        %parallel_loop3A_1088 = vector.shape_cast %parallel_loop3A_1087 : vector<16xf32> to vector<16xf32>
        %parallel_loop3A_1089 = tpu.assume_multiple %parallel_loop3A_1083, 16 : i32
        %parallel_loop3A_1090 = arith.constant 0 : i32
        %parallel_loop3A_1091 = arith.constant 2 : i32
        %parallel_loop3A_1092 = arith.index_cast %parallel_loop3A_1090 : i32 to index
        %parallel_loop3A_1093 = arith.index_cast %parallel_loop3A_1091 : i32 to index
        %parallel_loop3A_1094 = arith.index_cast %parallel_loop3A_1089 : i32 to index
        %parallel_loop3A_1095 = tpu.vector_load %arg5[%parallel_loop3A_1092, %parallel_loop3A_1093, %parallel_loop3A_1094] {strides = array<i32>} : memref<2x8x3072xf32, #tpu.memory_space<vmem>>, vector<1x1x16xf32>,
        %parallel_loop3A_1096 = vector.shape_cast %parallel_loop3A_1095 : vector<1x1x16xf32> to vector<16xf32>
        %parallel_loop3A_1097 = vector.shape_cast %parallel_loop3A_1088 : vector<16xf32> to vector<1x1x16xf32>
        tpu.vector_store %arg5[%parallel_loop3A_1092, %parallel_loop3A_1093, %parallel_loop3A_1094], %parallel_loop3A_1097 {strides = array<i32>} : memref<2x8x3072xf32, #tpu.memory_space<vmem>>, vector<1x1x16xf32>,
        %parallel_loop3A_1098 = arith.constant 48 : i32
        %parallel_loop3A_1099 = arith.addi %parallel_loop3A_793, %parallel_loop3A_1098 : i32
        %parallel_loop3A_1100 = arith.addi %add3A_332, %parallel_loop3A_1099 : i32
        %parallel_loop3A_1101 = tpu.assume_multiple %parallel_loop3A_1100, 16 : i32
        %parallel_loop3A_1102 = arith.index_cast %parallel_loop3A_1101 : i32 to index
        %parallel_loop3A_1103 = tpu.vector_load %arg4[%parallel_loop3A_1102] {strides = array<i32>} : memref<65536xf32, #tpu.memory_space<vmem>>, vector<16xf32>,
        %parallel_loop3A_1104 = vector.shape_cast %parallel_loop3A_1103 : vector<16xf32> to vector<16xf32>
        %parallel_loop3A_1105 = tpu.assume_multiple %parallel_loop3A_1099, 16 : i32
        %parallel_loop3A_1106 = arith.constant 0 : i32
        %parallel_loop3A_1107 = arith.constant 2 : i32
        %parallel_loop3A_1108 = arith.index_cast %parallel_loop3A_1106 : i32 to index
        %parallel_loop3A_1109 = arith.index_cast %parallel_loop3A_1107 : i32 to index
        %parallel_loop3A_1110 = arith.index_cast %parallel_loop3A_1105 : i32 to index
        %parallel_loop3A_1111 = tpu.vector_load %arg5[%parallel_loop3A_1108, %parallel_loop3A_1109, %parallel_loop3A_1110] {strides = array<i32>} : memref<2x8x3072xf32, #tpu.memory_space<vmem>>, vector<1x1x16xf32>,
        %parallel_loop3A_1112 = vector.shape_cast %parallel_loop3A_1111 : vector<1x1x16xf32> to vector<16xf32>
        %parallel_loop3A_1113 = vector.shape_cast %parallel_loop3A_1104 : vector<16xf32> to vector<1x1x16xf32>
        tpu.vector_store %arg5[%parallel_loop3A_1108, %parallel_loop3A_1109, %parallel_loop3A_1110], %parallel_loop3A_1113 {strides = array<i32>} : memref<2x8x3072xf32, #tpu.memory_space<vmem>>, vector<1x1x16xf32>,
        %parallel_loop3A_1114 = arith.constant 64 : i32
        %parallel_loop3A_1115 = arith.addi %parallel_loop3A_793, %parallel_loop3A_1114 : i32
        %parallel_loop3A_1116 = arith.addi %add3A_332, %parallel_loop3A_1115 : i32
        %parallel_loop3A_1117 = tpu.assume_multiple %parallel_loop3A_1116, 16 : i32
        %parallel_loop3A_1118 = arith.index_cast %parallel_loop3A_1117 : i32 to index
        %parallel_loop3A_1119 = tpu.vector_load %arg4[%parallel_loop3A_1118] {strides = array<i32>} : memref<65536xf32, #tpu.memory_space<vmem>>, vector<16xf32>,
        %parallel_loop3A_1120 = vector.shape_cast %parallel_loop3A_1119 : vector<16xf32> to vector<16xf32>
        %parallel_loop3A_1121 = tpu.assume_multiple %parallel_loop3A_1115, 16 : i32
        %parallel_loop3A_1122 = arith.constant 0 : i32
        %parallel_loop3A_1123 = arith.constant 2 : i32
        %parallel_loop3A_1124 = arith.index_cast %parallel_loop3A_1122 : i32 to index
        %parallel_loop3A_1125 = arith.index_cast %parallel_loop3A_1123 : i32 to index
        %parallel_loop3A_1126 = arith.index_cast %parallel_loop3A_1121 : i32 to index
        %parallel_loop3A_1127 = tpu.vector_load %arg5[%parallel_loop3A_1124, %parallel_loop3A_1125, %parallel_loop3A_1126] {strides = array<i32>} : memref<2x8x3072xf32, #tpu.memory_space<vmem>>, vector<1x1x16xf32>,
        %parallel_loop3A_1128 = vector.shape_cast %parallel_loop3A_1127 : vector<1x1x16xf32> to vector<16xf32>
        %parallel_loop3A_1129 = vector.shape_cast %parallel_loop3A_1120 : vector<16xf32> to vector<1x1x16xf32>
        tpu.vector_store %arg5[%parallel_loop3A_1124, %parallel_loop3A_1125, %parallel_loop3A_1126], %parallel_loop3A_1129 {strides = array<i32>} : memref<2x8x3072xf32, #tpu.memory_space<vmem>>, vector<1x1x16xf32>,
        %parallel_loop3A_1130 = arith.constant 80 : i32
        %parallel_loop3A_1131 = arith.addi %parallel_loop3A_793, %parallel_loop3A_1130 : i32
        %parallel_loop3A_1132 = arith.addi %add3A_332, %parallel_loop3A_1131 : i32
        %parallel_loop3A_1133 = tpu.assume_multiple %parallel_loop3A_1132, 16 : i32
        %parallel_loop3A_1134 = arith.index_cast %parallel_loop3A_1133 : i32 to index
        %parallel_loop3A_1135 = tpu.vector_load %arg4[%parallel_loop3A_1134] {strides = array<i32>} : memref<65536xf32, #tpu.memory_space<vmem>>, vector<16xf32>,
        %parallel_loop3A_1136 = vector.shape_cast %parallel_loop3A_1135 : vector<16xf32> to vector<16xf32>
        %parallel_loop3A_1137 = tpu.assume_multiple %parallel_loop3A_1131, 16 : i32
        %parallel_loop3A_1138 = arith.constant 0 : i32
        %parallel_loop3A_1139 = arith.constant 2 : i32
        %parallel_loop3A_1140 = arith.index_cast %parallel_loop3A_1138 : i32 to index
        %parallel_loop3A_1141 = arith.index_cast %parallel_loop3A_1139 : i32 to index
        %parallel_loop3A_1142 = arith.index_cast %parallel_loop3A_1137 : i32 to index
        %parallel_loop3A_1143 = tpu.vector_load %arg5[%parallel_loop3A_1140, %parallel_loop3A_1141, %parallel_loop3A_1142] {strides = array<i32>} : memref<2x8x3072xf32, #tpu.memory_space<vmem>>, vector<1x1x16xf32>,
        %parallel_loop3A_1144 = vector.shape_cast %parallel_loop3A_1143 : vector<1x1x16xf32> to vector<16xf32>
        %parallel_loop3A_1145 = vector.shape_cast %parallel_loop3A_1136 : vector<16xf32> to vector<1x1x16xf32>
        tpu.vector_store %arg5[%parallel_loop3A_1140, %parallel_loop3A_1141, %parallel_loop3A_1142], %parallel_loop3A_1145 {strides = array<i32>} : memref<2x8x3072xf32, #tpu.memory_space<vmem>>, vector<1x1x16xf32>,
        %parallel_loop3A_1146 = arith.constant 96 : i32
        %parallel_loop3A_1147 = arith.addi %parallel_loop3A_793, %parallel_loop3A_1146 : i32
        %parallel_loop3A_1148 = arith.addi %add3A_332, %parallel_loop3A_1147 : i32
        %parallel_loop3A_1149 = tpu.assume_multiple %parallel_loop3A_1148, 16 : i32
        %parallel_loop3A_1150 = arith.index_cast %parallel_loop3A_1149 : i32 to index
        %parallel_loop3A_1151 = tpu.vector_load %arg4[%parallel_loop3A_1150] {strides = array<i32>} : memref<65536xf32, #tpu.memory_space<vmem>>, vector<16xf32>,
        %parallel_loop3A_1152 = vector.shape_cast %parallel_loop3A_1151 : vector<16xf32> to vector<16xf32>
        %parallel_loop3A_1153 = tpu.assume_multiple %parallel_loop3A_1147, 16 : i32
        %parallel_loop3A_1154 = arith.constant 0 : i32
        %parallel_loop3A_1155 = arith.constant 2 : i32
        %parallel_loop3A_1156 = arith.index_cast %parallel_loop3A_1154 : i32 to index
        %parallel_loop3A_1157 = arith.index_cast %parallel_loop3A_1155 : i32 to index
        %parallel_loop3A_1158 = arith.index_cast %parallel_loop3A_1153 : i32 to index
        %parallel_loop3A_1159 = tpu.vector_load %arg5[%parallel_loop3A_1156, %parallel_loop3A_1157, %parallel_loop3A_1158] {strides = array<i32>} : memref<2x8x3072xf32, #tpu.memory_space<vmem>>, vector<1x1x16xf32>,
        %parallel_loop3A_1160 = vector.shape_cast %parallel_loop3A_1159 : vector<1x1x16xf32> to vector<16xf32>
        %parallel_loop3A_1161 = vector.shape_cast %parallel_loop3A_1152 : vector<16xf32> to vector<1x1x16xf32>
        tpu.vector_store %arg5[%parallel_loop3A_1156, %parallel_loop3A_1157, %parallel_loop3A_1158], %parallel_loop3A_1161 {strides = array<i32>} : memref<2x8x3072xf32, #tpu.memory_space<vmem>>, vector<1x1x16xf32>,
        %parallel_loop3A_1162 = arith.constant 112 : i32
        %parallel_loop3A_1163 = arith.addi %parallel_loop3A_793, %parallel_loop3A_1162 : i32
        %parallel_loop3A_1164 = arith.addi %add3A_332, %parallel_loop3A_1163 : i32
        %parallel_loop3A_1165 = tpu.assume_multiple %parallel_loop3A_1164, 16 : i32
        %parallel_loop3A_1166 = arith.index_cast %parallel_loop3A_1165 : i32 to index
        %parallel_loop3A_1167 = tpu.vector_load %arg4[%parallel_loop3A_1166] {strides = array<i32>} : memref<65536xf32, #tpu.memory_space<vmem>>, vector<16xf32>,
        %parallel_loop3A_1168 = vector.shape_cast %parallel_loop3A_1167 : vector<16xf32> to vector<16xf32>
        %parallel_loop3A_1169 = tpu.assume_multiple %parallel_loop3A_1163, 16 : i32
        %parallel_loop3A_1170 = arith.constant 0 : i32
        %parallel_loop3A_1171 = arith.constant 2 : i32
        %parallel_loop3A_1172 = arith.index_cast %parallel_loop3A_1170 : i32 to index
        %parallel_loop3A_1173 = arith.index_cast %parallel_loop3A_1171 : i32 to index
        %parallel_loop3A_1174 = arith.index_cast %parallel_loop3A_1169 : i32 to index
        %parallel_loop3A_1175 = tpu.vector_load %arg5[%parallel_loop3A_1172, %parallel_loop3A_1173, %parallel_loop3A_1174] {strides = array<i32>} : memref<2x8x3072xf32, #tpu.memory_space<vmem>>, vector<1x1x16xf32>,
        %parallel_loop3A_1176 = vector.shape_cast %parallel_loop3A_1175 : vector<1x1x16xf32> to vector<16xf32>
        %parallel_loop3A_1177 = vector.shape_cast %parallel_loop3A_1168 : vector<16xf32> to vector<1x1x16xf32>
        tpu.vector_store %arg5[%parallel_loop3A_1172, %parallel_loop3A_1173, %parallel_loop3A_1174], %parallel_loop3A_1177 {strides = array<i32>} : memref<2x8x3072xf32, #tpu.memory_space<vmem>>, vector<1x1x16xf32>,
        %parallel_loop3A_1178 = arith.constant 0 : i32
        %parallel_loop3A_1179 = arith.addi %parallel_loop3A_793, %parallel_loop3A_1178 : i32
        %parallel_loop3A_1180 = arith.addi %add3A_340, %parallel_loop3A_1179 : i32
        %parallel_loop3A_1181 = tpu.assume_multiple %parallel_loop3A_1180, 16 : i32
        %parallel_loop3A_1182 = arith.index_cast %parallel_loop3A_1181 : i32 to index
        %parallel_loop3A_1183 = tpu.vector_load %arg4[%parallel_loop3A_1182] {strides = array<i32>} : memref<65536xf32, #tpu.memory_space<vmem>>, vector<16xf32>,
        %parallel_loop3A_1184 = vector.shape_cast %parallel_loop3A_1183 : vector<16xf32> to vector<16xf32>
        %parallel_loop3A_1185 = tpu.assume_multiple %parallel_loop3A_1179, 16 : i32
        %parallel_loop3A_1186 = arith.constant 0 : i32
        %parallel_loop3A_1187 = arith.constant 3 : i32
        %parallel_loop3A_1188 = arith.index_cast %parallel_loop3A_1186 : i32 to index
        %parallel_loop3A_1189 = arith.index_cast %parallel_loop3A_1187 : i32 to index
        %parallel_loop3A_1190 = arith.index_cast %parallel_loop3A_1185 : i32 to index
        %parallel_loop3A_1191 = tpu.vector_load %arg5[%parallel_loop3A_1188, %parallel_loop3A_1189, %parallel_loop3A_1190] {strides = array<i32>} : memref<2x8x3072xf32, #tpu.memory_space<vmem>>, vector<1x1x16xf32>,
        %parallel_loop3A_1192 = vector.shape_cast %parallel_loop3A_1191 : vector<1x1x16xf32> to vector<16xf32>
        %parallel_loop3A_1193 = vector.shape_cast %parallel_loop3A_1184 : vector<16xf32> to vector<1x1x16xf32>
        tpu.vector_store %arg5[%parallel_loop3A_1188, %parallel_loop3A_1189, %parallel_loop3A_1190], %parallel_loop3A_1193 {strides = array<i32>} : memref<2x8x3072xf32, #tpu.memory_space<vmem>>, vector<1x1x16xf32>,
        %parallel_loop3A_1194 = arith.constant 16 : i32
        %parallel_loop3A_1195 = arith.addi %parallel_loop3A_793, %parallel_loop3A_1194 : i32
        %parallel_loop3A_1196 = arith.addi %add3A_340, %parallel_loop3A_1195 : i32
        %parallel_loop3A_1197 = tpu.assume_multiple %parallel_loop3A_1196, 16 : i32
        %parallel_loop3A_1198 = arith.index_cast %parallel_loop3A_1197 : i32 to index
        %parallel_loop3A_1199 = tpu.vector_load %arg4[%parallel_loop3A_1198] {strides = array<i32>} : memref<65536xf32, #tpu.memory_space<vmem>>, vector<16xf32>,
        %parallel_loop3A_1200 = vector.shape_cast %parallel_loop3A_1199 : vector<16xf32> to vector<16xf32>
        %parallel_loop3A_1201 = tpu.assume_multiple %parallel_loop3A_1195, 16 : i32
        %parallel_loop3A_1202 = arith.constant 0 : i32
        %parallel_loop3A_1203 = arith.constant 3 : i32
        %parallel_loop3A_1204 = arith.index_cast %parallel_loop3A_1202 : i32 to index
        %parallel_loop3A_1205 = arith.index_cast %parallel_loop3A_1203 : i32 to index
        %parallel_loop3A_1206 = arith.index_cast %parallel_loop3A_1201 : i32 to index
        %parallel_loop3A_1207 = tpu.vector_load %arg5[%parallel_loop3A_1204, %parallel_loop3A_1205, %parallel_loop3A_1206] {strides = array<i32>} : memref<2x8x3072xf32, #tpu.memory_space<vmem>>, vector<1x1x16xf32>,
        %parallel_loop3A_1208 = vector.shape_cast %parallel_loop3A_1207 : vector<1x1x16xf32> to vector<16xf32>
        %parallel_loop3A_1209 = vector.shape_cast %parallel_loop3A_1200 : vector<16xf32> to vector<1x1x16xf32>
        tpu.vector_store %arg5[%parallel_loop3A_1204, %parallel_loop3A_1205, %parallel_loop3A_1206], %parallel_loop3A_1209 {strides = array<i32>} : memref<2x8x3072xf32, #tpu.memory_space<vmem>>, vector<1x1x16xf32>,
        %parallel_loop3A_1210 = arith.constant 32 : i32
        %parallel_loop3A_1211 = arith.addi %parallel_loop3A_793, %parallel_loop3A_1210 : i32
        %parallel_loop3A_1212 = arith.addi %add3A_340, %parallel_loop3A_1211 : i32
        %parallel_loop3A_1213 = tpu.assume_multiple %parallel_loop3A_1212, 16 : i32
        %parallel_loop3A_1214 = arith.index_cast %parallel_loop3A_1213 : i32 to index
        %parallel_loop3A_1215 = tpu.vector_load %arg4[%parallel_loop3A_1214] {strides = array<i32>} : memref<65536xf32, #tpu.memory_space<vmem>>, vector<16xf32>,
        %parallel_loop3A_1216 = vector.shape_cast %parallel_loop3A_1215 : vector<16xf32> to vector<16xf32>
        %parallel_loop3A_1217 = tpu.assume_multiple %parallel_loop3A_1211, 16 : i32
        %parallel_loop3A_1218 = arith.constant 0 : i32
        %parallel_loop3A_1219 = arith.constant 3 : i32
        %parallel_loop3A_1220 = arith.index_cast %parallel_loop3A_1218 : i32 to index
        %parallel_loop3A_1221 = arith.index_cast %parallel_loop3A_1219 : i32 to index
        %parallel_loop3A_1222 = arith.index_cast %parallel_loop3A_1217 : i32 to index
        %parallel_loop3A_1223 = tpu.vector_load %arg5[%parallel_loop3A_1220, %parallel_loop3A_1221, %parallel_loop3A_1222] {strides = array<i32>} : memref<2x8x3072xf32, #tpu.memory_space<vmem>>, vector<1x1x16xf32>,
        %parallel_loop3A_1224 = vector.shape_cast %parallel_loop3A_1223 : vector<1x1x16xf32> to vector<16xf32>
        %parallel_loop3A_1225 = vector.shape_cast %parallel_loop3A_1216 : vector<16xf32> to vector<1x1x16xf32>
        tpu.vector_store %arg5[%parallel_loop3A_1220, %parallel_loop3A_1221, %parallel_loop3A_1222], %parallel_loop3A_1225 {strides = array<i32>} : memref<2x8x3072xf32, #tpu.memory_space<vmem>>, vector<1x1x16xf32>,
        %parallel_loop3A_1226 = arith.constant 48 : i32
        %parallel_loop3A_1227 = arith.addi %parallel_loop3A_793, %parallel_loop3A_1226 : i32
        %parallel_loop3A_1228 = arith.addi %add3A_340, %parallel_loop3A_1227 : i32
        %parallel_loop3A_1229 = tpu.assume_multiple %parallel_loop3A_1228, 16 : i32
        %parallel_loop3A_1230 = arith.index_cast %parallel_loop3A_1229 : i32 to index
        %parallel_loop3A_1231 = tpu.vector_load %arg4[%parallel_loop3A_1230] {strides = array<i32>} : memref<65536xf32, #tpu.memory_space<vmem>>, vector<16xf32>,
        %parallel_loop3A_1232 = vector.shape_cast %parallel_loop3A_1231 : vector<16xf32> to vector<16xf32>
        %parallel_loop3A_1233 = tpu.assume_multiple %parallel_loop3A_1227, 16 : i32
        %parallel_loop3A_1234 = arith.constant 0 : i32
        %parallel_loop3A_1235 = arith.constant 3 : i32
        %parallel_loop3A_1236 = arith.index_cast %parallel_loop3A_1234 : i32 to index
        %parallel_loop3A_1237 = arith.index_cast %parallel_loop3A_1235 : i32 to index
        %parallel_loop3A_1238 = arith.index_cast %parallel_loop3A_1233 : i32 to index
        %parallel_loop3A_1239 = tpu.vector_load %arg5[%parallel_loop3A_1236, %parallel_loop3A_1237, %parallel_loop3A_1238] {strides = array<i32>} : memref<2x8x3072xf32, #tpu.memory_space<vmem>>, vector<1x1x16xf32>,
        %parallel_loop3A_1240 = vector.shape_cast %parallel_loop3A_1239 : vector<1x1x16xf32> to vector<16xf32>
        %parallel_loop3A_1241 = vector.shape_cast %parallel_loop3A_1232 : vector<16xf32> to vector<1x1x16xf32>
        tpu.vector_store %arg5[%parallel_loop3A_1236, %parallel_loop3A_1237, %parallel_loop3A_1238], %parallel_loop3A_1241 {strides = array<i32>} : memref<2x8x3072xf32, #tpu.memory_space<vmem>>, vector<1x1x16xf32>,
        %parallel_loop3A_1242 = arith.constant 64 : i32
        %parallel_loop3A_1243 = arith.addi %parallel_loop3A_793, %parallel_loop3A_1242 : i32
        %parallel_loop3A_1244 = arith.addi %add3A_340, %parallel_loop3A_1243 : i32
        %parallel_loop3A_1245 = tpu.assume_multiple %parallel_loop3A_1244, 16 : i32
        %parallel_loop3A_1246 = arith.index_cast %parallel_loop3A_1245 : i32 to index
        %parallel_loop3A_1247 = tpu.vector_load %arg4[%parallel_loop3A_1246] {strides = array<i32>} : memref<65536xf32, #tpu.memory_space<vmem>>, vector<16xf32>,
        %parallel_loop3A_1248 = vector.shape_cast %parallel_loop3A_1247 : vector<16xf32> to vector<16xf32>
        %parallel_loop3A_1249 = tpu.assume_multiple %parallel_loop3A_1243, 16 : i32
        %parallel_loop3A_1250 = arith.constant 0 : i32
        %parallel_loop3A_1251 = arith.constant 3 : i32
        %parallel_loop3A_1252 = arith.index_cast %parallel_loop3A_1250 : i32 to index
        %parallel_loop3A_1253 = arith.index_cast %parallel_loop3A_1251 : i32 to index
        %parallel_loop3A_1254 = arith.index_cast %parallel_loop3A_1249 : i32 to index
        %parallel_loop3A_1255 = tpu.vector_load %arg5[%parallel_loop3A_1252, %parallel_loop3A_1253, %parallel_loop3A_1254] {strides = array<i32>} : memref<2x8x3072xf32, #tpu.memory_space<vmem>>, vector<1x1x16xf32>,
        %parallel_loop3A_1256 = vector.shape_cast %parallel_loop3A_1255 : vector<1x1x16xf32> to vector<16xf32>
        %parallel_loop3A_1257 = vector.shape_cast %parallel_loop3A_1248 : vector<16xf32> to vector<1x1x16xf32>
        tpu.vector_store %arg5[%parallel_loop3A_1252, %parallel_loop3A_1253, %parallel_loop3A_1254], %parallel_loop3A_1257 {strides = array<i32>} : memref<2x8x3072xf32, #tpu.memory_space<vmem>>, vector<1x1x16xf32>,
        %parallel_loop3A_1258 = arith.constant 80 : i32
        %parallel_loop3A_1259 = arith.addi %parallel_loop3A_793, %parallel_loop3A_1258 : i32
        %parallel_loop3A_1260 = arith.addi %add3A_340, %parallel_loop3A_1259 : i32
        %parallel_loop3A_1261 = tpu.assume_multiple %parallel_loop3A_1260, 16 : i32
        %parallel_loop3A_1262 = arith.index_cast %parallel_loop3A_1261 : i32 to index
        %parallel_loop3A_1263 = tpu.vector_load %arg4[%parallel_loop3A_1262] {strides = array<i32>} : memref<65536xf32, #tpu.memory_space<vmem>>, vector<16xf32>,
        %parallel_loop3A_1264 = vector.shape_cast %parallel_loop3A_1263 : vector<16xf32> to vector<16xf32>
        %parallel_loop3A_1265 = tpu.assume_multiple %parallel_loop3A_1259, 16 : i32
        %parallel_loop3A_1266 = arith.constant 0 : i32
        %parallel_loop3A_1267 = arith.constant 3 : i32
        %parallel_loop3A_1268 = arith.index_cast %parallel_loop3A_1266 : i32 to index
        %parallel_loop3A_1269 = arith.index_cast %parallel_loop3A_1267 : i32 to index
        %parallel_loop3A_1270 = arith.index_cast %parallel_loop3A_1265 : i32 to index
        %parallel_loop3A_1271 = tpu.vector_load %arg5[%parallel_loop3A_1268, %parallel_loop3A_1269, %parallel_loop3A_1270] {strides = array<i32>} : memref<2x8x3072xf32, #tpu.memory_space<vmem>>, vector<1x1x16xf32>,
        %parallel_loop3A_1272 = vector.shape_cast %parallel_loop3A_1271 : vector<1x1x16xf32> to vector<16xf32>
        %parallel_loop3A_1273 = vector.shape_cast %parallel_loop3A_1264 : vector<16xf32> to vector<1x1x16xf32>
        tpu.vector_store %arg5[%parallel_loop3A_1268, %parallel_loop3A_1269, %parallel_loop3A_1270], %parallel_loop3A_1273 {strides = array<i32>} : memref<2x8x3072xf32, #tpu.memory_space<vmem>>, vector<1x1x16xf32>,
        %parallel_loop3A_1274 = arith.constant 96 : i32
        %parallel_loop3A_1275 = arith.addi %parallel_loop3A_793, %parallel_loop3A_1274 : i32
        %parallel_loop3A_1276 = arith.addi %add3A_340, %parallel_loop3A_1275 : i32
        %parallel_loop3A_1277 = tpu.assume_multiple %parallel_loop3A_1276, 16 : i32
        %parallel_loop3A_1278 = arith.index_cast %parallel_loop3A_1277 : i32 to index
        %parallel_loop3A_1279 = tpu.vector_load %arg4[%parallel_loop3A_1278] {strides = array<i32>} : memref<65536xf32, #tpu.memory_space<vmem>>, vector<16xf32>,
        %parallel_loop3A_1280 = vector.shape_cast %parallel_loop3A_1279 : vector<16xf32> to vector<16xf32>
        %parallel_loop3A_1281 = tpu.assume_multiple %parallel_loop3A_1275, 16 : i32
        %parallel_loop3A_1282 = arith.constant 0 : i32
        %parallel_loop3A_1283 = arith.constant 3 : i32
        %parallel_loop3A_1284 = arith.index_cast %parallel_loop3A_1282 : i32 to index
        %parallel_loop3A_1285 = arith.index_cast %parallel_loop3A_1283 : i32 to index
        %parallel_loop3A_1286 = arith.index_cast %parallel_loop3A_1281 : i32 to index
        %parallel_loop3A_1287 = tpu.vector_load %arg5[%parallel_loop3A_1284, %parallel_loop3A_1285, %parallel_loop3A_1286] {strides = array<i32>} : memref<2x8x3072xf32, #tpu.memory_space<vmem>>, vector<1x1x16xf32>,
        %parallel_loop3A_1288 = vector.shape_cast %parallel_loop3A_1287 : vector<1x1x16xf32> to vector<16xf32>
        %parallel_loop3A_1289 = vector.shape_cast %parallel_loop3A_1280 : vector<16xf32> to vector<1x1x16xf32>
        tpu.vector_store %arg5[%parallel_loop3A_1284, %parallel_loop3A_1285, %parallel_loop3A_1286], %parallel_loop3A_1289 {strides = array<i32>} : memref<2x8x3072xf32, #tpu.memory_space<vmem>>, vector<1x1x16xf32>,
        %parallel_loop3A_1290 = arith.constant 112 : i32
        %parallel_loop3A_1291 = arith.addi %parallel_loop3A_793, %parallel_loop3A_1290 : i32
        %parallel_loop3A_1292 = arith.addi %add3A_340, %parallel_loop3A_1291 : i32
        %parallel_loop3A_1293 = tpu.assume_multiple %parallel_loop3A_1292, 16 : i32
        %parallel_loop3A_1294 = arith.index_cast %parallel_loop3A_1293 : i32 to index
        %parallel_loop3A_1295 = tpu.vector_load %arg4[%parallel_loop3A_1294] {strides = array<i32>} : memref<65536xf32, #tpu.memory_space<vmem>>, vector<16xf32>,
        %parallel_loop3A_1296 = vector.shape_cast %parallel_loop3A_1295 : vector<16xf32> to vector<16xf32>
        %parallel_loop3A_1297 = tpu.assume_multiple %parallel_loop3A_1291, 16 : i32
        %parallel_loop3A_1298 = arith.constant 0 : i32
        %parallel_loop3A_1299 = arith.constant 3 : i32
        %parallel_loop3A_1300 = arith.index_cast %parallel_loop3A_1298 : i32 to index
        %parallel_loop3A_1301 = arith.index_cast %parallel_loop3A_1299 : i32 to index
        %parallel_loop3A_1302 = arith.index_cast %parallel_loop3A_1297 : i32 to index
        %parallel_loop3A_1303 = tpu.vector_load %arg5[%parallel_loop3A_1300, %parallel_loop3A_1301, %parallel_loop3A_1302] {strides = array<i32>} : memref<2x8x3072xf32, #tpu.memory_space<vmem>>, vector<1x1x16xf32>,
        %parallel_loop3A_1304 = vector.shape_cast %parallel_loop3A_1303 : vector<1x1x16xf32> to vector<16xf32>
        %parallel_loop3A_1305 = vector.shape_cast %parallel_loop3A_1296 : vector<16xf32> to vector<1x1x16xf32>
        tpu.vector_store %arg5[%parallel_loop3A_1300, %parallel_loop3A_1301, %parallel_loop3A_1302], %parallel_loop3A_1305 {strides = array<i32>} : memref<2x8x3072xf32, #tpu.memory_space<vmem>>, vector<1x1x16xf32>,
        %parallel_loop3A_1306 = arith.constant 0 : i32
        %parallel_loop3A_1307 = arith.addi %parallel_loop3A_793, %parallel_loop3A_1306 : i32
        %parallel_loop3A_1308 = arith.addi %add3A_348, %parallel_loop3A_1307 : i32
        %parallel_loop3A_1309 = tpu.assume_multiple %parallel_loop3A_1308, 16 : i32
        %parallel_loop3A_1310 = arith.index_cast %parallel_loop3A_1309 : i32 to index
        %parallel_loop3A_1311 = tpu.vector_load %arg4[%parallel_loop3A_1310] {strides = array<i32>} : memref<65536xf32, #tpu.memory_space<vmem>>, vector<16xf32>,
        %parallel_loop3A_1312 = vector.shape_cast %parallel_loop3A_1311 : vector<16xf32> to vector<16xf32>
        %parallel_loop3A_1313 = tpu.assume_multiple %parallel_loop3A_1307, 16 : i32
        %parallel_loop3A_1314 = arith.constant 0 : i32
        %parallel_loop3A_1315 = arith.constant 4 : i32
        %parallel_loop3A_1316 = arith.index_cast %parallel_loop3A_1314 : i32 to index
        %parallel_loop3A_1317 = arith.index_cast %parallel_loop3A_1315 : i32 to index
        %parallel_loop3A_1318 = arith.index_cast %parallel_loop3A_1313 : i32 to index
        %parallel_loop3A_1319 = tpu.vector_load %arg5[%parallel_loop3A_1316, %parallel_loop3A_1317, %parallel_loop3A_1318] {strides = array<i32>} : memref<2x8x3072xf32, #tpu.memory_space<vmem>>, vector<1x1x16xf32>,
        %parallel_loop3A_1320 = vector.shape_cast %parallel_loop3A_1319 : vector<1x1x16xf32> to vector<16xf32>
        %parallel_loop3A_1321 = vector.shape_cast %parallel_loop3A_1312 : vector<16xf32> to vector<1x1x16xf32>
        tpu.vector_store %arg5[%parallel_loop3A_1316, %parallel_loop3A_1317, %parallel_loop3A_1318], %parallel_loop3A_1321 {strides = array<i32>} : memref<2x8x3072xf32, #tpu.memory_space<vmem>>, vector<1x1x16xf32>,
        %parallel_loop3A_1322 = arith.constant 16 : i32
        %parallel_loop3A_1323 = arith.addi %parallel_loop3A_793, %parallel_loop3A_1322 : i32
        %parallel_loop3A_1324 = arith.addi %add3A_348, %parallel_loop3A_1323 : i32
        %parallel_loop3A_1325 = tpu.assume_multiple %parallel_loop3A_1324, 16 : i32
        %parallel_loop3A_1326 = arith.index_cast %parallel_loop3A_1325 : i32 to index
        %parallel_loop3A_1327 = tpu.vector_load %arg4[%parallel_loop3A_1326] {strides = array<i32>} : memref<65536xf32, #tpu.memory_space<vmem>>, vector<16xf32>,
        %parallel_loop3A_1328 = vector.shape_cast %parallel_loop3A_1327 : vector<16xf32> to vector<16xf32>
        %parallel_loop3A_1329 = tpu.assume_multiple %parallel_loop3A_1323, 16 : i32
        %parallel_loop3A_1330 = arith.constant 0 : i32
        %parallel_loop3A_1331 = arith.constant 4 : i32
        %parallel_loop3A_1332 = arith.index_cast %parallel_loop3A_1330 : i32 to index
        %parallel_loop3A_1333 = arith.index_cast %parallel_loop3A_1331 : i32 to index
        %parallel_loop3A_1334 = arith.index_cast %parallel_loop3A_1329 : i32 to index
        %parallel_loop3A_1335 = tpu.vector_load %arg5[%parallel_loop3A_1332, %parallel_loop3A_1333, %parallel_loop3A_1334] {strides = array<i32>} : memref<2x8x3072xf32, #tpu.memory_space<vmem>>, vector<1x1x16xf32>,
        %parallel_loop3A_1336 = vector.shape_cast %parallel_loop3A_1335 : vector<1x1x16xf32> to vector<16xf32>
        %parallel_loop3A_1337 = vector.shape_cast %parallel_loop3A_1328 : vector<16xf32> to vector<1x1x16xf32>
        tpu.vector_store %arg5[%parallel_loop3A_1332, %parallel_loop3A_1333, %parallel_loop3A_1334], %parallel_loop3A_1337 {strides = array<i32>} : memref<2x8x3072xf32, #tpu.memory_space<vmem>>, vector<1x1x16xf32>,
        %parallel_loop3A_1338 = arith.constant 32 : i32
        %parallel_loop3A_1339 = arith.addi %parallel_loop3A_793, %parallel_loop3A_1338 : i32
        %parallel_loop3A_1340 = arith.addi %add3A_348, %parallel_loop3A_1339 : i32
        %parallel_loop3A_1341 = tpu.assume_multiple %parallel_loop3A_1340, 16 : i32
        %parallel_loop3A_1342 = arith.index_cast %parallel_loop3A_1341 : i32 to index
        %parallel_loop3A_1343 = tpu.vector_load %arg4[%parallel_loop3A_1342] {strides = array<i32>} : memref<65536xf32, #tpu.memory_space<vmem>>, vector<16xf32>,
        %parallel_loop3A_1344 = vector.shape_cast %parallel_loop3A_1343 : vector<16xf32> to vector<16xf32>
        %parallel_loop3A_1345 = tpu.assume_multiple %parallel_loop3A_1339, 16 : i32
        %parallel_loop3A_1346 = arith.constant 0 : i32
        %parallel_loop3A_1347 = arith.constant 4 : i32
        %parallel_loop3A_1348 = arith.index_cast %parallel_loop3A_1346 : i32 to index
        %parallel_loop3A_1349 = arith.index_cast %parallel_loop3A_1347 : i32 to index
        %parallel_loop3A_1350 = arith.index_cast %parallel_loop3A_1345 : i32 to index
        %parallel_loop3A_1351 = tpu.vector_load %arg5[%parallel_loop3A_1348, %parallel_loop3A_1349, %parallel_loop3A_1350] {strides = array<i32>} : memref<2x8x3072xf32, #tpu.memory_space<vmem>>, vector<1x1x16xf32>,
        %parallel_loop3A_1352 = vector.shape_cast %parallel_loop3A_1351 : vector<1x1x16xf32> to vector<16xf32>
        %parallel_loop3A_1353 = vector.shape_cast %parallel_loop3A_1344 : vector<16xf32> to vector<1x1x16xf32>
        tpu.vector_store %arg5[%parallel_loop3A_1348, %parallel_loop3A_1349, %parallel_loop3A_1350], %parallel_loop3A_1353 {strides = array<i32>} : memref<2x8x3072xf32, #tpu.memory_space<vmem>>, vector<1x1x16xf32>,
        %parallel_loop3A_1354 = arith.constant 48 : i32
        %parallel_loop3A_1355 = arith.addi %parallel_loop3A_793, %parallel_loop3A_1354 : i32
        %parallel_loop3A_1356 = arith.addi %add3A_348, %parallel_loop3A_1355 : i32
        %parallel_loop3A_1357 = tpu.assume_multiple %parallel_loop3A_1356, 16 : i32
        %parallel_loop3A_1358 = arith.index_cast %parallel_loop3A_1357 : i32 to index
        %parallel_loop3A_1359 = tpu.vector_load %arg4[%parallel_loop3A_1358] {strides = array<i32>} : memref<65536xf32, #tpu.memory_space<vmem>>, vector<16xf32>,
        %parallel_loop3A_1360 = vector.shape_cast %parallel_loop3A_1359 : vector<16xf32> to vector<16xf32>
        %parallel_loop3A_1361 = tpu.assume_multiple %parallel_loop3A_1355, 16 : i32
        %parallel_loop3A_1362 = arith.constant 0 : i32
        %parallel_loop3A_1363 = arith.constant 4 : i32
        %parallel_loop3A_1364 = arith.index_cast %parallel_loop3A_1362 : i32 to index
        %parallel_loop3A_1365 = arith.index_cast %parallel_loop3A_1363 : i32 to index
        %parallel_loop3A_1366 = arith.index_cast %parallel_loop3A_1361 : i32 to index
        %parallel_loop3A_1367 = tpu.vector_load %arg5[%parallel_loop3A_1364, %parallel_loop3A_1365, %parallel_loop3A_1366] {strides = array<i32>} : memref<2x8x3072xf32, #tpu.memory_space<vmem>>, vector<1x1x16xf32>,
        %parallel_loop3A_1368 = vector.shape_cast %parallel_loop3A_1367 : vector<1x1x16xf32> to vector<16xf32>
        %parallel_loop3A_1369 = vector.shape_cast %parallel_loop3A_1360 : vector<16xf32> to vector<1x1x16xf32>
        tpu.vector_store %arg5[%parallel_loop3A_1364, %parallel_loop3A_1365, %parallel_loop3A_1366], %parallel_loop3A_1369 {strides = array<i32>} : memref<2x8x3072xf32, #tpu.memory_space<vmem>>, vector<1x1x16xf32>,
        %parallel_loop3A_1370 = arith.constant 64 : i32
        %parallel_loop3A_1371 = arith.addi %parallel_loop3A_793, %parallel_loop3A_1370 : i32
        %parallel_loop3A_1372 = arith.addi %add3A_348, %parallel_loop3A_1371 : i32
        %parallel_loop3A_1373 = tpu.assume_multiple %parallel_loop3A_1372, 16 : i32
        %parallel_loop3A_1374 = arith.index_cast %parallel_loop3A_1373 : i32 to index
        %parallel_loop3A_1375 = tpu.vector_load %arg4[%parallel_loop3A_1374] {strides = array<i32>} : memref<65536xf32, #tpu.memory_space<vmem>>, vector<16xf32>,
        %parallel_loop3A_1376 = vector.shape_cast %parallel_loop3A_1375 : vector<16xf32> to vector<16xf32>
        %parallel_loop3A_1377 = tpu.assume_multiple %parallel_loop3A_1371, 16 : i32
        %parallel_loop3A_1378 = arith.constant 0 : i32
        %parallel_loop3A_1379 = arith.constant 4 : i32
        %parallel_loop3A_1380 = arith.index_cast %parallel_loop3A_1378 : i32 to index
        %parallel_loop3A_1381 = arith.index_cast %parallel_loop3A_1379 : i32 to index
        %parallel_loop3A_1382 = arith.index_cast %parallel_loop3A_1377 : i32 to index
        %parallel_loop3A_1383 = tpu.vector_load %arg5[%parallel_loop3A_1380, %parallel_loop3A_1381, %parallel_loop3A_1382] {strides = array<i32>} : memref<2x8x3072xf32, #tpu.memory_space<vmem>>, vector<1x1x16xf32>,
        %parallel_loop3A_1384 = vector.shape_cast %parallel_loop3A_1383 : vector<1x1x16xf32> to vector<16xf32>
        %parallel_loop3A_1385 = vector.shape_cast %parallel_loop3A_1376 : vector<16xf32> to vector<1x1x16xf32>
        tpu.vector_store %arg5[%parallel_loop3A_1380, %parallel_loop3A_1381, %parallel_loop3A_1382], %parallel_loop3A_1385 {strides = array<i32>} : memref<2x8x3072xf32, #tpu.memory_space<vmem>>, vector<1x1x16xf32>,
        %parallel_loop3A_1386 = arith.constant 80 : i32
        %parallel_loop3A_1387 = arith.addi %parallel_loop3A_793, %parallel_loop3A_1386 : i32
        %parallel_loop3A_1388 = arith.addi %add3A_348, %parallel_loop3A_1387 : i32
        %parallel_loop3A_1389 = tpu.assume_multiple %parallel_loop3A_1388, 16 : i32
        %parallel_loop3A_1390 = arith.index_cast %parallel_loop3A_1389 : i32 to index
        %parallel_loop3A_1391 = tpu.vector_load %arg4[%parallel_loop3A_1390] {strides = array<i32>} : memref<65536xf32, #tpu.memory_space<vmem>>, vector<16xf32>,
        %parallel_loop3A_1392 = vector.shape_cast %parallel_loop3A_1391 : vector<16xf32> to vector<16xf32>
        %parallel_loop3A_1393 = tpu.assume_multiple %parallel_loop3A_1387, 16 : i32
        %parallel_loop3A_1394 = arith.constant 0 : i32
        %parallel_loop3A_1395 = arith.constant 4 : i32
        %parallel_loop3A_1396 = arith.index_cast %parallel_loop3A_1394 : i32 to index
        %parallel_loop3A_1397 = arith.index_cast %parallel_loop3A_1395 : i32 to index
        %parallel_loop3A_1398 = arith.index_cast %parallel_loop3A_1393 : i32 to index
        %parallel_loop3A_1399 = tpu.vector_load %arg5[%parallel_loop3A_1396, %parallel_loop3A_1397, %parallel_loop3A_1398] {strides = array<i32>} : memref<2x8x3072xf32, #tpu.memory_space<vmem>>, vector<1x1x16xf32>,
        %parallel_loop3A_1400 = vector.shape_cast %parallel_loop3A_1399 : vector<1x1x16xf32> to vector<16xf32>
        %parallel_loop3A_1401 = vector.shape_cast %parallel_loop3A_1392 : vector<16xf32> to vector<1x1x16xf32>
        tpu.vector_store %arg5[%parallel_loop3A_1396, %parallel_loop3A_1397, %parallel_loop3A_1398], %parallel_loop3A_1401 {strides = array<i32>} : memref<2x8x3072xf32, #tpu.memory_space<vmem>>, vector<1x1x16xf32>,
        %parallel_loop3A_1402 = arith.constant 96 : i32
        %parallel_loop3A_1403 = arith.addi %parallel_loop3A_793, %parallel_loop3A_1402 : i32
        %parallel_loop3A_1404 = arith.addi %add3A_348, %parallel_loop3A_1403 : i32
        %parallel_loop3A_1405 = tpu.assume_multiple %parallel_loop3A_1404, 16 : i32
        %parallel_loop3A_1406 = arith.index_cast %parallel_loop3A_1405 : i32 to index
        %parallel_loop3A_1407 = tpu.vector_load %arg4[%parallel_loop3A_1406] {strides = array<i32>} : memref<65536xf32, #tpu.memory_space<vmem>>, vector<16xf32>,
        %parallel_loop3A_1408 = vector.shape_cast %parallel_loop3A_1407 : vector<16xf32> to vector<16xf32>
        %parallel_loop3A_1409 = tpu.assume_multiple %parallel_loop3A_1403, 16 : i32
        %parallel_loop3A_1410 = arith.constant 0 : i32
        %parallel_loop3A_1411 = arith.constant 4 : i32
        %parallel_loop3A_1412 = arith.index_cast %parallel_loop3A_1410 : i32 to index
        %parallel_loop3A_1413 = arith.index_cast %parallel_loop3A_1411 : i32 to index
        %parallel_loop3A_1414 = arith.index_cast %parallel_loop3A_1409 : i32 to index
        %parallel_loop3A_1415 = tpu.vector_load %arg5[%parallel_loop3A_1412, %parallel_loop3A_1413, %parallel_loop3A_1414] {strides = array<i32>} : memref<2x8x3072xf32, #tpu.memory_space<vmem>>, vector<1x1x16xf32>,
        %parallel_loop3A_1416 = vector.shape_cast %parallel_loop3A_1415 : vector<1x1x16xf32> to vector<16xf32>
        %parallel_loop3A_1417 = vector.shape_cast %parallel_loop3A_1408 : vector<16xf32> to vector<1x1x16xf32>
        tpu.vector_store %arg5[%parallel_loop3A_1412, %parallel_loop3A_1413, %parallel_loop3A_1414], %parallel_loop3A_1417 {strides = array<i32>} : memref<2x8x3072xf32, #tpu.memory_space<vmem>>, vector<1x1x16xf32>,
        %parallel_loop3A_1418 = arith.constant 112 : i32
        %parallel_loop3A_1419 = arith.addi %parallel_loop3A_793, %parallel_loop3A_1418 : i32
        %parallel_loop3A_1420 = arith.addi %add3A_348, %parallel_loop3A_1419 : i32
        %parallel_loop3A_1421 = tpu.assume_multiple %parallel_loop3A_1420, 16 : i32
        %parallel_loop3A_1422 = arith.index_cast %parallel_loop3A_1421 : i32 to index
        %parallel_loop3A_1423 = tpu.vector_load %arg4[%parallel_loop3A_1422] {strides = array<i32>} : memref<65536xf32, #tpu.memory_space<vmem>>, vector<16xf32>,
        %parallel_loop3A_1424 = vector.shape_cast %parallel_loop3A_1423 : vector<16xf32> to vector<16xf32>
        %parallel_loop3A_1425 = tpu.assume_multiple %parallel_loop3A_1419, 16 : i32
        %parallel_loop3A_1426 = arith.constant 0 : i32
        %parallel_loop3A_1427 = arith.constant 4 : i32
        %parallel_loop3A_1428 = arith.index_cast %parallel_loop3A_1426 : i32 to index
        %parallel_loop3A_1429 = arith.index_cast %parallel_loop3A_1427 : i32 to index
        %parallel_loop3A_1430 = arith.index_cast %parallel_loop3A_1425 : i32 to index
        %parallel_loop3A_1431 = tpu.vector_load %arg5[%parallel_loop3A_1428, %parallel_loop3A_1429, %parallel_loop3A_1430] {strides = array<i32>} : memref<2x8x3072xf32, #tpu.memory_space<vmem>>, vector<1x1x16xf32>,
        %parallel_loop3A_1432 = vector.shape_cast %parallel_loop3A_1431 : vector<1x1x16xf32> to vector<16xf32>
        %parallel_loop3A_1433 = vector.shape_cast %parallel_loop3A_1424 : vector<16xf32> to vector<1x1x16xf32>
        tpu.vector_store %arg5[%parallel_loop3A_1428, %parallel_loop3A_1429, %parallel_loop3A_1430], %parallel_loop3A_1433 {strides = array<i32>} : memref<2x8x3072xf32, #tpu.memory_space<vmem>>, vector<1x1x16xf32>,
        %parallel_loop3A_1434 = arith.constant 0 : i32
        %parallel_loop3A_1435 = arith.addi %parallel_loop3A_793, %parallel_loop3A_1434 : i32
        %parallel_loop3A_1436 = arith.addi %add3A_356, %parallel_loop3A_1435 : i32
        %parallel_loop3A_1437 = tpu.assume_multiple %parallel_loop3A_1436, 16 : i32
        %parallel_loop3A_1438 = arith.index_cast %parallel_loop3A_1437 : i32 to index
        %parallel_loop3A_1439 = tpu.vector_load %arg4[%parallel_loop3A_1438] {strides = array<i32>} : memref<65536xf32, #tpu.memory_space<vmem>>, vector<16xf32>,
        %parallel_loop3A_1440 = vector.shape_cast %parallel_loop3A_1439 : vector<16xf32> to vector<16xf32>
        %parallel_loop3A_1441 = tpu.assume_multiple %parallel_loop3A_1435, 16 : i32
        %parallel_loop3A_1442 = arith.constant 0 : i32
        %parallel_loop3A_1443 = arith.constant 5 : i32
        %parallel_loop3A_1444 = arith.index_cast %parallel_loop3A_1442 : i32 to index
        %parallel_loop3A_1445 = arith.index_cast %parallel_loop3A_1443 : i32 to index
        %parallel_loop3A_1446 = arith.index_cast %parallel_loop3A_1441 : i32 to index
        %parallel_loop3A_1447 = tpu.vector_load %arg5[%parallel_loop3A_1444, %parallel_loop3A_1445, %parallel_loop3A_1446] {strides = array<i32>} : memref<2x8x3072xf32, #tpu.memory_space<vmem>>, vector<1x1x16xf32>,
        %parallel_loop3A_1448 = vector.shape_cast %parallel_loop3A_1447 : vector<1x1x16xf32> to vector<16xf32>
        %parallel_loop3A_1449 = vector.shape_cast %parallel_loop3A_1440 : vector<16xf32> to vector<1x1x16xf32>
        tpu.vector_store %arg5[%parallel_loop3A_1444, %parallel_loop3A_1445, %parallel_loop3A_1446], %parallel_loop3A_1449 {strides = array<i32>} : memref<2x8x3072xf32, #tpu.memory_space<vmem>>, vector<1x1x16xf32>,
        %parallel_loop3A_1450 = arith.constant 16 : i32
        %parallel_loop3A_1451 = arith.addi %parallel_loop3A_793, %parallel_loop3A_1450 : i32
        %parallel_loop3A_1452 = arith.addi %add3A_356, %parallel_loop3A_1451 : i32
        %parallel_loop3A_1453 = tpu.assume_multiple %parallel_loop3A_1452, 16 : i32
        %parallel_loop3A_1454 = arith.index_cast %parallel_loop3A_1453 : i32 to index
        %parallel_loop3A_1455 = tpu.vector_load %arg4[%parallel_loop3A_1454] {strides = array<i32>} : memref<65536xf32, #tpu.memory_space<vmem>>, vector<16xf32>,
        %parallel_loop3A_1456 = vector.shape_cast %parallel_loop3A_1455 : vector<16xf32> to vector<16xf32>
        %parallel_loop3A_1457 = tpu.assume_multiple %parallel_loop3A_1451, 16 : i32
        %parallel_loop3A_1458 = arith.constant 0 : i32
        %parallel_loop3A_1459 = arith.constant 5 : i32
        %parallel_loop3A_1460 = arith.index_cast %parallel_loop3A_1458 : i32 to index
        %parallel_loop3A_1461 = arith.index_cast %parallel_loop3A_1459 : i32 to index
        %parallel_loop3A_1462 = arith.index_cast %parallel_loop3A_1457 : i32 to index
        %parallel_loop3A_1463 = tpu.vector_load %arg5[%parallel_loop3A_1460, %parallel_loop3A_1461, %parallel_loop3A_1462] {strides = array<i32>} : memref<2x8x3072xf32, #tpu.memory_space<vmem>>, vector<1x1x16xf32>,
        %parallel_loop3A_1464 = vector.shape_cast %parallel_loop3A_1463 : vector<1x1x16xf32> to vector<16xf32>
        %parallel_loop3A_1465 = vector.shape_cast %parallel_loop3A_1456 : vector<16xf32> to vector<1x1x16xf32>
        tpu.vector_store %arg5[%parallel_loop3A_1460, %parallel_loop3A_1461, %parallel_loop3A_1462], %parallel_loop3A_1465 {strides = array<i32>} : memref<2x8x3072xf32, #tpu.memory_space<vmem>>, vector<1x1x16xf32>,
        %parallel_loop3A_1466 = arith.constant 32 : i32
        %parallel_loop3A_1467 = arith.addi %parallel_loop3A_793, %parallel_loop3A_1466 : i32
        %parallel_loop3A_1468 = arith.addi %add3A_356, %parallel_loop3A_1467 : i32
        %parallel_loop3A_1469 = tpu.assume_multiple %parallel_loop3A_1468, 16 : i32
        %parallel_loop3A_1470 = arith.index_cast %parallel_loop3A_1469 : i32 to index
        %parallel_loop3A_1471 = tpu.vector_load %arg4[%parallel_loop3A_1470] {strides = array<i32>} : memref<65536xf32, #tpu.memory_space<vmem>>, vector<16xf32>,
        %parallel_loop3A_1472 = vector.shape_cast %parallel_loop3A_1471 : vector<16xf32> to vector<16xf32>
        %parallel_loop3A_1473 = tpu.assume_multiple %parallel_loop3A_1467, 16 : i32
        %parallel_loop3A_1474 = arith.constant 0 : i32
        %parallel_loop3A_1475 = arith.constant 5 : i32
        %parallel_loop3A_1476 = arith.index_cast %parallel_loop3A_1474 : i32 to index
        %parallel_loop3A_1477 = arith.index_cast %parallel_loop3A_1475 : i32 to index
        %parallel_loop3A_1478 = arith.index_cast %parallel_loop3A_1473 : i32 to index
        %parallel_loop3A_1479 = tpu.vector_load %arg5[%parallel_loop3A_1476, %parallel_loop3A_1477, %parallel_loop3A_1478] {strides = array<i32>} : memref<2x8x3072xf32, #tpu.memory_space<vmem>>, vector<1x1x16xf32>,
        %parallel_loop3A_1480 = vector.shape_cast %parallel_loop3A_1479 : vector<1x1x16xf32> to vector<16xf32>
        %parallel_loop3A_1481 = vector.shape_cast %parallel_loop3A_1472 : vector<16xf32> to vector<1x1x16xf32>
        tpu.vector_store %arg5[%parallel_loop3A_1476, %parallel_loop3A_1477, %parallel_loop3A_1478], %parallel_loop3A_1481 {strides = array<i32>} : memref<2x8x3072xf32, #tpu.memory_space<vmem>>, vector<1x1x16xf32>,
        %parallel_loop3A_1482 = arith.constant 48 : i32
        %parallel_loop3A_1483 = arith.addi %parallel_loop3A_793, %parallel_loop3A_1482 : i32
        %parallel_loop3A_1484 = arith.addi %add3A_356, %parallel_loop3A_1483 : i32
        %parallel_loop3A_1485 = tpu.assume_multiple %parallel_loop3A_1484, 16 : i32
        %parallel_loop3A_1486 = arith.index_cast %parallel_loop3A_1485 : i32 to index
        %parallel_loop3A_1487 = tpu.vector_load %arg4[%parallel_loop3A_1486] {strides = array<i32>} : memref<65536xf32, #tpu.memory_space<vmem>>, vector<16xf32>,
        %parallel_loop3A_1488 = vector.shape_cast %parallel_loop3A_1487 : vector<16xf32> to vector<16xf32>
        %parallel_loop3A_1489 = tpu.assume_multiple %parallel_loop3A_1483, 16 : i32
        %parallel_loop3A_1490 = arith.constant 0 : i32
        %parallel_loop3A_1491 = arith.constant 5 : i32
        %parallel_loop3A_1492 = arith.index_cast %parallel_loop3A_1490 : i32 to index
        %parallel_loop3A_1493 = arith.index_cast %parallel_loop3A_1491 : i32 to index
        %parallel_loop3A_1494 = arith.index_cast %parallel_loop3A_1489 : i32 to index
        %parallel_loop3A_1495 = tpu.vector_load %arg5[%parallel_loop3A_1492, %parallel_loop3A_1493, %parallel_loop3A_1494] {strides = array<i32>} : memref<2x8x3072xf32, #tpu.memory_space<vmem>>, vector<1x1x16xf32>,
        %parallel_loop3A_1496 = vector.shape_cast %parallel_loop3A_1495 : vector<1x1x16xf32> to vector<16xf32>
        %parallel_loop3A_1497 = vector.shape_cast %parallel_loop3A_1488 : vector<16xf32> to vector<1x1x16xf32>
        tpu.vector_store %arg5[%parallel_loop3A_1492, %parallel_loop3A_1493, %parallel_loop3A_1494], %parallel_loop3A_1497 {strides = array<i32>} : memref<2x8x3072xf32, #tpu.memory_space<vmem>>, vector<1x1x16xf32>,
        %parallel_loop3A_1498 = arith.constant 64 : i32
        %parallel_loop3A_1499 = arith.addi %parallel_loop3A_793, %parallel_loop3A_1498 : i32
        %parallel_loop3A_1500 = arith.addi %add3A_356, %parallel_loop3A_1499 : i32
        %parallel_loop3A_1501 = tpu.assume_multiple %parallel_loop3A_1500, 16 : i32
        %parallel_loop3A_1502 = arith.index_cast %parallel_loop3A_1501 : i32 to index
        %parallel_loop3A_1503 = tpu.vector_load %arg4[%parallel_loop3A_1502] {strides = array<i32>} : memref<65536xf32, #tpu.memory_space<vmem>>, vector<16xf32>,
        %parallel_loop3A_1504 = vector.shape_cast %parallel_loop3A_1503 : vector<16xf32> to vector<16xf32>
        %parallel_loop3A_1505 = tpu.assume_multiple %parallel_loop3A_1499, 16 : i32
        %parallel_loop3A_1506 = arith.constant 0 : i32
        %parallel_loop3A_1507 = arith.constant 5 : i32
        %parallel_loop3A_1508 = arith.index_cast %parallel_loop3A_1506 : i32 to index
        %parallel_loop3A_1509 = arith.index_cast %parallel_loop3A_1507 : i32 to index
        %parallel_loop3A_1510 = arith.index_cast %parallel_loop3A_1505 : i32 to index
        %parallel_loop3A_1511 = tpu.vector_load %arg5[%parallel_loop3A_1508, %parallel_loop3A_1509, %parallel_loop3A_1510] {strides = array<i32>} : memref<2x8x3072xf32, #tpu.memory_space<vmem>>, vector<1x1x16xf32>,
        %parallel_loop3A_1512 = vector.shape_cast %parallel_loop3A_1511 : vector<1x1x16xf32> to vector<16xf32>
        %parallel_loop3A_1513 = vector.shape_cast %parallel_loop3A_1504 : vector<16xf32> to vector<1x1x16xf32>
        tpu.vector_store %arg5[%parallel_loop3A_1508, %parallel_loop3A_1509, %parallel_loop3A_1510], %parallel_loop3A_1513 {strides = array<i32>} : memref<2x8x3072xf32, #tpu.memory_space<vmem>>, vector<1x1x16xf32>,
        %parallel_loop3A_1514 = arith.constant 80 : i32
        %parallel_loop3A_1515 = arith.addi %parallel_loop3A_793, %parallel_loop3A_1514 : i32
        %parallel_loop3A_1516 = arith.addi %add3A_356, %parallel_loop3A_1515 : i32
        %parallel_loop3A_1517 = tpu.assume_multiple %parallel_loop3A_1516, 16 : i32
        %parallel_loop3A_1518 = arith.index_cast %parallel_loop3A_1517 : i32 to index
        %parallel_loop3A_1519 = tpu.vector_load %arg4[%parallel_loop3A_1518] {strides = array<i32>} : memref<65536xf32, #tpu.memory_space<vmem>>, vector<16xf32>,
        %parallel_loop3A_1520 = vector.shape_cast %parallel_loop3A_1519 : vector<16xf32> to vector<16xf32>
        %parallel_loop3A_1521 = tpu.assume_multiple %parallel_loop3A_1515, 16 : i32
        %parallel_loop3A_1522 = arith.constant 0 : i32
        %parallel_loop3A_1523 = arith.constant 5 : i32
        %parallel_loop3A_1524 = arith.index_cast %parallel_loop3A_1522 : i32 to index
        %parallel_loop3A_1525 = arith.index_cast %parallel_loop3A_1523 : i32 to index
        %parallel_loop3A_1526 = arith.index_cast %parallel_loop3A_1521 : i32 to index
        %parallel_loop3A_1527 = tpu.vector_load %arg5[%parallel_loop3A_1524, %parallel_loop3A_1525, %parallel_loop3A_1526] {strides = array<i32>} : memref<2x8x3072xf32, #tpu.memory_space<vmem>>, vector<1x1x16xf32>,
        %parallel_loop3A_1528 = vector.shape_cast %parallel_loop3A_1527 : vector<1x1x16xf32> to vector<16xf32>
        %parallel_loop3A_1529 = vector.shape_cast %parallel_loop3A_1520 : vector<16xf32> to vector<1x1x16xf32>
        tpu.vector_store %arg5[%parallel_loop3A_1524, %parallel_loop3A_1525, %parallel_loop3A_1526], %parallel_loop3A_1529 {strides = array<i32>} : memref<2x8x3072xf32, #tpu.memory_space<vmem>>, vector<1x1x16xf32>,
        %parallel_loop3A_1530 = arith.constant 96 : i32
        %parallel_loop3A_1531 = arith.addi %parallel_loop3A_793, %parallel_loop3A_1530 : i32
        %parallel_loop3A_1532 = arith.addi %add3A_356, %parallel_loop3A_1531 : i32
        %parallel_loop3A_1533 = tpu.assume_multiple %parallel_loop3A_1532, 16 : i32
        %parallel_loop3A_1534 = arith.index_cast %parallel_loop3A_1533 : i32 to index
        %parallel_loop3A_1535 = tpu.vector_load %arg4[%parallel_loop3A_1534] {strides = array<i32>} : memref<65536xf32, #tpu.memory_space<vmem>>, vector<16xf32>,
        %parallel_loop3A_1536 = vector.shape_cast %parallel_loop3A_1535 : vector<16xf32> to vector<16xf32>
        %parallel_loop3A_1537 = tpu.assume_multiple %parallel_loop3A_1531, 16 : i32
        %parallel_loop3A_1538 = arith.constant 0 : i32
        %parallel_loop3A_1539 = arith.constant 5 : i32
        %parallel_loop3A_1540 = arith.index_cast %parallel_loop3A_1538 : i32 to index
        %parallel_loop3A_1541 = arith.index_cast %parallel_loop3A_1539 : i32 to index
        %parallel_loop3A_1542 = arith.index_cast %parallel_loop3A_1537 : i32 to index
        %parallel_loop3A_1543 = tpu.vector_load %arg5[%parallel_loop3A_1540, %parallel_loop3A_1541, %parallel_loop3A_1542] {strides = array<i32>} : memref<2x8x3072xf32, #tpu.memory_space<vmem>>, vector<1x1x16xf32>,
        %parallel_loop3A_1544 = vector.shape_cast %parallel_loop3A_1543 : vector<1x1x16xf32> to vector<16xf32>
        %parallel_loop3A_1545 = vector.shape_cast %parallel_loop3A_1536 : vector<16xf32> to vector<1x1x16xf32>
        tpu.vector_store %arg5[%parallel_loop3A_1540, %parallel_loop3A_1541, %parallel_loop3A_1542], %parallel_loop3A_1545 {strides = array<i32>} : memref<2x8x3072xf32, #tpu.memory_space<vmem>>, vector<1x1x16xf32>,
        %parallel_loop3A_1546 = arith.constant 112 : i32
        %parallel_loop3A_1547 = arith.addi %parallel_loop3A_793, %parallel_loop3A_1546 : i32
        %parallel_loop3A_1548 = arith.addi %add3A_356, %parallel_loop3A_1547 : i32
        %parallel_loop3A_1549 = tpu.assume_multiple %parallel_loop3A_1548, 16 : i32
        %parallel_loop3A_1550 = arith.index_cast %parallel_loop3A_1549 : i32 to index
        %parallel_loop3A_1551 = tpu.vector_load %arg4[%parallel_loop3A_1550] {strides = array<i32>} : memref<65536xf32, #tpu.memory_space<vmem>>, vector<16xf32>,
        %parallel_loop3A_1552 = vector.shape_cast %parallel_loop3A_1551 : vector<16xf32> to vector<16xf32>
        %parallel_loop3A_1553 = tpu.assume_multiple %parallel_loop3A_1547, 16 : i32
        %parallel_loop3A_1554 = arith.constant 0 : i32
        %parallel_loop3A_1555 = arith.constant 5 : i32
        %parallel_loop3A_1556 = arith.index_cast %parallel_loop3A_1554 : i32 to index
        %parallel_loop3A_1557 = arith.index_cast %parallel_loop3A_1555 : i32 to index
        %parallel_loop3A_1558 = arith.index_cast %parallel_loop3A_1553 : i32 to index
        %parallel_loop3A_1559 = tpu.vector_load %arg5[%parallel_loop3A_1556, %parallel_loop3A_1557, %parallel_loop3A_1558] {strides = array<i32>} : memref<2x8x3072xf32, #tpu.memory_space<vmem>>, vector<1x1x16xf32>,
        %parallel_loop3A_1560 = vector.shape_cast %parallel_loop3A_1559 : vector<1x1x16xf32> to vector<16xf32>
        %parallel_loop3A_1561 = vector.shape_cast %parallel_loop3A_1552 : vector<16xf32> to vector<1x1x16xf32>
        tpu.vector_store %arg5[%parallel_loop3A_1556, %parallel_loop3A_1557, %parallel_loop3A_1558], %parallel_loop3A_1561 {strides = array<i32>} : memref<2x8x3072xf32, #tpu.memory_space<vmem>>, vector<1x1x16xf32>,
        %parallel_loop3A_1562 = arith.constant 0 : i32
        %parallel_loop3A_1563 = arith.addi %parallel_loop3A_793, %parallel_loop3A_1562 : i32
        %parallel_loop3A_1564 = arith.addi %add3A_364, %parallel_loop3A_1563 : i32
        %parallel_loop3A_1565 = tpu.assume_multiple %parallel_loop3A_1564, 16 : i32
        %parallel_loop3A_1566 = arith.index_cast %parallel_loop3A_1565 : i32 to index
        %parallel_loop3A_1567 = tpu.vector_load %arg4[%parallel_loop3A_1566] {strides = array<i32>} : memref<65536xf32, #tpu.memory_space<vmem>>, vector<16xf32>,
        %parallel_loop3A_1568 = vector.shape_cast %parallel_loop3A_1567 : vector<16xf32> to vector<16xf32>
        %parallel_loop3A_1569 = tpu.assume_multiple %parallel_loop3A_1563, 16 : i32
        %parallel_loop3A_1570 = arith.constant 0 : i32
        %parallel_loop3A_1571 = arith.constant 6 : i32
        %parallel_loop3A_1572 = arith.index_cast %parallel_loop3A_1570 : i32 to index
        %parallel_loop3A_1573 = arith.index_cast %parallel_loop3A_1571 : i32 to index
        %parallel_loop3A_1574 = arith.index_cast %parallel_loop3A_1569 : i32 to index
        %parallel_loop3A_1575 = tpu.vector_load %arg5[%parallel_loop3A_1572, %parallel_loop3A_1573, %parallel_loop3A_1574] {strides = array<i32>} : memref<2x8x3072xf32, #tpu.memory_space<vmem>>, vector<1x1x16xf32>,
        %parallel_loop3A_1576 = vector.shape_cast %parallel_loop3A_1575 : vector<1x1x16xf32> to vector<16xf32>
        %parallel_loop3A_1577 = vector.shape_cast %parallel_loop3A_1568 : vector<16xf32> to vector<1x1x16xf32>
        tpu.vector_store %arg5[%parallel_loop3A_1572, %parallel_loop3A_1573, %parallel_loop3A_1574], %parallel_loop3A_1577 {strides = array<i32>} : memref<2x8x3072xf32, #tpu.memory_space<vmem>>, vector<1x1x16xf32>,
        %parallel_loop3A_1578 = arith.constant 16 : i32
        %parallel_loop3A_1579 = arith.addi %parallel_loop3A_793, %parallel_loop3A_1578 : i32
        %parallel_loop3A_1580 = arith.addi %add3A_364, %parallel_loop3A_1579 : i32
        %parallel_loop3A_1581 = tpu.assume_multiple %parallel_loop3A_1580, 16 : i32
        %parallel_loop3A_1582 = arith.index_cast %parallel_loop3A_1581 : i32 to index
        %parallel_loop3A_1583 = tpu.vector_load %arg4[%parallel_loop3A_1582] {strides = array<i32>} : memref<65536xf32, #tpu.memory_space<vmem>>, vector<16xf32>,
        %parallel_loop3A_1584 = vector.shape_cast %parallel_loop3A_1583 : vector<16xf32> to vector<16xf32>
        %parallel_loop3A_1585 = tpu.assume_multiple %parallel_loop3A_1579, 16 : i32
        %parallel_loop3A_1586 = arith.constant 0 : i32
        %parallel_loop3A_1587 = arith.constant 6 : i32
        %parallel_loop3A_1588 = arith.index_cast %parallel_loop3A_1586 : i32 to index
        %parallel_loop3A_1589 = arith.index_cast %parallel_loop3A_1587 : i32 to index
        %parallel_loop3A_1590 = arith.index_cast %parallel_loop3A_1585 : i32 to index
        %parallel_loop3A_1591 = tpu.vector_load %arg5[%parallel_loop3A_1588, %parallel_loop3A_1589, %parallel_loop3A_1590] {strides = array<i32>} : memref<2x8x3072xf32, #tpu.memory_space<vmem>>, vector<1x1x16xf32>,
        %parallel_loop3A_1592 = vector.shape_cast %parallel_loop3A_1591 : vector<1x1x16xf32> to vector<16xf32>
        %parallel_loop3A_1593 = vector.shape_cast %parallel_loop3A_1584 : vector<16xf32> to vector<1x1x16xf32>
        tpu.vector_store %arg5[%parallel_loop3A_1588, %parallel_loop3A_1589, %parallel_loop3A_1590], %parallel_loop3A_1593 {strides = array<i32>} : memref<2x8x3072xf32, #tpu.memory_space<vmem>>, vector<1x1x16xf32>,
        %parallel_loop3A_1594 = arith.constant 32 : i32
        %parallel_loop3A_1595 = arith.addi %parallel_loop3A_793, %parallel_loop3A_1594 : i32
        %parallel_loop3A_1596 = arith.addi %add3A_364, %parallel_loop3A_1595 : i32
        %parallel_loop3A_1597 = tpu.assume_multiple %parallel_loop3A_1596, 16 : i32
        %parallel_loop3A_1598 = arith.index_cast %parallel_loop3A_1597 : i32 to index
        %parallel_loop3A_1599 = tpu.vector_load %arg4[%parallel_loop3A_1598] {strides = array<i32>} : memref<65536xf32, #tpu.memory_space<vmem>>, vector<16xf32>,
        %parallel_loop3A_1600 = vector.shape_cast %parallel_loop3A_1599 : vector<16xf32> to vector<16xf32>
        %parallel_loop3A_1601 = tpu.assume_multiple %parallel_loop3A_1595, 16 : i32
        %parallel_loop3A_1602 = arith.constant 0 : i32
        %parallel_loop3A_1603 = arith.constant 6 : i32
        %parallel_loop3A_1604 = arith.index_cast %parallel_loop3A_1602 : i32 to index
        %parallel_loop3A_1605 = arith.index_cast %parallel_loop3A_1603 : i32 to index
        %parallel_loop3A_1606 = arith.index_cast %parallel_loop3A_1601 : i32 to index
        %parallel_loop3A_1607 = tpu.vector_load %arg5[%parallel_loop3A_1604, %parallel_loop3A_1605, %parallel_loop3A_1606] {strides = array<i32>} : memref<2x8x3072xf32, #tpu.memory_space<vmem>>, vector<1x1x16xf32>,
        %parallel_loop3A_1608 = vector.shape_cast %parallel_loop3A_1607 : vector<1x1x16xf32> to vector<16xf32>
        %parallel_loop3A_1609 = vector.shape_cast %parallel_loop3A_1600 : vector<16xf32> to vector<1x1x16xf32>
        tpu.vector_store %arg5[%parallel_loop3A_1604, %parallel_loop3A_1605, %parallel_loop3A_1606], %parallel_loop3A_1609 {strides = array<i32>} : memref<2x8x3072xf32, #tpu.memory_space<vmem>>, vector<1x1x16xf32>,
        %parallel_loop3A_1610 = arith.constant 48 : i32
        %parallel_loop3A_1611 = arith.addi %parallel_loop3A_793, %parallel_loop3A_1610 : i32
        %parallel_loop3A_1612 = arith.addi %add3A_364, %parallel_loop3A_1611 : i32
        %parallel_loop3A_1613 = tpu.assume_multiple %parallel_loop3A_1612, 16 : i32
        %parallel_loop3A_1614 = arith.index_cast %parallel_loop3A_1613 : i32 to index
        %parallel_loop3A_1615 = tpu.vector_load %arg4[%parallel_loop3A_1614] {strides = array<i32>} : memref<65536xf32, #tpu.memory_space<vmem>>, vector<16xf32>,
        %parallel_loop3A_1616 = vector.shape_cast %parallel_loop3A_1615 : vector<16xf32> to vector<16xf32>
        %parallel_loop3A_1617 = tpu.assume_multiple %parallel_loop3A_1611, 16 : i32
        %parallel_loop3A_1618 = arith.constant 0 : i32
        %parallel_loop3A_1619 = arith.constant 6 : i32
        %parallel_loop3A_1620 = arith.index_cast %parallel_loop3A_1618 : i32 to index
        %parallel_loop3A_1621 = arith.index_cast %parallel_loop3A_1619 : i32 to index
        %parallel_loop3A_1622 = arith.index_cast %parallel_loop3A_1617 : i32 to index
        %parallel_loop3A_1623 = tpu.vector_load %arg5[%parallel_loop3A_1620, %parallel_loop3A_1621, %parallel_loop3A_1622] {strides = array<i32>} : memref<2x8x3072xf32, #tpu.memory_space<vmem>>, vector<1x1x16xf32>,
        %parallel_loop3A_1624 = vector.shape_cast %parallel_loop3A_1623 : vector<1x1x16xf32> to vector<16xf32>
        %parallel_loop3A_1625 = vector.shape_cast %parallel_loop3A_1616 : vector<16xf32> to vector<1x1x16xf32>
        tpu.vector_store %arg5[%parallel_loop3A_1620, %parallel_loop3A_1621, %parallel_loop3A_1622], %parallel_loop3A_1625 {strides = array<i32>} : memref<2x8x3072xf32, #tpu.memory_space<vmem>>, vector<1x1x16xf32>,
        %parallel_loop3A_1626 = arith.constant 64 : i32
        %parallel_loop3A_1627 = arith.addi %parallel_loop3A_793, %parallel_loop3A_1626 : i32
        %parallel_loop3A_1628 = arith.addi %add3A_364, %parallel_loop3A_1627 : i32
        %parallel_loop3A_1629 = tpu.assume_multiple %parallel_loop3A_1628, 16 : i32
        %parallel_loop3A_1630 = arith.index_cast %parallel_loop3A_1629 : i32 to index
        %parallel_loop3A_1631 = tpu.vector_load %arg4[%parallel_loop3A_1630] {strides = array<i32>} : memref<65536xf32, #tpu.memory_space<vmem>>, vector<16xf32>,
        %parallel_loop3A_1632 = vector.shape_cast %parallel_loop3A_1631 : vector<16xf32> to vector<16xf32>
        %parallel_loop3A_1633 = tpu.assume_multiple %parallel_loop3A_1627, 16 : i32
        %parallel_loop3A_1634 = arith.constant 0 : i32
        %parallel_loop3A_1635 = arith.constant 6 : i32
        %parallel_loop3A_1636 = arith.index_cast %parallel_loop3A_1634 : i32 to index
        %parallel_loop3A_1637 = arith.index_cast %parallel_loop3A_1635 : i32 to index
        %parallel_loop3A_1638 = arith.index_cast %parallel_loop3A_1633 : i32 to index
        %parallel_loop3A_1639 = tpu.vector_load %arg5[%parallel_loop3A_1636, %parallel_loop3A_1637, %parallel_loop3A_1638] {strides = array<i32>} : memref<2x8x3072xf32, #tpu.memory_space<vmem>>, vector<1x1x16xf32>,
        %parallel_loop3A_1640 = vector.shape_cast %parallel_loop3A_1639 : vector<1x1x16xf32> to vector<16xf32>
        %parallel_loop3A_1641 = vector.shape_cast %parallel_loop3A_1632 : vector<16xf32> to vector<1x1x16xf32>
        tpu.vector_store %arg5[%parallel_loop3A_1636, %parallel_loop3A_1637, %parallel_loop3A_1638], %parallel_loop3A_1641 {strides = array<i32>} : memref<2x8x3072xf32, #tpu.memory_space<vmem>>, vector<1x1x16xf32>,
        %parallel_loop3A_1642 = arith.constant 80 : i32
        %parallel_loop3A_1643 = arith.addi %parallel_loop3A_793, %parallel_loop3A_1642 : i32
        %parallel_loop3A_1644 = arith.addi %add3A_364, %parallel_loop3A_1643 : i32
        %parallel_loop3A_1645 = tpu.assume_multiple %parallel_loop3A_1644, 16 : i32
        %parallel_loop3A_1646 = arith.index_cast %parallel_loop3A_1645 : i32 to index
        %parallel_loop3A_1647 = tpu.vector_load %arg4[%parallel_loop3A_1646] {strides = array<i32>} : memref<65536xf32, #tpu.memory_space<vmem>>, vector<16xf32>,
        %parallel_loop3A_1648 = vector.shape_cast %parallel_loop3A_1647 : vector<16xf32> to vector<16xf32>
        %parallel_loop3A_1649 = tpu.assume_multiple %parallel_loop3A_1643, 16 : i32
        %parallel_loop3A_1650 = arith.constant 0 : i32
        %parallel_loop3A_1651 = arith.constant 6 : i32
        %parallel_loop3A_1652 = arith.index_cast %parallel_loop3A_1650 : i32 to index
        %parallel_loop3A_1653 = arith.index_cast %parallel_loop3A_1651 : i32 to index
        %parallel_loop3A_1654 = arith.index_cast %parallel_loop3A_1649 : i32 to index
        %parallel_loop3A_1655 = tpu.vector_load %arg5[%parallel_loop3A_1652, %parallel_loop3A_1653, %parallel_loop3A_1654] {strides = array<i32>} : memref<2x8x3072xf32, #tpu.memory_space<vmem>>, vector<1x1x16xf32>,
        %parallel_loop3A_1656 = vector.shape_cast %parallel_loop3A_1655 : vector<1x1x16xf32> to vector<16xf32>
        %parallel_loop3A_1657 = vector.shape_cast %parallel_loop3A_1648 : vector<16xf32> to vector<1x1x16xf32>
        tpu.vector_store %arg5[%parallel_loop3A_1652, %parallel_loop3A_1653, %parallel_loop3A_1654], %parallel_loop3A_1657 {strides = array<i32>} : memref<2x8x3072xf32, #tpu.memory_space<vmem>>, vector<1x1x16xf32>,
        %parallel_loop3A_1658 = arith.constant 96 : i32
        %parallel_loop3A_1659 = arith.addi %parallel_loop3A_793, %parallel_loop3A_1658 : i32
        %parallel_loop3A_1660 = arith.addi %add3A_364, %parallel_loop3A_1659 : i32
        %parallel_loop3A_1661 = tpu.assume_multiple %parallel_loop3A_1660, 16 : i32
        %parallel_loop3A_1662 = arith.index_cast %parallel_loop3A_1661 : i32 to index
        %parallel_loop3A_1663 = tpu.vector_load %arg4[%parallel_loop3A_1662] {strides = array<i32>} : memref<65536xf32, #tpu.memory_space<vmem>>, vector<16xf32>,
        %parallel_loop3A_1664 = vector.shape_cast %parallel_loop3A_1663 : vector<16xf32> to vector<16xf32>
        %parallel_loop3A_1665 = tpu.assume_multiple %parallel_loop3A_1659, 16 : i32
        %parallel_loop3A_1666 = arith.constant 0 : i32
        %parallel_loop3A_1667 = arith.constant 6 : i32
        %parallel_loop3A_1668 = arith.index_cast %parallel_loop3A_1666 : i32 to index
        %parallel_loop3A_1669 = arith.index_cast %parallel_loop3A_1667 : i32 to index
        %parallel_loop3A_1670 = arith.index_cast %parallel_loop3A_1665 : i32 to index
        %parallel_loop3A_1671 = tpu.vector_load %arg5[%parallel_loop3A_1668, %parallel_loop3A_1669, %parallel_loop3A_1670] {strides = array<i32>} : memref<2x8x3072xf32, #tpu.memory_space<vmem>>, vector<1x1x16xf32>,
        %parallel_loop3A_1672 = vector.shape_cast %parallel_loop3A_1671 : vector<1x1x16xf32> to vector<16xf32>
        %parallel_loop3A_1673 = vector.shape_cast %parallel_loop3A_1664 : vector<16xf32> to vector<1x1x16xf32>
        tpu.vector_store %arg5[%parallel_loop3A_1668, %parallel_loop3A_1669, %parallel_loop3A_1670], %parallel_loop3A_1673 {strides = array<i32>} : memref<2x8x3072xf32, #tpu.memory_space<vmem>>, vector<1x1x16xf32>,
        %parallel_loop3A_1674 = arith.constant 112 : i32
        %parallel_loop3A_1675 = arith.addi %parallel_loop3A_793, %parallel_loop3A_1674 : i32
        %parallel_loop3A_1676 = arith.addi %add3A_364, %parallel_loop3A_1675 : i32
        %parallel_loop3A_1677 = tpu.assume_multiple %parallel_loop3A_1676, 16 : i32
        %parallel_loop3A_1678 = arith.index_cast %parallel_loop3A_1677 : i32 to index
        %parallel_loop3A_1679 = tpu.vector_load %arg4[%parallel_loop3A_1678] {strides = array<i32>} : memref<65536xf32, #tpu.memory_space<vmem>>, vector<16xf32>,
        %parallel_loop3A_1680 = vector.shape_cast %parallel_loop3A_1679 : vector<16xf32> to vector<16xf32>
        %parallel_loop3A_1681 = tpu.assume_multiple %parallel_loop3A_1675, 16 : i32
        %parallel_loop3A_1682 = arith.constant 0 : i32
        %parallel_loop3A_1683 = arith.constant 6 : i32
        %parallel_loop3A_1684 = arith.index_cast %parallel_loop3A_1682 : i32 to index
        %parallel_loop3A_1685 = arith.index_cast %parallel_loop3A_1683 : i32 to index
        %parallel_loop3A_1686 = arith.index_cast %parallel_loop3A_1681 : i32 to index
        %parallel_loop3A_1687 = tpu.vector_load %arg5[%parallel_loop3A_1684, %parallel_loop3A_1685, %parallel_loop3A_1686] {strides = array<i32>} : memref<2x8x3072xf32, #tpu.memory_space<vmem>>, vector<1x1x16xf32>,
        %parallel_loop3A_1688 = vector.shape_cast %parallel_loop3A_1687 : vector<1x1x16xf32> to vector<16xf32>
        %parallel_loop3A_1689 = vector.shape_cast %parallel_loop3A_1680 : vector<16xf32> to vector<1x1x16xf32>
        tpu.vector_store %arg5[%parallel_loop3A_1684, %parallel_loop3A_1685, %parallel_loop3A_1686], %parallel_loop3A_1689 {strides = array<i32>} : memref<2x8x3072xf32, #tpu.memory_space<vmem>>, vector<1x1x16xf32>,
        %parallel_loop3A_1690 = arith.constant 0 : i32
        %parallel_loop3A_1691 = arith.addi %parallel_loop3A_793, %parallel_loop3A_1690 : i32
        %parallel_loop3A_1692 = arith.addi %add3A_372, %parallel_loop3A_1691 : i32
        %parallel_loop3A_1693 = tpu.assume_multiple %parallel_loop3A_1692, 16 : i32
        %parallel_loop3A_1694 = arith.index_cast %parallel_loop3A_1693 : i32 to index
        %parallel_loop3A_1695 = tpu.vector_load %arg4[%parallel_loop3A_1694] {strides = array<i32>} : memref<65536xf32, #tpu.memory_space<vmem>>, vector<16xf32>,
        %parallel_loop3A_1696 = vector.shape_cast %parallel_loop3A_1695 : vector<16xf32> to vector<16xf32>
        %parallel_loop3A_1697 = tpu.assume_multiple %parallel_loop3A_1691, 16 : i32
        %parallel_loop3A_1698 = arith.constant 0 : i32
        %parallel_loop3A_1699 = arith.constant 7 : i32
        %parallel_loop3A_1700 = arith.index_cast %parallel_loop3A_1698 : i32 to index
        %parallel_loop3A_1701 = arith.index_cast %parallel_loop3A_1699 : i32 to index
        %parallel_loop3A_1702 = arith.index_cast %parallel_loop3A_1697 : i32 to index
        %parallel_loop3A_1703 = tpu.vector_load %arg5[%parallel_loop3A_1700, %parallel_loop3A_1701, %parallel_loop3A_1702] {strides = array<i32>} : memref<2x8x3072xf32, #tpu.memory_space<vmem>>, vector<1x1x16xf32>,
        %parallel_loop3A_1704 = vector.shape_cast %parallel_loop3A_1703 : vector<1x1x16xf32> to vector<16xf32>
        %parallel_loop3A_1705 = vector.shape_cast %parallel_loop3A_1696 : vector<16xf32> to vector<1x1x16xf32>
        tpu.vector_store %arg5[%parallel_loop3A_1700, %parallel_loop3A_1701, %parallel_loop3A_1702], %parallel_loop3A_1705 {strides = array<i32>} : memref<2x8x3072xf32, #tpu.memory_space<vmem>>, vector<1x1x16xf32>,
        %parallel_loop3A_1706 = arith.constant 16 : i32
        %parallel_loop3A_1707 = arith.addi %parallel_loop3A_793, %parallel_loop3A_1706 : i32
        %parallel_loop3A_1708 = arith.addi %add3A_372, %parallel_loop3A_1707 : i32
        %parallel_loop3A_1709 = tpu.assume_multiple %parallel_loop3A_1708, 16 : i32
        %parallel_loop3A_1710 = arith.index_cast %parallel_loop3A_1709 : i32 to index
        %parallel_loop3A_1711 = tpu.vector_load %arg4[%parallel_loop3A_1710] {strides = array<i32>} : memref<65536xf32, #tpu.memory_space<vmem>>, vector<16xf32>,
        %parallel_loop3A_1712 = vector.shape_cast %parallel_loop3A_1711 : vector<16xf32> to vector<16xf32>
        %parallel_loop3A_1713 = tpu.assume_multiple %parallel_loop3A_1707, 16 : i32
        %parallel_loop3A_1714 = arith.constant 0 : i32
        %parallel_loop3A_1715 = arith.constant 7 : i32
        %parallel_loop3A_1716 = arith.index_cast %parallel_loop3A_1714 : i32 to index
        %parallel_loop3A_1717 = arith.index_cast %parallel_loop3A_1715 : i32 to index
        %parallel_loop3A_1718 = arith.index_cast %parallel_loop3A_1713 : i32 to index
        %parallel_loop3A_1719 = tpu.vector_load %arg5[%parallel_loop3A_1716, %parallel_loop3A_1717, %parallel_loop3A_1718] {strides = array<i32>} : memref<2x8x3072xf32, #tpu.memory_space<vmem>>, vector<1x1x16xf32>,
        %parallel_loop3A_1720 = vector.shape_cast %parallel_loop3A_1719 : vector<1x1x16xf32> to vector<16xf32>
        %parallel_loop3A_1721 = vector.shape_cast %parallel_loop3A_1712 : vector<16xf32> to vector<1x1x16xf32>
        tpu.vector_store %arg5[%parallel_loop3A_1716, %parallel_loop3A_1717, %parallel_loop3A_1718], %parallel_loop3A_1721 {strides = array<i32>} : memref<2x8x3072xf32, #tpu.memory_space<vmem>>, vector<1x1x16xf32>,
        %parallel_loop3A_1722 = arith.constant 32 : i32
        %parallel_loop3A_1723 = arith.addi %parallel_loop3A_793, %parallel_loop3A_1722 : i32
        %parallel_loop3A_1724 = arith.addi %add3A_372, %parallel_loop3A_1723 : i32
        %parallel_loop3A_1725 = tpu.assume_multiple %parallel_loop3A_1724, 16 : i32
        %parallel_loop3A_1726 = arith.index_cast %parallel_loop3A_1725 : i32 to index
        %parallel_loop3A_1727 = tpu.vector_load %arg4[%parallel_loop3A_1726] {strides = array<i32>} : memref<65536xf32, #tpu.memory_space<vmem>>, vector<16xf32>,
        %parallel_loop3A_1728 = vector.shape_cast %parallel_loop3A_1727 : vector<16xf32> to vector<16xf32>
        %parallel_loop3A_1729 = tpu.assume_multiple %parallel_loop3A_1723, 16 : i32
        %parallel_loop3A_1730 = arith.constant 0 : i32
        %parallel_loop3A_1731 = arith.constant 7 : i32
        %parallel_loop3A_1732 = arith.index_cast %parallel_loop3A_1730 : i32 to index
        %parallel_loop3A_1733 = arith.index_cast %parallel_loop3A_1731 : i32 to index
        %parallel_loop3A_1734 = arith.index_cast %parallel_loop3A_1729 : i32 to index
        %parallel_loop3A_1735 = tpu.vector_load %arg5[%parallel_loop3A_1732, %parallel_loop3A_1733, %parallel_loop3A_1734] {strides = array<i32>} : memref<2x8x3072xf32, #tpu.memory_space<vmem>>, vector<1x1x16xf32>,
        %parallel_loop3A_1736 = vector.shape_cast %parallel_loop3A_1735 : vector<1x1x16xf32> to vector<16xf32>
        %parallel_loop3A_1737 = vector.shape_cast %parallel_loop3A_1728 : vector<16xf32> to vector<1x1x16xf32>
        tpu.vector_store %arg5[%parallel_loop3A_1732, %parallel_loop3A_1733, %parallel_loop3A_1734], %parallel_loop3A_1737 {strides = array<i32>} : memref<2x8x3072xf32, #tpu.memory_space<vmem>>, vector<1x1x16xf32>,
        %parallel_loop3A_1738 = arith.constant 48 : i32
        %parallel_loop3A_1739 = arith.addi %parallel_loop3A_793, %parallel_loop3A_1738 : i32
        %parallel_loop3A_1740 = arith.addi %add3A_372, %parallel_loop3A_1739 : i32
        %parallel_loop3A_1741 = tpu.assume_multiple %parallel_loop3A_1740, 16 : i32
        %parallel_loop3A_1742 = arith.index_cast %parallel_loop3A_1741 : i32 to index
        %parallel_loop3A_1743 = tpu.vector_load %arg4[%parallel_loop3A_1742] {strides = array<i32>} : memref<65536xf32, #tpu.memory_space<vmem>>, vector<16xf32>,
        %parallel_loop3A_1744 = vector.shape_cast %parallel_loop3A_1743 : vector<16xf32> to vector<16xf32>
        %parallel_loop3A_1745 = tpu.assume_multiple %parallel_loop3A_1739, 16 : i32
        %parallel_loop3A_1746 = arith.constant 0 : i32
        %parallel_loop3A_1747 = arith.constant 7 : i32
        %parallel_loop3A_1748 = arith.index_cast %parallel_loop3A_1746 : i32 to index
        %parallel_loop3A_1749 = arith.index_cast %parallel_loop3A_1747 : i32 to index
        %parallel_loop3A_1750 = arith.index_cast %parallel_loop3A_1745 : i32 to index
        %parallel_loop3A_1751 = tpu.vector_load %arg5[%parallel_loop3A_1748, %parallel_loop3A_1749, %parallel_loop3A_1750] {strides = array<i32>} : memref<2x8x3072xf32, #tpu.memory_space<vmem>>, vector<1x1x16xf32>,
        %parallel_loop3A_1752 = vector.shape_cast %parallel_loop3A_1751 : vector<1x1x16xf32> to vector<16xf32>
        %parallel_loop3A_1753 = vector.shape_cast %parallel_loop3A_1744 : vector<16xf32> to vector<1x1x16xf32>
        tpu.vector_store %arg5[%parallel_loop3A_1748, %parallel_loop3A_1749, %parallel_loop3A_1750], %parallel_loop3A_1753 {strides = array<i32>} : memref<2x8x3072xf32, #tpu.memory_space<vmem>>, vector<1x1x16xf32>,
        %parallel_loop3A_1754 = arith.constant 64 : i32
        %parallel_loop3A_1755 = arith.addi %parallel_loop3A_793, %parallel_loop3A_1754 : i32
        %parallel_loop3A_1756 = arith.addi %add3A_372, %parallel_loop3A_1755 : i32
        %parallel_loop3A_1757 = tpu.assume_multiple %parallel_loop3A_1756, 16 : i32
        %parallel_loop3A_1758 = arith.index_cast %parallel_loop3A_1757 : i32 to index
        %parallel_loop3A_1759 = tpu.vector_load %arg4[%parallel_loop3A_1758] {strides = array<i32>} : memref<65536xf32, #tpu.memory_space<vmem>>, vector<16xf32>,
        %parallel_loop3A_1760 = vector.shape_cast %parallel_loop3A_1759 : vector<16xf32> to vector<16xf32>
        %parallel_loop3A_1761 = tpu.assume_multiple %parallel_loop3A_1755, 16 : i32
        %parallel_loop3A_1762 = arith.constant 0 : i32
        %parallel_loop3A_1763 = arith.constant 7 : i32
        %parallel_loop3A_1764 = arith.index_cast %parallel_loop3A_1762 : i32 to index
        %parallel_loop3A_1765 = arith.index_cast %parallel_loop3A_1763 : i32 to index
        %parallel_loop3A_1766 = arith.index_cast %parallel_loop3A_1761 : i32 to index
        %parallel_loop3A_1767 = tpu.vector_load %arg5[%parallel_loop3A_1764, %parallel_loop3A_1765, %parallel_loop3A_1766] {strides = array<i32>} : memref<2x8x3072xf32, #tpu.memory_space<vmem>>, vector<1x1x16xf32>,
        %parallel_loop3A_1768 = vector.shape_cast %parallel_loop3A_1767 : vector<1x1x16xf32> to vector<16xf32>
        %parallel_loop3A_1769 = vector.shape_cast %parallel_loop3A_1760 : vector<16xf32> to vector<1x1x16xf32>
        tpu.vector_store %arg5[%parallel_loop3A_1764, %parallel_loop3A_1765, %parallel_loop3A_1766], %parallel_loop3A_1769 {strides = array<i32>} : memref<2x8x3072xf32, #tpu.memory_space<vmem>>, vector<1x1x16xf32>,
        %parallel_loop3A_1770 = arith.constant 80 : i32
        %parallel_loop3A_1771 = arith.addi %parallel_loop3A_793, %parallel_loop3A_1770 : i32
        %parallel_loop3A_1772 = arith.addi %add3A_372, %parallel_loop3A_1771 : i32
        %parallel_loop3A_1773 = tpu.assume_multiple %parallel_loop3A_1772, 16 : i32
        %parallel_loop3A_1774 = arith.index_cast %parallel_loop3A_1773 : i32 to index
        %parallel_loop3A_1775 = tpu.vector_load %arg4[%parallel_loop3A_1774] {strides = array<i32>} : memref<65536xf32, #tpu.memory_space<vmem>>, vector<16xf32>,
        %parallel_loop3A_1776 = vector.shape_cast %parallel_loop3A_1775 : vector<16xf32> to vector<16xf32>
        %parallel_loop3A_1777 = tpu.assume_multiple %parallel_loop3A_1771, 16 : i32
        %parallel_loop3A_1778 = arith.constant 0 : i32
        %parallel_loop3A_1779 = arith.constant 7 : i32
        %parallel_loop3A_1780 = arith.index_cast %parallel_loop3A_1778 : i32 to index
        %parallel_loop3A_1781 = arith.index_cast %parallel_loop3A_1779 : i32 to index
        %parallel_loop3A_1782 = arith.index_cast %parallel_loop3A_1777 : i32 to index
        %parallel_loop3A_1783 = tpu.vector_load %arg5[%parallel_loop3A_1780, %parallel_loop3A_1781, %parallel_loop3A_1782] {strides = array<i32>} : memref<2x8x3072xf32, #tpu.memory_space<vmem>>, vector<1x1x16xf32>,
        %parallel_loop3A_1784 = vector.shape_cast %parallel_loop3A_1783 : vector<1x1x16xf32> to vector<16xf32>
        %parallel_loop3A_1785 = vector.shape_cast %parallel_loop3A_1776 : vector<16xf32> to vector<1x1x16xf32>
        tpu.vector_store %arg5[%parallel_loop3A_1780, %parallel_loop3A_1781, %parallel_loop3A_1782], %parallel_loop3A_1785 {strides = array<i32>} : memref<2x8x3072xf32, #tpu.memory_space<vmem>>, vector<1x1x16xf32>,
        %parallel_loop3A_1786 = arith.constant 96 : i32
        %parallel_loop3A_1787 = arith.addi %parallel_loop3A_793, %parallel_loop3A_1786 : i32
        %parallel_loop3A_1788 = arith.addi %add3A_372, %parallel_loop3A_1787 : i32
        %parallel_loop3A_1789 = tpu.assume_multiple %parallel_loop3A_1788, 16 : i32
        %parallel_loop3A_1790 = arith.index_cast %parallel_loop3A_1789 : i32 to index
        %parallel_loop3A_1791 = tpu.vector_load %arg4[%parallel_loop3A_1790] {strides = array<i32>} : memref<65536xf32, #tpu.memory_space<vmem>>, vector<16xf32>,
        %parallel_loop3A_1792 = vector.shape_cast %parallel_loop3A_1791 : vector<16xf32> to vector<16xf32>
        %parallel_loop3A_1793 = tpu.assume_multiple %parallel_loop3A_1787, 16 : i32
        %parallel_loop3A_1794 = arith.constant 0 : i32
        %parallel_loop3A_1795 = arith.constant 7 : i32
        %parallel_loop3A_1796 = arith.index_cast %parallel_loop3A_1794 : i32 to index
        %parallel_loop3A_1797 = arith.index_cast %parallel_loop3A_1795 : i32 to index
        %parallel_loop3A_1798 = arith.index_cast %parallel_loop3A_1793 : i32 to index
        %parallel_loop3A_1799 = tpu.vector_load %arg5[%parallel_loop3A_1796, %parallel_loop3A_1797, %parallel_loop3A_1798] {strides = array<i32>} : memref<2x8x3072xf32, #tpu.memory_space<vmem>>, vector<1x1x16xf32>,
        %parallel_loop3A_1800 = vector.shape_cast %parallel_loop3A_1799 : vector<1x1x16xf32> to vector<16xf32>
        %parallel_loop3A_1801 = vector.shape_cast %parallel_loop3A_1792 : vector<16xf32> to vector<1x1x16xf32>
        tpu.vector_store %arg5[%parallel_loop3A_1796, %parallel_loop3A_1797, %parallel_loop3A_1798], %parallel_loop3A_1801 {strides = array<i32>} : memref<2x8x3072xf32, #tpu.memory_space<vmem>>, vector<1x1x16xf32>,
        %parallel_loop3A_1802 = arith.constant 112 : i32
        %parallel_loop3A_1803 = arith.addi %parallel_loop3A_793, %parallel_loop3A_1802 : i32
        %parallel_loop3A_1804 = arith.addi %add3A_372, %parallel_loop3A_1803 : i32
        %parallel_loop3A_1805 = tpu.assume_multiple %parallel_loop3A_1804, 16 : i32
        %parallel_loop3A_1806 = arith.index_cast %parallel_loop3A_1805 : i32 to index
        %parallel_loop3A_1807 = tpu.vector_load %arg4[%parallel_loop3A_1806] {strides = array<i32>} : memref<65536xf32, #tpu.memory_space<vmem>>, vector<16xf32>,
        %parallel_loop3A_1808 = vector.shape_cast %parallel_loop3A_1807 : vector<16xf32> to vector<16xf32>
        %parallel_loop3A_1809 = tpu.assume_multiple %parallel_loop3A_1803, 16 : i32
        %parallel_loop3A_1810 = arith.constant 0 : i32
        %parallel_loop3A_1811 = arith.constant 7 : i32
        %parallel_loop3A_1812 = arith.index_cast %parallel_loop3A_1810 : i32 to index
        %parallel_loop3A_1813 = arith.index_cast %parallel_loop3A_1811 : i32 to index
        %parallel_loop3A_1814 = arith.index_cast %parallel_loop3A_1809 : i32 to index
        %parallel_loop3A_1815 = tpu.vector_load %arg5[%parallel_loop3A_1812, %parallel_loop3A_1813, %parallel_loop3A_1814] {strides = array<i32>} : memref<2x8x3072xf32, #tpu.memory_space<vmem>>, vector<1x1x16xf32>,
        %parallel_loop3A_1816 = vector.shape_cast %parallel_loop3A_1815 : vector<1x1x16xf32> to vector<16xf32>
        %parallel_loop3A_1817 = vector.shape_cast %parallel_loop3A_1808 : vector<16xf32> to vector<1x1x16xf32>
        tpu.vector_store %arg5[%parallel_loop3A_1812, %parallel_loop3A_1813, %parallel_loop3A_1814], %parallel_loop3A_1817 {strides = array<i32>} : memref<2x8x3072xf32, #tpu.memory_space<vmem>>, vector<1x1x16xf32>,
      } {sc.loop_unroll_factor = 1 : i64, sc.parallel_access}
      %mul3A_375 = arith.constant 8 : i32
      %mul3A_376 = arith.muli %mul3A_375, %mul3A_303 : i32
      %add3A_377 = arith.addi %mul3A_38, %mul3A_376 : i32
      %add3A_378 = arith.constant 0 : i32
      %add3A_379 = arith.addi %add3A_377, %add3A_378 : i32
      %multiple_of3A_380 = arith.constant 896 : i32
      %multiple_of3A_381 = tpu.assume_multiple %multiple_of3A_380, 128 : i32
      %dma_start3A = arith.constant 0 : i32
      %dma_start3A_382 = arith.constant 0 : i32
      %dma_start3A_383 = arith.constant 0 : i32
      %dma_start3A_384 = tpu.memref_slice %arg5[%dma_start3A, %dma_start3A_383, %multiple_of3A_381] : memref<2x8x3072xf32, #tpu.memory_space<vmem>> -> memref<1x8x2048xf32, #tpu.memory_space<vmem>>
      %dma_start3A_385 = tpu.memref_squeeze %dma_start3A_384 : memref<1x8x2048xf32, #tpu.memory_space<vmem>> -> memref<8x2048xf32, #tpu.memory_space<vmem>>
      %dma_start3A_386 = arith.constant 0 : i32
      %dma_start3A_387 = tpu.memref_slice %arg3[%dma_start3A_382, %select_n3A, %add3A_379, %dma_start3A_386] : memref<1x16x2048x2048xf32, #tpu.memory_space<hbm>> -> memref<1x1x8x2048xf32, #tpu.memory_space<hbm>>
      %dma_start3A_388 = tpu.memref_squeeze %dma_start3A_387 : memref<1x1x8x2048xf32, #tpu.memory_space<hbm>> -> memref<8x2048xf32, #tpu.memory_space<hbm>>
      %dma_start3A_389 = arith.constant 0 : i32
      %dma_start3A_390 = tpu.memref_slice %arg3[%dma_start3A_382, %select_n3A, %add3A_379, %dma_start3A_389] : memref<1x16x2048x2048xf32, #tpu.memory_space<hbm>> -> memref<1x1x8x2048xf32, #tpu.memory_space<hbm>>
      %dma_start3A_391 = tpu.memref_squeeze %dma_start3A_390 : memref<1x1x8x2048xf32, #tpu.memory_space<hbm>> -> memref<8x2048xf32, #tpu.memory_space<hbm>>
      %dma_start3A_392 = arith.constant 0 : i32
      %dma_start3A_393 = tpu.memref_slice %arg5[%dma_start3A, %dma_start3A_392, %multiple_of3A_381] : memref<2x8x3072xf32, #tpu.memory_space<vmem>> -> memref<1x8x2048xf32, #tpu.memory_space<vmem>>
      %dma_start3A_394 = tpu.memref_squeeze %dma_start3A_393 : memref<1x8x2048xf32, #tpu.memory_space<vmem>> -> memref<8x2048xf32, #tpu.memory_space<vmem>>
      tpu.enqueue_dma source(%dma_start3A_394 : memref<8x2048xf32, #tpu.memory_space<vmem>>) target(%dma_start3A_391 : memref<8x2048xf32, #tpu.memory_space<hbm>>) target_semaphore(%arg6 : memref<!tpu.dma_semaphore, #tpu.memory_space<semaphore_mem>>)
      %mul3A_395 = arith.constant 8 : i32
      %mul3A_396 = arith.muli %mul3A_395, %mul3A_303 : i32
      %add3A_397 = arith.addi %mul3A_38, %mul3A_396 : i32
      %add3A_398 = arith.constant 128 : i32
      %add3A_399 = arith.addi %add3A_397, %add3A_398 : i32
      %multiple_of3A_400 = arith.constant 768 : i32
      %multiple_of3A_401 = tpu.assume_multiple %multiple_of3A_400, 128 : i32
      %dma_start3A_402 = arith.constant 0 : i32
      %dma_start3A_403 = arith.constant 0 : i32
      %dma_start3A_404 = arith.constant 0 : i32
      %dma_start3A_405 = tpu.memref_slice %arg5[%dma_start3A_402, %dma_start3A_404, %multiple_of3A_401] : memref<2x8x3072xf32, #tpu.memory_space<vmem>> -> memref<1x8x2048xf32, #tpu.memory_space<vmem>>
      %dma_start3A_406 = tpu.memref_squeeze %dma_start3A_405 : memref<1x8x2048xf32, #tpu.memory_space<vmem>> -> memref<8x2048xf32, #tpu.memory_space<vmem>>
      %dma_start3A_407 = arith.constant 0 : i32
      %dma_start3A_408 = tpu.memref_slice %arg3[%dma_start3A_403, %select_n3A, %add3A_399, %dma_start3A_407] : memref<1x16x2048x2048xf32, #tpu.memory_space<hbm>> -> memref<1x1x8x2048xf32, #tpu.memory_space<hbm>>
      %dma_start3A_409 = tpu.memref_squeeze %dma_start3A_408 : memref<1x1x8x2048xf32, #tpu.memory_space<hbm>> -> memref<8x2048xf32, #tpu.memory_space<hbm>>
      %dma_start3A_410 = arith.constant 0 : i32
      %dma_start3A_411 = tpu.memref_slice %arg3[%dma_start3A_403, %select_n3A, %add3A_399, %dma_start3A_410] : memref<1x16x2048x2048xf32, #tpu.memory_space<hbm>> -> memref<1x1x8x2048xf32, #tpu.memory_space<hbm>>
      %dma_start3A_412 = tpu.memref_squeeze %dma_start3A_411 : memref<1x1x8x2048xf32, #tpu.memory_space<hbm>> -> memref<8x2048xf32, #tpu.memory_space<hbm>>
      %dma_start3A_413 = arith.constant 0 : i32
      %dma_start3A_414 = tpu.memref_slice %arg5[%dma_start3A_402, %dma_start3A_413, %multiple_of3A_401] : memref<2x8x3072xf32, #tpu.memory_space<vmem>> -> memref<1x8x2048xf32, #tpu.memory_space<vmem>>
      %dma_start3A_415 = tpu.memref_squeeze %dma_start3A_414 : memref<1x8x2048xf32, #tpu.memory_space<vmem>> -> memref<8x2048xf32, #tpu.memory_space<vmem>>
      tpu.enqueue_dma source(%dma_start3A_415 : memref<8x2048xf32, #tpu.memory_space<vmem>>) target(%dma_start3A_412 : memref<8x2048xf32, #tpu.memory_space<hbm>>) target_semaphore(%arg6 : memref<!tpu.dma_semaphore, #tpu.memory_space<semaphore_mem>>)
      %mul3A_416 = arith.constant 8 : i32
      %mul3A_417 = arith.muli %mul3A_416, %mul3A_303 : i32
      %add3A_418 = arith.addi %mul3A_38, %mul3A_417 : i32
      %add3A_419 = arith.constant 256 : i32
      %add3A_420 = arith.addi %add3A_418, %add3A_419 : i32
      %multiple_of3A_421 = arith.constant 640 : i32
      %multiple_of3A_422 = tpu.assume_multiple %multiple_of3A_421, 128 : i32
      %dma_start3A_423 = arith.constant 0 : i32
      %dma_start3A_424 = arith.constant 0 : i32
      %dma_start3A_425 = arith.constant 0 : i32
      %dma_start3A_426 = tpu.memref_slice %arg5[%dma_start3A_423, %dma_start3A_425, %multiple_of3A_422] : memref<2x8x3072xf32, #tpu.memory_space<vmem>> -> memref<1x8x2048xf32, #tpu.memory_space<vmem>>
      %dma_start3A_427 = tpu.memref_squeeze %dma_start3A_426 : memref<1x8x2048xf32, #tpu.memory_space<vmem>> -> memref<8x2048xf32, #tpu.memory_space<vmem>>
      %dma_start3A_428 = arith.constant 0 : i32
      %dma_start3A_429 = tpu.memref_slice %arg3[%dma_start3A_424, %select_n3A, %add3A_420, %dma_start3A_428] : memref<1x16x2048x2048xf32, #tpu.memory_space<hbm>> -> memref<1x1x8x2048xf32, #tpu.memory_space<hbm>>
      %dma_start3A_430 = tpu.memref_squeeze %dma_start3A_429 : memref<1x1x8x2048xf32, #tpu.memory_space<hbm>> -> memref<8x2048xf32, #tpu.memory_space<hbm>>
      %dma_start3A_431 = arith.constant 0 : i32
      %dma_start3A_432 = tpu.memref_slice %arg3[%dma_start3A_424, %select_n3A, %add3A_420, %dma_start3A_431] : memref<1x16x2048x2048xf32, #tpu.memory_space<hbm>> -> memref<1x1x8x2048xf32, #tpu.memory_space<hbm>>
      %dma_start3A_433 = tpu.memref_squeeze %dma_start3A_432 : memref<1x1x8x2048xf32, #tpu.memory_space<hbm>> -> memref<8x2048xf32, #tpu.memory_space<hbm>>
      %dma_start3A_434 = arith.constant 0 : i32
      %dma_start3A_435 = tpu.memref_slice %arg5[%dma_start3A_423, %dma_start3A_434, %multiple_of3A_422] : memref<2x8x3072xf32, #tpu.memory_space<vmem>> -> memref<1x8x2048xf32, #tpu.memory_space<vmem>>
      %dma_start3A_436 = tpu.memref_squeeze %dma_start3A_435 : memref<1x8x2048xf32, #tpu.memory_space<vmem>> -> memref<8x2048xf32, #tpu.memory_space<vmem>>
      tpu.enqueue_dma source(%dma_start3A_436 : memref<8x2048xf32, #tpu.memory_space<vmem>>) target(%dma_start3A_433 : memref<8x2048xf32, #tpu.memory_space<hbm>>) target_semaphore(%arg6 : memref<!tpu.dma_semaphore, #tpu.memory_space<semaphore_mem>>)
      %mul3A_437 = arith.constant 8 : i32
      %mul3A_438 = arith.muli %mul3A_437, %mul3A_303 : i32
      %add3A_439 = arith.addi %mul3A_38, %mul3A_438 : i32
      %add3A_440 = arith.constant 384 : i32
      %add3A_441 = arith.addi %add3A_439, %add3A_440 : i32
      %multiple_of3A_442 = arith.constant 512 : i32
      %multiple_of3A_443 = tpu.assume_multiple %multiple_of3A_442, 128 : i32
      %dma_start3A_444 = arith.constant 0 : i32
      %dma_start3A_445 = arith.constant 0 : i32
      %dma_start3A_446 = arith.constant 0 : i32
      %dma_start3A_447 = tpu.memref_slice %arg5[%dma_start3A_444, %dma_start3A_446, %multiple_of3A_443] : memref<2x8x3072xf32, #tpu.memory_space<vmem>> -> memref<1x8x2048xf32, #tpu.memory_space<vmem>>
      %dma_start3A_448 = tpu.memref_squeeze %dma_start3A_447 : memref<1x8x2048xf32, #tpu.memory_space<vmem>> -> memref<8x2048xf32, #tpu.memory_space<vmem>>
      %dma_start3A_449 = arith.constant 0 : i32
      %dma_start3A_450 = tpu.memref_slice %arg3[%dma_start3A_445, %select_n3A, %add3A_441, %dma_start3A_449] : memref<1x16x2048x2048xf32, #tpu.memory_space<hbm>> -> memref<1x1x8x2048xf32, #tpu.memory_space<hbm>>
      %dma_start3A_451 = tpu.memref_squeeze %dma_start3A_450 : memref<1x1x8x2048xf32, #tpu.memory_space<hbm>> -> memref<8x2048xf32, #tpu.memory_space<hbm>>
      %dma_start3A_452 = arith.constant 0 : i32
      %dma_start3A_453 = tpu.memref_slice %arg3[%dma_start3A_445, %select_n3A, %add3A_441, %dma_start3A_452] : memref<1x16x2048x2048xf32, #tpu.memory_space<hbm>> -> memref<1x1x8x2048xf32, #tpu.memory_space<hbm>>
      %dma_start3A_454 = tpu.memref_squeeze %dma_start3A_453 : memref<1x1x8x2048xf32, #tpu.memory_space<hbm>> -> memref<8x2048xf32, #tpu.memory_space<hbm>>
      %dma_start3A_455 = arith.constant 0 : i32
      %dma_start3A_456 = tpu.memref_slice %arg5[%dma_start3A_444, %dma_start3A_455, %multiple_of3A_443] : memref<2x8x3072xf32, #tpu.memory_space<vmem>> -> memref<1x8x2048xf32, #tpu.memory_space<vmem>>
      %dma_start3A_457 = tpu.memref_squeeze %dma_start3A_456 : memref<1x8x2048xf32, #tpu.memory_space<vmem>> -> memref<8x2048xf32, #tpu.memory_space<vmem>>
      tpu.enqueue_dma source(%dma_start3A_457 : memref<8x2048xf32, #tpu.memory_space<vmem>>) target(%dma_start3A_454 : memref<8x2048xf32, #tpu.memory_space<hbm>>) target_semaphore(%arg6 : memref<!tpu.dma_semaphore, #tpu.memory_space<semaphore_mem>>)
      %mul3A_458 = arith.constant 8 : i32
      %mul3A_459 = arith.muli %mul3A_458, %mul3A_303 : i32
      %add3A_460 = arith.addi %mul3A_38, %mul3A_459 : i32
      %add3A_461 = arith.constant 512 : i32
      %add3A_462 = arith.addi %add3A_460, %add3A_461 : i32
      %multiple_of3A_463 = arith.constant 384 : i32
      %multiple_of3A_464 = tpu.assume_multiple %multiple_of3A_463, 128 : i32
      %dma_start3A_465 = arith.constant 0 : i32
      %dma_start3A_466 = arith.constant 0 : i32
      %dma_start3A_467 = arith.constant 0 : i32
      %dma_start3A_468 = tpu.memref_slice %arg5[%dma_start3A_465, %dma_start3A_467, %multiple_of3A_464] : memref<2x8x3072xf32, #tpu.memory_space<vmem>> -> memref<1x8x2048xf32, #tpu.memory_space<vmem>>
      %dma_start3A_469 = tpu.memref_squeeze %dma_start3A_468 : memref<1x8x2048xf32, #tpu.memory_space<vmem>> -> memref<8x2048xf32, #tpu.memory_space<vmem>>
      %dma_start3A_470 = arith.constant 0 : i32
      %dma_start3A_471 = tpu.memref_slice %arg3[%dma_start3A_466, %select_n3A, %add3A_462, %dma_start3A_470] : memref<1x16x2048x2048xf32, #tpu.memory_space<hbm>> -> memref<1x1x8x2048xf32, #tpu.memory_space<hbm>>
      %dma_start3A_472 = tpu.memref_squeeze %dma_start3A_471 : memref<1x1x8x2048xf32, #tpu.memory_space<hbm>> -> memref<8x2048xf32, #tpu.memory_space<hbm>>
      %dma_start3A_473 = arith.constant 0 : i32
      %dma_start3A_474 = tpu.memref_slice %arg3[%dma_start3A_466, %select_n3A, %add3A_462, %dma_start3A_473] : memref<1x16x2048x2048xf32, #tpu.memory_space<hbm>> -> memref<1x1x8x2048xf32, #tpu.memory_space<hbm>>
      %dma_start3A_475 = tpu.memref_squeeze %dma_start3A_474 : memref<1x1x8x2048xf32, #tpu.memory_space<hbm>> -> memref<8x2048xf32, #tpu.memory_space<hbm>>
      %dma_start3A_476 = arith.constant 0 : i32
      %dma_start3A_477 = tpu.memref_slice %arg5[%dma_start3A_465, %dma_start3A_476, %multiple_of3A_464] : memref<2x8x3072xf32, #tpu.memory_space<vmem>> -> memref<1x8x2048xf32, #tpu.memory_space<vmem>>
      %dma_start3A_478 = tpu.memref_squeeze %dma_start3A_477 : memref<1x8x2048xf32, #tpu.memory_space<vmem>> -> memref<8x2048xf32, #tpu.memory_space<vmem>>
      tpu.enqueue_dma source(%dma_start3A_478 : memref<8x2048xf32, #tpu.memory_space<vmem>>) target(%dma_start3A_475 : memref<8x2048xf32, #tpu.memory_space<hbm>>) target_semaphore(%arg6 : memref<!tpu.dma_semaphore, #tpu.memory_space<semaphore_mem>>)
      %mul3A_479 = arith.constant 8 : i32
      %mul3A_480 = arith.muli %mul3A_479, %mul3A_303 : i32
      %add3A_481 = arith.addi %mul3A_38, %mul3A_480 : i32
      %add3A_482 = arith.constant 640 : i32
      %add3A_483 = arith.addi %add3A_481, %add3A_482 : i32
      %multiple_of3A_484 = arith.constant 256 : i32
      %multiple_of3A_485 = tpu.assume_multiple %multiple_of3A_484, 128 : i32
      %dma_start3A_486 = arith.constant 0 : i32
      %dma_start3A_487 = arith.constant 0 : i32
      %dma_start3A_488 = arith.constant 0 : i32
      %dma_start3A_489 = tpu.memref_slice %arg5[%dma_start3A_486, %dma_start3A_488, %multiple_of3A_485] : memref<2x8x3072xf32, #tpu.memory_space<vmem>> -> memref<1x8x2048xf32, #tpu.memory_space<vmem>>
      %dma_start3A_490 = tpu.memref_squeeze %dma_start3A_489 : memref<1x8x2048xf32, #tpu.memory_space<vmem>> -> memref<8x2048xf32, #tpu.memory_space<vmem>>
      %dma_start3A_491 = arith.constant 0 : i32
      %dma_start3A_492 = tpu.memref_slice %arg3[%dma_start3A_487, %select_n3A, %add3A_483, %dma_start3A_491] : memref<1x16x2048x2048xf32, #tpu.memory_space<hbm>> -> memref<1x1x8x2048xf32, #tpu.memory_space<hbm>>
      %dma_start3A_493 = tpu.memref_squeeze %dma_start3A_492 : memref<1x1x8x2048xf32, #tpu.memory_space<hbm>> -> memref<8x2048xf32, #tpu.memory_space<hbm>>
      %dma_start3A_494 = arith.constant 0 : i32
      %dma_start3A_495 = tpu.memref_slice %arg3[%dma_start3A_487, %select_n3A, %add3A_483, %dma_start3A_494] : memref<1x16x2048x2048xf32, #tpu.memory_space<hbm>> -> memref<1x1x8x2048xf32, #tpu.memory_space<hbm>>
      %dma_start3A_496 = tpu.memref_squeeze %dma_start3A_495 : memref<1x1x8x2048xf32, #tpu.memory_space<hbm>> -> memref<8x2048xf32, #tpu.memory_space<hbm>>
      %dma_start3A_497 = arith.constant 0 : i32
      %dma_start3A_498 = tpu.memref_slice %arg5[%dma_start3A_486, %dma_start3A_497, %multiple_of3A_485] : memref<2x8x3072xf32, #tpu.memory_space<vmem>> -> memref<1x8x2048xf32, #tpu.memory_space<vmem>>
      %dma_start3A_499 = tpu.memref_squeeze %dma_start3A_498 : memref<1x8x2048xf32, #tpu.memory_space<vmem>> -> memref<8x2048xf32, #tpu.memory_space<vmem>>
      tpu.enqueue_dma source(%dma_start3A_499 : memref<8x2048xf32, #tpu.memory_space<vmem>>) target(%dma_start3A_496 : memref<8x2048xf32, #tpu.memory_space<hbm>>) target_semaphore(%arg6 : memref<!tpu.dma_semaphore, #tpu.memory_space<semaphore_mem>>)
      %mul3A_500 = arith.constant 8 : i32
      %mul3A_501 = arith.muli %mul3A_500, %mul3A_303 : i32
      %add3A_502 = arith.addi %mul3A_38, %mul3A_501 : i32
      %add3A_503 = arith.constant 768 : i32
      %add3A_504 = arith.addi %add3A_502, %add3A_503 : i32
      %multiple_of3A_505 = arith.constant 128 : i32
      %multiple_of3A_506 = tpu.assume_multiple %multiple_of3A_505, 128 : i32
      %dma_start3A_507 = arith.constant 0 : i32
      %dma_start3A_508 = arith.constant 0 : i32
      %dma_start3A_509 = arith.constant 0 : i32
      %dma_start3A_510 = tpu.memref_slice %arg5[%dma_start3A_507, %dma_start3A_509, %multiple_of3A_506] : memref<2x8x3072xf32, #tpu.memory_space<vmem>> -> memref<1x8x2048xf32, #tpu.memory_space<vmem>>
      %dma_start3A_511 = tpu.memref_squeeze %dma_start3A_510 : memref<1x8x2048xf32, #tpu.memory_space<vmem>> -> memref<8x2048xf32, #tpu.memory_space<vmem>>
      %dma_start3A_512 = arith.constant 0 : i32
      %dma_start3A_513 = tpu.memref_slice %arg3[%dma_start3A_508, %select_n3A, %add3A_504, %dma_start3A_512] : memref<1x16x2048x2048xf32, #tpu.memory_space<hbm>> -> memref<1x1x8x2048xf32, #tpu.memory_space<hbm>>
      %dma_start3A_514 = tpu.memref_squeeze %dma_start3A_513 : memref<1x1x8x2048xf32, #tpu.memory_space<hbm>> -> memref<8x2048xf32, #tpu.memory_space<hbm>>
      %dma_start3A_515 = arith.constant 0 : i32
      %dma_start3A_516 = tpu.memref_slice %arg3[%dma_start3A_508, %select_n3A, %add3A_504, %dma_start3A_515] : memref<1x16x2048x2048xf32, #tpu.memory_space<hbm>> -> memref<1x1x8x2048xf32, #tpu.memory_space<hbm>>
      %dma_start3A_517 = tpu.memref_squeeze %dma_start3A_516 : memref<1x1x8x2048xf32, #tpu.memory_space<hbm>> -> memref<8x2048xf32, #tpu.memory_space<hbm>>
      %dma_start3A_518 = arith.constant 0 : i32
      %dma_start3A_519 = tpu.memref_slice %arg5[%dma_start3A_507, %dma_start3A_518, %multiple_of3A_506] : memref<2x8x3072xf32, #tpu.memory_space<vmem>> -> memref<1x8x2048xf32, #tpu.memory_space<vmem>>
      %dma_start3A_520 = tpu.memref_squeeze %dma_start3A_519 : memref<1x8x2048xf32, #tpu.memory_space<vmem>> -> memref<8x2048xf32, #tpu.memory_space<vmem>>
      tpu.enqueue_dma source(%dma_start3A_520 : memref<8x2048xf32, #tpu.memory_space<vmem>>) target(%dma_start3A_517 : memref<8x2048xf32, #tpu.memory_space<hbm>>) target_semaphore(%arg6 : memref<!tpu.dma_semaphore, #tpu.memory_space<semaphore_mem>>)
      %mul3A_521 = arith.constant 8 : i32
      %mul3A_522 = arith.muli %mul3A_521, %mul3A_303 : i32
      %add3A_523 = arith.addi %mul3A_38, %mul3A_522 : i32
      %add3A_524 = arith.constant 896 : i32
      %add3A_525 = arith.addi %add3A_523, %add3A_524 : i32
      %multiple_of3A_526 = arith.constant 0 : i32
      %multiple_of3A_527 = tpu.assume_multiple %multiple_of3A_526, 128 : i32
      %dma_start3A_528 = arith.constant 0 : i32
      %dma_start3A_529 = arith.constant 0 : i32
      %dma_start3A_530 = arith.constant 0 : i32
      %dma_start3A_531 = tpu.memref_slice %arg5[%dma_start3A_528, %dma_start3A_530, %multiple_of3A_527] : memref<2x8x3072xf32, #tpu.memory_space<vmem>> -> memref<1x8x2048xf32, #tpu.memory_space<vmem>>
      %dma_start3A_532 = tpu.memref_squeeze %dma_start3A_531 : memref<1x8x2048xf32, #tpu.memory_space<vmem>> -> memref<8x2048xf32, #tpu.memory_space<vmem>>
      %dma_start3A_533 = arith.constant 0 : i32
      %dma_start3A_534 = tpu.memref_slice %arg3[%dma_start3A_529, %select_n3A, %add3A_525, %dma_start3A_533] : memref<1x16x2048x2048xf32, #tpu.memory_space<hbm>> -> memref<1x1x8x2048xf32, #tpu.memory_space<hbm>>
      %dma_start3A_535 = tpu.memref_squeeze %dma_start3A_534 : memref<1x1x8x2048xf32, #tpu.memory_space<hbm>> -> memref<8x2048xf32, #tpu.memory_space<hbm>>
      %dma_start3A_536 = arith.constant 0 : i32
      %dma_start3A_537 = tpu.memref_slice %arg3[%dma_start3A_529, %select_n3A, %add3A_525, %dma_start3A_536] : memref<1x16x2048x2048xf32, #tpu.memory_space<hbm>> -> memref<1x1x8x2048xf32, #tpu.memory_space<hbm>>
      %dma_start3A_538 = tpu.memref_squeeze %dma_start3A_537 : memref<1x1x8x2048xf32, #tpu.memory_space<hbm>> -> memref<8x2048xf32, #tpu.memory_space<hbm>>
      %dma_start3A_539 = arith.constant 0 : i32
      %dma_start3A_540 = tpu.memref_slice %arg5[%dma_start3A_528, %dma_start3A_539, %multiple_of3A_527] : memref<2x8x3072xf32, #tpu.memory_space<vmem>> -> memref<1x8x2048xf32, #tpu.memory_space<vmem>>
      %dma_start3A_541 = tpu.memref_squeeze %dma_start3A_540 : memref<1x8x2048xf32, #tpu.memory_space<vmem>> -> memref<8x2048xf32, #tpu.memory_space<vmem>>
      tpu.enqueue_dma source(%dma_start3A_541 : memref<8x2048xf32, #tpu.memory_space<vmem>>) target(%dma_start3A_538 : memref<8x2048xf32, #tpu.memory_space<hbm>>) target_semaphore(%arg6 : memref<!tpu.dma_semaphore, #tpu.memory_space<semaphore_mem>>)
      %gt3A_542 = arith.constant 0 : i32
      %gt3A_543 = arith.cmpi sgt, %scan3A_299, %gt3A_542 : i32
      %convert_element_type3A_544 = arith.extui %gt3A_543 : i1 to i32
      %cond3A_545 = arith.constant 0 : i32
      %cond3A_546 = arith.cmpi ne, %convert_element_type3A_544, %cond3A_545 : i32
      scf.if %cond3A_546 {
        %dma_wait3A_791 = arith.constant 1 : i32
        %dma_wait3A_792 = arith.constant 0 : i32
        %dma_wait3A_793 = arith.constant 0 : i32
        %dma_wait3A_794 = arith.constant 0 : i32
        %dma_wait3A_795 = tpu.memref_slice %arg5[%dma_wait3A_791, %dma_wait3A_793, %dma_wait3A_794] : memref<2x8x3072xf32, #tpu.memory_space<vmem>> -> memref<1x8x2048xf32, #tpu.memory_space<vmem>>
        %dma_wait3A_796 = tpu.memref_squeeze %dma_wait3A_795 : memref<1x8x2048xf32, #tpu.memory_space<vmem>> -> memref<8x2048xf32, #tpu.memory_space<vmem>>
        %dma_wait3A_797 = arith.constant 0 : i32
        %dma_wait3A_798 = tpu.memref_slice %arg3[%dma_wait3A_792, %select_n3A, %mul3A_38, %dma_wait3A_797] : memref<1x16x2048x2048xf32, #tpu.memory_space<hbm>> -> memref<1x1x8x2048xf32, #tpu.memory_space<hbm>>
        %dma_wait3A_799 = tpu.memref_squeeze %dma_wait3A_798 : memref<1x1x8x2048xf32, #tpu.memory_space<hbm>> -> memref<8x2048xf32, #tpu.memory_space<hbm>>
        %dma_wait3A_800 = arith.constant 0 : i32
        %dma_wait3A_801 = tpu.memref_slice %arg3[%dma_wait3A_792, %select_n3A, %mul3A_38, %dma_wait3A_800] : memref<1x16x2048x2048xf32, #tpu.memory_space<hbm>> -> memref<1x1x8x2048xf32, #tpu.memory_space<hbm>>
        %dma_wait3A_802 = tpu.memref_squeeze %dma_wait3A_801 : memref<1x1x8x2048xf32, #tpu.memory_space<hbm>> -> memref<8x2048xf32, #tpu.memory_space<hbm>>
        %dma_wait3A_803 = arith.constant 0 : i32
        %dma_wait3A_804 = arith.constant 0 : i32
        %dma_wait3A_805 = tpu.memref_slice %arg5[%dma_wait3A_791, %dma_wait3A_803, %dma_wait3A_804] : memref<2x8x3072xf32, #tpu.memory_space<vmem>> -> memref<1x8x2048xf32, #tpu.memory_space<vmem>>
        %dma_wait3A_806 = tpu.memref_squeeze %dma_wait3A_805 : memref<1x8x2048xf32, #tpu.memory_space<vmem>> -> memref<8x2048xf32, #tpu.memory_space<vmem>>
        tpu.wait_dma2 semaphore(%arg7 : memref<!tpu.dma_semaphore, #tpu.memory_space<semaphore_mem>>) src(%dma_wait3A_806 : memref<8x2048xf32, #tpu.memory_space<vmem>>) dst(%dma_wait3A_802 : memref<8x2048xf32, #tpu.memory_space<hbm>>)
        %dma_wait3A_807 = arith.constant 1 : i32
        %dma_wait3A_808 = arith.constant 0 : i32
        %dma_wait3A_809 = arith.constant 0 : i32
        %dma_wait3A_810 = arith.constant 0 : i32
        %dma_wait3A_811 = tpu.memref_slice %arg5[%dma_wait3A_807, %dma_wait3A_809, %dma_wait3A_810] : memref<2x8x3072xf32, #tpu.memory_space<vmem>> -> memref<1x8x2048xf32, #tpu.memory_space<vmem>>
        %dma_wait3A_812 = tpu.memref_squeeze %dma_wait3A_811 : memref<1x8x2048xf32, #tpu.memory_space<vmem>> -> memref<8x2048xf32, #tpu.memory_space<vmem>>
        %dma_wait3A_813 = arith.constant 0 : i32
        %dma_wait3A_814 = tpu.memref_slice %arg3[%dma_wait3A_808, %select_n3A, %mul3A_38, %dma_wait3A_813] : memref<1x16x2048x2048xf32, #tpu.memory_space<hbm>> -> memref<1x1x8x2048xf32, #tpu.memory_space<hbm>>
        %dma_wait3A_815 = tpu.memref_squeeze %dma_wait3A_814 : memref<1x1x8x2048xf32, #tpu.memory_space<hbm>> -> memref<8x2048xf32, #tpu.memory_space<hbm>>
        %dma_wait3A_816 = arith.constant 0 : i32
        %dma_wait3A_817 = tpu.memref_slice %arg3[%dma_wait3A_808, %select_n3A, %mul3A_38, %dma_wait3A_816] : memref<1x16x2048x2048xf32, #tpu.memory_space<hbm>> -> memref<1x1x8x2048xf32, #tpu.memory_space<hbm>>
        %dma_wait3A_818 = tpu.memref_squeeze %dma_wait3A_817 : memref<1x1x8x2048xf32, #tpu.memory_space<hbm>> -> memref<8x2048xf32, #tpu.memory_space<hbm>>
        %dma_wait3A_819 = arith.constant 0 : i32
        %dma_wait3A_820 = arith.constant 0 : i32
        %dma_wait3A_821 = tpu.memref_slice %arg5[%dma_wait3A_807, %dma_wait3A_819, %dma_wait3A_820] : memref<2x8x3072xf32, #tpu.memory_space<vmem>> -> memref<1x8x2048xf32, #tpu.memory_space<vmem>>
        %dma_wait3A_822 = tpu.memref_squeeze %dma_wait3A_821 : memref<1x8x2048xf32, #tpu.memory_space<vmem>> -> memref<8x2048xf32, #tpu.memory_space<vmem>>
        tpu.wait_dma2 semaphore(%arg7 : memref<!tpu.dma_semaphore, #tpu.memory_space<semaphore_mem>>) src(%dma_wait3A_822 : memref<8x2048xf32, #tpu.memory_space<vmem>>) dst(%dma_wait3A_818 : memref<8x2048xf32, #tpu.memory_space<hbm>>)
        %dma_wait3A_823 = arith.constant 1 : i32
        %dma_wait3A_824 = arith.constant 0 : i32
        %dma_wait3A_825 = arith.constant 0 : i32
        %dma_wait3A_826 = arith.constant 0 : i32
        %dma_wait3A_827 = tpu.memref_slice %arg5[%dma_wait3A_823, %dma_wait3A_825, %dma_wait3A_826] : memref<2x8x3072xf32, #tpu.memory_space<vmem>> -> memref<1x8x2048xf32, #tpu.memory_space<vmem>>
        %dma_wait3A_828 = tpu.memref_squeeze %dma_wait3A_827 : memref<1x8x2048xf32, #tpu.memory_space<vmem>> -> memref<8x2048xf32, #tpu.memory_space<vmem>>
        %dma_wait3A_829 = arith.constant 0 : i32
        %dma_wait3A_830 = tpu.memref_slice %arg3[%dma_wait3A_824, %select_n3A, %mul3A_38, %dma_wait3A_829] : memref<1x16x2048x2048xf32, #tpu.memory_space<hbm>> -> memref<1x1x8x2048xf32, #tpu.memory_space<hbm>>
        %dma_wait3A_831 = tpu.memref_squeeze %dma_wait3A_830 : memref<1x1x8x2048xf32, #tpu.memory_space<hbm>> -> memref<8x2048xf32, #tpu.memory_space<hbm>>
        %dma_wait3A_832 = arith.constant 0 : i32
        %dma_wait3A_833 = tpu.memref_slice %arg3[%dma_wait3A_824, %select_n3A, %mul3A_38, %dma_wait3A_832] : memref<1x16x2048x2048xf32, #tpu.memory_space<hbm>> -> memref<1x1x8x2048xf32, #tpu.memory_space<hbm>>
        %dma_wait3A_834 = tpu.memref_squeeze %dma_wait3A_833 : memref<1x1x8x2048xf32, #tpu.memory_space<hbm>> -> memref<8x2048xf32, #tpu.memory_space<hbm>>
        %dma_wait3A_835 = arith.constant 0 : i32
        %dma_wait3A_836 = arith.constant 0 : i32
        %dma_wait3A_837 = tpu.memref_slice %arg5[%dma_wait3A_823, %dma_wait3A_835, %dma_wait3A_836] : memref<2x8x3072xf32, #tpu.memory_space<vmem>> -> memref<1x8x2048xf32, #tpu.memory_space<vmem>>
        %dma_wait3A_838 = tpu.memref_squeeze %dma_wait3A_837 : memref<1x8x2048xf32, #tpu.memory_space<vmem>> -> memref<8x2048xf32, #tpu.memory_space<vmem>>
        tpu.wait_dma2 semaphore(%arg7 : memref<!tpu.dma_semaphore, #tpu.memory_space<semaphore_mem>>) src(%dma_wait3A_838 : memref<8x2048xf32, #tpu.memory_space<vmem>>) dst(%dma_wait3A_834 : memref<8x2048xf32, #tpu.memory_space<hbm>>)
        %dma_wait3A_839 = arith.constant 1 : i32
        %dma_wait3A_840 = arith.constant 0 : i32
        %dma_wait3A_841 = arith.constant 0 : i32
        %dma_wait3A_842 = arith.constant 0 : i32
        %dma_wait3A_843 = tpu.memref_slice %arg5[%dma_wait3A_839, %dma_wait3A_841, %dma_wait3A_842] : memref<2x8x3072xf32, #tpu.memory_space<vmem>> -> memref<1x8x2048xf32, #tpu.memory_space<vmem>>
        %dma_wait3A_844 = tpu.memref_squeeze %dma_wait3A_843 : memref<1x8x2048xf32, #tpu.memory_space<vmem>> -> memref<8x2048xf32, #tpu.memory_space<vmem>>
        %dma_wait3A_845 = arith.constant 0 : i32
        %dma_wait3A_846 = tpu.memref_slice %arg3[%dma_wait3A_840, %select_n3A, %mul3A_38, %dma_wait3A_845] : memref<1x16x2048x2048xf32, #tpu.memory_space<hbm>> -> memref<1x1x8x2048xf32, #tpu.memory_space<hbm>>
        %dma_wait3A_847 = tpu.memref_squeeze %dma_wait3A_846 : memref<1x1x8x2048xf32, #tpu.memory_space<hbm>> -> memref<8x2048xf32, #tpu.memory_space<hbm>>
        %dma_wait3A_848 = arith.constant 0 : i32
        %dma_wait3A_849 = tpu.memref_slice %arg3[%dma_wait3A_840, %select_n3A, %mul3A_38, %dma_wait3A_848] : memref<1x16x2048x2048xf32, #tpu.memory_space<hbm>> -> memref<1x1x8x2048xf32, #tpu.memory_space<hbm>>
        %dma_wait3A_850 = tpu.memref_squeeze %dma_wait3A_849 : memref<1x1x8x2048xf32, #tpu.memory_space<hbm>> -> memref<8x2048xf32, #tpu.memory_space<hbm>>
        %dma_wait3A_851 = arith.constant 0 : i32
        %dma_wait3A_852 = arith.constant 0 : i32
        %dma_wait3A_853 = tpu.memref_slice %arg5[%dma_wait3A_839, %dma_wait3A_851, %dma_wait3A_852] : memref<2x8x3072xf32, #tpu.memory_space<vmem>> -> memref<1x8x2048xf32, #tpu.memory_space<vmem>>
        %dma_wait3A_854 = tpu.memref_squeeze %dma_wait3A_853 : memref<1x8x2048xf32, #tpu.memory_space<vmem>> -> memref<8x2048xf32, #tpu.memory_space<vmem>>
        tpu.wait_dma2 semaphore(%arg7 : memref<!tpu.dma_semaphore, #tpu.memory_space<semaphore_mem>>) src(%dma_wait3A_854 : memref<8x2048xf32, #tpu.memory_space<vmem>>) dst(%dma_wait3A_850 : memref<8x2048xf32, #tpu.memory_space<hbm>>)
        %dma_wait3A_855 = arith.constant 1 : i32
        %dma_wait3A_856 = arith.constant 0 : i32
        %dma_wait3A_857 = arith.constant 0 : i32
        %dma_wait3A_858 = arith.constant 0 : i32
        %dma_wait3A_859 = tpu.memref_slice %arg5[%dma_wait3A_855, %dma_wait3A_857, %dma_wait3A_858] : memref<2x8x3072xf32, #tpu.memory_space<vmem>> -> memref<1x8x2048xf32, #tpu.memory_space<vmem>>
        %dma_wait3A_860 = tpu.memref_squeeze %dma_wait3A_859 : memref<1x8x2048xf32, #tpu.memory_space<vmem>> -> memref<8x2048xf32, #tpu.memory_space<vmem>>
        %dma_wait3A_861 = arith.constant 0 : i32
        %dma_wait3A_862 = tpu.memref_slice %arg3[%dma_wait3A_856, %select_n3A, %mul3A_38, %dma_wait3A_861] : memref<1x16x2048x2048xf32, #tpu.memory_space<hbm>> -> memref<1x1x8x2048xf32, #tpu.memory_space<hbm>>
        %dma_wait3A_863 = tpu.memref_squeeze %dma_wait3A_862 : memref<1x1x8x2048xf32, #tpu.memory_space<hbm>> -> memref<8x2048xf32, #tpu.memory_space<hbm>>
        %dma_wait3A_864 = arith.constant 0 : i32
        %dma_wait3A_865 = tpu.memref_slice %arg3[%dma_wait3A_856, %select_n3A, %mul3A_38, %dma_wait3A_864] : memref<1x16x2048x2048xf32, #tpu.memory_space<hbm>> -> memref<1x1x8x2048xf32, #tpu.memory_space<hbm>>
        %dma_wait3A_866 = tpu.memref_squeeze %dma_wait3A_865 : memref<1x1x8x2048xf32, #tpu.memory_space<hbm>> -> memref<8x2048xf32, #tpu.memory_space<hbm>>
        %dma_wait3A_867 = arith.constant 0 : i32
        %dma_wait3A_868 = arith.constant 0 : i32
        %dma_wait3A_869 = tpu.memref_slice %arg5[%dma_wait3A_855, %dma_wait3A_867, %dma_wait3A_868] : memref<2x8x3072xf32, #tpu.memory_space<vmem>> -> memref<1x8x2048xf32, #tpu.memory_space<vmem>>
        %dma_wait3A_870 = tpu.memref_squeeze %dma_wait3A_869 : memref<1x8x2048xf32, #tpu.memory_space<vmem>> -> memref<8x2048xf32, #tpu.memory_space<vmem>>
        tpu.wait_dma2 semaphore(%arg7 : memref<!tpu.dma_semaphore, #tpu.memory_space<semaphore_mem>>) src(%dma_wait3A_870 : memref<8x2048xf32, #tpu.memory_space<vmem>>) dst(%dma_wait3A_866 : memref<8x2048xf32, #tpu.memory_space<hbm>>)
        %dma_wait3A_871 = arith.constant 1 : i32
        %dma_wait3A_872 = arith.constant 0 : i32
        %dma_wait3A_873 = arith.constant 0 : i32
        %dma_wait3A_874 = arith.constant 0 : i32
        %dma_wait3A_875 = tpu.memref_slice %arg5[%dma_wait3A_871, %dma_wait3A_873, %dma_wait3A_874] : memref<2x8x3072xf32, #tpu.memory_space<vmem>> -> memref<1x8x2048xf32, #tpu.memory_space<vmem>>
        %dma_wait3A_876 = tpu.memref_squeeze %dma_wait3A_875 : memref<1x8x2048xf32, #tpu.memory_space<vmem>> -> memref<8x2048xf32, #tpu.memory_space<vmem>>
        %dma_wait3A_877 = arith.constant 0 : i32
        %dma_wait3A_878 = tpu.memref_slice %arg3[%dma_wait3A_872, %select_n3A, %mul3A_38, %dma_wait3A_877] : memref<1x16x2048x2048xf32, #tpu.memory_space<hbm>> -> memref<1x1x8x2048xf32, #tpu.memory_space<hbm>>
        %dma_wait3A_879 = tpu.memref_squeeze %dma_wait3A_878 : memref<1x1x8x2048xf32, #tpu.memory_space<hbm>> -> memref<8x2048xf32, #tpu.memory_space<hbm>>
        %dma_wait3A_880 = arith.constant 0 : i32
        %dma_wait3A_881 = tpu.memref_slice %arg3[%dma_wait3A_872, %select_n3A, %mul3A_38, %dma_wait3A_880] : memref<1x16x2048x2048xf32, #tpu.memory_space<hbm>> -> memref<1x1x8x2048xf32, #tpu.memory_space<hbm>>
        %dma_wait3A_882 = tpu.memref_squeeze %dma_wait3A_881 : memref<1x1x8x2048xf32, #tpu.memory_space<hbm>> -> memref<8x2048xf32, #tpu.memory_space<hbm>>
        %dma_wait3A_883 = arith.constant 0 : i32
        %dma_wait3A_884 = arith.constant 0 : i32
        %dma_wait3A_885 = tpu.memref_slice %arg5[%dma_wait3A_871, %dma_wait3A_883, %dma_wait3A_884] : memref<2x8x3072xf32, #tpu.memory_space<vmem>> -> memref<1x8x2048xf32, #tpu.memory_space<vmem>>
        %dma_wait3A_886 = tpu.memref_squeeze %dma_wait3A_885 : memref<1x8x2048xf32, #tpu.memory_space<vmem>> -> memref<8x2048xf32, #tpu.memory_space<vmem>>
        tpu.wait_dma2 semaphore(%arg7 : memref<!tpu.dma_semaphore, #tpu.memory_space<semaphore_mem>>) src(%dma_wait3A_886 : memref<8x2048xf32, #tpu.memory_space<vmem>>) dst(%dma_wait3A_882 : memref<8x2048xf32, #tpu.memory_space<hbm>>)
        %dma_wait3A_887 = arith.constant 1 : i32
        %dma_wait3A_888 = arith.constant 0 : i32
        %dma_wait3A_889 = arith.constant 0 : i32
        %dma_wait3A_890 = arith.constant 0 : i32
        %dma_wait3A_891 = tpu.memref_slice %arg5[%dma_wait3A_887, %dma_wait3A_889, %dma_wait3A_890] : memref<2x8x3072xf32, #tpu.memory_space<vmem>> -> memref<1x8x2048xf32, #tpu.memory_space<vmem>>
        %dma_wait3A_892 = tpu.memref_squeeze %dma_wait3A_891 : memref<1x8x2048xf32, #tpu.memory_space<vmem>> -> memref<8x2048xf32, #tpu.memory_space<vmem>>
        %dma_wait3A_893 = arith.constant 0 : i32
        %dma_wait3A_894 = tpu.memref_slice %arg3[%dma_wait3A_888, %select_n3A, %mul3A_38, %dma_wait3A_893] : memref<1x16x2048x2048xf32, #tpu.memory_space<hbm>> -> memref<1x1x8x2048xf32, #tpu.memory_space<hbm>>
        %dma_wait3A_895 = tpu.memref_squeeze %dma_wait3A_894 : memref<1x1x8x2048xf32, #tpu.memory_space<hbm>> -> memref<8x2048xf32, #tpu.memory_space<hbm>>
        %dma_wait3A_896 = arith.constant 0 : i32
        %dma_wait3A_897 = tpu.memref_slice %arg3[%dma_wait3A_888, %select_n3A, %mul3A_38, %dma_wait3A_896] : memref<1x16x2048x2048xf32, #tpu.memory_space<hbm>> -> memref<1x1x8x2048xf32, #tpu.memory_space<hbm>>
        %dma_wait3A_898 = tpu.memref_squeeze %dma_wait3A_897 : memref<1x1x8x2048xf32, #tpu.memory_space<hbm>> -> memref<8x2048xf32, #tpu.memory_space<hbm>>
        %dma_wait3A_899 = arith.constant 0 : i32
        %dma_wait3A_900 = arith.constant 0 : i32
        %dma_wait3A_901 = tpu.memref_slice %arg5[%dma_wait3A_887, %dma_wait3A_899, %dma_wait3A_900] : memref<2x8x3072xf32, #tpu.memory_space<vmem>> -> memref<1x8x2048xf32, #tpu.memory_space<vmem>>
        %dma_wait3A_902 = tpu.memref_squeeze %dma_wait3A_901 : memref<1x8x2048xf32, #tpu.memory_space<vmem>> -> memref<8x2048xf32, #tpu.memory_space<vmem>>
        tpu.wait_dma2 semaphore(%arg7 : memref<!tpu.dma_semaphore, #tpu.memory_space<semaphore_mem>>) src(%dma_wait3A_902 : memref<8x2048xf32, #tpu.memory_space<vmem>>) dst(%dma_wait3A_898 : memref<8x2048xf32, #tpu.memory_space<hbm>>)
        %dma_wait3A_903 = arith.constant 1 : i32
        %dma_wait3A_904 = arith.constant 0 : i32
        %dma_wait3A_905 = arith.constant 0 : i32
        %dma_wait3A_906 = arith.constant 0 : i32
        %dma_wait3A_907 = tpu.memref_slice %arg5[%dma_wait3A_903, %dma_wait3A_905, %dma_wait3A_906] : memref<2x8x3072xf32, #tpu.memory_space<vmem>> -> memref<1x8x2048xf32, #tpu.memory_space<vmem>>
        %dma_wait3A_908 = tpu.memref_squeeze %dma_wait3A_907 : memref<1x8x2048xf32, #tpu.memory_space<vmem>> -> memref<8x2048xf32, #tpu.memory_space<vmem>>
        %dma_wait3A_909 = arith.constant 0 : i32
        %dma_wait3A_910 = tpu.memref_slice %arg3[%dma_wait3A_904, %select_n3A, %mul3A_38, %dma_wait3A_909] : memref<1x16x2048x2048xf32, #tpu.memory_space<hbm>> -> memref<1x1x8x2048xf32, #tpu.memory_space<hbm>>
        %dma_wait3A_911 = tpu.memref_squeeze %dma_wait3A_910 : memref<1x1x8x2048xf32, #tpu.memory_space<hbm>> -> memref<8x2048xf32, #tpu.memory_space<hbm>>
        %dma_wait3A_912 = arith.constant 0 : i32
        %dma_wait3A_913 = tpu.memref_slice %arg3[%dma_wait3A_904, %select_n3A, %mul3A_38, %dma_wait3A_912] : memref<1x16x2048x2048xf32, #tpu.memory_space<hbm>> -> memref<1x1x8x2048xf32, #tpu.memory_space<hbm>>
        %dma_wait3A_914 = tpu.memref_squeeze %dma_wait3A_913 : memref<1x1x8x2048xf32, #tpu.memory_space<hbm>> -> memref<8x2048xf32, #tpu.memory_space<hbm>>
        %dma_wait3A_915 = arith.constant 0 : i32
        %dma_wait3A_916 = arith.constant 0 : i32
        %dma_wait3A_917 = tpu.memref_slice %arg5[%dma_wait3A_903, %dma_wait3A_915, %dma_wait3A_916] : memref<2x8x3072xf32, #tpu.memory_space<vmem>> -> memref<1x8x2048xf32, #tpu.memory_space<vmem>>
        %dma_wait3A_918 = tpu.memref_squeeze %dma_wait3A_917 : memref<1x8x2048xf32, #tpu.memory_space<vmem>> -> memref<8x2048xf32, #tpu.memory_space<vmem>>
        tpu.wait_dma2 semaphore(%arg7 : memref<!tpu.dma_semaphore, #tpu.memory_space<semaphore_mem>>) src(%dma_wait3A_918 : memref<8x2048xf32, #tpu.memory_space<vmem>>) dst(%dma_wait3A_914 : memref<8x2048xf32, #tpu.memory_space<hbm>>)
      } else {
      }
      %mul3A_547 = arith.constant 2 : i32
      %mul3A_548 = arith.muli %mul3A_547, %scan3A_299 : i32
      %add3A_549 = arith.constant 1 : i32
      %add3A_550 = arith.addi %mul3A_548, %add3A_549 : i32
      %mul3A_551 = arith.constant 8 : i32
      %mul3A_552 = arith.muli %mul3A_551, %add3A_550 : i32
      %sub3A_553 = arith.subi %sub3A_36, %mul3A_552 : i32
      %sub3A_554 = arith.constant 896 : i32
      %sub3A_555 = arith.subi %sub3A_553, %sub3A_554 : i32
      %sub3A_556 = arith.constant 0 : i32
      %sub3A_557 = arith.subi %sub3A_555, %sub3A_556 : i32
      %and3A_558 = arith.constant 15 : i32
      %and3A_559 = arith.andi %sub3A_557, %and3A_558 : i32
      %mul3A_560 = arith.constant 4096 : i32
      %mul3A_561 = arith.muli %and3A_559, %mul3A_560 : i32
      %sub3A_562 = arith.subi %sub3A_557, %and3A_559 : i32
      %add3A_563 = arith.addi %mul3A_561, %sub3A_562 : i32
      %sub3A_564 = arith.constant 1 : i32
      %sub3A_565 = arith.subi %sub3A_555, %sub3A_564 : i32
      %and3A_566 = arith.constant 15 : i32
      %and3A_567 = arith.andi %sub3A_565, %and3A_566 : i32
      %mul3A_568 = arith.constant 4096 : i32
      %mul3A_569 = arith.muli %and3A_567, %mul3A_568 : i32
      %sub3A_570 = arith.subi %sub3A_565, %and3A_567 : i32
      %add3A_571 = arith.addi %mul3A_569, %sub3A_570 : i32
      %sub3A_572 = arith.constant 2 : i32
      %sub3A_573 = arith.subi %sub3A_555, %sub3A_572 : i32
      %and3A_574 = arith.constant 15 : i32
      %and3A_575 = arith.andi %sub3A_573, %and3A_574 : i32
      %mul3A_576 = arith.constant 4096 : i32
      %mul3A_577 = arith.muli %and3A_575, %mul3A_576 : i32
      %sub3A_578 = arith.subi %sub3A_573, %and3A_575 : i32
      %add3A_579 = arith.addi %mul3A_577, %sub3A_578 : i32
      %sub3A_580 = arith.constant 3 : i32
      %sub3A_581 = arith.subi %sub3A_555, %sub3A_580 : i32
      %and3A_582 = arith.constant 15 : i32
      %and3A_583 = arith.andi %sub3A_581, %and3A_582 : i32
      %mul3A_584 = arith.constant 4096 : i32
      %mul3A_585 = arith.muli %and3A_583, %mul3A_584 : i32
      %sub3A_586 = arith.subi %sub3A_581, %and3A_583 : i32
      %add3A_587 = arith.addi %mul3A_585, %sub3A_586 : i32
      %sub3A_588 = arith.constant 4 : i32
      %sub3A_589 = arith.subi %sub3A_555, %sub3A_588 : i32
      %and3A_590 = arith.constant 15 : i32
      %and3A_591 = arith.andi %sub3A_589, %and3A_590 : i32
      %mul3A_592 = arith.constant 4096 : i32
      %mul3A_593 = arith.muli %and3A_591, %mul3A_592 : i32
      %sub3A_594 = arith.subi %sub3A_589, %and3A_591 : i32
      %add3A_595 = arith.addi %mul3A_593, %sub3A_594 : i32
      %sub3A_596 = arith.constant 5 : i32
      %sub3A_597 = arith.subi %sub3A_555, %sub3A_596 : i32
      %and3A_598 = arith.constant 15 : i32
      %and3A_599 = arith.andi %sub3A_597, %and3A_598 : i32
      %mul3A_600 = arith.constant 4096 : i32
      %mul3A_601 = arith.muli %and3A_599, %mul3A_600 : i32
      %sub3A_602 = arith.subi %sub3A_597, %and3A_599 : i32
      %add3A_603 = arith.addi %mul3A_601, %sub3A_602 : i32
      %sub3A_604 = arith.constant 6 : i32
      %sub3A_605 = arith.subi %sub3A_555, %sub3A_604 : i32
      %and3A_606 = arith.constant 15 : i32
      %and3A_607 = arith.andi %sub3A_605, %and3A_606 : i32
      %mul3A_608 = arith.constant 4096 : i32
      %mul3A_609 = arith.muli %and3A_607, %mul3A_608 : i32
      %sub3A_610 = arith.subi %sub3A_605, %and3A_607 : i32
      %add3A_611 = arith.addi %mul3A_609, %sub3A_610 : i32
      %sub3A_612 = arith.constant 7 : i32
      %sub3A_613 = arith.subi %sub3A_555, %sub3A_612 : i32
      %and3A_614 = arith.constant 15 : i32
      %and3A_615 = arith.andi %sub3A_613, %and3A_614 : i32
      %mul3A_616 = arith.constant 4096 : i32
      %mul3A_617 = arith.muli %and3A_615, %mul3A_616 : i32
      %sub3A_618 = arith.subi %sub3A_613, %and3A_615 : i32
      %add3A_619 = arith.addi %mul3A_617, %sub3A_618 : i32
      %parallel_loop3A_620 = arith.constant 0 : i32
      %parallel_loop3A_621 = arith.constant 23 : i32
      %parallel_loop3A_622 = arith.constant 1 : i32
      scf.for %parallel_loop3A_791 = %parallel_loop3A_620 to %parallel_loop3A_621 step %parallel_loop3A_622  : i32 {
        %parallel_loop3A_792 = arith.constant 128 : i32
        %parallel_loop3A_793 = arith.muli %parallel_loop3A_791, %parallel_loop3A_792 : i32
        %parallel_loop3A_794 = arith.constant 0 : i32
        %parallel_loop3A_795 = arith.addi %parallel_loop3A_793, %parallel_loop3A_794 : i32
        %parallel_loop3A_796 = arith.addi %add3A_563, %parallel_loop3A_795 : i32
        %parallel_loop3A_797 = tpu.assume_multiple %parallel_loop3A_796, 16 : i32
        %parallel_loop3A_798 = arith.index_cast %parallel_loop3A_797 : i32 to index
        %parallel_loop3A_799 = tpu.vector_load %arg4[%parallel_loop3A_798] {strides = array<i32>} : memref<65536xf32, #tpu.memory_space<vmem>>, vector<16xf32>,
        %parallel_loop3A_800 = vector.shape_cast %parallel_loop3A_799 : vector<16xf32> to vector<16xf32>
        %parallel_loop3A_801 = tpu.assume_multiple %parallel_loop3A_795, 16 : i32
        %parallel_loop3A_802 = arith.constant 1 : i32
        %parallel_loop3A_803 = arith.constant 0 : i32
        %parallel_loop3A_804 = arith.index_cast %parallel_loop3A_802 : i32 to index
        %parallel_loop3A_805 = arith.index_cast %parallel_loop3A_803 : i32 to index
        %parallel_loop3A_806 = arith.index_cast %parallel_loop3A_801 : i32 to index
        %parallel_loop3A_807 = tpu.vector_load %arg5[%parallel_loop3A_804, %parallel_loop3A_805, %parallel_loop3A_806] {strides = array<i32>} : memref<2x8x3072xf32, #tpu.memory_space<vmem>>, vector<1x1x16xf32>,
        %parallel_loop3A_808 = vector.shape_cast %parallel_loop3A_807 : vector<1x1x16xf32> to vector<16xf32>
        %parallel_loop3A_809 = vector.shape_cast %parallel_loop3A_800 : vector<16xf32> to vector<1x1x16xf32>
        tpu.vector_store %arg5[%parallel_loop3A_804, %parallel_loop3A_805, %parallel_loop3A_806], %parallel_loop3A_809 {strides = array<i32>} : memref<2x8x3072xf32, #tpu.memory_space<vmem>>, vector<1x1x16xf32>,
        %parallel_loop3A_810 = arith.constant 16 : i32
        %parallel_loop3A_811 = arith.addi %parallel_loop3A_793, %parallel_loop3A_810 : i32
        %parallel_loop3A_812 = arith.addi %add3A_563, %parallel_loop3A_811 : i32
        %parallel_loop3A_813 = tpu.assume_multiple %parallel_loop3A_812, 16 : i32
        %parallel_loop3A_814 = arith.index_cast %parallel_loop3A_813 : i32 to index
        %parallel_loop3A_815 = tpu.vector_load %arg4[%parallel_loop3A_814] {strides = array<i32>} : memref<65536xf32, #tpu.memory_space<vmem>>, vector<16xf32>,
        %parallel_loop3A_816 = vector.shape_cast %parallel_loop3A_815 : vector<16xf32> to vector<16xf32>
        %parallel_loop3A_817 = tpu.assume_multiple %parallel_loop3A_811, 16 : i32
        %parallel_loop3A_818 = arith.constant 1 : i32
        %parallel_loop3A_819 = arith.constant 0 : i32
        %parallel_loop3A_820 = arith.index_cast %parallel_loop3A_818 : i32 to index
        %parallel_loop3A_821 = arith.index_cast %parallel_loop3A_819 : i32 to index
        %parallel_loop3A_822 = arith.index_cast %parallel_loop3A_817 : i32 to index
        %parallel_loop3A_823 = tpu.vector_load %arg5[%parallel_loop3A_820, %parallel_loop3A_821, %parallel_loop3A_822] {strides = array<i32>} : memref<2x8x3072xf32, #tpu.memory_space<vmem>>, vector<1x1x16xf32>,
        %parallel_loop3A_824 = vector.shape_cast %parallel_loop3A_823 : vector<1x1x16xf32> to vector<16xf32>
        %parallel_loop3A_825 = vector.shape_cast %parallel_loop3A_816 : vector<16xf32> to vector<1x1x16xf32>
        tpu.vector_store %arg5[%parallel_loop3A_820, %parallel_loop3A_821, %parallel_loop3A_822], %parallel_loop3A_825 {strides = array<i32>} : memref<2x8x3072xf32, #tpu.memory_space<vmem>>, vector<1x1x16xf32>,
        %parallel_loop3A_826 = arith.constant 32 : i32
        %parallel_loop3A_827 = arith.addi %parallel_loop3A_793, %parallel_loop3A_826 : i32
        %parallel_loop3A_828 = arith.addi %add3A_563, %parallel_loop3A_827 : i32
        %parallel_loop3A_829 = tpu.assume_multiple %parallel_loop3A_828, 16 : i32
        %parallel_loop3A_830 = arith.index_cast %parallel_loop3A_829 : i32 to index
        %parallel_loop3A_831 = tpu.vector_load %arg4[%parallel_loop3A_830] {strides = array<i32>} : memref<65536xf32, #tpu.memory_space<vmem>>, vector<16xf32>,
        %parallel_loop3A_832 = vector.shape_cast %parallel_loop3A_831 : vector<16xf32> to vector<16xf32>
        %parallel_loop3A_833 = tpu.assume_multiple %parallel_loop3A_827, 16 : i32
        %parallel_loop3A_834 = arith.constant 1 : i32
        %parallel_loop3A_835 = arith.constant 0 : i32
        %parallel_loop3A_836 = arith.index_cast %parallel_loop3A_834 : i32 to index
        %parallel_loop3A_837 = arith.index_cast %parallel_loop3A_835 : i32 to index
        %parallel_loop3A_838 = arith.index_cast %parallel_loop3A_833 : i32 to index
        %parallel_loop3A_839 = tpu.vector_load %arg5[%parallel_loop3A_836, %parallel_loop3A_837, %parallel_loop3A_838] {strides = array<i32>} : memref<2x8x3072xf32, #tpu.memory_space<vmem>>, vector<1x1x16xf32>,
        %parallel_loop3A_840 = vector.shape_cast %parallel_loop3A_839 : vector<1x1x16xf32> to vector<16xf32>
        %parallel_loop3A_841 = vector.shape_cast %parallel_loop3A_832 : vector<16xf32> to vector<1x1x16xf32>
        tpu.vector_store %arg5[%parallel_loop3A_836, %parallel_loop3A_837, %parallel_loop3A_838], %parallel_loop3A_841 {strides = array<i32>} : memref<2x8x3072xf32, #tpu.memory_space<vmem>>, vector<1x1x16xf32>,
        %parallel_loop3A_842 = arith.constant 48 : i32
        %parallel_loop3A_843 = arith.addi %parallel_loop3A_793, %parallel_loop3A_842 : i32
        %parallel_loop3A_844 = arith.addi %add3A_563, %parallel_loop3A_843 : i32
        %parallel_loop3A_845 = tpu.assume_multiple %parallel_loop3A_844, 16 : i32
        %parallel_loop3A_846 = arith.index_cast %parallel_loop3A_845 : i32 to index
        %parallel_loop3A_847 = tpu.vector_load %arg4[%parallel_loop3A_846] {strides = array<i32>} : memref<65536xf32, #tpu.memory_space<vmem>>, vector<16xf32>,
        %parallel_loop3A_848 = vector.shape_cast %parallel_loop3A_847 : vector<16xf32> to vector<16xf32>
        %parallel_loop3A_849 = tpu.assume_multiple %parallel_loop3A_843, 16 : i32
        %parallel_loop3A_850 = arith.constant 1 : i32
        %parallel_loop3A_851 = arith.constant 0 : i32
        %parallel_loop3A_852 = arith.index_cast %parallel_loop3A_850 : i32 to index
        %parallel_loop3A_853 = arith.index_cast %parallel_loop3A_851 : i32 to index
        %parallel_loop3A_854 = arith.index_cast %parallel_loop3A_849 : i32 to index
        %parallel_loop3A_855 = tpu.vector_load %arg5[%parallel_loop3A_852, %parallel_loop3A_853, %parallel_loop3A_854] {strides = array<i32>} : memref<2x8x3072xf32, #tpu.memory_space<vmem>>, vector<1x1x16xf32>,
        %parallel_loop3A_856 = vector.shape_cast %parallel_loop3A_855 : vector<1x1x16xf32> to vector<16xf32>
        %parallel_loop3A_857 = vector.shape_cast %parallel_loop3A_848 : vector<16xf32> to vector<1x1x16xf32>
        tpu.vector_store %arg5[%parallel_loop3A_852, %parallel_loop3A_853, %parallel_loop3A_854], %parallel_loop3A_857 {strides = array<i32>} : memref<2x8x3072xf32, #tpu.memory_space<vmem>>, vector<1x1x16xf32>,
        %parallel_loop3A_858 = arith.constant 64 : i32
        %parallel_loop3A_859 = arith.addi %parallel_loop3A_793, %parallel_loop3A_858 : i32
        %parallel_loop3A_860 = arith.addi %add3A_563, %parallel_loop3A_859 : i32
        %parallel_loop3A_861 = tpu.assume_multiple %parallel_loop3A_860, 16 : i32
        %parallel_loop3A_862 = arith.index_cast %parallel_loop3A_861 : i32 to index
        %parallel_loop3A_863 = tpu.vector_load %arg4[%parallel_loop3A_862] {strides = array<i32>} : memref<65536xf32, #tpu.memory_space<vmem>>, vector<16xf32>,
        %parallel_loop3A_864 = vector.shape_cast %parallel_loop3A_863 : vector<16xf32> to vector<16xf32>
        %parallel_loop3A_865 = tpu.assume_multiple %parallel_loop3A_859, 16 : i32
        %parallel_loop3A_866 = arith.constant 1 : i32
        %parallel_loop3A_867 = arith.constant 0 : i32
        %parallel_loop3A_868 = arith.index_cast %parallel_loop3A_866 : i32 to index
        %parallel_loop3A_869 = arith.index_cast %parallel_loop3A_867 : i32 to index
        %parallel_loop3A_870 = arith.index_cast %parallel_loop3A_865 : i32 to index
        %parallel_loop3A_871 = tpu.vector_load %arg5[%parallel_loop3A_868, %parallel_loop3A_869, %parallel_loop3A_870] {strides = array<i32>} : memref<2x8x3072xf32, #tpu.memory_space<vmem>>, vector<1x1x16xf32>,
        %parallel_loop3A_872 = vector.shape_cast %parallel_loop3A_871 : vector<1x1x16xf32> to vector<16xf32>
        %parallel_loop3A_873 = vector.shape_cast %parallel_loop3A_864 : vector<16xf32> to vector<1x1x16xf32>
        tpu.vector_store %arg5[%parallel_loop3A_868, %parallel_loop3A_869, %parallel_loop3A_870], %parallel_loop3A_873 {strides = array<i32>} : memref<2x8x3072xf32, #tpu.memory_space<vmem>>, vector<1x1x16xf32>,
        %parallel_loop3A_874 = arith.constant 80 : i32
        %parallel_loop3A_875 = arith.addi %parallel_loop3A_793, %parallel_loop3A_874 : i32
        %parallel_loop3A_876 = arith.addi %add3A_563, %parallel_loop3A_875 : i32
        %parallel_loop3A_877 = tpu.assume_multiple %parallel_loop3A_876, 16 : i32
        %parallel_loop3A_878 = arith.index_cast %parallel_loop3A_877 : i32 to index
        %parallel_loop3A_879 = tpu.vector_load %arg4[%parallel_loop3A_878] {strides = array<i32>} : memref<65536xf32, #tpu.memory_space<vmem>>, vector<16xf32>,
        %parallel_loop3A_880 = vector.shape_cast %parallel_loop3A_879 : vector<16xf32> to vector<16xf32>
        %parallel_loop3A_881 = tpu.assume_multiple %parallel_loop3A_875, 16 : i32
        %parallel_loop3A_882 = arith.constant 1 : i32
        %parallel_loop3A_883 = arith.constant 0 : i32
        %parallel_loop3A_884 = arith.index_cast %parallel_loop3A_882 : i32 to index
        %parallel_loop3A_885 = arith.index_cast %parallel_loop3A_883 : i32 to index
        %parallel_loop3A_886 = arith.index_cast %parallel_loop3A_881 : i32 to index
        %parallel_loop3A_887 = tpu.vector_load %arg5[%parallel_loop3A_884, %parallel_loop3A_885, %parallel_loop3A_886] {strides = array<i32>} : memref<2x8x3072xf32, #tpu.memory_space<vmem>>, vector<1x1x16xf32>,
        %parallel_loop3A_888 = vector.shape_cast %parallel_loop3A_887 : vector<1x1x16xf32> to vector<16xf32>
        %parallel_loop3A_889 = vector.shape_cast %parallel_loop3A_880 : vector<16xf32> to vector<1x1x16xf32>
        tpu.vector_store %arg5[%parallel_loop3A_884, %parallel_loop3A_885, %parallel_loop3A_886], %parallel_loop3A_889 {strides = array<i32>} : memref<2x8x3072xf32, #tpu.memory_space<vmem>>, vector<1x1x16xf32>,
        %parallel_loop3A_890 = arith.constant 96 : i32
        %parallel_loop3A_891 = arith.addi %parallel_loop3A_793, %parallel_loop3A_890 : i32
        %parallel_loop3A_892 = arith.addi %add3A_563, %parallel_loop3A_891 : i32
        %parallel_loop3A_893 = tpu.assume_multiple %parallel_loop3A_892, 16 : i32
        %parallel_loop3A_894 = arith.index_cast %parallel_loop3A_893 : i32 to index
        %parallel_loop3A_895 = tpu.vector_load %arg4[%parallel_loop3A_894] {strides = array<i32>} : memref<65536xf32, #tpu.memory_space<vmem>>, vector<16xf32>,
        %parallel_loop3A_896 = vector.shape_cast %parallel_loop3A_895 : vector<16xf32> to vector<16xf32>
        %parallel_loop3A_897 = tpu.assume_multiple %parallel_loop3A_891, 16 : i32
        %parallel_loop3A_898 = arith.constant 1 : i32
        %parallel_loop3A_899 = arith.constant 0 : i32
        %parallel_loop3A_900 = arith.index_cast %parallel_loop3A_898 : i32 to index
        %parallel_loop3A_901 = arith.index_cast %parallel_loop3A_899 : i32 to index
        %parallel_loop3A_902 = arith.index_cast %parallel_loop3A_897 : i32 to index
        %parallel_loop3A_903 = tpu.vector_load %arg5[%parallel_loop3A_900, %parallel_loop3A_901, %parallel_loop3A_902] {strides = array<i32>} : memref<2x8x3072xf32, #tpu.memory_space<vmem>>, vector<1x1x16xf32>,
        %parallel_loop3A_904 = vector.shape_cast %parallel_loop3A_903 : vector<1x1x16xf32> to vector<16xf32>
        %parallel_loop3A_905 = vector.shape_cast %parallel_loop3A_896 : vector<16xf32> to vector<1x1x16xf32>
        tpu.vector_store %arg5[%parallel_loop3A_900, %parallel_loop3A_901, %parallel_loop3A_902], %parallel_loop3A_905 {strides = array<i32>} : memref<2x8x3072xf32, #tpu.memory_space<vmem>>, vector<1x1x16xf32>,
        %parallel_loop3A_906 = arith.constant 112 : i32
        %parallel_loop3A_907 = arith.addi %parallel_loop3A_793, %parallel_loop3A_906 : i32
        %parallel_loop3A_908 = arith.addi %add3A_563, %parallel_loop3A_907 : i32
        %parallel_loop3A_909 = tpu.assume_multiple %parallel_loop3A_908, 16 : i32
        %parallel_loop3A_910 = arith.index_cast %parallel_loop3A_909 : i32 to index
        %parallel_loop3A_911 = tpu.vector_load %arg4[%parallel_loop3A_910] {strides = array<i32>} : memref<65536xf32, #tpu.memory_space<vmem>>, vector<16xf32>,
        %parallel_loop3A_912 = vector.shape_cast %parallel_loop3A_911 : vector<16xf32> to vector<16xf32>
        %parallel_loop3A_913 = tpu.assume_multiple %parallel_loop3A_907, 16 : i32
        %parallel_loop3A_914 = arith.constant 1 : i32
        %parallel_loop3A_915 = arith.constant 0 : i32
        %parallel_loop3A_916 = arith.index_cast %parallel_loop3A_914 : i32 to index
        %parallel_loop3A_917 = arith.index_cast %parallel_loop3A_915 : i32 to index
        %parallel_loop3A_918 = arith.index_cast %parallel_loop3A_913 : i32 to index
        %parallel_loop3A_919 = tpu.vector_load %arg5[%parallel_loop3A_916, %parallel_loop3A_917, %parallel_loop3A_918] {strides = array<i32>} : memref<2x8x3072xf32, #tpu.memory_space<vmem>>, vector<1x1x16xf32>,
        %parallel_loop3A_920 = vector.shape_cast %parallel_loop3A_919 : vector<1x1x16xf32> to vector<16xf32>
        %parallel_loop3A_921 = vector.shape_cast %parallel_loop3A_912 : vector<16xf32> to vector<1x1x16xf32>
        tpu.vector_store %arg5[%parallel_loop3A_916, %parallel_loop3A_917, %parallel_loop3A_918], %parallel_loop3A_921 {strides = array<i32>} : memref<2x8x3072xf32, #tpu.memory_space<vmem>>, vector<1x1x16xf32>,
        %parallel_loop3A_922 = arith.constant 0 : i32
        %parallel_loop3A_923 = arith.addi %parallel_loop3A_793, %parallel_loop3A_922 : i32
        %parallel_loop3A_924 = arith.addi %add3A_571, %parallel_loop3A_923 : i32
        %parallel_loop3A_925 = tpu.assume_multiple %parallel_loop3A_924, 16 : i32
        %parallel_loop3A_926 = arith.index_cast %parallel_loop3A_925 : i32 to index
        %parallel_loop3A_927 = tpu.vector_load %arg4[%parallel_loop3A_926] {strides = array<i32>} : memref<65536xf32, #tpu.memory_space<vmem>>, vector<16xf32>,
        %parallel_loop3A_928 = vector.shape_cast %parallel_loop3A_927 : vector<16xf32> to vector<16xf32>
        %parallel_loop3A_929 = tpu.assume_multiple %parallel_loop3A_923, 16 : i32
        %parallel_loop3A_930 = arith.constant 1 : i32
        %parallel_loop3A_931 = arith.constant 1 : i32
        %parallel_loop3A_932 = arith.index_cast %parallel_loop3A_930 : i32 to index
        %parallel_loop3A_933 = arith.index_cast %parallel_loop3A_931 : i32 to index
        %parallel_loop3A_934 = arith.index_cast %parallel_loop3A_929 : i32 to index
        %parallel_loop3A_935 = tpu.vector_load %arg5[%parallel_loop3A_932, %parallel_loop3A_933, %parallel_loop3A_934] {strides = array<i32>} : memref<2x8x3072xf32, #tpu.memory_space<vmem>>, vector<1x1x16xf32>,
        %parallel_loop3A_936 = vector.shape_cast %parallel_loop3A_935 : vector<1x1x16xf32> to vector<16xf32>
        %parallel_loop3A_937 = vector.shape_cast %parallel_loop3A_928 : vector<16xf32> to vector<1x1x16xf32>
        tpu.vector_store %arg5[%parallel_loop3A_932, %parallel_loop3A_933, %parallel_loop3A_934], %parallel_loop3A_937 {strides = array<i32>} : memref<2x8x3072xf32, #tpu.memory_space<vmem>>, vector<1x1x16xf32>,
        %parallel_loop3A_938 = arith.constant 16 : i32
        %parallel_loop3A_939 = arith.addi %parallel_loop3A_793, %parallel_loop3A_938 : i32
        %parallel_loop3A_940 = arith.addi %add3A_571, %parallel_loop3A_939 : i32
        %parallel_loop3A_941 = tpu.assume_multiple %parallel_loop3A_940, 16 : i32
        %parallel_loop3A_942 = arith.index_cast %parallel_loop3A_941 : i32 to index
        %parallel_loop3A_943 = tpu.vector_load %arg4[%parallel_loop3A_942] {strides = array<i32>} : memref<65536xf32, #tpu.memory_space<vmem>>, vector<16xf32>,
        %parallel_loop3A_944 = vector.shape_cast %parallel_loop3A_943 : vector<16xf32> to vector<16xf32>
        %parallel_loop3A_945 = tpu.assume_multiple %parallel_loop3A_939, 16 : i32
        %parallel_loop3A_946 = arith.constant 1 : i32
        %parallel_loop3A_947 = arith.constant 1 : i32
        %parallel_loop3A_948 = arith.index_cast %parallel_loop3A_946 : i32 to index
        %parallel_loop3A_949 = arith.index_cast %parallel_loop3A_947 : i32 to index
        %parallel_loop3A_950 = arith.index_cast %parallel_loop3A_945 : i32 to index
        %parallel_loop3A_951 = tpu.vector_load %arg5[%parallel_loop3A_948, %parallel_loop3A_949, %parallel_loop3A_950] {strides = array<i32>} : memref<2x8x3072xf32, #tpu.memory_space<vmem>>, vector<1x1x16xf32>,
        %parallel_loop3A_952 = vector.shape_cast %parallel_loop3A_951 : vector<1x1x16xf32> to vector<16xf32>
        %parallel_loop3A_953 = vector.shape_cast %parallel_loop3A_944 : vector<16xf32> to vector<1x1x16xf32>
        tpu.vector_store %arg5[%parallel_loop3A_948, %parallel_loop3A_949, %parallel_loop3A_950], %parallel_loop3A_953 {strides = array<i32>} : memref<2x8x3072xf32, #tpu.memory_space<vmem>>, vector<1x1x16xf32>,
        %parallel_loop3A_954 = arith.constant 32 : i32
        %parallel_loop3A_955 = arith.addi %parallel_loop3A_793, %parallel_loop3A_954 : i32
        %parallel_loop3A_956 = arith.addi %add3A_571, %parallel_loop3A_955 : i32
        %parallel_loop3A_957 = tpu.assume_multiple %parallel_loop3A_956, 16 : i32
        %parallel_loop3A_958 = arith.index_cast %parallel_loop3A_957 : i32 to index
        %parallel_loop3A_959 = tpu.vector_load %arg4[%parallel_loop3A_958] {strides = array<i32>} : memref<65536xf32, #tpu.memory_space<vmem>>, vector<16xf32>,
        %parallel_loop3A_960 = vector.shape_cast %parallel_loop3A_959 : vector<16xf32> to vector<16xf32>
        %parallel_loop3A_961 = tpu.assume_multiple %parallel_loop3A_955, 16 : i32
        %parallel_loop3A_962 = arith.constant 1 : i32
        %parallel_loop3A_963 = arith.constant 1 : i32
        %parallel_loop3A_964 = arith.index_cast %parallel_loop3A_962 : i32 to index
        %parallel_loop3A_965 = arith.index_cast %parallel_loop3A_963 : i32 to index
        %parallel_loop3A_966 = arith.index_cast %parallel_loop3A_961 : i32 to index
        %parallel_loop3A_967 = tpu.vector_load %arg5[%parallel_loop3A_964, %parallel_loop3A_965, %parallel_loop3A_966] {strides = array<i32>} : memref<2x8x3072xf32, #tpu.memory_space<vmem>>, vector<1x1x16xf32>,
        %parallel_loop3A_968 = vector.shape_cast %parallel_loop3A_967 : vector<1x1x16xf32> to vector<16xf32>
        %parallel_loop3A_969 = vector.shape_cast %parallel_loop3A_960 : vector<16xf32> to vector<1x1x16xf32>
        tpu.vector_store %arg5[%parallel_loop3A_964, %parallel_loop3A_965, %parallel_loop3A_966], %parallel_loop3A_969 {strides = array<i32>} : memref<2x8x3072xf32, #tpu.memory_space<vmem>>, vector<1x1x16xf32>,
        %parallel_loop3A_970 = arith.constant 48 : i32
        %parallel_loop3A_971 = arith.addi %parallel_loop3A_793, %parallel_loop3A_970 : i32
        %parallel_loop3A_972 = arith.addi %add3A_571, %parallel_loop3A_971 : i32
        %parallel_loop3A_973 = tpu.assume_multiple %parallel_loop3A_972, 16 : i32
        %parallel_loop3A_974 = arith.index_cast %parallel_loop3A_973 : i32 to index
        %parallel_loop3A_975 = tpu.vector_load %arg4[%parallel_loop3A_974] {strides = array<i32>} : memref<65536xf32, #tpu.memory_space<vmem>>, vector<16xf32>,
        %parallel_loop3A_976 = vector.shape_cast %parallel_loop3A_975 : vector<16xf32> to vector<16xf32>
        %parallel_loop3A_977 = tpu.assume_multiple %parallel_loop3A_971, 16 : i32
        %parallel_loop3A_978 = arith.constant 1 : i32
        %parallel_loop3A_979 = arith.constant 1 : i32
        %parallel_loop3A_980 = arith.index_cast %parallel_loop3A_978 : i32 to index
        %parallel_loop3A_981 = arith.index_cast %parallel_loop3A_979 : i32 to index
        %parallel_loop3A_982 = arith.index_cast %parallel_loop3A_977 : i32 to index
        %parallel_loop3A_983 = tpu.vector_load %arg5[%parallel_loop3A_980, %parallel_loop3A_981, %parallel_loop3A_982] {strides = array<i32>} : memref<2x8x3072xf32, #tpu.memory_space<vmem>>, vector<1x1x16xf32>,
        %parallel_loop3A_984 = vector.shape_cast %parallel_loop3A_983 : vector<1x1x16xf32> to vector<16xf32>
        %parallel_loop3A_985 = vector.shape_cast %parallel_loop3A_976 : vector<16xf32> to vector<1x1x16xf32>
        tpu.vector_store %arg5[%parallel_loop3A_980, %parallel_loop3A_981, %parallel_loop3A_982], %parallel_loop3A_985 {strides = array<i32>} : memref<2x8x3072xf32, #tpu.memory_space<vmem>>, vector<1x1x16xf32>,
        %parallel_loop3A_986 = arith.constant 64 : i32
        %parallel_loop3A_987 = arith.addi %parallel_loop3A_793, %parallel_loop3A_986 : i32
        %parallel_loop3A_988 = arith.addi %add3A_571, %parallel_loop3A_987 : i32
        %parallel_loop3A_989 = tpu.assume_multiple %parallel_loop3A_988, 16 : i32
        %parallel_loop3A_990 = arith.index_cast %parallel_loop3A_989 : i32 to index
        %parallel_loop3A_991 = tpu.vector_load %arg4[%parallel_loop3A_990] {strides = array<i32>} : memref<65536xf32, #tpu.memory_space<vmem>>, vector<16xf32>,
        %parallel_loop3A_992 = vector.shape_cast %parallel_loop3A_991 : vector<16xf32> to vector<16xf32>
        %parallel_loop3A_993 = tpu.assume_multiple %parallel_loop3A_987, 16 : i32
        %parallel_loop3A_994 = arith.constant 1 : i32
        %parallel_loop3A_995 = arith.constant 1 : i32
        %parallel_loop3A_996 = arith.index_cast %parallel_loop3A_994 : i32 to index
        %parallel_loop3A_997 = arith.index_cast %parallel_loop3A_995 : i32 to index
        %parallel_loop3A_998 = arith.index_cast %parallel_loop3A_993 : i32 to index
        %parallel_loop3A_999 = tpu.vector_load %arg5[%parallel_loop3A_996, %parallel_loop3A_997, %parallel_loop3A_998] {strides = array<i32>} : memref<2x8x3072xf32, #tpu.memory_space<vmem>>, vector<1x1x16xf32>,
        %parallel_loop3A_1000 = vector.shape_cast %parallel_loop3A_999 : vector<1x1x16xf32> to vector<16xf32>
        %parallel_loop3A_1001 = vector.shape_cast %parallel_loop3A_992 : vector<16xf32> to vector<1x1x16xf32>
        tpu.vector_store %arg5[%parallel_loop3A_996, %parallel_loop3A_997, %parallel_loop3A_998], %parallel_loop3A_1001 {strides = array<i32>} : memref<2x8x3072xf32, #tpu.memory_space<vmem>>, vector<1x1x16xf32>,
        %parallel_loop3A_1002 = arith.constant 80 : i32
        %parallel_loop3A_1003 = arith.addi %parallel_loop3A_793, %parallel_loop3A_1002 : i32
        %parallel_loop3A_1004 = arith.addi %add3A_571, %parallel_loop3A_1003 : i32
        %parallel_loop3A_1005 = tpu.assume_multiple %parallel_loop3A_1004, 16 : i32
        %parallel_loop3A_1006 = arith.index_cast %parallel_loop3A_1005 : i32 to index
        %parallel_loop3A_1007 = tpu.vector_load %arg4[%parallel_loop3A_1006] {strides = array<i32>} : memref<65536xf32, #tpu.memory_space<vmem>>, vector<16xf32>,
        %parallel_loop3A_1008 = vector.shape_cast %parallel_loop3A_1007 : vector<16xf32> to vector<16xf32>
        %parallel_loop3A_1009 = tpu.assume_multiple %parallel_loop3A_1003, 16 : i32
        %parallel_loop3A_1010 = arith.constant 1 : i32
        %parallel_loop3A_1011 = arith.constant 1 : i32
        %parallel_loop3A_1012 = arith.index_cast %parallel_loop3A_1010 : i32 to index
        %parallel_loop3A_1013 = arith.index_cast %parallel_loop3A_1011 : i32 to index
        %parallel_loop3A_1014 = arith.index_cast %parallel_loop3A_1009 : i32 to index
        %parallel_loop3A_1015 = tpu.vector_load %arg5[%parallel_loop3A_1012, %parallel_loop3A_1013, %parallel_loop3A_1014] {strides = array<i32>} : memref<2x8x3072xf32, #tpu.memory_space<vmem>>, vector<1x1x16xf32>,
        %parallel_loop3A_1016 = vector.shape_cast %parallel_loop3A_1015 : vector<1x1x16xf32> to vector<16xf32>
        %parallel_loop3A_1017 = vector.shape_cast %parallel_loop3A_1008 : vector<16xf32> to vector<1x1x16xf32>
        tpu.vector_store %arg5[%parallel_loop3A_1012, %parallel_loop3A_1013, %parallel_loop3A_1014], %parallel_loop3A_1017 {strides = array<i32>} : memref<2x8x3072xf32, #tpu.memory_space<vmem>>, vector<1x1x16xf32>,
        %parallel_loop3A_1018 = arith.constant 96 : i32
        %parallel_loop3A_1019 = arith.addi %parallel_loop3A_793, %parallel_loop3A_1018 : i32
        %parallel_loop3A_1020 = arith.addi %add3A_571, %parallel_loop3A_1019 : i32
        %parallel_loop3A_1021 = tpu.assume_multiple %parallel_loop3A_1020, 16 : i32
        %parallel_loop3A_1022 = arith.index_cast %parallel_loop3A_1021 : i32 to index
        %parallel_loop3A_1023 = tpu.vector_load %arg4[%parallel_loop3A_1022] {strides = array<i32>} : memref<65536xf32, #tpu.memory_space<vmem>>, vector<16xf32>,
        %parallel_loop3A_1024 = vector.shape_cast %parallel_loop3A_1023 : vector<16xf32> to vector<16xf32>
        %parallel_loop3A_1025 = tpu.assume_multiple %parallel_loop3A_1019, 16 : i32
        %parallel_loop3A_1026 = arith.constant 1 : i32
        %parallel_loop3A_1027 = arith.constant 1 : i32
        %parallel_loop3A_1028 = arith.index_cast %parallel_loop3A_1026 : i32 to index
        %parallel_loop3A_1029 = arith.index_cast %parallel_loop3A_1027 : i32 to index
        %parallel_loop3A_1030 = arith.index_cast %parallel_loop3A_1025 : i32 to index
        %parallel_loop3A_1031 = tpu.vector_load %arg5[%parallel_loop3A_1028, %parallel_loop3A_1029, %parallel_loop3A_1030] {strides = array<i32>} : memref<2x8x3072xf32, #tpu.memory_space<vmem>>, vector<1x1x16xf32>,
        %parallel_loop3A_1032 = vector.shape_cast %parallel_loop3A_1031 : vector<1x1x16xf32> to vector<16xf32>
        %parallel_loop3A_1033 = vector.shape_cast %parallel_loop3A_1024 : vector<16xf32> to vector<1x1x16xf32>
        tpu.vector_store %arg5[%parallel_loop3A_1028, %parallel_loop3A_1029, %parallel_loop3A_1030], %parallel_loop3A_1033 {strides = array<i32>} : memref<2x8x3072xf32, #tpu.memory_space<vmem>>, vector<1x1x16xf32>,
        %parallel_loop3A_1034 = arith.constant 112 : i32
        %parallel_loop3A_1035 = arith.addi %parallel_loop3A_793, %parallel_loop3A_1034 : i32
        %parallel_loop3A_1036 = arith.addi %add3A_571, %parallel_loop3A_1035 : i32
        %parallel_loop3A_1037 = tpu.assume_multiple %parallel_loop3A_1036, 16 : i32
        %parallel_loop3A_1038 = arith.index_cast %parallel_loop3A_1037 : i32 to index
        %parallel_loop3A_1039 = tpu.vector_load %arg4[%parallel_loop3A_1038] {strides = array<i32>} : memref<65536xf32, #tpu.memory_space<vmem>>, vector<16xf32>,
        %parallel_loop3A_1040 = vector.shape_cast %parallel_loop3A_1039 : vector<16xf32> to vector<16xf32>
        %parallel_loop3A_1041 = tpu.assume_multiple %parallel_loop3A_1035, 16 : i32
        %parallel_loop3A_1042 = arith.constant 1 : i32
        %parallel_loop3A_1043 = arith.constant 1 : i32
        %parallel_loop3A_1044 = arith.index_cast %parallel_loop3A_1042 : i32 to index
        %parallel_loop3A_1045 = arith.index_cast %parallel_loop3A_1043 : i32 to index
        %parallel_loop3A_1046 = arith.index_cast %parallel_loop3A_1041 : i32 to index
        %parallel_loop3A_1047 = tpu.vector_load %arg5[%parallel_loop3A_1044, %parallel_loop3A_1045, %parallel_loop3A_1046] {strides = array<i32>} : memref<2x8x3072xf32, #tpu.memory_space<vmem>>, vector<1x1x16xf32>,
        %parallel_loop3A_1048 = vector.shape_cast %parallel_loop3A_1047 : vector<1x1x16xf32> to vector<16xf32>
        %parallel_loop3A_1049 = vector.shape_cast %parallel_loop3A_1040 : vector<16xf32> to vector<1x1x16xf32>
        tpu.vector_store %arg5[%parallel_loop3A_1044, %parallel_loop3A_1045, %parallel_loop3A_1046], %parallel_loop3A_1049 {strides = array<i32>} : memref<2x8x3072xf32, #tpu.memory_space<vmem>>, vector<1x1x16xf32>,
        %parallel_loop3A_1050 = arith.constant 0 : i32
        %parallel_loop3A_1051 = arith.addi %parallel_loop3A_793, %parallel_loop3A_1050 : i32
        %parallel_loop3A_1052 = arith.addi %add3A_579, %parallel_loop3A_1051 : i32
        %parallel_loop3A_1053 = tpu.assume_multiple %parallel_loop3A_1052, 16 : i32
        %parallel_loop3A_1054 = arith.index_cast %parallel_loop3A_1053 : i32 to index
        %parallel_loop3A_1055 = tpu.vector_load %arg4[%parallel_loop3A_1054] {strides = array<i32>} : memref<65536xf32, #tpu.memory_space<vmem>>, vector<16xf32>,
        %parallel_loop3A_1056 = vector.shape_cast %parallel_loop3A_1055 : vector<16xf32> to vector<16xf32>
        %parallel_loop3A_1057 = tpu.assume_multiple %parallel_loop3A_1051, 16 : i32
        %parallel_loop3A_1058 = arith.constant 1 : i32
        %parallel_loop3A_1059 = arith.constant 2 : i32
        %parallel_loop3A_1060 = arith.index_cast %parallel_loop3A_1058 : i32 to index
        %parallel_loop3A_1061 = arith.index_cast %parallel_loop3A_1059 : i32 to index
        %parallel_loop3A_1062 = arith.index_cast %parallel_loop3A_1057 : i32 to index
        %parallel_loop3A_1063 = tpu.vector_load %arg5[%parallel_loop3A_1060, %parallel_loop3A_1061, %parallel_loop3A_1062] {strides = array<i32>} : memref<2x8x3072xf32, #tpu.memory_space<vmem>>, vector<1x1x16xf32>,
        %parallel_loop3A_1064 = vector.shape_cast %parallel_loop3A_1063 : vector<1x1x16xf32> to vector<16xf32>
        %parallel_loop3A_1065 = vector.shape_cast %parallel_loop3A_1056 : vector<16xf32> to vector<1x1x16xf32>
        tpu.vector_store %arg5[%parallel_loop3A_1060, %parallel_loop3A_1061, %parallel_loop3A_1062], %parallel_loop3A_1065 {strides = array<i32>} : memref<2x8x3072xf32, #tpu.memory_space<vmem>>, vector<1x1x16xf32>,
        %parallel_loop3A_1066 = arith.constant 16 : i32
        %parallel_loop3A_1067 = arith.addi %parallel_loop3A_793, %parallel_loop3A_1066 : i32
        %parallel_loop3A_1068 = arith.addi %add3A_579, %parallel_loop3A_1067 : i32
        %parallel_loop3A_1069 = tpu.assume_multiple %parallel_loop3A_1068, 16 : i32
        %parallel_loop3A_1070 = arith.index_cast %parallel_loop3A_1069 : i32 to index
        %parallel_loop3A_1071 = tpu.vector_load %arg4[%parallel_loop3A_1070] {strides = array<i32>} : memref<65536xf32, #tpu.memory_space<vmem>>, vector<16xf32>,
        %parallel_loop3A_1072 = vector.shape_cast %parallel_loop3A_1071 : vector<16xf32> to vector<16xf32>
        %parallel_loop3A_1073 = tpu.assume_multiple %parallel_loop3A_1067, 16 : i32
        %parallel_loop3A_1074 = arith.constant 1 : i32
        %parallel_loop3A_1075 = arith.constant 2 : i32
        %parallel_loop3A_1076 = arith.index_cast %parallel_loop3A_1074 : i32 to index
        %parallel_loop3A_1077 = arith.index_cast %parallel_loop3A_1075 : i32 to index
        %parallel_loop3A_1078 = arith.index_cast %parallel_loop3A_1073 : i32 to index
        %parallel_loop3A_1079 = tpu.vector_load %arg5[%parallel_loop3A_1076, %parallel_loop3A_1077, %parallel_loop3A_1078] {strides = array<i32>} : memref<2x8x3072xf32, #tpu.memory_space<vmem>>, vector<1x1x16xf32>,
        %parallel_loop3A_1080 = vector.shape_cast %parallel_loop3A_1079 : vector<1x1x16xf32> to vector<16xf32>
        %parallel_loop3A_1081 = vector.shape_cast %parallel_loop3A_1072 : vector<16xf32> to vector<1x1x16xf32>
        tpu.vector_store %arg5[%parallel_loop3A_1076, %parallel_loop3A_1077, %parallel_loop3A_1078], %parallel_loop3A_1081 {strides = array<i32>} : memref<2x8x3072xf32, #tpu.memory_space<vmem>>, vector<1x1x16xf32>,
        %parallel_loop3A_1082 = arith.constant 32 : i32
        %parallel_loop3A_1083 = arith.addi %parallel_loop3A_793, %parallel_loop3A_1082 : i32
        %parallel_loop3A_1084 = arith.addi %add3A_579, %parallel_loop3A_1083 : i32
        %parallel_loop3A_1085 = tpu.assume_multiple %parallel_loop3A_1084, 16 : i32
        %parallel_loop3A_1086 = arith.index_cast %parallel_loop3A_1085 : i32 to index
        %parallel_loop3A_1087 = tpu.vector_load %arg4[%parallel_loop3A_1086] {strides = array<i32>} : memref<65536xf32, #tpu.memory_space<vmem>>, vector<16xf32>,
        %parallel_loop3A_1088 = vector.shape_cast %parallel_loop3A_1087 : vector<16xf32> to vector<16xf32>
        %parallel_loop3A_1089 = tpu.assume_multiple %parallel_loop3A_1083, 16 : i32
        %parallel_loop3A_1090 = arith.constant 1 : i32
        %parallel_loop3A_1091 = arith.constant 2 : i32
        %parallel_loop3A_1092 = arith.index_cast %parallel_loop3A_1090 : i32 to index
        %parallel_loop3A_1093 = arith.index_cast %parallel_loop3A_1091 : i32 to index
        %parallel_loop3A_1094 = arith.index_cast %parallel_loop3A_1089 : i32 to index
        %parallel_loop3A_1095 = tpu.vector_load %arg5[%parallel_loop3A_1092, %parallel_loop3A_1093, %parallel_loop3A_1094] {strides = array<i32>} : memref<2x8x3072xf32, #tpu.memory_space<vmem>>, vector<1x1x16xf32>,
        %parallel_loop3A_1096 = vector.shape_cast %parallel_loop3A_1095 : vector<1x1x16xf32> to vector<16xf32>
        %parallel_loop3A_1097 = vector.shape_cast %parallel_loop3A_1088 : vector<16xf32> to vector<1x1x16xf32>
        tpu.vector_store %arg5[%parallel_loop3A_1092, %parallel_loop3A_1093, %parallel_loop3A_1094], %parallel_loop3A_1097 {strides = array<i32>} : memref<2x8x3072xf32, #tpu.memory_space<vmem>>, vector<1x1x16xf32>,
        %parallel_loop3A_1098 = arith.constant 48 : i32
        %parallel_loop3A_1099 = arith.addi %parallel_loop3A_793, %parallel_loop3A_1098 : i32
        %parallel_loop3A_1100 = arith.addi %add3A_579, %parallel_loop3A_1099 : i32
        %parallel_loop3A_1101 = tpu.assume_multiple %parallel_loop3A_1100, 16 : i32
        %parallel_loop3A_1102 = arith.index_cast %parallel_loop3A_1101 : i32 to index
        %parallel_loop3A_1103 = tpu.vector_load %arg4[%parallel_loop3A_1102] {strides = array<i32>} : memref<65536xf32, #tpu.memory_space<vmem>>, vector<16xf32>,
        %parallel_loop3A_1104 = vector.shape_cast %parallel_loop3A_1103 : vector<16xf32> to vector<16xf32>
        %parallel_loop3A_1105 = tpu.assume_multiple %parallel_loop3A_1099, 16 : i32
        %parallel_loop3A_1106 = arith.constant 1 : i32
        %parallel_loop3A_1107 = arith.constant 2 : i32
        %parallel_loop3A_1108 = arith.index_cast %parallel_loop3A_1106 : i32 to index
        %parallel_loop3A_1109 = arith.index_cast %parallel_loop3A_1107 : i32 to index
        %parallel_loop3A_1110 = arith.index_cast %parallel_loop3A_1105 : i32 to index
        %parallel_loop3A_1111 = tpu.vector_load %arg5[%parallel_loop3A_1108, %parallel_loop3A_1109, %parallel_loop3A_1110] {strides = array<i32>} : memref<2x8x3072xf32, #tpu.memory_space<vmem>>, vector<1x1x16xf32>,
        %parallel_loop3A_1112 = vector.shape_cast %parallel_loop3A_1111 : vector<1x1x16xf32> to vector<16xf32>
        %parallel_loop3A_1113 = vector.shape_cast %parallel_loop3A_1104 : vector<16xf32> to vector<1x1x16xf32>
        tpu.vector_store %arg5[%parallel_loop3A_1108, %parallel_loop3A_1109, %parallel_loop3A_1110], %parallel_loop3A_1113 {strides = array<i32>} : memref<2x8x3072xf32, #tpu.memory_space<vmem>>, vector<1x1x16xf32>,
        %parallel_loop3A_1114 = arith.constant 64 : i32
        %parallel_loop3A_1115 = arith.addi %parallel_loop3A_793, %parallel_loop3A_1114 : i32
        %parallel_loop3A_1116 = arith.addi %add3A_579, %parallel_loop3A_1115 : i32
        %parallel_loop3A_1117 = tpu.assume_multiple %parallel_loop3A_1116, 16 : i32
        %parallel_loop3A_1118 = arith.index_cast %parallel_loop3A_1117 : i32 to index
        %parallel_loop3A_1119 = tpu.vector_load %arg4[%parallel_loop3A_1118] {strides = array<i32>} : memref<65536xf32, #tpu.memory_space<vmem>>, vector<16xf32>,
        %parallel_loop3A_1120 = vector.shape_cast %parallel_loop3A_1119 : vector<16xf32> to vector<16xf32>
        %parallel_loop3A_1121 = tpu.assume_multiple %parallel_loop3A_1115, 16 : i32
        %parallel_loop3A_1122 = arith.constant 1 : i32
        %parallel_loop3A_1123 = arith.constant 2 : i32
        %parallel_loop3A_1124 = arith.index_cast %parallel_loop3A_1122 : i32 to index
        %parallel_loop3A_1125 = arith.index_cast %parallel_loop3A_1123 : i32 to index
        %parallel_loop3A_1126 = arith.index_cast %parallel_loop3A_1121 : i32 to index
        %parallel_loop3A_1127 = tpu.vector_load %arg5[%parallel_loop3A_1124, %parallel_loop3A_1125, %parallel_loop3A_1126] {strides = array<i32>} : memref<2x8x3072xf32, #tpu.memory_space<vmem>>, vector<1x1x16xf32>,
        %parallel_loop3A_1128 = vector.shape_cast %parallel_loop3A_1127 : vector<1x1x16xf32> to vector<16xf32>
        %parallel_loop3A_1129 = vector.shape_cast %parallel_loop3A_1120 : vector<16xf32> to vector<1x1x16xf32>
        tpu.vector_store %arg5[%parallel_loop3A_1124, %parallel_loop3A_1125, %parallel_loop3A_1126], %parallel_loop3A_1129 {strides = array<i32>} : memref<2x8x3072xf32, #tpu.memory_space<vmem>>, vector<1x1x16xf32>,
        %parallel_loop3A_1130 = arith.constant 80 : i32
        %parallel_loop3A_1131 = arith.addi %parallel_loop3A_793, %parallel_loop3A_1130 : i32
        %parallel_loop3A_1132 = arith.addi %add3A_579, %parallel_loop3A_1131 : i32
        %parallel_loop3A_1133 = tpu.assume_multiple %parallel_loop3A_1132, 16 : i32
        %parallel_loop3A_1134 = arith.index_cast %parallel_loop3A_1133 : i32 to index
        %parallel_loop3A_1135 = tpu.vector_load %arg4[%parallel_loop3A_1134] {strides = array<i32>} : memref<65536xf32, #tpu.memory_space<vmem>>, vector<16xf32>,
        %parallel_loop3A_1136 = vector.shape_cast %parallel_loop3A_1135 : vector<16xf32> to vector<16xf32>
        %parallel_loop3A_1137 = tpu.assume_multiple %parallel_loop3A_1131, 16 : i32
        %parallel_loop3A_1138 = arith.constant 1 : i32
        %parallel_loop3A_1139 = arith.constant 2 : i32
        %parallel_loop3A_1140 = arith.index_cast %parallel_loop3A_1138 : i32 to index
        %parallel_loop3A_1141 = arith.index_cast %parallel_loop3A_1139 : i32 to index
        %parallel_loop3A_1142 = arith.index_cast %parallel_loop3A_1137 : i32 to index
        %parallel_loop3A_1143 = tpu.vector_load %arg5[%parallel_loop3A_1140, %parallel_loop3A_1141, %parallel_loop3A_1142] {strides = array<i32>} : memref<2x8x3072xf32, #tpu.memory_space<vmem>>, vector<1x1x16xf32>,
        %parallel_loop3A_1144 = vector.shape_cast %parallel_loop3A_1143 : vector<1x1x16xf32> to vector<16xf32>
        %parallel_loop3A_1145 = vector.shape_cast %parallel_loop3A_1136 : vector<16xf32> to vector<1x1x16xf32>
        tpu.vector_store %arg5[%parallel_loop3A_1140, %parallel_loop3A_1141, %parallel_loop3A_1142], %parallel_loop3A_1145 {strides = array<i32>} : memref<2x8x3072xf32, #tpu.memory_space<vmem>>, vector<1x1x16xf32>,
        %parallel_loop3A_1146 = arith.constant 96 : i32
        %parallel_loop3A_1147 = arith.addi %parallel_loop3A_793, %parallel_loop3A_1146 : i32
        %parallel_loop3A_1148 = arith.addi %add3A_579, %parallel_loop3A_1147 : i32
        %parallel_loop3A_1149 = tpu.assume_multiple %parallel_loop3A_1148, 16 : i32
        %parallel_loop3A_1150 = arith.index_cast %parallel_loop3A_1149 : i32 to index
        %parallel_loop3A_1151 = tpu.vector_load %arg4[%parallel_loop3A_1150] {strides = array<i32>} : memref<65536xf32, #tpu.memory_space<vmem>>, vector<16xf32>,
        %parallel_loop3A_1152 = vector.shape_cast %parallel_loop3A_1151 : vector<16xf32> to vector<16xf32>
        %parallel_loop3A_1153 = tpu.assume_multiple %parallel_loop3A_1147, 16 : i32
        %parallel_loop3A_1154 = arith.constant 1 : i32
        %parallel_loop3A_1155 = arith.constant 2 : i32
        %parallel_loop3A_1156 = arith.index_cast %parallel_loop3A_1154 : i32 to index
        %parallel_loop3A_1157 = arith.index_cast %parallel_loop3A_1155 : i32 to index
        %parallel_loop3A_1158 = arith.index_cast %parallel_loop3A_1153 : i32 to index
        %parallel_loop3A_1159 = tpu.vector_load %arg5[%parallel_loop3A_1156, %parallel_loop3A_1157, %parallel_loop3A_1158] {strides = array<i32>} : memref<2x8x3072xf32, #tpu.memory_space<vmem>>, vector<1x1x16xf32>,
        %parallel_loop3A_1160 = vector.shape_cast %parallel_loop3A_1159 : vector<1x1x16xf32> to vector<16xf32>
        %parallel_loop3A_1161 = vector.shape_cast %parallel_loop3A_1152 : vector<16xf32> to vector<1x1x16xf32>
        tpu.vector_store %arg5[%parallel_loop3A_1156, %parallel_loop3A_1157, %parallel_loop3A_1158], %parallel_loop3A_1161 {strides = array<i32>} : memref<2x8x3072xf32, #tpu.memory_space<vmem>>, vector<1x1x16xf32>,
        %parallel_loop3A_1162 = arith.constant 112 : i32
        %parallel_loop3A_1163 = arith.addi %parallel_loop3A_793, %parallel_loop3A_1162 : i32
        %parallel_loop3A_1164 = arith.addi %add3A_579, %parallel_loop3A_1163 : i32
        %parallel_loop3A_1165 = tpu.assume_multiple %parallel_loop3A_1164, 16 : i32
        %parallel_loop3A_1166 = arith.index_cast %parallel_loop3A_1165 : i32 to index
        %parallel_loop3A_1167 = tpu.vector_load %arg4[%parallel_loop3A_1166] {strides = array<i32>} : memref<65536xf32, #tpu.memory_space<vmem>>, vector<16xf32>,
        %parallel_loop3A_1168 = vector.shape_cast %parallel_loop3A_1167 : vector<16xf32> to vector<16xf32>
        %parallel_loop3A_1169 = tpu.assume_multiple %parallel_loop3A_1163, 16 : i32
        %parallel_loop3A_1170 = arith.constant 1 : i32
        %parallel_loop3A_1171 = arith.constant 2 : i32
        %parallel_loop3A_1172 = arith.index_cast %parallel_loop3A_1170 : i32 to index
        %parallel_loop3A_1173 = arith.index_cast %parallel_loop3A_1171 : i32 to index
        %parallel_loop3A_1174 = arith.index_cast %parallel_loop3A_1169 : i32 to index
        %parallel_loop3A_1175 = tpu.vector_load %arg5[%parallel_loop3A_1172, %parallel_loop3A_1173, %parallel_loop3A_1174] {strides = array<i32>} : memref<2x8x3072xf32, #tpu.memory_space<vmem>>, vector<1x1x16xf32>,
        %parallel_loop3A_1176 = vector.shape_cast %parallel_loop3A_1175 : vector<1x1x16xf32> to vector<16xf32>
        %parallel_loop3A_1177 = vector.shape_cast %parallel_loop3A_1168 : vector<16xf32> to vector<1x1x16xf32>
        tpu.vector_store %arg5[%parallel_loop3A_1172, %parallel_loop3A_1173, %parallel_loop3A_1174], %parallel_loop3A_1177 {strides = array<i32>} : memref<2x8x3072xf32, #tpu.memory_space<vmem>>, vector<1x1x16xf32>,
        %parallel_loop3A_1178 = arith.constant 0 : i32
        %parallel_loop3A_1179 = arith.addi %parallel_loop3A_793, %parallel_loop3A_1178 : i32
        %parallel_loop3A_1180 = arith.addi %add3A_587, %parallel_loop3A_1179 : i32
        %parallel_loop3A_1181 = tpu.assume_multiple %parallel_loop3A_1180, 16 : i32
        %parallel_loop3A_1182 = arith.index_cast %parallel_loop3A_1181 : i32 to index
        %parallel_loop3A_1183 = tpu.vector_load %arg4[%parallel_loop3A_1182] {strides = array<i32>} : memref<65536xf32, #tpu.memory_space<vmem>>, vector<16xf32>,
        %parallel_loop3A_1184 = vector.shape_cast %parallel_loop3A_1183 : vector<16xf32> to vector<16xf32>
        %parallel_loop3A_1185 = tpu.assume_multiple %parallel_loop3A_1179, 16 : i32
        %parallel_loop3A_1186 = arith.constant 1 : i32
        %parallel_loop3A_1187 = arith.constant 3 : i32
        %parallel_loop3A_1188 = arith.index_cast %parallel_loop3A_1186 : i32 to index
        %parallel_loop3A_1189 = arith.index_cast %parallel_loop3A_1187 : i32 to index
        %parallel_loop3A_1190 = arith.index_cast %parallel_loop3A_1185 : i32 to index
        %parallel_loop3A_1191 = tpu.vector_load %arg5[%parallel_loop3A_1188, %parallel_loop3A_1189, %parallel_loop3A_1190] {strides = array<i32>} : memref<2x8x3072xf32, #tpu.memory_space<vmem>>, vector<1x1x16xf32>,
        %parallel_loop3A_1192 = vector.shape_cast %parallel_loop3A_1191 : vector<1x1x16xf32> to vector<16xf32>
        %parallel_loop3A_1193 = vector.shape_cast %parallel_loop3A_1184 : vector<16xf32> to vector<1x1x16xf32>
        tpu.vector_store %arg5[%parallel_loop3A_1188, %parallel_loop3A_1189, %parallel_loop3A_1190], %parallel_loop3A_1193 {strides = array<i32>} : memref<2x8x3072xf32, #tpu.memory_space<vmem>>, vector<1x1x16xf32>,
        %parallel_loop3A_1194 = arith.constant 16 : i32
        %parallel_loop3A_1195 = arith.addi %parallel_loop3A_793, %parallel_loop3A_1194 : i32
        %parallel_loop3A_1196 = arith.addi %add3A_587, %parallel_loop3A_1195 : i32
        %parallel_loop3A_1197 = tpu.assume_multiple %parallel_loop3A_1196, 16 : i32
        %parallel_loop3A_1198 = arith.index_cast %parallel_loop3A_1197 : i32 to index
        %parallel_loop3A_1199 = tpu.vector_load %arg4[%parallel_loop3A_1198] {strides = array<i32>} : memref<65536xf32, #tpu.memory_space<vmem>>, vector<16xf32>,
        %parallel_loop3A_1200 = vector.shape_cast %parallel_loop3A_1199 : vector<16xf32> to vector<16xf32>
        %parallel_loop3A_1201 = tpu.assume_multiple %parallel_loop3A_1195, 16 : i32
        %parallel_loop3A_1202 = arith.constant 1 : i32
        %parallel_loop3A_1203 = arith.constant 3 : i32
        %parallel_loop3A_1204 = arith.index_cast %parallel_loop3A_1202 : i32 to index
        %parallel_loop3A_1205 = arith.index_cast %parallel_loop3A_1203 : i32 to index
        %parallel_loop3A_1206 = arith.index_cast %parallel_loop3A_1201 : i32 to index
        %parallel_loop3A_1207 = tpu.vector_load %arg5[%parallel_loop3A_1204, %parallel_loop3A_1205, %parallel_loop3A_1206] {strides = array<i32>} : memref<2x8x3072xf32, #tpu.memory_space<vmem>>, vector<1x1x16xf32>,
        %parallel_loop3A_1208 = vector.shape_cast %parallel_loop3A_1207 : vector<1x1x16xf32> to vector<16xf32>
        %parallel_loop3A_1209 = vector.shape_cast %parallel_loop3A_1200 : vector<16xf32> to vector<1x1x16xf32>
        tpu.vector_store %arg5[%parallel_loop3A_1204, %parallel_loop3A_1205, %parallel_loop3A_1206], %parallel_loop3A_1209 {strides = array<i32>} : memref<2x8x3072xf32, #tpu.memory_space<vmem>>, vector<1x1x16xf32>,
        %parallel_loop3A_1210 = arith.constant 32 : i32
        %parallel_loop3A_1211 = arith.addi %parallel_loop3A_793, %parallel_loop3A_1210 : i32
        %parallel_loop3A_1212 = arith.addi %add3A_587, %parallel_loop3A_1211 : i32
        %parallel_loop3A_1213 = tpu.assume_multiple %parallel_loop3A_1212, 16 : i32
        %parallel_loop3A_1214 = arith.index_cast %parallel_loop3A_1213 : i32 to index
        %parallel_loop3A_1215 = tpu.vector_load %arg4[%parallel_loop3A_1214] {strides = array<i32>} : memref<65536xf32, #tpu.memory_space<vmem>>, vector<16xf32>,
        %parallel_loop3A_1216 = vector.shape_cast %parallel_loop3A_1215 : vector<16xf32> to vector<16xf32>
        %parallel_loop3A_1217 = tpu.assume_multiple %parallel_loop3A_1211, 16 : i32
        %parallel_loop3A_1218 = arith.constant 1 : i32
        %parallel_loop3A_1219 = arith.constant 3 : i32
        %parallel_loop3A_1220 = arith.index_cast %parallel_loop3A_1218 : i32 to index
        %parallel_loop3A_1221 = arith.index_cast %parallel_loop3A_1219 : i32 to index
        %parallel_loop3A_1222 = arith.index_cast %parallel_loop3A_1217 : i32 to index
        %parallel_loop3A_1223 = tpu.vector_load %arg5[%parallel_loop3A_1220, %parallel_loop3A_1221, %parallel_loop3A_1222] {strides = array<i32>} : memref<2x8x3072xf32, #tpu.memory_space<vmem>>, vector<1x1x16xf32>,
        %parallel_loop3A_1224 = vector.shape_cast %parallel_loop3A_1223 : vector<1x1x16xf32> to vector<16xf32>
        %parallel_loop3A_1225 = vector.shape_cast %parallel_loop3A_1216 : vector<16xf32> to vector<1x1x16xf32>
        tpu.vector_store %arg5[%parallel_loop3A_1220, %parallel_loop3A_1221, %parallel_loop3A_1222], %parallel_loop3A_1225 {strides = array<i32>} : memref<2x8x3072xf32, #tpu.memory_space<vmem>>, vector<1x1x16xf32>,
        %parallel_loop3A_1226 = arith.constant 48 : i32
        %parallel_loop3A_1227 = arith.addi %parallel_loop3A_793, %parallel_loop3A_1226 : i32
        %parallel_loop3A_1228 = arith.addi %add3A_587, %parallel_loop3A_1227 : i32
        %parallel_loop3A_1229 = tpu.assume_multiple %parallel_loop3A_1228, 16 : i32
        %parallel_loop3A_1230 = arith.index_cast %parallel_loop3A_1229 : i32 to index
        %parallel_loop3A_1231 = tpu.vector_load %arg4[%parallel_loop3A_1230] {strides = array<i32>} : memref<65536xf32, #tpu.memory_space<vmem>>, vector<16xf32>,
        %parallel_loop3A_1232 = vector.shape_cast %parallel_loop3A_1231 : vector<16xf32> to vector<16xf32>
        %parallel_loop3A_1233 = tpu.assume_multiple %parallel_loop3A_1227, 16 : i32
        %parallel_loop3A_1234 = arith.constant 1 : i32
        %parallel_loop3A_1235 = arith.constant 3 : i32
        %parallel_loop3A_1236 = arith.index_cast %parallel_loop3A_1234 : i32 to index
        %parallel_loop3A_1237 = arith.index_cast %parallel_loop3A_1235 : i32 to index
        %parallel_loop3A_1238 = arith.index_cast %parallel_loop3A_1233 : i32 to index
        %parallel_loop3A_1239 = tpu.vector_load %arg5[%parallel_loop3A_1236, %parallel_loop3A_1237, %parallel_loop3A_1238] {strides = array<i32>} : memref<2x8x3072xf32, #tpu.memory_space<vmem>>, vector<1x1x16xf32>,
        %parallel_loop3A_1240 = vector.shape_cast %parallel_loop3A_1239 : vector<1x1x16xf32> to vector<16xf32>
        %parallel_loop3A_1241 = vector.shape_cast %parallel_loop3A_1232 : vector<16xf32> to vector<1x1x16xf32>
        tpu.vector_store %arg5[%parallel_loop3A_1236, %parallel_loop3A_1237, %parallel_loop3A_1238], %parallel_loop3A_1241 {strides = array<i32>} : memref<2x8x3072xf32, #tpu.memory_space<vmem>>, vector<1x1x16xf32>,
        %parallel_loop3A_1242 = arith.constant 64 : i32
        %parallel_loop3A_1243 = arith.addi %parallel_loop3A_793, %parallel_loop3A_1242 : i32
        %parallel_loop3A_1244 = arith.addi %add3A_587, %parallel_loop3A_1243 : i32
        %parallel_loop3A_1245 = tpu.assume_multiple %parallel_loop3A_1244, 16 : i32
        %parallel_loop3A_1246 = arith.index_cast %parallel_loop3A_1245 : i32 to index
        %parallel_loop3A_1247 = tpu.vector_load %arg4[%parallel_loop3A_1246] {strides = array<i32>} : memref<65536xf32, #tpu.memory_space<vmem>>, vector<16xf32>,
        %parallel_loop3A_1248 = vector.shape_cast %parallel_loop3A_1247 : vector<16xf32> to vector<16xf32>
        %parallel_loop3A_1249 = tpu.assume_multiple %parallel_loop3A_1243, 16 : i32
        %parallel_loop3A_1250 = arith.constant 1 : i32
        %parallel_loop3A_1251 = arith.constant 3 : i32
        %parallel_loop3A_1252 = arith.index_cast %parallel_loop3A_1250 : i32 to index
        %parallel_loop3A_1253 = arith.index_cast %parallel_loop3A_1251 : i32 to index
        %parallel_loop3A_1254 = arith.index_cast %parallel_loop3A_1249 : i32 to index
        %parallel_loop3A_1255 = tpu.vector_load %arg5[%parallel_loop3A_1252, %parallel_loop3A_1253, %parallel_loop3A_1254] {strides = array<i32>} : memref<2x8x3072xf32, #tpu.memory_space<vmem>>, vector<1x1x16xf32>,
        %parallel_loop3A_1256 = vector.shape_cast %parallel_loop3A_1255 : vector<1x1x16xf32> to vector<16xf32>
        %parallel_loop3A_1257 = vector.shape_cast %parallel_loop3A_1248 : vector<16xf32> to vector<1x1x16xf32>
        tpu.vector_store %arg5[%parallel_loop3A_1252, %parallel_loop3A_1253, %parallel_loop3A_1254], %parallel_loop3A_1257 {strides = array<i32>} : memref<2x8x3072xf32, #tpu.memory_space<vmem>>, vector<1x1x16xf32>,
        %parallel_loop3A_1258 = arith.constant 80 : i32
        %parallel_loop3A_1259 = arith.addi %parallel_loop3A_793, %parallel_loop3A_1258 : i32
        %parallel_loop3A_1260 = arith.addi %add3A_587, %parallel_loop3A_1259 : i32
        %parallel_loop3A_1261 = tpu.assume_multiple %parallel_loop3A_1260, 16 : i32
        %parallel_loop3A_1262 = arith.index_cast %parallel_loop3A_1261 : i32 to index
        %parallel_loop3A_1263 = tpu.vector_load %arg4[%parallel_loop3A_1262] {strides = array<i32>} : memref<65536xf32, #tpu.memory_space<vmem>>, vector<16xf32>,
        %parallel_loop3A_1264 = vector.shape_cast %parallel_loop3A_1263 : vector<16xf32> to vector<16xf32>
        %parallel_loop3A_1265 = tpu.assume_multiple %parallel_loop3A_1259, 16 : i32
        %parallel_loop3A_1266 = arith.constant 1 : i32
        %parallel_loop3A_1267 = arith.constant 3 : i32
        %parallel_loop3A_1268 = arith.index_cast %parallel_loop3A_1266 : i32 to index
        %parallel_loop3A_1269 = arith.index_cast %parallel_loop3A_1267 : i32 to index
        %parallel_loop3A_1270 = arith.index_cast %parallel_loop3A_1265 : i32 to index
        %parallel_loop3A_1271 = tpu.vector_load %arg5[%parallel_loop3A_1268, %parallel_loop3A_1269, %parallel_loop3A_1270] {strides = array<i32>} : memref<2x8x3072xf32, #tpu.memory_space<vmem>>, vector<1x1x16xf32>,
        %parallel_loop3A_1272 = vector.shape_cast %parallel_loop3A_1271 : vector<1x1x16xf32> to vector<16xf32>
        %parallel_loop3A_1273 = vector.shape_cast %parallel_loop3A_1264 : vector<16xf32> to vector<1x1x16xf32>
        tpu.vector_store %arg5[%parallel_loop3A_1268, %parallel_loop3A_1269, %parallel_loop3A_1270], %parallel_loop3A_1273 {strides = array<i32>} : memref<2x8x3072xf32, #tpu.memory_space<vmem>>, vector<1x1x16xf32>,
        %parallel_loop3A_1274 = arith.constant 96 : i32
        %parallel_loop3A_1275 = arith.addi %parallel_loop3A_793, %parallel_loop3A_1274 : i32
        %parallel_loop3A_1276 = arith.addi %add3A_587, %parallel_loop3A_1275 : i32
        %parallel_loop3A_1277 = tpu.assume_multiple %parallel_loop3A_1276, 16 : i32
        %parallel_loop3A_1278 = arith.index_cast %parallel_loop3A_1277 : i32 to index
        %parallel_loop3A_1279 = tpu.vector_load %arg4[%parallel_loop3A_1278] {strides = array<i32>} : memref<65536xf32, #tpu.memory_space<vmem>>, vector<16xf32>,
        %parallel_loop3A_1280 = vector.shape_cast %parallel_loop3A_1279 : vector<16xf32> to vector<16xf32>
        %parallel_loop3A_1281 = tpu.assume_multiple %parallel_loop3A_1275, 16 : i32
        %parallel_loop3A_1282 = arith.constant 1 : i32
        %parallel_loop3A_1283 = arith.constant 3 : i32
        %parallel_loop3A_1284 = arith.index_cast %parallel_loop3A_1282 : i32 to index
        %parallel_loop3A_1285 = arith.index_cast %parallel_loop3A_1283 : i32 to index
        %parallel_loop3A_1286 = arith.index_cast %parallel_loop3A_1281 : i32 to index
        %parallel_loop3A_1287 = tpu.vector_load %arg5[%parallel_loop3A_1284, %parallel_loop3A_1285, %parallel_loop3A_1286] {strides = array<i32>} : memref<2x8x3072xf32, #tpu.memory_space<vmem>>, vector<1x1x16xf32>,
        %parallel_loop3A_1288 = vector.shape_cast %parallel_loop3A_1287 : vector<1x1x16xf32> to vector<16xf32>
        %parallel_loop3A_1289 = vector.shape_cast %parallel_loop3A_1280 : vector<16xf32> to vector<1x1x16xf32>
        tpu.vector_store %arg5[%parallel_loop3A_1284, %parallel_loop3A_1285, %parallel_loop3A_1286], %parallel_loop3A_1289 {strides = array<i32>} : memref<2x8x3072xf32, #tpu.memory_space<vmem>>, vector<1x1x16xf32>,
        %parallel_loop3A_1290 = arith.constant 112 : i32
        %parallel_loop3A_1291 = arith.addi %parallel_loop3A_793, %parallel_loop3A_1290 : i32
        %parallel_loop3A_1292 = arith.addi %add3A_587, %parallel_loop3A_1291 : i32
        %parallel_loop3A_1293 = tpu.assume_multiple %parallel_loop3A_1292, 16 : i32
        %parallel_loop3A_1294 = arith.index_cast %parallel_loop3A_1293 : i32 to index
        %parallel_loop3A_1295 = tpu.vector_load %arg4[%parallel_loop3A_1294] {strides = array<i32>} : memref<65536xf32, #tpu.memory_space<vmem>>, vector<16xf32>,
        %parallel_loop3A_1296 = vector.shape_cast %parallel_loop3A_1295 : vector<16xf32> to vector<16xf32>
        %parallel_loop3A_1297 = tpu.assume_multiple %parallel_loop3A_1291, 16 : i32
        %parallel_loop3A_1298 = arith.constant 1 : i32
        %parallel_loop3A_1299 = arith.constant 3 : i32
        %parallel_loop3A_1300 = arith.index_cast %parallel_loop3A_1298 : i32 to index
        %parallel_loop3A_1301 = arith.index_cast %parallel_loop3A_1299 : i32 to index
        %parallel_loop3A_1302 = arith.index_cast %parallel_loop3A_1297 : i32 to index
        %parallel_loop3A_1303 = tpu.vector_load %arg5[%parallel_loop3A_1300, %parallel_loop3A_1301, %parallel_loop3A_1302] {strides = array<i32>} : memref<2x8x3072xf32, #tpu.memory_space<vmem>>, vector<1x1x16xf32>,
        %parallel_loop3A_1304 = vector.shape_cast %parallel_loop3A_1303 : vector<1x1x16xf32> to vector<16xf32>
        %parallel_loop3A_1305 = vector.shape_cast %parallel_loop3A_1296 : vector<16xf32> to vector<1x1x16xf32>
        tpu.vector_store %arg5[%parallel_loop3A_1300, %parallel_loop3A_1301, %parallel_loop3A_1302], %parallel_loop3A_1305 {strides = array<i32>} : memref<2x8x3072xf32, #tpu.memory_space<vmem>>, vector<1x1x16xf32>,
        %parallel_loop3A_1306 = arith.constant 0 : i32
        %parallel_loop3A_1307 = arith.addi %parallel_loop3A_793, %parallel_loop3A_1306 : i32
        %parallel_loop3A_1308 = arith.addi %add3A_595, %parallel_loop3A_1307 : i32
        %parallel_loop3A_1309 = tpu.assume_multiple %parallel_loop3A_1308, 16 : i32
        %parallel_loop3A_1310 = arith.index_cast %parallel_loop3A_1309 : i32 to index
        %parallel_loop3A_1311 = tpu.vector_load %arg4[%parallel_loop3A_1310] {strides = array<i32>} : memref<65536xf32, #tpu.memory_space<vmem>>, vector<16xf32>,
        %parallel_loop3A_1312 = vector.shape_cast %parallel_loop3A_1311 : vector<16xf32> to vector<16xf32>
        %parallel_loop3A_1313 = tpu.assume_multiple %parallel_loop3A_1307, 16 : i32
        %parallel_loop3A_1314 = arith.constant 1 : i32
        %parallel_loop3A_1315 = arith.constant 4 : i32
        %parallel_loop3A_1316 = arith.index_cast %parallel_loop3A_1314 : i32 to index
        %parallel_loop3A_1317 = arith.index_cast %parallel_loop3A_1315 : i32 to index
        %parallel_loop3A_1318 = arith.index_cast %parallel_loop3A_1313 : i32 to index
        %parallel_loop3A_1319 = tpu.vector_load %arg5[%parallel_loop3A_1316, %parallel_loop3A_1317, %parallel_loop3A_1318] {strides = array<i32>} : memref<2x8x3072xf32, #tpu.memory_space<vmem>>, vector<1x1x16xf32>,
        %parallel_loop3A_1320 = vector.shape_cast %parallel_loop3A_1319 : vector<1x1x16xf32> to vector<16xf32>
        %parallel_loop3A_1321 = vector.shape_cast %parallel_loop3A_1312 : vector<16xf32> to vector<1x1x16xf32>
        tpu.vector_store %arg5[%parallel_loop3A_1316, %parallel_loop3A_1317, %parallel_loop3A_1318], %parallel_loop3A_1321 {strides = array<i32>} : memref<2x8x3072xf32, #tpu.memory_space<vmem>>, vector<1x1x16xf32>,
        %parallel_loop3A_1322 = arith.constant 16 : i32
        %parallel_loop3A_1323 = arith.addi %parallel_loop3A_793, %parallel_loop3A_1322 : i32
        %parallel_loop3A_1324 = arith.addi %add3A_595, %parallel_loop3A_1323 : i32
        %parallel_loop3A_1325 = tpu.assume_multiple %parallel_loop3A_1324, 16 : i32
        %parallel_loop3A_1326 = arith.index_cast %parallel_loop3A_1325 : i32 to index
        %parallel_loop3A_1327 = tpu.vector_load %arg4[%parallel_loop3A_1326] {strides = array<i32>} : memref<65536xf32, #tpu.memory_space<vmem>>, vector<16xf32>,
        %parallel_loop3A_1328 = vector.shape_cast %parallel_loop3A_1327 : vector<16xf32> to vector<16xf32>
        %parallel_loop3A_1329 = tpu.assume_multiple %parallel_loop3A_1323, 16 : i32
        %parallel_loop3A_1330 = arith.constant 1 : i32
        %parallel_loop3A_1331 = arith.constant 4 : i32
        %parallel_loop3A_1332 = arith.index_cast %parallel_loop3A_1330 : i32 to index
        %parallel_loop3A_1333 = arith.index_cast %parallel_loop3A_1331 : i32 to index
        %parallel_loop3A_1334 = arith.index_cast %parallel_loop3A_1329 : i32 to index
        %parallel_loop3A_1335 = tpu.vector_load %arg5[%parallel_loop3A_1332, %parallel_loop3A_1333, %parallel_loop3A_1334] {strides = array<i32>} : memref<2x8x3072xf32, #tpu.memory_space<vmem>>, vector<1x1x16xf32>,
        %parallel_loop3A_1336 = vector.shape_cast %parallel_loop3A_1335 : vector<1x1x16xf32> to vector<16xf32>
        %parallel_loop3A_1337 = vector.shape_cast %parallel_loop3A_1328 : vector<16xf32> to vector<1x1x16xf32>
        tpu.vector_store %arg5[%parallel_loop3A_1332, %parallel_loop3A_1333, %parallel_loop3A_1334], %parallel_loop3A_1337 {strides = array<i32>} : memref<2x8x3072xf32, #tpu.memory_space<vmem>>, vector<1x1x16xf32>,
        %parallel_loop3A_1338 = arith.constant 32 : i32
        %parallel_loop3A_1339 = arith.addi %parallel_loop3A_793, %parallel_loop3A_1338 : i32
        %parallel_loop3A_1340 = arith.addi %add3A_595, %parallel_loop3A_1339 : i32
        %parallel_loop3A_1341 = tpu.assume_multiple %parallel_loop3A_1340, 16 : i32
        %parallel_loop3A_1342 = arith.index_cast %parallel_loop3A_1341 : i32 to index
        %parallel_loop3A_1343 = tpu.vector_load %arg4[%parallel_loop3A_1342] {strides = array<i32>} : memref<65536xf32, #tpu.memory_space<vmem>>, vector<16xf32>,
        %parallel_loop3A_1344 = vector.shape_cast %parallel_loop3A_1343 : vector<16xf32> to vector<16xf32>
        %parallel_loop3A_1345 = tpu.assume_multiple %parallel_loop3A_1339, 16 : i32
        %parallel_loop3A_1346 = arith.constant 1 : i32
        %parallel_loop3A_1347 = arith.constant 4 : i32
        %parallel_loop3A_1348 = arith.index_cast %parallel_loop3A_1346 : i32 to index
        %parallel_loop3A_1349 = arith.index_cast %parallel_loop3A_1347 : i32 to index
        %parallel_loop3A_1350 = arith.index_cast %parallel_loop3A_1345 : i32 to index
        %parallel_loop3A_1351 = tpu.vector_load %arg5[%parallel_loop3A_1348, %parallel_loop3A_1349, %parallel_loop3A_1350] {strides = array<i32>} : memref<2x8x3072xf32, #tpu.memory_space<vmem>>, vector<1x1x16xf32>,
        %parallel_loop3A_1352 = vector.shape_cast %parallel_loop3A_1351 : vector<1x1x16xf32> to vector<16xf32>
        %parallel_loop3A_1353 = vector.shape_cast %parallel_loop3A_1344 : vector<16xf32> to vector<1x1x16xf32>
        tpu.vector_store %arg5[%parallel_loop3A_1348, %parallel_loop3A_1349, %parallel_loop3A_1350], %parallel_loop3A_1353 {strides = array<i32>} : memref<2x8x3072xf32, #tpu.memory_space<vmem>>, vector<1x1x16xf32>,
        %parallel_loop3A_1354 = arith.constant 48 : i32
        %parallel_loop3A_1355 = arith.addi %parallel_loop3A_793, %parallel_loop3A_1354 : i32
        %parallel_loop3A_1356 = arith.addi %add3A_595, %parallel_loop3A_1355 : i32
        %parallel_loop3A_1357 = tpu.assume_multiple %parallel_loop3A_1356, 16 : i32
        %parallel_loop3A_1358 = arith.index_cast %parallel_loop3A_1357 : i32 to index
        %parallel_loop3A_1359 = tpu.vector_load %arg4[%parallel_loop3A_1358] {strides = array<i32>} : memref<65536xf32, #tpu.memory_space<vmem>>, vector<16xf32>,
        %parallel_loop3A_1360 = vector.shape_cast %parallel_loop3A_1359 : vector<16xf32> to vector<16xf32>
        %parallel_loop3A_1361 = tpu.assume_multiple %parallel_loop3A_1355, 16 : i32
        %parallel_loop3A_1362 = arith.constant 1 : i32
        %parallel_loop3A_1363 = arith.constant 4 : i32
        %parallel_loop3A_1364 = arith.index_cast %parallel_loop3A_1362 : i32 to index
        %parallel_loop3A_1365 = arith.index_cast %parallel_loop3A_1363 : i32 to index
        %parallel_loop3A_1366 = arith.index_cast %parallel_loop3A_1361 : i32 to index
        %parallel_loop3A_1367 = tpu.vector_load %arg5[%parallel_loop3A_1364, %parallel_loop3A_1365, %parallel_loop3A_1366] {strides = array<i32>} : memref<2x8x3072xf32, #tpu.memory_space<vmem>>, vector<1x1x16xf32>,
        %parallel_loop3A_1368 = vector.shape_cast %parallel_loop3A_1367 : vector<1x1x16xf32> to vector<16xf32>
        %parallel_loop3A_1369 = vector.shape_cast %parallel_loop3A_1360 : vector<16xf32> to vector<1x1x16xf32>
        tpu.vector_store %arg5[%parallel_loop3A_1364, %parallel_loop3A_1365, %parallel_loop3A_1366], %parallel_loop3A_1369 {strides = array<i32>} : memref<2x8x3072xf32, #tpu.memory_space<vmem>>, vector<1x1x16xf32>,
        %parallel_loop3A_1370 = arith.constant 64 : i32
        %parallel_loop3A_1371 = arith.addi %parallel_loop3A_793, %parallel_loop3A_1370 : i32
        %parallel_loop3A_1372 = arith.addi %add3A_595, %parallel_loop3A_1371 : i32
        %parallel_loop3A_1373 = tpu.assume_multiple %parallel_loop3A_1372, 16 : i32
        %parallel_loop3A_1374 = arith.index_cast %parallel_loop3A_1373 : i32 to index
        %parallel_loop3A_1375 = tpu.vector_load %arg4[%parallel_loop3A_1374] {strides = array<i32>} : memref<65536xf32, #tpu.memory_space<vmem>>, vector<16xf32>,
        %parallel_loop3A_1376 = vector.shape_cast %parallel_loop3A_1375 : vector<16xf32> to vector<16xf32>
        %parallel_loop3A_1377 = tpu.assume_multiple %parallel_loop3A_1371, 16 : i32
        %parallel_loop3A_1378 = arith.constant 1 : i32
        %parallel_loop3A_1379 = arith.constant 4 : i32
        %parallel_loop3A_1380 = arith.index_cast %parallel_loop3A_1378 : i32 to index
        %parallel_loop3A_1381 = arith.index_cast %parallel_loop3A_1379 : i32 to index
        %parallel_loop3A_1382 = arith.index_cast %parallel_loop3A_1377 : i32 to index
        %parallel_loop3A_1383 = tpu.vector_load %arg5[%parallel_loop3A_1380, %parallel_loop3A_1381, %parallel_loop3A_1382] {strides = array<i32>} : memref<2x8x3072xf32, #tpu.memory_space<vmem>>, vector<1x1x16xf32>,
        %parallel_loop3A_1384 = vector.shape_cast %parallel_loop3A_1383 : vector<1x1x16xf32> to vector<16xf32>
        %parallel_loop3A_1385 = vector.shape_cast %parallel_loop3A_1376 : vector<16xf32> to vector<1x1x16xf32>
        tpu.vector_store %arg5[%parallel_loop3A_1380, %parallel_loop3A_1381, %parallel_loop3A_1382], %parallel_loop3A_1385 {strides = array<i32>} : memref<2x8x3072xf32, #tpu.memory_space<vmem>>, vector<1x1x16xf32>,
        %parallel_loop3A_1386 = arith.constant 80 : i32
        %parallel_loop3A_1387 = arith.addi %parallel_loop3A_793, %parallel_loop3A_1386 : i32
        %parallel_loop3A_1388 = arith.addi %add3A_595, %parallel_loop3A_1387 : i32
        %parallel_loop3A_1389 = tpu.assume_multiple %parallel_loop3A_1388, 16 : i32
        %parallel_loop3A_1390 = arith.index_cast %parallel_loop3A_1389 : i32 to index
        %parallel_loop3A_1391 = tpu.vector_load %arg4[%parallel_loop3A_1390] {strides = array<i32>} : memref<65536xf32, #tpu.memory_space<vmem>>, vector<16xf32>,
        %parallel_loop3A_1392 = vector.shape_cast %parallel_loop3A_1391 : vector<16xf32> to vector<16xf32>
        %parallel_loop3A_1393 = tpu.assume_multiple %parallel_loop3A_1387, 16 : i32
        %parallel_loop3A_1394 = arith.constant 1 : i32
        %parallel_loop3A_1395 = arith.constant 4 : i32
        %parallel_loop3A_1396 = arith.index_cast %parallel_loop3A_1394 : i32 to index
        %parallel_loop3A_1397 = arith.index_cast %parallel_loop3A_1395 : i32 to index
        %parallel_loop3A_1398 = arith.index_cast %parallel_loop3A_1393 : i32 to index
        %parallel_loop3A_1399 = tpu.vector_load %arg5[%parallel_loop3A_1396, %parallel_loop3A_1397, %parallel_loop3A_1398] {strides = array<i32>} : memref<2x8x3072xf32, #tpu.memory_space<vmem>>, vector<1x1x16xf32>,
        %parallel_loop3A_1400 = vector.shape_cast %parallel_loop3A_1399 : vector<1x1x16xf32> to vector<16xf32>
        %parallel_loop3A_1401 = vector.shape_cast %parallel_loop3A_1392 : vector<16xf32> to vector<1x1x16xf32>
        tpu.vector_store %arg5[%parallel_loop3A_1396, %parallel_loop3A_1397, %parallel_loop3A_1398], %parallel_loop3A_1401 {strides = array<i32>} : memref<2x8x3072xf32, #tpu.memory_space<vmem>>, vector<1x1x16xf32>,
        %parallel_loop3A_1402 = arith.constant 96 : i32
        %parallel_loop3A_1403 = arith.addi %parallel_loop3A_793, %parallel_loop3A_1402 : i32
        %parallel_loop3A_1404 = arith.addi %add3A_595, %parallel_loop3A_1403 : i32
        %parallel_loop3A_1405 = tpu.assume_multiple %parallel_loop3A_1404, 16 : i32
        %parallel_loop3A_1406 = arith.index_cast %parallel_loop3A_1405 : i32 to index
        %parallel_loop3A_1407 = tpu.vector_load %arg4[%parallel_loop3A_1406] {strides = array<i32>} : memref<65536xf32, #tpu.memory_space<vmem>>, vector<16xf32>,
        %parallel_loop3A_1408 = vector.shape_cast %parallel_loop3A_1407 : vector<16xf32> to vector<16xf32>
        %parallel_loop3A_1409 = tpu.assume_multiple %parallel_loop3A_1403, 16 : i32
        %parallel_loop3A_1410 = arith.constant 1 : i32
        %parallel_loop3A_1411 = arith.constant 4 : i32
        %parallel_loop3A_1412 = arith.index_cast %parallel_loop3A_1410 : i32 to index
        %parallel_loop3A_1413 = arith.index_cast %parallel_loop3A_1411 : i32 to index
        %parallel_loop3A_1414 = arith.index_cast %parallel_loop3A_1409 : i32 to index
        %parallel_loop3A_1415 = tpu.vector_load %arg5[%parallel_loop3A_1412, %parallel_loop3A_1413, %parallel_loop3A_1414] {strides = array<i32>} : memref<2x8x3072xf32, #tpu.memory_space<vmem>>, vector<1x1x16xf32>,
        %parallel_loop3A_1416 = vector.shape_cast %parallel_loop3A_1415 : vector<1x1x16xf32> to vector<16xf32>
        %parallel_loop3A_1417 = vector.shape_cast %parallel_loop3A_1408 : vector<16xf32> to vector<1x1x16xf32>
        tpu.vector_store %arg5[%parallel_loop3A_1412, %parallel_loop3A_1413, %parallel_loop3A_1414], %parallel_loop3A_1417 {strides = array<i32>} : memref<2x8x3072xf32, #tpu.memory_space<vmem>>, vector<1x1x16xf32>,
        %parallel_loop3A_1418 = arith.constant 112 : i32
        %parallel_loop3A_1419 = arith.addi %parallel_loop3A_793, %parallel_loop3A_1418 : i32
        %parallel_loop3A_1420 = arith.addi %add3A_595, %parallel_loop3A_1419 : i32
        %parallel_loop3A_1421 = tpu.assume_multiple %parallel_loop3A_1420, 16 : i32
        %parallel_loop3A_1422 = arith.index_cast %parallel_loop3A_1421 : i32 to index
        %parallel_loop3A_1423 = tpu.vector_load %arg4[%parallel_loop3A_1422] {strides = array<i32>} : memref<65536xf32, #tpu.memory_space<vmem>>, vector<16xf32>,
        %parallel_loop3A_1424 = vector.shape_cast %parallel_loop3A_1423 : vector<16xf32> to vector<16xf32>
        %parallel_loop3A_1425 = tpu.assume_multiple %parallel_loop3A_1419, 16 : i32
        %parallel_loop3A_1426 = arith.constant 1 : i32
        %parallel_loop3A_1427 = arith.constant 4 : i32
        %parallel_loop3A_1428 = arith.index_cast %parallel_loop3A_1426 : i32 to index
        %parallel_loop3A_1429 = arith.index_cast %parallel_loop3A_1427 : i32 to index
        %parallel_loop3A_1430 = arith.index_cast %parallel_loop3A_1425 : i32 to index
        %parallel_loop3A_1431 = tpu.vector_load %arg5[%parallel_loop3A_1428, %parallel_loop3A_1429, %parallel_loop3A_1430] {strides = array<i32>} : memref<2x8x3072xf32, #tpu.memory_space<vmem>>, vector<1x1x16xf32>,
        %parallel_loop3A_1432 = vector.shape_cast %parallel_loop3A_1431 : vector<1x1x16xf32> to vector<16xf32>
        %parallel_loop3A_1433 = vector.shape_cast %parallel_loop3A_1424 : vector<16xf32> to vector<1x1x16xf32>
        tpu.vector_store %arg5[%parallel_loop3A_1428, %parallel_loop3A_1429, %parallel_loop3A_1430], %parallel_loop3A_1433 {strides = array<i32>} : memref<2x8x3072xf32, #tpu.memory_space<vmem>>, vector<1x1x16xf32>,
        %parallel_loop3A_1434 = arith.constant 0 : i32
        %parallel_loop3A_1435 = arith.addi %parallel_loop3A_793, %parallel_loop3A_1434 : i32
        %parallel_loop3A_1436 = arith.addi %add3A_603, %parallel_loop3A_1435 : i32
        %parallel_loop3A_1437 = tpu.assume_multiple %parallel_loop3A_1436, 16 : i32
        %parallel_loop3A_1438 = arith.index_cast %parallel_loop3A_1437 : i32 to index
        %parallel_loop3A_1439 = tpu.vector_load %arg4[%parallel_loop3A_1438] {strides = array<i32>} : memref<65536xf32, #tpu.memory_space<vmem>>, vector<16xf32>,
        %parallel_loop3A_1440 = vector.shape_cast %parallel_loop3A_1439 : vector<16xf32> to vector<16xf32>
        %parallel_loop3A_1441 = tpu.assume_multiple %parallel_loop3A_1435, 16 : i32
        %parallel_loop3A_1442 = arith.constant 1 : i32
        %parallel_loop3A_1443 = arith.constant 5 : i32
        %parallel_loop3A_1444 = arith.index_cast %parallel_loop3A_1442 : i32 to index
        %parallel_loop3A_1445 = arith.index_cast %parallel_loop3A_1443 : i32 to index
        %parallel_loop3A_1446 = arith.index_cast %parallel_loop3A_1441 : i32 to index
        %parallel_loop3A_1447 = tpu.vector_load %arg5[%parallel_loop3A_1444, %parallel_loop3A_1445, %parallel_loop3A_1446] {strides = array<i32>} : memref<2x8x3072xf32, #tpu.memory_space<vmem>>, vector<1x1x16xf32>,
        %parallel_loop3A_1448 = vector.shape_cast %parallel_loop3A_1447 : vector<1x1x16xf32> to vector<16xf32>
        %parallel_loop3A_1449 = vector.shape_cast %parallel_loop3A_1440 : vector<16xf32> to vector<1x1x16xf32>
        tpu.vector_store %arg5[%parallel_loop3A_1444, %parallel_loop3A_1445, %parallel_loop3A_1446], %parallel_loop3A_1449 {strides = array<i32>} : memref<2x8x3072xf32, #tpu.memory_space<vmem>>, vector<1x1x16xf32>,
        %parallel_loop3A_1450 = arith.constant 16 : i32
        %parallel_loop3A_1451 = arith.addi %parallel_loop3A_793, %parallel_loop3A_1450 : i32
        %parallel_loop3A_1452 = arith.addi %add3A_603, %parallel_loop3A_1451 : i32
        %parallel_loop3A_1453 = tpu.assume_multiple %parallel_loop3A_1452, 16 : i32
        %parallel_loop3A_1454 = arith.index_cast %parallel_loop3A_1453 : i32 to index
        %parallel_loop3A_1455 = tpu.vector_load %arg4[%parallel_loop3A_1454] {strides = array<i32>} : memref<65536xf32, #tpu.memory_space<vmem>>, vector<16xf32>,
        %parallel_loop3A_1456 = vector.shape_cast %parallel_loop3A_1455 : vector<16xf32> to vector<16xf32>
        %parallel_loop3A_1457 = tpu.assume_multiple %parallel_loop3A_1451, 16 : i32
        %parallel_loop3A_1458 = arith.constant 1 : i32
        %parallel_loop3A_1459 = arith.constant 5 : i32
        %parallel_loop3A_1460 = arith.index_cast %parallel_loop3A_1458 : i32 to index
        %parallel_loop3A_1461 = arith.index_cast %parallel_loop3A_1459 : i32 to index
        %parallel_loop3A_1462 = arith.index_cast %parallel_loop3A_1457 : i32 to index
        %parallel_loop3A_1463 = tpu.vector_load %arg5[%parallel_loop3A_1460, %parallel_loop3A_1461, %parallel_loop3A_1462] {strides = array<i32>} : memref<2x8x3072xf32, #tpu.memory_space<vmem>>, vector<1x1x16xf32>,
        %parallel_loop3A_1464 = vector.shape_cast %parallel_loop3A_1463 : vector<1x1x16xf32> to vector<16xf32>
        %parallel_loop3A_1465 = vector.shape_cast %parallel_loop3A_1456 : vector<16xf32> to vector<1x1x16xf32>
        tpu.vector_store %arg5[%parallel_loop3A_1460, %parallel_loop3A_1461, %parallel_loop3A_1462], %parallel_loop3A_1465 {strides = array<i32>} : memref<2x8x3072xf32, #tpu.memory_space<vmem>>, vector<1x1x16xf32>,
        %parallel_loop3A_1466 = arith.constant 32 : i32
        %parallel_loop3A_1467 = arith.addi %parallel_loop3A_793, %parallel_loop3A_1466 : i32
        %parallel_loop3A_1468 = arith.addi %add3A_603, %parallel_loop3A_1467 : i32
        %parallel_loop3A_1469 = tpu.assume_multiple %parallel_loop3A_1468, 16 : i32
        %parallel_loop3A_1470 = arith.index_cast %parallel_loop3A_1469 : i32 to index
        %parallel_loop3A_1471 = tpu.vector_load %arg4[%parallel_loop3A_1470] {strides = array<i32>} : memref<65536xf32, #tpu.memory_space<vmem>>, vector<16xf32>,
        %parallel_loop3A_1472 = vector.shape_cast %parallel_loop3A_1471 : vector<16xf32> to vector<16xf32>
        %parallel_loop3A_1473 = tpu.assume_multiple %parallel_loop3A_1467, 16 : i32
        %parallel_loop3A_1474 = arith.constant 1 : i32
        %parallel_loop3A_1475 = arith.constant 5 : i32
        %parallel_loop3A_1476 = arith.index_cast %parallel_loop3A_1474 : i32 to index
        %parallel_loop3A_1477 = arith.index_cast %parallel_loop3A_1475 : i32 to index
        %parallel_loop3A_1478 = arith.index_cast %parallel_loop3A_1473 : i32 to index
        %parallel_loop3A_1479 = tpu.vector_load %arg5[%parallel_loop3A_1476, %parallel_loop3A_1477, %parallel_loop3A_1478] {strides = array<i32>} : memref<2x8x3072xf32, #tpu.memory_space<vmem>>, vector<1x1x16xf32>,
        %parallel_loop3A_1480 = vector.shape_cast %parallel_loop3A_1479 : vector<1x1x16xf32> to vector<16xf32>
        %parallel_loop3A_1481 = vector.shape_cast %parallel_loop3A_1472 : vector<16xf32> to vector<1x1x16xf32>
        tpu.vector_store %arg5[%parallel_loop3A_1476, %parallel_loop3A_1477, %parallel_loop3A_1478], %parallel_loop3A_1481 {strides = array<i32>} : memref<2x8x3072xf32, #tpu.memory_space<vmem>>, vector<1x1x16xf32>,
        %parallel_loop3A_1482 = arith.constant 48 : i32
        %parallel_loop3A_1483 = arith.addi %parallel_loop3A_793, %parallel_loop3A_1482 : i32
        %parallel_loop3A_1484 = arith.addi %add3A_603, %parallel_loop3A_1483 : i32
        %parallel_loop3A_1485 = tpu.assume_multiple %parallel_loop3A_1484, 16 : i32
        %parallel_loop3A_1486 = arith.index_cast %parallel_loop3A_1485 : i32 to index
        %parallel_loop3A_1487 = tpu.vector_load %arg4[%parallel_loop3A_1486] {strides = array<i32>} : memref<65536xf32, #tpu.memory_space<vmem>>, vector<16xf32>,
        %parallel_loop3A_1488 = vector.shape_cast %parallel_loop3A_1487 : vector<16xf32> to vector<16xf32>
        %parallel_loop3A_1489 = tpu.assume_multiple %parallel_loop3A_1483, 16 : i32
        %parallel_loop3A_1490 = arith.constant 1 : i32
        %parallel_loop3A_1491 = arith.constant 5 : i32
        %parallel_loop3A_1492 = arith.index_cast %parallel_loop3A_1490 : i32 to index
        %parallel_loop3A_1493 = arith.index_cast %parallel_loop3A_1491 : i32 to index
        %parallel_loop3A_1494 = arith.index_cast %parallel_loop3A_1489 : i32 to index
        %parallel_loop3A_1495 = tpu.vector_load %arg5[%parallel_loop3A_1492, %parallel_loop3A_1493, %parallel_loop3A_1494] {strides = array<i32>} : memref<2x8x3072xf32, #tpu.memory_space<vmem>>, vector<1x1x16xf32>,
        %parallel_loop3A_1496 = vector.shape_cast %parallel_loop3A_1495 : vector<1x1x16xf32> to vector<16xf32>
        %parallel_loop3A_1497 = vector.shape_cast %parallel_loop3A_1488 : vector<16xf32> to vector<1x1x16xf32>
        tpu.vector_store %arg5[%parallel_loop3A_1492, %parallel_loop3A_1493, %parallel_loop3A_1494], %parallel_loop3A_1497 {strides = array<i32>} : memref<2x8x3072xf32, #tpu.memory_space<vmem>>, vector<1x1x16xf32>,
        %parallel_loop3A_1498 = arith.constant 64 : i32
        %parallel_loop3A_1499 = arith.addi %parallel_loop3A_793, %parallel_loop3A_1498 : i32
        %parallel_loop3A_1500 = arith.addi %add3A_603, %parallel_loop3A_1499 : i32
        %parallel_loop3A_1501 = tpu.assume_multiple %parallel_loop3A_1500, 16 : i32
        %parallel_loop3A_1502 = arith.index_cast %parallel_loop3A_1501 : i32 to index
        %parallel_loop3A_1503 = tpu.vector_load %arg4[%parallel_loop3A_1502] {strides = array<i32>} : memref<65536xf32, #tpu.memory_space<vmem>>, vector<16xf32>,
        %parallel_loop3A_1504 = vector.shape_cast %parallel_loop3A_1503 : vector<16xf32> to vector<16xf32>
        %parallel_loop3A_1505 = tpu.assume_multiple %parallel_loop3A_1499, 16 : i32
        %parallel_loop3A_1506 = arith.constant 1 : i32
        %parallel_loop3A_1507 = arith.constant 5 : i32
        %parallel_loop3A_1508 = arith.index_cast %parallel_loop3A_1506 : i32 to index
        %parallel_loop3A_1509 = arith.index_cast %parallel_loop3A_1507 : i32 to index
        %parallel_loop3A_1510 = arith.index_cast %parallel_loop3A_1505 : i32 to index
        %parallel_loop3A_1511 = tpu.vector_load %arg5[%parallel_loop3A_1508, %parallel_loop3A_1509, %parallel_loop3A_1510] {strides = array<i32>} : memref<2x8x3072xf32, #tpu.memory_space<vmem>>, vector<1x1x16xf32>,
        %parallel_loop3A_1512 = vector.shape_cast %parallel_loop3A_1511 : vector<1x1x16xf32> to vector<16xf32>
        %parallel_loop3A_1513 = vector.shape_cast %parallel_loop3A_1504 : vector<16xf32> to vector<1x1x16xf32>
        tpu.vector_store %arg5[%parallel_loop3A_1508, %parallel_loop3A_1509, %parallel_loop3A_1510], %parallel_loop3A_1513 {strides = array<i32>} : memref<2x8x3072xf32, #tpu.memory_space<vmem>>, vector<1x1x16xf32>,
        %parallel_loop3A_1514 = arith.constant 80 : i32
        %parallel_loop3A_1515 = arith.addi %parallel_loop3A_793, %parallel_loop3A_1514 : i32
        %parallel_loop3A_1516 = arith.addi %add3A_603, %parallel_loop3A_1515 : i32
        %parallel_loop3A_1517 = tpu.assume_multiple %parallel_loop3A_1516, 16 : i32
        %parallel_loop3A_1518 = arith.index_cast %parallel_loop3A_1517 : i32 to index
        %parallel_loop3A_1519 = tpu.vector_load %arg4[%parallel_loop3A_1518] {strides = array<i32>} : memref<65536xf32, #tpu.memory_space<vmem>>, vector<16xf32>,
        %parallel_loop3A_1520 = vector.shape_cast %parallel_loop3A_1519 : vector<16xf32> to vector<16xf32>
        %parallel_loop3A_1521 = tpu.assume_multiple %parallel_loop3A_1515, 16 : i32
        %parallel_loop3A_1522 = arith.constant 1 : i32
        %parallel_loop3A_1523 = arith.constant 5 : i32
        %parallel_loop3A_1524 = arith.index_cast %parallel_loop3A_1522 : i32 to index
        %parallel_loop3A_1525 = arith.index_cast %parallel_loop3A_1523 : i32 to index
        %parallel_loop3A_1526 = arith.index_cast %parallel_loop3A_1521 : i32 to index
        %parallel_loop3A_1527 = tpu.vector_load %arg5[%parallel_loop3A_1524, %parallel_loop3A_1525, %parallel_loop3A_1526] {strides = array<i32>} : memref<2x8x3072xf32, #tpu.memory_space<vmem>>, vector<1x1x16xf32>,
        %parallel_loop3A_1528 = vector.shape_cast %parallel_loop3A_1527 : vector<1x1x16xf32> to vector<16xf32>
        %parallel_loop3A_1529 = vector.shape_cast %parallel_loop3A_1520 : vector<16xf32> to vector<1x1x16xf32>
        tpu.vector_store %arg5[%parallel_loop3A_1524, %parallel_loop3A_1525, %parallel_loop3A_1526], %parallel_loop3A_1529 {strides = array<i32>} : memref<2x8x3072xf32, #tpu.memory_space<vmem>>, vector<1x1x16xf32>,
        %parallel_loop3A_1530 = arith.constant 96 : i32
        %parallel_loop3A_1531 = arith.addi %parallel_loop3A_793, %parallel_loop3A_1530 : i32
        %parallel_loop3A_1532 = arith.addi %add3A_603, %parallel_loop3A_1531 : i32
        %parallel_loop3A_1533 = tpu.assume_multiple %parallel_loop3A_1532, 16 : i32
        %parallel_loop3A_1534 = arith.index_cast %parallel_loop3A_1533 : i32 to index
        %parallel_loop3A_1535 = tpu.vector_load %arg4[%parallel_loop3A_1534] {strides = array<i32>} : memref<65536xf32, #tpu.memory_space<vmem>>, vector<16xf32>,
        %parallel_loop3A_1536 = vector.shape_cast %parallel_loop3A_1535 : vector<16xf32> to vector<16xf32>
        %parallel_loop3A_1537 = tpu.assume_multiple %parallel_loop3A_1531, 16 : i32
        %parallel_loop3A_1538 = arith.constant 1 : i32
        %parallel_loop3A_1539 = arith.constant 5 : i32
        %parallel_loop3A_1540 = arith.index_cast %parallel_loop3A_1538 : i32 to index
        %parallel_loop3A_1541 = arith.index_cast %parallel_loop3A_1539 : i32 to index
        %parallel_loop3A_1542 = arith.index_cast %parallel_loop3A_1537 : i32 to index
        %parallel_loop3A_1543 = tpu.vector_load %arg5[%parallel_loop3A_1540, %parallel_loop3A_1541, %parallel_loop3A_1542] {strides = array<i32>} : memref<2x8x3072xf32, #tpu.memory_space<vmem>>, vector<1x1x16xf32>,
        %parallel_loop3A_1544 = vector.shape_cast %parallel_loop3A_1543 : vector<1x1x16xf32> to vector<16xf32>
        %parallel_loop3A_1545 = vector.shape_cast %parallel_loop3A_1536 : vector<16xf32> to vector<1x1x16xf32>
        tpu.vector_store %arg5[%parallel_loop3A_1540, %parallel_loop3A_1541, %parallel_loop3A_1542], %parallel_loop3A_1545 {strides = array<i32>} : memref<2x8x3072xf32, #tpu.memory_space<vmem>>, vector<1x1x16xf32>,
        %parallel_loop3A_1546 = arith.constant 112 : i32
        %parallel_loop3A_1547 = arith.addi %parallel_loop3A_793, %parallel_loop3A_1546 : i32
        %parallel_loop3A_1548 = arith.addi %add3A_603, %parallel_loop3A_1547 : i32
        %parallel_loop3A_1549 = tpu.assume_multiple %parallel_loop3A_1548, 16 : i32
        %parallel_loop3A_1550 = arith.index_cast %parallel_loop3A_1549 : i32 to index
        %parallel_loop3A_1551 = tpu.vector_load %arg4[%parallel_loop3A_1550] {strides = array<i32>} : memref<65536xf32, #tpu.memory_space<vmem>>, vector<16xf32>,
        %parallel_loop3A_1552 = vector.shape_cast %parallel_loop3A_1551 : vector<16xf32> to vector<16xf32>
        %parallel_loop3A_1553 = tpu.assume_multiple %parallel_loop3A_1547, 16 : i32
        %parallel_loop3A_1554 = arith.constant 1 : i32
        %parallel_loop3A_1555 = arith.constant 5 : i32
        %parallel_loop3A_1556 = arith.index_cast %parallel_loop3A_1554 : i32 to index
        %parallel_loop3A_1557 = arith.index_cast %parallel_loop3A_1555 : i32 to index
        %parallel_loop3A_1558 = arith.index_cast %parallel_loop3A_1553 : i32 to index
        %parallel_loop3A_1559 = tpu.vector_load %arg5[%parallel_loop3A_1556, %parallel_loop3A_1557, %parallel_loop3A_1558] {strides = array<i32>} : memref<2x8x3072xf32, #tpu.memory_space<vmem>>, vector<1x1x16xf32>,
        %parallel_loop3A_1560 = vector.shape_cast %parallel_loop3A_1559 : vector<1x1x16xf32> to vector<16xf32>
        %parallel_loop3A_1561 = vector.shape_cast %parallel_loop3A_1552 : vector<16xf32> to vector<1x1x16xf32>
        tpu.vector_store %arg5[%parallel_loop3A_1556, %parallel_loop3A_1557, %parallel_loop3A_1558], %parallel_loop3A_1561 {strides = array<i32>} : memref<2x8x3072xf32, #tpu.memory_space<vmem>>, vector<1x1x16xf32>,
        %parallel_loop3A_1562 = arith.constant 0 : i32
        %parallel_loop3A_1563 = arith.addi %parallel_loop3A_793, %parallel_loop3A_1562 : i32
        %parallel_loop3A_1564 = arith.addi %add3A_611, %parallel_loop3A_1563 : i32
        %parallel_loop3A_1565 = tpu.assume_multiple %parallel_loop3A_1564, 16 : i32
        %parallel_loop3A_1566 = arith.index_cast %parallel_loop3A_1565 : i32 to index
        %parallel_loop3A_1567 = tpu.vector_load %arg4[%parallel_loop3A_1566] {strides = array<i32>} : memref<65536xf32, #tpu.memory_space<vmem>>, vector<16xf32>,
        %parallel_loop3A_1568 = vector.shape_cast %parallel_loop3A_1567 : vector<16xf32> to vector<16xf32>
        %parallel_loop3A_1569 = tpu.assume_multiple %parallel_loop3A_1563, 16 : i32
        %parallel_loop3A_1570 = arith.constant 1 : i32
        %parallel_loop3A_1571 = arith.constant 6 : i32
        %parallel_loop3A_1572 = arith.index_cast %parallel_loop3A_1570 : i32 to index
        %parallel_loop3A_1573 = arith.index_cast %parallel_loop3A_1571 : i32 to index
        %parallel_loop3A_1574 = arith.index_cast %parallel_loop3A_1569 : i32 to index
        %parallel_loop3A_1575 = tpu.vector_load %arg5[%parallel_loop3A_1572, %parallel_loop3A_1573, %parallel_loop3A_1574] {strides = array<i32>} : memref<2x8x3072xf32, #tpu.memory_space<vmem>>, vector<1x1x16xf32>,
        %parallel_loop3A_1576 = vector.shape_cast %parallel_loop3A_1575 : vector<1x1x16xf32> to vector<16xf32>
        %parallel_loop3A_1577 = vector.shape_cast %parallel_loop3A_1568 : vector<16xf32> to vector<1x1x16xf32>
        tpu.vector_store %arg5[%parallel_loop3A_1572, %parallel_loop3A_1573, %parallel_loop3A_1574], %parallel_loop3A_1577 {strides = array<i32>} : memref<2x8x3072xf32, #tpu.memory_space<vmem>>, vector<1x1x16xf32>,
        %parallel_loop3A_1578 = arith.constant 16 : i32
        %parallel_loop3A_1579 = arith.addi %parallel_loop3A_793, %parallel_loop3A_1578 : i32
        %parallel_loop3A_1580 = arith.addi %add3A_611, %parallel_loop3A_1579 : i32
        %parallel_loop3A_1581 = tpu.assume_multiple %parallel_loop3A_1580, 16 : i32
        %parallel_loop3A_1582 = arith.index_cast %parallel_loop3A_1581 : i32 to index
        %parallel_loop3A_1583 = tpu.vector_load %arg4[%parallel_loop3A_1582] {strides = array<i32>} : memref<65536xf32, #tpu.memory_space<vmem>>, vector<16xf32>,
        %parallel_loop3A_1584 = vector.shape_cast %parallel_loop3A_1583 : vector<16xf32> to vector<16xf32>
        %parallel_loop3A_1585 = tpu.assume_multiple %parallel_loop3A_1579, 16 : i32
        %parallel_loop3A_1586 = arith.constant 1 : i32
        %parallel_loop3A_1587 = arith.constant 6 : i32
        %parallel_loop3A_1588 = arith.index_cast %parallel_loop3A_1586 : i32 to index
        %parallel_loop3A_1589 = arith.index_cast %parallel_loop3A_1587 : i32 to index
        %parallel_loop3A_1590 = arith.index_cast %parallel_loop3A_1585 : i32 to index
        %parallel_loop3A_1591 = tpu.vector_load %arg5[%parallel_loop3A_1588, %parallel_loop3A_1589, %parallel_loop3A_1590] {strides = array<i32>} : memref<2x8x3072xf32, #tpu.memory_space<vmem>>, vector<1x1x16xf32>,
        %parallel_loop3A_1592 = vector.shape_cast %parallel_loop3A_1591 : vector<1x1x16xf32> to vector<16xf32>
        %parallel_loop3A_1593 = vector.shape_cast %parallel_loop3A_1584 : vector<16xf32> to vector<1x1x16xf32>
        tpu.vector_store %arg5[%parallel_loop3A_1588, %parallel_loop3A_1589, %parallel_loop3A_1590], %parallel_loop3A_1593 {strides = array<i32>} : memref<2x8x3072xf32, #tpu.memory_space<vmem>>, vector<1x1x16xf32>,
        %parallel_loop3A_1594 = arith.constant 32 : i32
        %parallel_loop3A_1595 = arith.addi %parallel_loop3A_793, %parallel_loop3A_1594 : i32
        %parallel_loop3A_1596 = arith.addi %add3A_611, %parallel_loop3A_1595 : i32
        %parallel_loop3A_1597 = tpu.assume_multiple %parallel_loop3A_1596, 16 : i32
        %parallel_loop3A_1598 = arith.index_cast %parallel_loop3A_1597 : i32 to index
        %parallel_loop3A_1599 = tpu.vector_load %arg4[%parallel_loop3A_1598] {strides = array<i32>} : memref<65536xf32, #tpu.memory_space<vmem>>, vector<16xf32>,
        %parallel_loop3A_1600 = vector.shape_cast %parallel_loop3A_1599 : vector<16xf32> to vector<16xf32>
        %parallel_loop3A_1601 = tpu.assume_multiple %parallel_loop3A_1595, 16 : i32
        %parallel_loop3A_1602 = arith.constant 1 : i32
        %parallel_loop3A_1603 = arith.constant 6 : i32
        %parallel_loop3A_1604 = arith.index_cast %parallel_loop3A_1602 : i32 to index
        %parallel_loop3A_1605 = arith.index_cast %parallel_loop3A_1603 : i32 to index
        %parallel_loop3A_1606 = arith.index_cast %parallel_loop3A_1601 : i32 to index
        %parallel_loop3A_1607 = tpu.vector_load %arg5[%parallel_loop3A_1604, %parallel_loop3A_1605, %parallel_loop3A_1606] {strides = array<i32>} : memref<2x8x3072xf32, #tpu.memory_space<vmem>>, vector<1x1x16xf32>,
        %parallel_loop3A_1608 = vector.shape_cast %parallel_loop3A_1607 : vector<1x1x16xf32> to vector<16xf32>
        %parallel_loop3A_1609 = vector.shape_cast %parallel_loop3A_1600 : vector<16xf32> to vector<1x1x16xf32>
        tpu.vector_store %arg5[%parallel_loop3A_1604, %parallel_loop3A_1605, %parallel_loop3A_1606], %parallel_loop3A_1609 {strides = array<i32>} : memref<2x8x3072xf32, #tpu.memory_space<vmem>>, vector<1x1x16xf32>,
        %parallel_loop3A_1610 = arith.constant 48 : i32
        %parallel_loop3A_1611 = arith.addi %parallel_loop3A_793, %parallel_loop3A_1610 : i32
        %parallel_loop3A_1612 = arith.addi %add3A_611, %parallel_loop3A_1611 : i32
        %parallel_loop3A_1613 = tpu.assume_multiple %parallel_loop3A_1612, 16 : i32
        %parallel_loop3A_1614 = arith.index_cast %parallel_loop3A_1613 : i32 to index
        %parallel_loop3A_1615 = tpu.vector_load %arg4[%parallel_loop3A_1614] {strides = array<i32>} : memref<65536xf32, #tpu.memory_space<vmem>>, vector<16xf32>,
        %parallel_loop3A_1616 = vector.shape_cast %parallel_loop3A_1615 : vector<16xf32> to vector<16xf32>
        %parallel_loop3A_1617 = tpu.assume_multiple %parallel_loop3A_1611, 16 : i32
        %parallel_loop3A_1618 = arith.constant 1 : i32
        %parallel_loop3A_1619 = arith.constant 6 : i32
        %parallel_loop3A_1620 = arith.index_cast %parallel_loop3A_1618 : i32 to index
        %parallel_loop3A_1621 = arith.index_cast %parallel_loop3A_1619 : i32 to index
        %parallel_loop3A_1622 = arith.index_cast %parallel_loop3A_1617 : i32 to index
        %parallel_loop3A_1623 = tpu.vector_load %arg5[%parallel_loop3A_1620, %parallel_loop3A_1621, %parallel_loop3A_1622] {strides = array<i32>} : memref<2x8x3072xf32, #tpu.memory_space<vmem>>, vector<1x1x16xf32>,
        %parallel_loop3A_1624 = vector.shape_cast %parallel_loop3A_1623 : vector<1x1x16xf32> to vector<16xf32>
        %parallel_loop3A_1625 = vector.shape_cast %parallel_loop3A_1616 : vector<16xf32> to vector<1x1x16xf32>
        tpu.vector_store %arg5[%parallel_loop3A_1620, %parallel_loop3A_1621, %parallel_loop3A_1622], %parallel_loop3A_1625 {strides = array<i32>} : memref<2x8x3072xf32, #tpu.memory_space<vmem>>, vector<1x1x16xf32>,
        %parallel_loop3A_1626 = arith.constant 64 : i32
        %parallel_loop3A_1627 = arith.addi %parallel_loop3A_793, %parallel_loop3A_1626 : i32
        %parallel_loop3A_1628 = arith.addi %add3A_611, %parallel_loop3A_1627 : i32
        %parallel_loop3A_1629 = tpu.assume_multiple %parallel_loop3A_1628, 16 : i32
        %parallel_loop3A_1630 = arith.index_cast %parallel_loop3A_1629 : i32 to index
        %parallel_loop3A_1631 = tpu.vector_load %arg4[%parallel_loop3A_1630] {strides = array<i32>} : memref<65536xf32, #tpu.memory_space<vmem>>, vector<16xf32>,
        %parallel_loop3A_1632 = vector.shape_cast %parallel_loop3A_1631 : vector<16xf32> to vector<16xf32>
        %parallel_loop3A_1633 = tpu.assume_multiple %parallel_loop3A_1627, 16 : i32
        %parallel_loop3A_1634 = arith.constant 1 : i32
        %parallel_loop3A_1635 = arith.constant 6 : i32
        %parallel_loop3A_1636 = arith.index_cast %parallel_loop3A_1634 : i32 to index
        %parallel_loop3A_1637 = arith.index_cast %parallel_loop3A_1635 : i32 to index
        %parallel_loop3A_1638 = arith.index_cast %parallel_loop3A_1633 : i32 to index
        %parallel_loop3A_1639 = tpu.vector_load %arg5[%parallel_loop3A_1636, %parallel_loop3A_1637, %parallel_loop3A_1638] {strides = array<i32>} : memref<2x8x3072xf32, #tpu.memory_space<vmem>>, vector<1x1x16xf32>,
        %parallel_loop3A_1640 = vector.shape_cast %parallel_loop3A_1639 : vector<1x1x16xf32> to vector<16xf32>
        %parallel_loop3A_1641 = vector.shape_cast %parallel_loop3A_1632 : vector<16xf32> to vector<1x1x16xf32>
        tpu.vector_store %arg5[%parallel_loop3A_1636, %parallel_loop3A_1637, %parallel_loop3A_1638], %parallel_loop3A_1641 {strides = array<i32>} : memref<2x8x3072xf32, #tpu.memory_space<vmem>>, vector<1x1x16xf32>,
        %parallel_loop3A_1642 = arith.constant 80 : i32
        %parallel_loop3A_1643 = arith.addi %parallel_loop3A_793, %parallel_loop3A_1642 : i32
        %parallel_loop3A_1644 = arith.addi %add3A_611, %parallel_loop3A_1643 : i32
        %parallel_loop3A_1645 = tpu.assume_multiple %parallel_loop3A_1644, 16 : i32
        %parallel_loop3A_1646 = arith.index_cast %parallel_loop3A_1645 : i32 to index
        %parallel_loop3A_1647 = tpu.vector_load %arg4[%parallel_loop3A_1646] {strides = array<i32>} : memref<65536xf32, #tpu.memory_space<vmem>>, vector<16xf32>,
        %parallel_loop3A_1648 = vector.shape_cast %parallel_loop3A_1647 : vector<16xf32> to vector<16xf32>
        %parallel_loop3A_1649 = tpu.assume_multiple %parallel_loop3A_1643, 16 : i32
        %parallel_loop3A_1650 = arith.constant 1 : i32
        %parallel_loop3A_1651 = arith.constant 6 : i32
        %parallel_loop3A_1652 = arith.index_cast %parallel_loop3A_1650 : i32 to index
        %parallel_loop3A_1653 = arith.index_cast %parallel_loop3A_1651 : i32 to index
        %parallel_loop3A_1654 = arith.index_cast %parallel_loop3A_1649 : i32 to index
        %parallel_loop3A_1655 = tpu.vector_load %arg5[%parallel_loop3A_1652, %parallel_loop3A_1653, %parallel_loop3A_1654] {strides = array<i32>} : memref<2x8x3072xf32, #tpu.memory_space<vmem>>, vector<1x1x16xf32>,
        %parallel_loop3A_1656 = vector.shape_cast %parallel_loop3A_1655 : vector<1x1x16xf32> to vector<16xf32>
        %parallel_loop3A_1657 = vector.shape_cast %parallel_loop3A_1648 : vector<16xf32> to vector<1x1x16xf32>
        tpu.vector_store %arg5[%parallel_loop3A_1652, %parallel_loop3A_1653, %parallel_loop3A_1654], %parallel_loop3A_1657 {strides = array<i32>} : memref<2x8x3072xf32, #tpu.memory_space<vmem>>, vector<1x1x16xf32>,
        %parallel_loop3A_1658 = arith.constant 96 : i32
        %parallel_loop3A_1659 = arith.addi %parallel_loop3A_793, %parallel_loop3A_1658 : i32
        %parallel_loop3A_1660 = arith.addi %add3A_611, %parallel_loop3A_1659 : i32
        %parallel_loop3A_1661 = tpu.assume_multiple %parallel_loop3A_1660, 16 : i32
        %parallel_loop3A_1662 = arith.index_cast %parallel_loop3A_1661 : i32 to index
        %parallel_loop3A_1663 = tpu.vector_load %arg4[%parallel_loop3A_1662] {strides = array<i32>} : memref<65536xf32, #tpu.memory_space<vmem>>, vector<16xf32>,
        %parallel_loop3A_1664 = vector.shape_cast %parallel_loop3A_1663 : vector<16xf32> to vector<16xf32>
        %parallel_loop3A_1665 = tpu.assume_multiple %parallel_loop3A_1659, 16 : i32
        %parallel_loop3A_1666 = arith.constant 1 : i32
        %parallel_loop3A_1667 = arith.constant 6 : i32
        %parallel_loop3A_1668 = arith.index_cast %parallel_loop3A_1666 : i32 to index
        %parallel_loop3A_1669 = arith.index_cast %parallel_loop3A_1667 : i32 to index
        %parallel_loop3A_1670 = arith.index_cast %parallel_loop3A_1665 : i32 to index
        %parallel_loop3A_1671 = tpu.vector_load %arg5[%parallel_loop3A_1668, %parallel_loop3A_1669, %parallel_loop3A_1670] {strides = array<i32>} : memref<2x8x3072xf32, #tpu.memory_space<vmem>>, vector<1x1x16xf32>,
        %parallel_loop3A_1672 = vector.shape_cast %parallel_loop3A_1671 : vector<1x1x16xf32> to vector<16xf32>
        %parallel_loop3A_1673 = vector.shape_cast %parallel_loop3A_1664 : vector<16xf32> to vector<1x1x16xf32>
        tpu.vector_store %arg5[%parallel_loop3A_1668, %parallel_loop3A_1669, %parallel_loop3A_1670], %parallel_loop3A_1673 {strides = array<i32>} : memref<2x8x3072xf32, #tpu.memory_space<vmem>>, vector<1x1x16xf32>,
        %parallel_loop3A_1674 = arith.constant 112 : i32
        %parallel_loop3A_1675 = arith.addi %parallel_loop3A_793, %parallel_loop3A_1674 : i32
        %parallel_loop3A_1676 = arith.addi %add3A_611, %parallel_loop3A_1675 : i32
        %parallel_loop3A_1677 = tpu.assume_multiple %parallel_loop3A_1676, 16 : i32
        %parallel_loop3A_1678 = arith.index_cast %parallel_loop3A_1677 : i32 to index
        %parallel_loop3A_1679 = tpu.vector_load %arg4[%parallel_loop3A_1678] {strides = array<i32>} : memref<65536xf32, #tpu.memory_space<vmem>>, vector<16xf32>,
        %parallel_loop3A_1680 = vector.shape_cast %parallel_loop3A_1679 : vector<16xf32> to vector<16xf32>
        %parallel_loop3A_1681 = tpu.assume_multiple %parallel_loop3A_1675, 16 : i32
        %parallel_loop3A_1682 = arith.constant 1 : i32
        %parallel_loop3A_1683 = arith.constant 6 : i32
        %parallel_loop3A_1684 = arith.index_cast %parallel_loop3A_1682 : i32 to index
        %parallel_loop3A_1685 = arith.index_cast %parallel_loop3A_1683 : i32 to index
        %parallel_loop3A_1686 = arith.index_cast %parallel_loop3A_1681 : i32 to index
        %parallel_loop3A_1687 = tpu.vector_load %arg5[%parallel_loop3A_1684, %parallel_loop3A_1685, %parallel_loop3A_1686] {strides = array<i32>} : memref<2x8x3072xf32, #tpu.memory_space<vmem>>, vector<1x1x16xf32>,
        %parallel_loop3A_1688 = vector.shape_cast %parallel_loop3A_1687 : vector<1x1x16xf32> to vector<16xf32>
        %parallel_loop3A_1689 = vector.shape_cast %parallel_loop3A_1680 : vector<16xf32> to vector<1x1x16xf32>
        tpu.vector_store %arg5[%parallel_loop3A_1684, %parallel_loop3A_1685, %parallel_loop3A_1686], %parallel_loop3A_1689 {strides = array<i32>} : memref<2x8x3072xf32, #tpu.memory_space<vmem>>, vector<1x1x16xf32>,
        %parallel_loop3A_1690 = arith.constant 0 : i32
        %parallel_loop3A_1691 = arith.addi %parallel_loop3A_793, %parallel_loop3A_1690 : i32
        %parallel_loop3A_1692 = arith.addi %add3A_619, %parallel_loop3A_1691 : i32
        %parallel_loop3A_1693 = tpu.assume_multiple %parallel_loop3A_1692, 16 : i32
        %parallel_loop3A_1694 = arith.index_cast %parallel_loop3A_1693 : i32 to index
        %parallel_loop3A_1695 = tpu.vector_load %arg4[%parallel_loop3A_1694] {strides = array<i32>} : memref<65536xf32, #tpu.memory_space<vmem>>, vector<16xf32>,
        %parallel_loop3A_1696 = vector.shape_cast %parallel_loop3A_1695 : vector<16xf32> to vector<16xf32>
        %parallel_loop3A_1697 = tpu.assume_multiple %parallel_loop3A_1691, 16 : i32
        %parallel_loop3A_1698 = arith.constant 1 : i32
        %parallel_loop3A_1699 = arith.constant 7 : i32
        %parallel_loop3A_1700 = arith.index_cast %parallel_loop3A_1698 : i32 to index
        %parallel_loop3A_1701 = arith.index_cast %parallel_loop3A_1699 : i32 to index
        %parallel_loop3A_1702 = arith.index_cast %parallel_loop3A_1697 : i32 to index
        %parallel_loop3A_1703 = tpu.vector_load %arg5[%parallel_loop3A_1700, %parallel_loop3A_1701, %parallel_loop3A_1702] {strides = array<i32>} : memref<2x8x3072xf32, #tpu.memory_space<vmem>>, vector<1x1x16xf32>,
        %parallel_loop3A_1704 = vector.shape_cast %parallel_loop3A_1703 : vector<1x1x16xf32> to vector<16xf32>
        %parallel_loop3A_1705 = vector.shape_cast %parallel_loop3A_1696 : vector<16xf32> to vector<1x1x16xf32>
        tpu.vector_store %arg5[%parallel_loop3A_1700, %parallel_loop3A_1701, %parallel_loop3A_1702], %parallel_loop3A_1705 {strides = array<i32>} : memref<2x8x3072xf32, #tpu.memory_space<vmem>>, vector<1x1x16xf32>,
        %parallel_loop3A_1706 = arith.constant 16 : i32
        %parallel_loop3A_1707 = arith.addi %parallel_loop3A_793, %parallel_loop3A_1706 : i32
        %parallel_loop3A_1708 = arith.addi %add3A_619, %parallel_loop3A_1707 : i32
        %parallel_loop3A_1709 = tpu.assume_multiple %parallel_loop3A_1708, 16 : i32
        %parallel_loop3A_1710 = arith.index_cast %parallel_loop3A_1709 : i32 to index
        %parallel_loop3A_1711 = tpu.vector_load %arg4[%parallel_loop3A_1710] {strides = array<i32>} : memref<65536xf32, #tpu.memory_space<vmem>>, vector<16xf32>,
        %parallel_loop3A_1712 = vector.shape_cast %parallel_loop3A_1711 : vector<16xf32> to vector<16xf32>
        %parallel_loop3A_1713 = tpu.assume_multiple %parallel_loop3A_1707, 16 : i32
        %parallel_loop3A_1714 = arith.constant 1 : i32
        %parallel_loop3A_1715 = arith.constant 7 : i32
        %parallel_loop3A_1716 = arith.index_cast %parallel_loop3A_1714 : i32 to index
        %parallel_loop3A_1717 = arith.index_cast %parallel_loop3A_1715 : i32 to index
        %parallel_loop3A_1718 = arith.index_cast %parallel_loop3A_1713 : i32 to index
        %parallel_loop3A_1719 = tpu.vector_load %arg5[%parallel_loop3A_1716, %parallel_loop3A_1717, %parallel_loop3A_1718] {strides = array<i32>} : memref<2x8x3072xf32, #tpu.memory_space<vmem>>, vector<1x1x16xf32>,
        %parallel_loop3A_1720 = vector.shape_cast %parallel_loop3A_1719 : vector<1x1x16xf32> to vector<16xf32>
        %parallel_loop3A_1721 = vector.shape_cast %parallel_loop3A_1712 : vector<16xf32> to vector<1x1x16xf32>
        tpu.vector_store %arg5[%parallel_loop3A_1716, %parallel_loop3A_1717, %parallel_loop3A_1718], %parallel_loop3A_1721 {strides = array<i32>} : memref<2x8x3072xf32, #tpu.memory_space<vmem>>, vector<1x1x16xf32>,
        %parallel_loop3A_1722 = arith.constant 32 : i32
        %parallel_loop3A_1723 = arith.addi %parallel_loop3A_793, %parallel_loop3A_1722 : i32
        %parallel_loop3A_1724 = arith.addi %add3A_619, %parallel_loop3A_1723 : i32
        %parallel_loop3A_1725 = tpu.assume_multiple %parallel_loop3A_1724, 16 : i32
        %parallel_loop3A_1726 = arith.index_cast %parallel_loop3A_1725 : i32 to index
        %parallel_loop3A_1727 = tpu.vector_load %arg4[%parallel_loop3A_1726] {strides = array<i32>} : memref<65536xf32, #tpu.memory_space<vmem>>, vector<16xf32>,
        %parallel_loop3A_1728 = vector.shape_cast %parallel_loop3A_1727 : vector<16xf32> to vector<16xf32>
        %parallel_loop3A_1729 = tpu.assume_multiple %parallel_loop3A_1723, 16 : i32
        %parallel_loop3A_1730 = arith.constant 1 : i32
        %parallel_loop3A_1731 = arith.constant 7 : i32
        %parallel_loop3A_1732 = arith.index_cast %parallel_loop3A_1730 : i32 to index
        %parallel_loop3A_1733 = arith.index_cast %parallel_loop3A_1731 : i32 to index
        %parallel_loop3A_1734 = arith.index_cast %parallel_loop3A_1729 : i32 to index
        %parallel_loop3A_1735 = tpu.vector_load %arg5[%parallel_loop3A_1732, %parallel_loop3A_1733, %parallel_loop3A_1734] {strides = array<i32>} : memref<2x8x3072xf32, #tpu.memory_space<vmem>>, vector<1x1x16xf32>,
        %parallel_loop3A_1736 = vector.shape_cast %parallel_loop3A_1735 : vector<1x1x16xf32> to vector<16xf32>
        %parallel_loop3A_1737 = vector.shape_cast %parallel_loop3A_1728 : vector<16xf32> to vector<1x1x16xf32>
        tpu.vector_store %arg5[%parallel_loop3A_1732, %parallel_loop3A_1733, %parallel_loop3A_1734], %parallel_loop3A_1737 {strides = array<i32>} : memref<2x8x3072xf32, #tpu.memory_space<vmem>>, vector<1x1x16xf32>,
        %parallel_loop3A_1738 = arith.constant 48 : i32
        %parallel_loop3A_1739 = arith.addi %parallel_loop3A_793, %parallel_loop3A_1738 : i32
        %parallel_loop3A_1740 = arith.addi %add3A_619, %parallel_loop3A_1739 : i32
        %parallel_loop3A_1741 = tpu.assume_multiple %parallel_loop3A_1740, 16 : i32
        %parallel_loop3A_1742 = arith.index_cast %parallel_loop3A_1741 : i32 to index
        %parallel_loop3A_1743 = tpu.vector_load %arg4[%parallel_loop3A_1742] {strides = array<i32>} : memref<65536xf32, #tpu.memory_space<vmem>>, vector<16xf32>,
        %parallel_loop3A_1744 = vector.shape_cast %parallel_loop3A_1743 : vector<16xf32> to vector<16xf32>
        %parallel_loop3A_1745 = tpu.assume_multiple %parallel_loop3A_1739, 16 : i32
        %parallel_loop3A_1746 = arith.constant 1 : i32
        %parallel_loop3A_1747 = arith.constant 7 : i32
        %parallel_loop3A_1748 = arith.index_cast %parallel_loop3A_1746 : i32 to index
        %parallel_loop3A_1749 = arith.index_cast %parallel_loop3A_1747 : i32 to index
        %parallel_loop3A_1750 = arith.index_cast %parallel_loop3A_1745 : i32 to index
        %parallel_loop3A_1751 = tpu.vector_load %arg5[%parallel_loop3A_1748, %parallel_loop3A_1749, %parallel_loop3A_1750] {strides = array<i32>} : memref<2x8x3072xf32, #tpu.memory_space<vmem>>, vector<1x1x16xf32>,
        %parallel_loop3A_1752 = vector.shape_cast %parallel_loop3A_1751 : vector<1x1x16xf32> to vector<16xf32>
        %parallel_loop3A_1753 = vector.shape_cast %parallel_loop3A_1744 : vector<16xf32> to vector<1x1x16xf32>
        tpu.vector_store %arg5[%parallel_loop3A_1748, %parallel_loop3A_1749, %parallel_loop3A_1750], %parallel_loop3A_1753 {strides = array<i32>} : memref<2x8x3072xf32, #tpu.memory_space<vmem>>, vector<1x1x16xf32>,
        %parallel_loop3A_1754 = arith.constant 64 : i32
        %parallel_loop3A_1755 = arith.addi %parallel_loop3A_793, %parallel_loop3A_1754 : i32
        %parallel_loop3A_1756 = arith.addi %add3A_619, %parallel_loop3A_1755 : i32
        %parallel_loop3A_1757 = tpu.assume_multiple %parallel_loop3A_1756, 16 : i32
        %parallel_loop3A_1758 = arith.index_cast %parallel_loop3A_1757 : i32 to index
        %parallel_loop3A_1759 = tpu.vector_load %arg4[%parallel_loop3A_1758] {strides = array<i32>} : memref<65536xf32, #tpu.memory_space<vmem>>, vector<16xf32>,
        %parallel_loop3A_1760 = vector.shape_cast %parallel_loop3A_1759 : vector<16xf32> to vector<16xf32>
        %parallel_loop3A_1761 = tpu.assume_multiple %parallel_loop3A_1755, 16 : i32
        %parallel_loop3A_1762 = arith.constant 1 : i32
        %parallel_loop3A_1763 = arith.constant 7 : i32
        %parallel_loop3A_1764 = arith.index_cast %parallel_loop3A_1762 : i32 to index
        %parallel_loop3A_1765 = arith.index_cast %parallel_loop3A_1763 : i32 to index
        %parallel_loop3A_1766 = arith.index_cast %parallel_loop3A_1761 : i32 to index
        %parallel_loop3A_1767 = tpu.vector_load %arg5[%parallel_loop3A_1764, %parallel_loop3A_1765, %parallel_loop3A_1766] {strides = array<i32>} : memref<2x8x3072xf32, #tpu.memory_space<vmem>>, vector<1x1x16xf32>,
        %parallel_loop3A_1768 = vector.shape_cast %parallel_loop3A_1767 : vector<1x1x16xf32> to vector<16xf32>
        %parallel_loop3A_1769 = vector.shape_cast %parallel_loop3A_1760 : vector<16xf32> to vector<1x1x16xf32>
        tpu.vector_store %arg5[%parallel_loop3A_1764, %parallel_loop3A_1765, %parallel_loop3A_1766], %parallel_loop3A_1769 {strides = array<i32>} : memref<2x8x3072xf32, #tpu.memory_space<vmem>>, vector<1x1x16xf32>,
        %parallel_loop3A_1770 = arith.constant 80 : i32
        %parallel_loop3A_1771 = arith.addi %parallel_loop3A_793, %parallel_loop3A_1770 : i32
        %parallel_loop3A_1772 = arith.addi %add3A_619, %parallel_loop3A_1771 : i32
        %parallel_loop3A_1773 = tpu.assume_multiple %parallel_loop3A_1772, 16 : i32
        %parallel_loop3A_1774 = arith.index_cast %parallel_loop3A_1773 : i32 to index
        %parallel_loop3A_1775 = tpu.vector_load %arg4[%parallel_loop3A_1774] {strides = array<i32>} : memref<65536xf32, #tpu.memory_space<vmem>>, vector<16xf32>,
        %parallel_loop3A_1776 = vector.shape_cast %parallel_loop3A_1775 : vector<16xf32> to vector<16xf32>
        %parallel_loop3A_1777 = tpu.assume_multiple %parallel_loop3A_1771, 16 : i32
        %parallel_loop3A_1778 = arith.constant 1 : i32
        %parallel_loop3A_1779 = arith.constant 7 : i32
        %parallel_loop3A_1780 = arith.index_cast %parallel_loop3A_1778 : i32 to index
        %parallel_loop3A_1781 = arith.index_cast %parallel_loop3A_1779 : i32 to index
        %parallel_loop3A_1782 = arith.index_cast %parallel_loop3A_1777 : i32 to index
        %parallel_loop3A_1783 = tpu.vector_load %arg5[%parallel_loop3A_1780, %parallel_loop3A_1781, %parallel_loop3A_1782] {strides = array<i32>} : memref<2x8x3072xf32, #tpu.memory_space<vmem>>, vector<1x1x16xf32>,
        %parallel_loop3A_1784 = vector.shape_cast %parallel_loop3A_1783 : vector<1x1x16xf32> to vector<16xf32>
        %parallel_loop3A_1785 = vector.shape_cast %parallel_loop3A_1776 : vector<16xf32> to vector<1x1x16xf32>
        tpu.vector_store %arg5[%parallel_loop3A_1780, %parallel_loop3A_1781, %parallel_loop3A_1782], %parallel_loop3A_1785 {strides = array<i32>} : memref<2x8x3072xf32, #tpu.memory_space<vmem>>, vector<1x1x16xf32>,
        %parallel_loop3A_1786 = arith.constant 96 : i32
        %parallel_loop3A_1787 = arith.addi %parallel_loop3A_793, %parallel_loop3A_1786 : i32
        %parallel_loop3A_1788 = arith.addi %add3A_619, %parallel_loop3A_1787 : i32
        %parallel_loop3A_1789 = tpu.assume_multiple %parallel_loop3A_1788, 16 : i32
        %parallel_loop3A_1790 = arith.index_cast %parallel_loop3A_1789 : i32 to index
        %parallel_loop3A_1791 = tpu.vector_load %arg4[%parallel_loop3A_1790] {strides = array<i32>} : memref<65536xf32, #tpu.memory_space<vmem>>, vector<16xf32>,
        %parallel_loop3A_1792 = vector.shape_cast %parallel_loop3A_1791 : vector<16xf32> to vector<16xf32>
        %parallel_loop3A_1793 = tpu.assume_multiple %parallel_loop3A_1787, 16 : i32
        %parallel_loop3A_1794 = arith.constant 1 : i32
        %parallel_loop3A_1795 = arith.constant 7 : i32
        %parallel_loop3A_1796 = arith.index_cast %parallel_loop3A_1794 : i32 to index
        %parallel_loop3A_1797 = arith.index_cast %parallel_loop3A_1795 : i32 to index
        %parallel_loop3A_1798 = arith.index_cast %parallel_loop3A_1793 : i32 to index
        %parallel_loop3A_1799 = tpu.vector_load %arg5[%parallel_loop3A_1796, %parallel_loop3A_1797, %parallel_loop3A_1798] {strides = array<i32>} : memref<2x8x3072xf32, #tpu.memory_space<vmem>>, vector<1x1x16xf32>,
        %parallel_loop3A_1800 = vector.shape_cast %parallel_loop3A_1799 : vector<1x1x16xf32> to vector<16xf32>
        %parallel_loop3A_1801 = vector.shape_cast %parallel_loop3A_1792 : vector<16xf32> to vector<1x1x16xf32>
        tpu.vector_store %arg5[%parallel_loop3A_1796, %parallel_loop3A_1797, %parallel_loop3A_1798], %parallel_loop3A_1801 {strides = array<i32>} : memref<2x8x3072xf32, #tpu.memory_space<vmem>>, vector<1x1x16xf32>,
        %parallel_loop3A_1802 = arith.constant 112 : i32
        %parallel_loop3A_1803 = arith.addi %parallel_loop3A_793, %parallel_loop3A_1802 : i32
        %parallel_loop3A_1804 = arith.addi %add3A_619, %parallel_loop3A_1803 : i32
        %parallel_loop3A_1805 = tpu.assume_multiple %parallel_loop3A_1804, 16 : i32
        %parallel_loop3A_1806 = arith.index_cast %parallel_loop3A_1805 : i32 to index
        %parallel_loop3A_1807 = tpu.vector_load %arg4[%parallel_loop3A_1806] {strides = array<i32>} : memref<65536xf32, #tpu.memory_space<vmem>>, vector<16xf32>,
        %parallel_loop3A_1808 = vector.shape_cast %parallel_loop3A_1807 : vector<16xf32> to vector<16xf32>
        %parallel_loop3A_1809 = tpu.assume_multiple %parallel_loop3A_1803, 16 : i32
        %parallel_loop3A_1810 = arith.constant 1 : i32
        %parallel_loop3A_1811 = arith.constant 7 : i32
        %parallel_loop3A_1812 = arith.index_cast %parallel_loop3A_1810 : i32 to index
        %parallel_loop3A_1813 = arith.index_cast %parallel_loop3A_1811 : i32 to index
        %parallel_loop3A_1814 = arith.index_cast %parallel_loop3A_1809 : i32 to index
        %parallel_loop3A_1815 = tpu.vector_load %arg5[%parallel_loop3A_1812, %parallel_loop3A_1813, %parallel_loop3A_1814] {strides = array<i32>} : memref<2x8x3072xf32, #tpu.memory_space<vmem>>, vector<1x1x16xf32>,
        %parallel_loop3A_1816 = vector.shape_cast %parallel_loop3A_1815 : vector<1x1x16xf32> to vector<16xf32>
        %parallel_loop3A_1817 = vector.shape_cast %parallel_loop3A_1808 : vector<16xf32> to vector<1x1x16xf32>
        tpu.vector_store %arg5[%parallel_loop3A_1812, %parallel_loop3A_1813, %parallel_loop3A_1814], %parallel_loop3A_1817 {strides = array<i32>} : memref<2x8x3072xf32, #tpu.memory_space<vmem>>, vector<1x1x16xf32>,
      } {sc.loop_unroll_factor = 1 : i64, sc.parallel_access}
      %mul3A_623 = arith.constant 8 : i32
      %mul3A_624 = arith.muli %mul3A_623, %add3A_550 : i32
      %add3A_625 = arith.addi %mul3A_38, %mul3A_624 : i32
      %add3A_626 = arith.constant 0 : i32
      %add3A_627 = arith.addi %add3A_625, %add3A_626 : i32
      %multiple_of3A_628 = arith.constant 896 : i32
      %multiple_of3A_629 = tpu.assume_multiple %multiple_of3A_628, 128 : i32
      %dma_start3A_630 = arith.constant 1 : i32
      %dma_start3A_631 = arith.constant 0 : i32
      %dma_start3A_632 = arith.constant 0 : i32
      %dma_start3A_633 = tpu.memref_slice %arg5[%dma_start3A_630, %dma_start3A_632, %multiple_of3A_629] : memref<2x8x3072xf32, #tpu.memory_space<vmem>> -> memref<1x8x2048xf32, #tpu.memory_space<vmem>>
      %dma_start3A_634 = tpu.memref_squeeze %dma_start3A_633 : memref<1x8x2048xf32, #tpu.memory_space<vmem>> -> memref<8x2048xf32, #tpu.memory_space<vmem>>
      %dma_start3A_635 = arith.constant 0 : i32
      %dma_start3A_636 = tpu.memref_slice %arg3[%dma_start3A_631, %select_n3A, %add3A_627, %dma_start3A_635] : memref<1x16x2048x2048xf32, #tpu.memory_space<hbm>> -> memref<1x1x8x2048xf32, #tpu.memory_space<hbm>>
      %dma_start3A_637 = tpu.memref_squeeze %dma_start3A_636 : memref<1x1x8x2048xf32, #tpu.memory_space<hbm>> -> memref<8x2048xf32, #tpu.memory_space<hbm>>
      %dma_start3A_638 = arith.constant 0 : i32
      %dma_start3A_639 = tpu.memref_slice %arg3[%dma_start3A_631, %select_n3A, %add3A_627, %dma_start3A_638] : memref<1x16x2048x2048xf32, #tpu.memory_space<hbm>> -> memref<1x1x8x2048xf32, #tpu.memory_space<hbm>>
      %dma_start3A_640 = tpu.memref_squeeze %dma_start3A_639 : memref<1x1x8x2048xf32, #tpu.memory_space<hbm>> -> memref<8x2048xf32, #tpu.memory_space<hbm>>
      %dma_start3A_641 = arith.constant 0 : i32
      %dma_start3A_642 = tpu.memref_slice %arg5[%dma_start3A_630, %dma_start3A_641, %multiple_of3A_629] : memref<2x8x3072xf32, #tpu.memory_space<vmem>> -> memref<1x8x2048xf32, #tpu.memory_space<vmem>>
      %dma_start3A_643 = tpu.memref_squeeze %dma_start3A_642 : memref<1x8x2048xf32, #tpu.memory_space<vmem>> -> memref<8x2048xf32, #tpu.memory_space<vmem>>
      tpu.enqueue_dma source(%dma_start3A_643 : memref<8x2048xf32, #tpu.memory_space<vmem>>) target(%dma_start3A_640 : memref<8x2048xf32, #tpu.memory_space<hbm>>) target_semaphore(%arg7 : memref<!tpu.dma_semaphore, #tpu.memory_space<semaphore_mem>>)
      %mul3A_644 = arith.constant 8 : i32
      %mul3A_645 = arith.muli %mul3A_644, %add3A_550 : i32
      %add3A_646 = arith.addi %mul3A_38, %mul3A_645 : i32
      %add3A_647 = arith.constant 128 : i32
      %add3A_648 = arith.addi %add3A_646, %add3A_647 : i32
      %multiple_of3A_649 = arith.constant 768 : i32
      %multiple_of3A_650 = tpu.assume_multiple %multiple_of3A_649, 128 : i32
      %dma_start3A_651 = arith.constant 1 : i32
      %dma_start3A_652 = arith.constant 0 : i32
      %dma_start3A_653 = arith.constant 0 : i32
      %dma_start3A_654 = tpu.memref_slice %arg5[%dma_start3A_651, %dma_start3A_653, %multiple_of3A_650] : memref<2x8x3072xf32, #tpu.memory_space<vmem>> -> memref<1x8x2048xf32, #tpu.memory_space<vmem>>
      %dma_start3A_655 = tpu.memref_squeeze %dma_start3A_654 : memref<1x8x2048xf32, #tpu.memory_space<vmem>> -> memref<8x2048xf32, #tpu.memory_space<vmem>>
      %dma_start3A_656 = arith.constant 0 : i32
      %dma_start3A_657 = tpu.memref_slice %arg3[%dma_start3A_652, %select_n3A, %add3A_648, %dma_start3A_656] : memref<1x16x2048x2048xf32, #tpu.memory_space<hbm>> -> memref<1x1x8x2048xf32, #tpu.memory_space<hbm>>
      %dma_start3A_658 = tpu.memref_squeeze %dma_start3A_657 : memref<1x1x8x2048xf32, #tpu.memory_space<hbm>> -> memref<8x2048xf32, #tpu.memory_space<hbm>>
      %dma_start3A_659 = arith.constant 0 : i32
      %dma_start3A_660 = tpu.memref_slice %arg3[%dma_start3A_652, %select_n3A, %add3A_648, %dma_start3A_659] : memref<1x16x2048x2048xf32, #tpu.memory_space<hbm>> -> memref<1x1x8x2048xf32, #tpu.memory_space<hbm>>
      %dma_start3A_661 = tpu.memref_squeeze %dma_start3A_660 : memref<1x1x8x2048xf32, #tpu.memory_space<hbm>> -> memref<8x2048xf32, #tpu.memory_space<hbm>>
      %dma_start3A_662 = arith.constant 0 : i32
      %dma_start3A_663 = tpu.memref_slice %arg5[%dma_start3A_651, %dma_start3A_662, %multiple_of3A_650] : memref<2x8x3072xf32, #tpu.memory_space<vmem>> -> memref<1x8x2048xf32, #tpu.memory_space<vmem>>
      %dma_start3A_664 = tpu.memref_squeeze %dma_start3A_663 : memref<1x8x2048xf32, #tpu.memory_space<vmem>> -> memref<8x2048xf32, #tpu.memory_space<vmem>>
      tpu.enqueue_dma source(%dma_start3A_664 : memref<8x2048xf32, #tpu.memory_space<vmem>>) target(%dma_start3A_661 : memref<8x2048xf32, #tpu.memory_space<hbm>>) target_semaphore(%arg7 : memref<!tpu.dma_semaphore, #tpu.memory_space<semaphore_mem>>)
      %mul3A_665 = arith.constant 8 : i32
      %mul3A_666 = arith.muli %mul3A_665, %add3A_550 : i32
      %add3A_667 = arith.addi %mul3A_38, %mul3A_666 : i32
      %add3A_668 = arith.constant 256 : i32
      %add3A_669 = arith.addi %add3A_667, %add3A_668 : i32
      %multiple_of3A_670 = arith.constant 640 : i32
      %multiple_of3A_671 = tpu.assume_multiple %multiple_of3A_670, 128 : i32
      %dma_start3A_672 = arith.constant 1 : i32
      %dma_start3A_673 = arith.constant 0 : i32
      %dma_start3A_674 = arith.constant 0 : i32
      %dma_start3A_675 = tpu.memref_slice %arg5[%dma_start3A_672, %dma_start3A_674, %multiple_of3A_671] : memref<2x8x3072xf32, #tpu.memory_space<vmem>> -> memref<1x8x2048xf32, #tpu.memory_space<vmem>>
      %dma_start3A_676 = tpu.memref_squeeze %dma_start3A_675 : memref<1x8x2048xf32, #tpu.memory_space<vmem>> -> memref<8x2048xf32, #tpu.memory_space<vmem>>
      %dma_start3A_677 = arith.constant 0 : i32
      %dma_start3A_678 = tpu.memref_slice %arg3[%dma_start3A_673, %select_n3A, %add3A_669, %dma_start3A_677] : memref<1x16x2048x2048xf32, #tpu.memory_space<hbm>> -> memref<1x1x8x2048xf32, #tpu.memory_space<hbm>>
      %dma_start3A_679 = tpu.memref_squeeze %dma_start3A_678 : memref<1x1x8x2048xf32, #tpu.memory_space<hbm>> -> memref<8x2048xf32, #tpu.memory_space<hbm>>
      %dma_start3A_680 = arith.constant 0 : i32
      %dma_start3A_681 = tpu.memref_slice %arg3[%dma_start3A_673, %select_n3A, %add3A_669, %dma_start3A_680] : memref<1x16x2048x2048xf32, #tpu.memory_space<hbm>> -> memref<1x1x8x2048xf32, #tpu.memory_space<hbm>>
      %dma_start3A_682 = tpu.memref_squeeze %dma_start3A_681 : memref<1x1x8x2048xf32, #tpu.memory_space<hbm>> -> memref<8x2048xf32, #tpu.memory_space<hbm>>
      %dma_start3A_683 = arith.constant 0 : i32
      %dma_start3A_684 = tpu.memref_slice %arg5[%dma_start3A_672, %dma_start3A_683, %multiple_of3A_671] : memref<2x8x3072xf32, #tpu.memory_space<vmem>> -> memref<1x8x2048xf32, #tpu.memory_space<vmem>>
      %dma_start3A_685 = tpu.memref_squeeze %dma_start3A_684 : memref<1x8x2048xf32, #tpu.memory_space<vmem>> -> memref<8x2048xf32, #tpu.memory_space<vmem>>
      tpu.enqueue_dma source(%dma_start3A_685 : memref<8x2048xf32, #tpu.memory_space<vmem>>) target(%dma_start3A_682 : memref<8x2048xf32, #tpu.memory_space<hbm>>) target_semaphore(%arg7 : memref<!tpu.dma_semaphore, #tpu.memory_space<semaphore_mem>>)
      %mul3A_686 = arith.constant 8 : i32
      %mul3A_687 = arith.muli %mul3A_686, %add3A_550 : i32
      %add3A_688 = arith.addi %mul3A_38, %mul3A_687 : i32
      %add3A_689 = arith.constant 384 : i32
      %add3A_690 = arith.addi %add3A_688, %add3A_689 : i32
      %multiple_of3A_691 = arith.constant 512 : i32
      %multiple_of3A_692 = tpu.assume_multiple %multiple_of3A_691, 128 : i32
      %dma_start3A_693 = arith.constant 1 : i32
      %dma_start3A_694 = arith.constant 0 : i32
      %dma_start3A_695 = arith.constant 0 : i32
      %dma_start3A_696 = tpu.memref_slice %arg5[%dma_start3A_693, %dma_start3A_695, %multiple_of3A_692] : memref<2x8x3072xf32, #tpu.memory_space<vmem>> -> memref<1x8x2048xf32, #tpu.memory_space<vmem>>
      %dma_start3A_697 = tpu.memref_squeeze %dma_start3A_696 : memref<1x8x2048xf32, #tpu.memory_space<vmem>> -> memref<8x2048xf32, #tpu.memory_space<vmem>>
      %dma_start3A_698 = arith.constant 0 : i32
      %dma_start3A_699 = tpu.memref_slice %arg3[%dma_start3A_694, %select_n3A, %add3A_690, %dma_start3A_698] : memref<1x16x2048x2048xf32, #tpu.memory_space<hbm>> -> memref<1x1x8x2048xf32, #tpu.memory_space<hbm>>
      %dma_start3A_700 = tpu.memref_squeeze %dma_start3A_699 : memref<1x1x8x2048xf32, #tpu.memory_space<hbm>> -> memref<8x2048xf32, #tpu.memory_space<hbm>>
      %dma_start3A_701 = arith.constant 0 : i32
      %dma_start3A_702 = tpu.memref_slice %arg3[%dma_start3A_694, %select_n3A, %add3A_690, %dma_start3A_701] : memref<1x16x2048x2048xf32, #tpu.memory_space<hbm>> -> memref<1x1x8x2048xf32, #tpu.memory_space<hbm>>
      %dma_start3A_703 = tpu.memref_squeeze %dma_start3A_702 : memref<1x1x8x2048xf32, #tpu.memory_space<hbm>> -> memref<8x2048xf32, #tpu.memory_space<hbm>>
      %dma_start3A_704 = arith.constant 0 : i32
      %dma_start3A_705 = tpu.memref_slice %arg5[%dma_start3A_693, %dma_start3A_704, %multiple_of3A_692] : memref<2x8x3072xf32, #tpu.memory_space<vmem>> -> memref<1x8x2048xf32, #tpu.memory_space<vmem>>
      %dma_start3A_706 = tpu.memref_squeeze %dma_start3A_705 : memref<1x8x2048xf32, #tpu.memory_space<vmem>> -> memref<8x2048xf32, #tpu.memory_space<vmem>>
      tpu.enqueue_dma source(%dma_start3A_706 : memref<8x2048xf32, #tpu.memory_space<vmem>>) target(%dma_start3A_703 : memref<8x2048xf32, #tpu.memory_space<hbm>>) target_semaphore(%arg7 : memref<!tpu.dma_semaphore, #tpu.memory_space<semaphore_mem>>)
      %mul3A_707 = arith.constant 8 : i32
      %mul3A_708 = arith.muli %mul3A_707, %add3A_550 : i32
      %add3A_709 = arith.addi %mul3A_38, %mul3A_708 : i32
      %add3A_710 = arith.constant 512 : i32
      %add3A_711 = arith.addi %add3A_709, %add3A_710 : i32
      %multiple_of3A_712 = arith.constant 384 : i32
      %multiple_of3A_713 = tpu.assume_multiple %multiple_of3A_712, 128 : i32
      %dma_start3A_714 = arith.constant 1 : i32
      %dma_start3A_715 = arith.constant 0 : i32
      %dma_start3A_716 = arith.constant 0 : i32
      %dma_start3A_717 = tpu.memref_slice %arg5[%dma_start3A_714, %dma_start3A_716, %multiple_of3A_713] : memref<2x8x3072xf32, #tpu.memory_space<vmem>> -> memref<1x8x2048xf32, #tpu.memory_space<vmem>>
      %dma_start3A_718 = tpu.memref_squeeze %dma_start3A_717 : memref<1x8x2048xf32, #tpu.memory_space<vmem>> -> memref<8x2048xf32, #tpu.memory_space<vmem>>
      %dma_start3A_719 = arith.constant 0 : i32
      %dma_start3A_720 = tpu.memref_slice %arg3[%dma_start3A_715, %select_n3A, %add3A_711, %dma_start3A_719] : memref<1x16x2048x2048xf32, #tpu.memory_space<hbm>> -> memref<1x1x8x2048xf32, #tpu.memory_space<hbm>>
      %dma_start3A_721 = tpu.memref_squeeze %dma_start3A_720 : memref<1x1x8x2048xf32, #tpu.memory_space<hbm>> -> memref<8x2048xf32, #tpu.memory_space<hbm>>
      %dma_start3A_722 = arith.constant 0 : i32
      %dma_start3A_723 = tpu.memref_slice %arg3[%dma_start3A_715, %select_n3A, %add3A_711, %dma_start3A_722] : memref<1x16x2048x2048xf32, #tpu.memory_space<hbm>> -> memref<1x1x8x2048xf32, #tpu.memory_space<hbm>>
      %dma_start3A_724 = tpu.memref_squeeze %dma_start3A_723 : memref<1x1x8x2048xf32, #tpu.memory_space<hbm>> -> memref<8x2048xf32, #tpu.memory_space<hbm>>
      %dma_start3A_725 = arith.constant 0 : i32
      %dma_start3A_726 = tpu.memref_slice %arg5[%dma_start3A_714, %dma_start3A_725, %multiple_of3A_713] : memref<2x8x3072xf32, #tpu.memory_space<vmem>> -> memref<1x8x2048xf32, #tpu.memory_space<vmem>>
      %dma_start3A_727 = tpu.memref_squeeze %dma_start3A_726 : memref<1x8x2048xf32, #tpu.memory_space<vmem>> -> memref<8x2048xf32, #tpu.memory_space<vmem>>
      tpu.enqueue_dma source(%dma_start3A_727 : memref<8x2048xf32, #tpu.memory_space<vmem>>) target(%dma_start3A_724 : memref<8x2048xf32, #tpu.memory_space<hbm>>) target_semaphore(%arg7 : memref<!tpu.dma_semaphore, #tpu.memory_space<semaphore_mem>>)
      %mul3A_728 = arith.constant 8 : i32
      %mul3A_729 = arith.muli %mul3A_728, %add3A_550 : i32
      %add3A_730 = arith.addi %mul3A_38, %mul3A_729 : i32
      %add3A_731 = arith.constant 640 : i32
      %add3A_732 = arith.addi %add3A_730, %add3A_731 : i32
      %multiple_of3A_733 = arith.constant 256 : i32
      %multiple_of3A_734 = tpu.assume_multiple %multiple_of3A_733, 128 : i32
      %dma_start3A_735 = arith.constant 1 : i32
      %dma_start3A_736 = arith.constant 0 : i32
      %dma_start3A_737 = arith.constant 0 : i32
      %dma_start3A_738 = tpu.memref_slice %arg5[%dma_start3A_735, %dma_start3A_737, %multiple_of3A_734] : memref<2x8x3072xf32, #tpu.memory_space<vmem>> -> memref<1x8x2048xf32, #tpu.memory_space<vmem>>
      %dma_start3A_739 = tpu.memref_squeeze %dma_start3A_738 : memref<1x8x2048xf32, #tpu.memory_space<vmem>> -> memref<8x2048xf32, #tpu.memory_space<vmem>>
      %dma_start3A_740 = arith.constant 0 : i32
      %dma_start3A_741 = tpu.memref_slice %arg3[%dma_start3A_736, %select_n3A, %add3A_732, %dma_start3A_740] : memref<1x16x2048x2048xf32, #tpu.memory_space<hbm>> -> memref<1x1x8x2048xf32, #tpu.memory_space<hbm>>
      %dma_start3A_742 = tpu.memref_squeeze %dma_start3A_741 : memref<1x1x8x2048xf32, #tpu.memory_space<hbm>> -> memref<8x2048xf32, #tpu.memory_space<hbm>>
      %dma_start3A_743 = arith.constant 0 : i32
      %dma_start3A_744 = tpu.memref_slice %arg3[%dma_start3A_736, %select_n3A, %add3A_732, %dma_start3A_743] : memref<1x16x2048x2048xf32, #tpu.memory_space<hbm>> -> memref<1x1x8x2048xf32, #tpu.memory_space<hbm>>
      %dma_start3A_745 = tpu.memref_squeeze %dma_start3A_744 : memref<1x1x8x2048xf32, #tpu.memory_space<hbm>> -> memref<8x2048xf32, #tpu.memory_space<hbm>>
      %dma_start3A_746 = arith.constant 0 : i32
      %dma_start3A_747 = tpu.memref_slice %arg5[%dma_start3A_735, %dma_start3A_746, %multiple_of3A_734] : memref<2x8x3072xf32, #tpu.memory_space<vmem>> -> memref<1x8x2048xf32, #tpu.memory_space<vmem>>
      %dma_start3A_748 = tpu.memref_squeeze %dma_start3A_747 : memref<1x8x2048xf32, #tpu.memory_space<vmem>> -> memref<8x2048xf32, #tpu.memory_space<vmem>>
      tpu.enqueue_dma source(%dma_start3A_748 : memref<8x2048xf32, #tpu.memory_space<vmem>>) target(%dma_start3A_745 : memref<8x2048xf32, #tpu.memory_space<hbm>>) target_semaphore(%arg7 : memref<!tpu.dma_semaphore, #tpu.memory_space<semaphore_mem>>)
      %mul3A_749 = arith.constant 8 : i32
      %mul3A_750 = arith.muli %mul3A_749, %add3A_550 : i32
      %add3A_751 = arith.addi %mul3A_38, %mul3A_750 : i32
      %add3A_752 = arith.constant 768 : i32
      %add3A_753 = arith.addi %add3A_751, %add3A_752 : i32
      %multiple_of3A_754 = arith.constant 128 : i32
      %multiple_of3A_755 = tpu.assume_multiple %multiple_of3A_754, 128 : i32
      %dma_start3A_756 = arith.constant 1 : i32
      %dma_start3A_757 = arith.constant 0 : i32
      %dma_start3A_758 = arith.constant 0 : i32
      %dma_start3A_759 = tpu.memref_slice %arg5[%dma_start3A_756, %dma_start3A_758, %multiple_of3A_755] : memref<2x8x3072xf32, #tpu.memory_space<vmem>> -> memref<1x8x2048xf32, #tpu.memory_space<vmem>>
      %dma_start3A_760 = tpu.memref_squeeze %dma_start3A_759 : memref<1x8x2048xf32, #tpu.memory_space<vmem>> -> memref<8x2048xf32, #tpu.memory_space<vmem>>
      %dma_start3A_761 = arith.constant 0 : i32
      %dma_start3A_762 = tpu.memref_slice %arg3[%dma_start3A_757, %select_n3A, %add3A_753, %dma_start3A_761] : memref<1x16x2048x2048xf32, #tpu.memory_space<hbm>> -> memref<1x1x8x2048xf32, #tpu.memory_space<hbm>>
      %dma_start3A_763 = tpu.memref_squeeze %dma_start3A_762 : memref<1x1x8x2048xf32, #tpu.memory_space<hbm>> -> memref<8x2048xf32, #tpu.memory_space<hbm>>
      %dma_start3A_764 = arith.constant 0 : i32
      %dma_start3A_765 = tpu.memref_slice %arg3[%dma_start3A_757, %select_n3A, %add3A_753, %dma_start3A_764] : memref<1x16x2048x2048xf32, #tpu.memory_space<hbm>> -> memref<1x1x8x2048xf32, #tpu.memory_space<hbm>>
      %dma_start3A_766 = tpu.memref_squeeze %dma_start3A_765 : memref<1x1x8x2048xf32, #tpu.memory_space<hbm>> -> memref<8x2048xf32, #tpu.memory_space<hbm>>
      %dma_start3A_767 = arith.constant 0 : i32
      %dma_start3A_768 = tpu.memref_slice %arg5[%dma_start3A_756, %dma_start3A_767, %multiple_of3A_755] : memref<2x8x3072xf32, #tpu.memory_space<vmem>> -> memref<1x8x2048xf32, #tpu.memory_space<vmem>>
      %dma_start3A_769 = tpu.memref_squeeze %dma_start3A_768 : memref<1x8x2048xf32, #tpu.memory_space<vmem>> -> memref<8x2048xf32, #tpu.memory_space<vmem>>
      tpu.enqueue_dma source(%dma_start3A_769 : memref<8x2048xf32, #tpu.memory_space<vmem>>) target(%dma_start3A_766 : memref<8x2048xf32, #tpu.memory_space<hbm>>) target_semaphore(%arg7 : memref<!tpu.dma_semaphore, #tpu.memory_space<semaphore_mem>>)
      %mul3A_770 = arith.constant 8 : i32
      %mul3A_771 = arith.muli %mul3A_770, %add3A_550 : i32
      %add3A_772 = arith.addi %mul3A_38, %mul3A_771 : i32
      %add3A_773 = arith.constant 896 : i32
      %add3A_774 = arith.addi %add3A_772, %add3A_773 : i32
      %multiple_of3A_775 = arith.constant 0 : i32
      %multiple_of3A_776 = tpu.assume_multiple %multiple_of3A_775, 128 : i32
      %dma_start3A_777 = arith.constant 1 : i32
      %dma_start3A_778 = arith.constant 0 : i32
      %dma_start3A_779 = arith.constant 0 : i32
      %dma_start3A_780 = tpu.memref_slice %arg5[%dma_start3A_777, %dma_start3A_779, %multiple_of3A_776] : memref<2x8x3072xf32, #tpu.memory_space<vmem>> -> memref<1x8x2048xf32, #tpu.memory_space<vmem>>
      %dma_start3A_781 = tpu.memref_squeeze %dma_start3A_780 : memref<1x8x2048xf32, #tpu.memory_space<vmem>> -> memref<8x2048xf32, #tpu.memory_space<vmem>>
      %dma_start3A_782 = arith.constant 0 : i32
      %dma_start3A_783 = tpu.memref_slice %arg3[%dma_start3A_778, %select_n3A, %add3A_774, %dma_start3A_782] : memref<1x16x2048x2048xf32, #tpu.memory_space<hbm>> -> memref<1x1x8x2048xf32, #tpu.memory_space<hbm>>
      %dma_start3A_784 = tpu.memref_squeeze %dma_start3A_783 : memref<1x1x8x2048xf32, #tpu.memory_space<hbm>> -> memref<8x2048xf32, #tpu.memory_space<hbm>>
      %dma_start3A_785 = arith.constant 0 : i32
      %dma_start3A_786 = tpu.memref_slice %arg3[%dma_start3A_778, %select_n3A, %add3A_774, %dma_start3A_785] : memref<1x16x2048x2048xf32, #tpu.memory_space<hbm>> -> memref<1x1x8x2048xf32, #tpu.memory_space<hbm>>
      %dma_start3A_787 = tpu.memref_squeeze %dma_start3A_786 : memref<1x1x8x2048xf32, #tpu.memory_space<hbm>> -> memref<8x2048xf32, #tpu.memory_space<hbm>>
      %dma_start3A_788 = arith.constant 0 : i32
      %dma_start3A_789 = tpu.memref_slice %arg5[%dma_start3A_777, %dma_start3A_788, %multiple_of3A_776] : memref<2x8x3072xf32, #tpu.memory_space<vmem>> -> memref<1x8x2048xf32, #tpu.memory_space<vmem>>
      %dma_start3A_790 = tpu.memref_squeeze %dma_start3A_789 : memref<1x8x2048xf32, #tpu.memory_space<vmem>> -> memref<8x2048xf32, #tpu.memory_space<vmem>>
      tpu.enqueue_dma source(%dma_start3A_790 : memref<8x2048xf32, #tpu.memory_space<vmem>>) target(%dma_start3A_787 : memref<8x2048xf32, #tpu.memory_space<hbm>>) target_semaphore(%arg7 : memref<!tpu.dma_semaphore, #tpu.memory_space<semaphore_mem>>)
    }
    %scan3A_43 = arith.constant 8 : i32
    %dma_wait3A = arith.constant 0 : i32
    %dma_wait3A_44 = arith.constant 0 : i32
    %dma_wait3A_45 = arith.constant 0 : i32
    %dma_wait3A_46 = arith.constant 0 : i32
    %dma_wait3A_47 = tpu.memref_slice %arg5[%dma_wait3A, %dma_wait3A_45, %dma_wait3A_46] : memref<2x8x3072xf32, #tpu.memory_space<vmem>> -> memref<1x8x2048xf32, #tpu.memory_space<vmem>>
    %dma_wait3A_48 = tpu.memref_squeeze %dma_wait3A_47 : memref<1x8x2048xf32, #tpu.memory_space<vmem>> -> memref<8x2048xf32, #tpu.memory_space<vmem>>
    %dma_wait3A_49 = arith.constant 0 : i32
    %dma_wait3A_50 = tpu.memref_slice %arg3[%dma_wait3A_44, %select_n3A, %mul3A_38, %dma_wait3A_49] : memref<1x16x2048x2048xf32, #tpu.memory_space<hbm>> -> memref<1x1x8x2048xf32, #tpu.memory_space<hbm>>
    %dma_wait3A_51 = tpu.memref_squeeze %dma_wait3A_50 : memref<1x1x8x2048xf32, #tpu.memory_space<hbm>> -> memref<8x2048xf32, #tpu.memory_space<hbm>>
    %dma_wait3A_52 = arith.constant 0 : i32
    %dma_wait3A_53 = tpu.memref_slice %arg3[%dma_wait3A_44, %select_n3A, %mul3A_38, %dma_wait3A_52] : memref<1x16x2048x2048xf32, #tpu.memory_space<hbm>> -> memref<1x1x8x2048xf32, #tpu.memory_space<hbm>>
    %dma_wait3A_54 = tpu.memref_squeeze %dma_wait3A_53 : memref<1x1x8x2048xf32, #tpu.memory_space<hbm>> -> memref<8x2048xf32, #tpu.memory_space<hbm>>
    %dma_wait3A_55 = arith.constant 0 : i32
    %dma_wait3A_56 = arith.constant 0 : i32
    %dma_wait3A_57 = tpu.memref_slice %arg5[%dma_wait3A, %dma_wait3A_55, %dma_wait3A_56] : memref<2x8x3072xf32, #tpu.memory_space<vmem>> -> memref<1x8x2048xf32, #tpu.memory_space<vmem>>
    %dma_wait3A_58 = tpu.memref_squeeze %dma_wait3A_57 : memref<1x8x2048xf32, #tpu.memory_space<vmem>> -> memref<8x2048xf32, #tpu.memory_space<vmem>>
    tpu.wait_dma2 semaphore(%arg6 : memref<!tpu.dma_semaphore, #tpu.memory_space<semaphore_mem>>) src(%dma_wait3A_58 : memref<8x2048xf32, #tpu.memory_space<vmem>>) dst(%dma_wait3A_54 : memref<8x2048xf32, #tpu.memory_space<hbm>>)
    %dma_wait3A_59 = arith.constant 0 : i32
    %dma_wait3A_60 = arith.constant 0 : i32
    %dma_wait3A_61 = arith.constant 0 : i32
    %dma_wait3A_62 = arith.constant 0 : i32
    %dma_wait3A_63 = tpu.memref_slice %arg5[%dma_wait3A_59, %dma_wait3A_61, %dma_wait3A_62] : memref<2x8x3072xf32, #tpu.memory_space<vmem>> -> memref<1x8x2048xf32, #tpu.memory_space<vmem>>
    %dma_wait3A_64 = tpu.memref_squeeze %dma_wait3A_63 : memref<1x8x2048xf32, #tpu.memory_space<vmem>> -> memref<8x2048xf32, #tpu.memory_space<vmem>>
    %dma_wait3A_65 = arith.constant 0 : i32
    %dma_wait3A_66 = tpu.memref_slice %arg3[%dma_wait3A_60, %select_n3A, %mul3A_38, %dma_wait3A_65] : memref<1x16x2048x2048xf32, #tpu.memory_space<hbm>> -> memref<1x1x8x2048xf32, #tpu.memory_space<hbm>>
    %dma_wait3A_67 = tpu.memref_squeeze %dma_wait3A_66 : memref<1x1x8x2048xf32, #tpu.memory_space<hbm>> -> memref<8x2048xf32, #tpu.memory_space<hbm>>
    %dma_wait3A_68 = arith.constant 0 : i32
    %dma_wait3A_69 = tpu.memref_slice %arg3[%dma_wait3A_60, %select_n3A, %mul3A_38, %dma_wait3A_68] : memref<1x16x2048x2048xf32, #tpu.memory_space<hbm>> -> memref<1x1x8x2048xf32, #tpu.memory_space<hbm>>
    %dma_wait3A_70 = tpu.memref_squeeze %dma_wait3A_69 : memref<1x1x8x2048xf32, #tpu.memory_space<hbm>> -> memref<8x2048xf32, #tpu.memory_space<hbm>>
    %dma_wait3A_71 = arith.constant 0 : i32
    %dma_wait3A_72 = arith.constant 0 : i32
    %dma_wait3A_73 = tpu.memref_slice %arg5[%dma_wait3A_59, %dma_wait3A_71, %dma_wait3A_72] : memref<2x8x3072xf32, #tpu.memory_space<vmem>> -> memref<1x8x2048xf32, #tpu.memory_space<vmem>>
    %dma_wait3A_74 = tpu.memref_squeeze %dma_wait3A_73 : memref<1x8x2048xf32, #tpu.memory_space<vmem>> -> memref<8x2048xf32, #tpu.memory_space<vmem>>
    tpu.wait_dma2 semaphore(%arg6 : memref<!tpu.dma_semaphore, #tpu.memory_space<semaphore_mem>>) src(%dma_wait3A_74 : memref<8x2048xf32, #tpu.memory_space<vmem>>) dst(%dma_wait3A_70 : memref<8x2048xf32, #tpu.memory_space<hbm>>)
    %dma_wait3A_75 = arith.constant 0 : i32
    %dma_wait3A_76 = arith.constant 0 : i32
    %dma_wait3A_77 = arith.constant 0 : i32
    %dma_wait3A_78 = arith.constant 0 : i32
    %dma_wait3A_79 = tpu.memref_slice %arg5[%dma_wait3A_75, %dma_wait3A_77, %dma_wait3A_78] : memref<2x8x3072xf32, #tpu.memory_space<vmem>> -> memref<1x8x2048xf32, #tpu.memory_space<vmem>>
    %dma_wait3A_80 = tpu.memref_squeeze %dma_wait3A_79 : memref<1x8x2048xf32, #tpu.memory_space<vmem>> -> memref<8x2048xf32, #tpu.memory_space<vmem>>
    %dma_wait3A_81 = arith.constant 0 : i32
    %dma_wait3A_82 = tpu.memref_slice %arg3[%dma_wait3A_76, %select_n3A, %mul3A_38, %dma_wait3A_81] : memref<1x16x2048x2048xf32, #tpu.memory_space<hbm>> -> memref<1x1x8x2048xf32, #tpu.memory_space<hbm>>
    %dma_wait3A_83 = tpu.memref_squeeze %dma_wait3A_82 : memref<1x1x8x2048xf32, #tpu.memory_space<hbm>> -> memref<8x2048xf32, #tpu.memory_space<hbm>>
    %dma_wait3A_84 = arith.constant 0 : i32
    %dma_wait3A_85 = tpu.memref_slice %arg3[%dma_wait3A_76, %select_n3A, %mul3A_38, %dma_wait3A_84] : memref<1x16x2048x2048xf32, #tpu.memory_space<hbm>> -> memref<1x1x8x2048xf32, #tpu.memory_space<hbm>>
    %dma_wait3A_86 = tpu.memref_squeeze %dma_wait3A_85 : memref<1x1x8x2048xf32, #tpu.memory_space<hbm>> -> memref<8x2048xf32, #tpu.memory_space<hbm>>
    %dma_wait3A_87 = arith.constant 0 : i32
    %dma_wait3A_88 = arith.constant 0 : i32
    %dma_wait3A_89 = tpu.memref_slice %arg5[%dma_wait3A_75, %dma_wait3A_87, %dma_wait3A_88] : memref<2x8x3072xf32, #tpu.memory_space<vmem>> -> memref<1x8x2048xf32, #tpu.memory_space<vmem>>
    %dma_wait3A_90 = tpu.memref_squeeze %dma_wait3A_89 : memref<1x8x2048xf32, #tpu.memory_space<vmem>> -> memref<8x2048xf32, #tpu.memory_space<vmem>>
    tpu.wait_dma2 semaphore(%arg6 : memref<!tpu.dma_semaphore, #tpu.memory_space<semaphore_mem>>) src(%dma_wait3A_90 : memref<8x2048xf32, #tpu.memory_space<vmem>>) dst(%dma_wait3A_86 : memref<8x2048xf32, #tpu.memory_space<hbm>>)
    %dma_wait3A_91 = arith.constant 0 : i32
    %dma_wait3A_92 = arith.constant 0 : i32
    %dma_wait3A_93 = arith.constant 0 : i32
    %dma_wait3A_94 = arith.constant 0 : i32
    %dma_wait3A_95 = tpu.memref_slice %arg5[%dma_wait3A_91, %dma_wait3A_93, %dma_wait3A_94] : memref<2x8x3072xf32, #tpu.memory_space<vmem>> -> memref<1x8x2048xf32, #tpu.memory_space<vmem>>
    %dma_wait3A_96 = tpu.memref_squeeze %dma_wait3A_95 : memref<1x8x2048xf32, #tpu.memory_space<vmem>> -> memref<8x2048xf32, #tpu.memory_space<vmem>>
    %dma_wait3A_97 = arith.constant 0 : i32
    %dma_wait3A_98 = tpu.memref_slice %arg3[%dma_wait3A_92, %select_n3A, %mul3A_38, %dma_wait3A_97] : memref<1x16x2048x2048xf32, #tpu.memory_space<hbm>> -> memref<1x1x8x2048xf32, #tpu.memory_space<hbm>>
    %dma_wait3A_99 = tpu.memref_squeeze %dma_wait3A_98 : memref<1x1x8x2048xf32, #tpu.memory_space<hbm>> -> memref<8x2048xf32, #tpu.memory_space<hbm>>
    %dma_wait3A_100 = arith.constant 0 : i32
    %dma_wait3A_101 = tpu.memref_slice %arg3[%dma_wait3A_92, %select_n3A, %mul3A_38, %dma_wait3A_100] : memref<1x16x2048x2048xf32, #tpu.memory_space<hbm>> -> memref<1x1x8x2048xf32, #tpu.memory_space<hbm>>
    %dma_wait3A_102 = tpu.memref_squeeze %dma_wait3A_101 : memref<1x1x8x2048xf32, #tpu.memory_space<hbm>> -> memref<8x2048xf32, #tpu.memory_space<hbm>>
    %dma_wait3A_103 = arith.constant 0 : i32
    %dma_wait3A_104 = arith.constant 0 : i32
    %dma_wait3A_105 = tpu.memref_slice %arg5[%dma_wait3A_91, %dma_wait3A_103, %dma_wait3A_104] : memref<2x8x3072xf32, #tpu.memory_space<vmem>> -> memref<1x8x2048xf32, #tpu.memory_space<vmem>>
    %dma_wait3A_106 = tpu.memref_squeeze %dma_wait3A_105 : memref<1x8x2048xf32, #tpu.memory_space<vmem>> -> memref<8x2048xf32, #tpu.memory_space<vmem>>
    tpu.wait_dma2 semaphore(%arg6 : memref<!tpu.dma_semaphore, #tpu.memory_space<semaphore_mem>>) src(%dma_wait3A_106 : memref<8x2048xf32, #tpu.memory_space<vmem>>) dst(%dma_wait3A_102 : memref<8x2048xf32, #tpu.memory_space<hbm>>)
    %dma_wait3A_107 = arith.constant 0 : i32
    %dma_wait3A_108 = arith.constant 0 : i32
    %dma_wait3A_109 = arith.constant 0 : i32
    %dma_wait3A_110 = arith.constant 0 : i32
    %dma_wait3A_111 = tpu.memref_slice %arg5[%dma_wait3A_107, %dma_wait3A_109, %dma_wait3A_110] : memref<2x8x3072xf32, #tpu.memory_space<vmem>> -> memref<1x8x2048xf32, #tpu.memory_space<vmem>>
    %dma_wait3A_112 = tpu.memref_squeeze %dma_wait3A_111 : memref<1x8x2048xf32, #tpu.memory_space<vmem>> -> memref<8x2048xf32, #tpu.memory_space<vmem>>
    %dma_wait3A_113 = arith.constant 0 : i32
    %dma_wait3A_114 = tpu.memref_slice %arg3[%dma_wait3A_108, %select_n3A, %mul3A_38, %dma_wait3A_113] : memref<1x16x2048x2048xf32, #tpu.memory_space<hbm>> -> memref<1x1x8x2048xf32, #tpu.memory_space<hbm>>
    %dma_wait3A_115 = tpu.memref_squeeze %dma_wait3A_114 : memref<1x1x8x2048xf32, #tpu.memory_space<hbm>> -> memref<8x2048xf32, #tpu.memory_space<hbm>>
    %dma_wait3A_116 = arith.constant 0 : i32
    %dma_wait3A_117 = tpu.memref_slice %arg3[%dma_wait3A_108, %select_n3A, %mul3A_38, %dma_wait3A_116] : memref<1x16x2048x2048xf32, #tpu.memory_space<hbm>> -> memref<1x1x8x2048xf32, #tpu.memory_space<hbm>>
    %dma_wait3A_118 = tpu.memref_squeeze %dma_wait3A_117 : memref<1x1x8x2048xf32, #tpu.memory_space<hbm>> -> memref<8x2048xf32, #tpu.memory_space<hbm>>
    %dma_wait3A_119 = arith.constant 0 : i32
    %dma_wait3A_120 = arith.constant 0 : i32
    %dma_wait3A_121 = tpu.memref_slice %arg5[%dma_wait3A_107, %dma_wait3A_119, %dma_wait3A_120] : memref<2x8x3072xf32, #tpu.memory_space<vmem>> -> memref<1x8x2048xf32, #tpu.memory_space<vmem>>
    %dma_wait3A_122 = tpu.memref_squeeze %dma_wait3A_121 : memref<1x8x2048xf32, #tpu.memory_space<vmem>> -> memref<8x2048xf32, #tpu.memory_space<vmem>>
    tpu.wait_dma2 semaphore(%arg6 : memref<!tpu.dma_semaphore, #tpu.memory_space<semaphore_mem>>) src(%dma_wait3A_122 : memref<8x2048xf32, #tpu.memory_space<vmem>>) dst(%dma_wait3A_118 : memref<8x2048xf32, #tpu.memory_space<hbm>>)
    %dma_wait3A_123 = arith.constant 0 : i32
    %dma_wait3A_124 = arith.constant 0 : i32
    %dma_wait3A_125 = arith.constant 0 : i32
    %dma_wait3A_126 = arith.constant 0 : i32
    %dma_wait3A_127 = tpu.memref_slice %arg5[%dma_wait3A_123, %dma_wait3A_125, %dma_wait3A_126] : memref<2x8x3072xf32, #tpu.memory_space<vmem>> -> memref<1x8x2048xf32, #tpu.memory_space<vmem>>
    %dma_wait3A_128 = tpu.memref_squeeze %dma_wait3A_127 : memref<1x8x2048xf32, #tpu.memory_space<vmem>> -> memref<8x2048xf32, #tpu.memory_space<vmem>>
    %dma_wait3A_129 = arith.constant 0 : i32
    %dma_wait3A_130 = tpu.memref_slice %arg3[%dma_wait3A_124, %select_n3A, %mul3A_38, %dma_wait3A_129] : memref<1x16x2048x2048xf32, #tpu.memory_space<hbm>> -> memref<1x1x8x2048xf32, #tpu.memory_space<hbm>>
    %dma_wait3A_131 = tpu.memref_squeeze %dma_wait3A_130 : memref<1x1x8x2048xf32, #tpu.memory_space<hbm>> -> memref<8x2048xf32, #tpu.memory_space<hbm>>
    %dma_wait3A_132 = arith.constant 0 : i32
    %dma_wait3A_133 = tpu.memref_slice %arg3[%dma_wait3A_124, %select_n3A, %mul3A_38, %dma_wait3A_132] : memref<1x16x2048x2048xf32, #tpu.memory_space<hbm>> -> memref<1x1x8x2048xf32, #tpu.memory_space<hbm>>
    %dma_wait3A_134 = tpu.memref_squeeze %dma_wait3A_133 : memref<1x1x8x2048xf32, #tpu.memory_space<hbm>> -> memref<8x2048xf32, #tpu.memory_space<hbm>>
    %dma_wait3A_135 = arith.constant 0 : i32
    %dma_wait3A_136 = arith.constant 0 : i32
    %dma_wait3A_137 = tpu.memref_slice %arg5[%dma_wait3A_123, %dma_wait3A_135, %dma_wait3A_136] : memref<2x8x3072xf32, #tpu.memory_space<vmem>> -> memref<1x8x2048xf32, #tpu.memory_space<vmem>>
    %dma_wait3A_138 = tpu.memref_squeeze %dma_wait3A_137 : memref<1x8x2048xf32, #tpu.memory_space<vmem>> -> memref<8x2048xf32, #tpu.memory_space<vmem>>
    tpu.wait_dma2 semaphore(%arg6 : memref<!tpu.dma_semaphore, #tpu.memory_space<semaphore_mem>>) src(%dma_wait3A_138 : memref<8x2048xf32, #tpu.memory_space<vmem>>) dst(%dma_wait3A_134 : memref<8x2048xf32, #tpu.memory_space<hbm>>)
    %dma_wait3A_139 = arith.constant 0 : i32
    %dma_wait3A_140 = arith.constant 0 : i32
    %dma_wait3A_141 = arith.constant 0 : i32
    %dma_wait3A_142 = arith.constant 0 : i32
    %dma_wait3A_143 = tpu.memref_slice %arg5[%dma_wait3A_139, %dma_wait3A_141, %dma_wait3A_142] : memref<2x8x3072xf32, #tpu.memory_space<vmem>> -> memref<1x8x2048xf32, #tpu.memory_space<vmem>>
    %dma_wait3A_144 = tpu.memref_squeeze %dma_wait3A_143 : memref<1x8x2048xf32, #tpu.memory_space<vmem>> -> memref<8x2048xf32, #tpu.memory_space<vmem>>
    %dma_wait3A_145 = arith.constant 0 : i32
    %dma_wait3A_146 = tpu.memref_slice %arg3[%dma_wait3A_140, %select_n3A, %mul3A_38, %dma_wait3A_145] : memref<1x16x2048x2048xf32, #tpu.memory_space<hbm>> -> memref<1x1x8x2048xf32, #tpu.memory_space<hbm>>
    %dma_wait3A_147 = tpu.memref_squeeze %dma_wait3A_146 : memref<1x1x8x2048xf32, #tpu.memory_space<hbm>> -> memref<8x2048xf32, #tpu.memory_space<hbm>>
    %dma_wait3A_148 = arith.constant 0 : i32
    %dma_wait3A_149 = tpu.memref_slice %arg3[%dma_wait3A_140, %select_n3A, %mul3A_38, %dma_wait3A_148] : memref<1x16x2048x2048xf32, #tpu.memory_space<hbm>> -> memref<1x1x8x2048xf32, #tpu.memory_space<hbm>>
    %dma_wait3A_150 = tpu.memref_squeeze %dma_wait3A_149 : memref<1x1x8x2048xf32, #tpu.memory_space<hbm>> -> memref<8x2048xf32, #tpu.memory_space<hbm>>
    %dma_wait3A_151 = arith.constant 0 : i32
    %dma_wait3A_152 = arith.constant 0 : i32
    %dma_wait3A_153 = tpu.memref_slice %arg5[%dma_wait3A_139, %dma_wait3A_151, %dma_wait3A_152] : memref<2x8x3072xf32, #tpu.memory_space<vmem>> -> memref<1x8x2048xf32, #tpu.memory_space<vmem>>
    %dma_wait3A_154 = tpu.memref_squeeze %dma_wait3A_153 : memref<1x8x2048xf32, #tpu.memory_space<vmem>> -> memref<8x2048xf32, #tpu.memory_space<vmem>>
    tpu.wait_dma2 semaphore(%arg6 : memref<!tpu.dma_semaphore, #tpu.memory_space<semaphore_mem>>) src(%dma_wait3A_154 : memref<8x2048xf32, #tpu.memory_space<vmem>>) dst(%dma_wait3A_150 : memref<8x2048xf32, #tpu.memory_space<hbm>>)
    %dma_wait3A_155 = arith.constant 0 : i32
    %dma_wait3A_156 = arith.constant 0 : i32
    %dma_wait3A_157 = arith.constant 0 : i32
    %dma_wait3A_158 = arith.constant 0 : i32
    %dma_wait3A_159 = tpu.memref_slice %arg5[%dma_wait3A_155, %dma_wait3A_157, %dma_wait3A_158] : memref<2x8x3072xf32, #tpu.memory_space<vmem>> -> memref<1x8x2048xf32, #tpu.memory_space<vmem>>
    %dma_wait3A_160 = tpu.memref_squeeze %dma_wait3A_159 : memref<1x8x2048xf32, #tpu.memory_space<vmem>> -> memref<8x2048xf32, #tpu.memory_space<vmem>>
    %dma_wait3A_161 = arith.constant 0 : i32
    %dma_wait3A_162 = tpu.memref_slice %arg3[%dma_wait3A_156, %select_n3A, %mul3A_38, %dma_wait3A_161] : memref<1x16x2048x2048xf32, #tpu.memory_space<hbm>> -> memref<1x1x8x2048xf32, #tpu.memory_space<hbm>>
    %dma_wait3A_163 = tpu.memref_squeeze %dma_wait3A_162 : memref<1x1x8x2048xf32, #tpu.memory_space<hbm>> -> memref<8x2048xf32, #tpu.memory_space<hbm>>
    %dma_wait3A_164 = arith.constant 0 : i32
    %dma_wait3A_165 = tpu.memref_slice %arg3[%dma_wait3A_156, %select_n3A, %mul3A_38, %dma_wait3A_164] : memref<1x16x2048x2048xf32, #tpu.memory_space<hbm>> -> memref<1x1x8x2048xf32, #tpu.memory_space<hbm>>
    %dma_wait3A_166 = tpu.memref_squeeze %dma_wait3A_165 : memref<1x1x8x2048xf32, #tpu.memory_space<hbm>> -> memref<8x2048xf32, #tpu.memory_space<hbm>>
    %dma_wait3A_167 = arith.constant 0 : i32
    %dma_wait3A_168 = arith.constant 0 : i32
    %dma_wait3A_169 = tpu.memref_slice %arg5[%dma_wait3A_155, %dma_wait3A_167, %dma_wait3A_168] : memref<2x8x3072xf32, #tpu.memory_space<vmem>> -> memref<1x8x2048xf32, #tpu.memory_space<vmem>>
    %dma_wait3A_170 = tpu.memref_squeeze %dma_wait3A_169 : memref<1x8x2048xf32, #tpu.memory_space<vmem>> -> memref<8x2048xf32, #tpu.memory_space<vmem>>
    tpu.wait_dma2 semaphore(%arg6 : memref<!tpu.dma_semaphore, #tpu.memory_space<semaphore_mem>>) src(%dma_wait3A_170 : memref<8x2048xf32, #tpu.memory_space<vmem>>) dst(%dma_wait3A_166 : memref<8x2048xf32, #tpu.memory_space<hbm>>)
    %dma_wait3A_171 = arith.constant 1 : i32
    %dma_wait3A_172 = arith.constant 0 : i32
    %dma_wait3A_173 = arith.constant 0 : i32
    %dma_wait3A_174 = arith.constant 0 : i32
    %dma_wait3A_175 = tpu.memref_slice %arg5[%dma_wait3A_171, %dma_wait3A_173, %dma_wait3A_174] : memref<2x8x3072xf32, #tpu.memory_space<vmem>> -> memref<1x8x2048xf32, #tpu.memory_space<vmem>>
    %dma_wait3A_176 = tpu.memref_squeeze %dma_wait3A_175 : memref<1x8x2048xf32, #tpu.memory_space<vmem>> -> memref<8x2048xf32, #tpu.memory_space<vmem>>
    %dma_wait3A_177 = arith.constant 0 : i32
    %dma_wait3A_178 = tpu.memref_slice %arg3[%dma_wait3A_172, %select_n3A, %mul3A_38, %dma_wait3A_177] : memref<1x16x2048x2048xf32, #tpu.memory_space<hbm>> -> memref<1x1x8x2048xf32, #tpu.memory_space<hbm>>
    %dma_wait3A_179 = tpu.memref_squeeze %dma_wait3A_178 : memref<1x1x8x2048xf32, #tpu.memory_space<hbm>> -> memref<8x2048xf32, #tpu.memory_space<hbm>>
    %dma_wait3A_180 = arith.constant 0 : i32
    %dma_wait3A_181 = tpu.memref_slice %arg3[%dma_wait3A_172, %select_n3A, %mul3A_38, %dma_wait3A_180] : memref<1x16x2048x2048xf32, #tpu.memory_space<hbm>> -> memref<1x1x8x2048xf32, #tpu.memory_space<hbm>>
    %dma_wait3A_182 = tpu.memref_squeeze %dma_wait3A_181 : memref<1x1x8x2048xf32, #tpu.memory_space<hbm>> -> memref<8x2048xf32, #tpu.memory_space<hbm>>
    %dma_wait3A_183 = arith.constant 0 : i32
    %dma_wait3A_184 = arith.constant 0 : i32
    %dma_wait3A_185 = tpu.memref_slice %arg5[%dma_wait3A_171, %dma_wait3A_183, %dma_wait3A_184] : memref<2x8x3072xf32, #tpu.memory_space<vmem>> -> memref<1x8x2048xf32, #tpu.memory_space<vmem>>
    %dma_wait3A_186 = tpu.memref_squeeze %dma_wait3A_185 : memref<1x8x2048xf32, #tpu.memory_space<vmem>> -> memref<8x2048xf32, #tpu.memory_space<vmem>>
    tpu.wait_dma2 semaphore(%arg7 : memref<!tpu.dma_semaphore, #tpu.memory_space<semaphore_mem>>) src(%dma_wait3A_186 : memref<8x2048xf32, #tpu.memory_space<vmem>>) dst(%dma_wait3A_182 : memref<8x2048xf32, #tpu.memory_space<hbm>>)
    %dma_wait3A_187 = arith.constant 1 : i32
    %dma_wait3A_188 = arith.constant 0 : i32
    %dma_wait3A_189 = arith.constant 0 : i32
    %dma_wait3A_190 = arith.constant 0 : i32
    %dma_wait3A_191 = tpu.memref_slice %arg5[%dma_wait3A_187, %dma_wait3A_189, %dma_wait3A_190] : memref<2x8x3072xf32, #tpu.memory_space<vmem>> -> memref<1x8x2048xf32, #tpu.memory_space<vmem>>
    %dma_wait3A_192 = tpu.memref_squeeze %dma_wait3A_191 : memref<1x8x2048xf32, #tpu.memory_space<vmem>> -> memref<8x2048xf32, #tpu.memory_space<vmem>>
    %dma_wait3A_193 = arith.constant 0 : i32
    %dma_wait3A_194 = tpu.memref_slice %arg3[%dma_wait3A_188, %select_n3A, %mul3A_38, %dma_wait3A_193] : memref<1x16x2048x2048xf32, #tpu.memory_space<hbm>> -> memref<1x1x8x2048xf32, #tpu.memory_space<hbm>>
    %dma_wait3A_195 = tpu.memref_squeeze %dma_wait3A_194 : memref<1x1x8x2048xf32, #tpu.memory_space<hbm>> -> memref<8x2048xf32, #tpu.memory_space<hbm>>
    %dma_wait3A_196 = arith.constant 0 : i32
    %dma_wait3A_197 = tpu.memref_slice %arg3[%dma_wait3A_188, %select_n3A, %mul3A_38, %dma_wait3A_196] : memref<1x16x2048x2048xf32, #tpu.memory_space<hbm>> -> memref<1x1x8x2048xf32, #tpu.memory_space<hbm>>
    %dma_wait3A_198 = tpu.memref_squeeze %dma_wait3A_197 : memref<1x1x8x2048xf32, #tpu.memory_space<hbm>> -> memref<8x2048xf32, #tpu.memory_space<hbm>>
    %dma_wait3A_199 = arith.constant 0 : i32
    %dma_wait3A_200 = arith.constant 0 : i32
    %dma_wait3A_201 = tpu.memref_slice %arg5[%dma_wait3A_187, %dma_wait3A_199, %dma_wait3A_200] : memref<2x8x3072xf32, #tpu.memory_space<vmem>> -> memref<1x8x2048xf32, #tpu.memory_space<vmem>>
    %dma_wait3A_202 = tpu.memref_squeeze %dma_wait3A_201 : memref<1x8x2048xf32, #tpu.memory_space<vmem>> -> memref<8x2048xf32, #tpu.memory_space<vmem>>
    tpu.wait_dma2 semaphore(%arg7 : memref<!tpu.dma_semaphore, #tpu.memory_space<semaphore_mem>>) src(%dma_wait3A_202 : memref<8x2048xf32, #tpu.memory_space<vmem>>) dst(%dma_wait3A_198 : memref<8x2048xf32, #tpu.memory_space<hbm>>)
    %dma_wait3A_203 = arith.constant 1 : i32
    %dma_wait3A_204 = arith.constant 0 : i32
    %dma_wait3A_205 = arith.constant 0 : i32
    %dma_wait3A_206 = arith.constant 0 : i32
    %dma_wait3A_207 = tpu.memref_slice %arg5[%dma_wait3A_203, %dma_wait3A_205, %dma_wait3A_206] : memref<2x8x3072xf32, #tpu.memory_space<vmem>> -> memref<1x8x2048xf32, #tpu.memory_space<vmem>>
    %dma_wait3A_208 = tpu.memref_squeeze %dma_wait3A_207 : memref<1x8x2048xf32, #tpu.memory_space<vmem>> -> memref<8x2048xf32, #tpu.memory_space<vmem>>
    %dma_wait3A_209 = arith.constant 0 : i32
    %dma_wait3A_210 = tpu.memref_slice %arg3[%dma_wait3A_204, %select_n3A, %mul3A_38, %dma_wait3A_209] : memref<1x16x2048x2048xf32, #tpu.memory_space<hbm>> -> memref<1x1x8x2048xf32, #tpu.memory_space<hbm>>
    %dma_wait3A_211 = tpu.memref_squeeze %dma_wait3A_210 : memref<1x1x8x2048xf32, #tpu.memory_space<hbm>> -> memref<8x2048xf32, #tpu.memory_space<hbm>>
    %dma_wait3A_212 = arith.constant 0 : i32
    %dma_wait3A_213 = tpu.memref_slice %arg3[%dma_wait3A_204, %select_n3A, %mul3A_38, %dma_wait3A_212] : memref<1x16x2048x2048xf32, #tpu.memory_space<hbm>> -> memref<1x1x8x2048xf32, #tpu.memory_space<hbm>>
    %dma_wait3A_214 = tpu.memref_squeeze %dma_wait3A_213 : memref<1x1x8x2048xf32, #tpu.memory_space<hbm>> -> memref<8x2048xf32, #tpu.memory_space<hbm>>
    %dma_wait3A_215 = arith.constant 0 : i32
    %dma_wait3A_216 = arith.constant 0 : i32
    %dma_wait3A_217 = tpu.memref_slice %arg5[%dma_wait3A_203, %dma_wait3A_215, %dma_wait3A_216] : memref<2x8x3072xf32, #tpu.memory_space<vmem>> -> memref<1x8x2048xf32, #tpu.memory_space<vmem>>
    %dma_wait3A_218 = tpu.memref_squeeze %dma_wait3A_217 : memref<1x8x2048xf32, #tpu.memory_space<vmem>> -> memref<8x2048xf32, #tpu.memory_space<vmem>>
    tpu.wait_dma2 semaphore(%arg7 : memref<!tpu.dma_semaphore, #tpu.memory_space<semaphore_mem>>) src(%dma_wait3A_218 : memref<8x2048xf32, #tpu.memory_space<vmem>>) dst(%dma_wait3A_214 : memref<8x2048xf32, #tpu.memory_space<hbm>>)
    %dma_wait3A_219 = arith.constant 1 : i32
    %dma_wait3A_220 = arith.constant 0 : i32
    %dma_wait3A_221 = arith.constant 0 : i32
    %dma_wait3A_222 = arith.constant 0 : i32
    %dma_wait3A_223 = tpu.memref_slice %arg5[%dma_wait3A_219, %dma_wait3A_221, %dma_wait3A_222] : memref<2x8x3072xf32, #tpu.memory_space<vmem>> -> memref<1x8x2048xf32, #tpu.memory_space<vmem>>
    %dma_wait3A_224 = tpu.memref_squeeze %dma_wait3A_223 : memref<1x8x2048xf32, #tpu.memory_space<vmem>> -> memref<8x2048xf32, #tpu.memory_space<vmem>>
    %dma_wait3A_225 = arith.constant 0 : i32
    %dma_wait3A_226 = tpu.memref_slice %arg3[%dma_wait3A_220, %select_n3A, %mul3A_38, %dma_wait3A_225] : memref<1x16x2048x2048xf32, #tpu.memory_space<hbm>> -> memref<1x1x8x2048xf32, #tpu.memory_space<hbm>>
    %dma_wait3A_227 = tpu.memref_squeeze %dma_wait3A_226 : memref<1x1x8x2048xf32, #tpu.memory_space<hbm>> -> memref<8x2048xf32, #tpu.memory_space<hbm>>
    %dma_wait3A_228 = arith.constant 0 : i32
    %dma_wait3A_229 = tpu.memref_slice %arg3[%dma_wait3A_220, %select_n3A, %mul3A_38, %dma_wait3A_228] : memref<1x16x2048x2048xf32, #tpu.memory_space<hbm>> -> memref<1x1x8x2048xf32, #tpu.memory_space<hbm>>
    %dma_wait3A_230 = tpu.memref_squeeze %dma_wait3A_229 : memref<1x1x8x2048xf32, #tpu.memory_space<hbm>> -> memref<8x2048xf32, #tpu.memory_space<hbm>>
    %dma_wait3A_231 = arith.constant 0 : i32
    %dma_wait3A_232 = arith.constant 0 : i32
    %dma_wait3A_233 = tpu.memref_slice %arg5[%dma_wait3A_219, %dma_wait3A_231, %dma_wait3A_232] : memref<2x8x3072xf32, #tpu.memory_space<vmem>> -> memref<1x8x2048xf32, #tpu.memory_space<vmem>>
    %dma_wait3A_234 = tpu.memref_squeeze %dma_wait3A_233 : memref<1x8x2048xf32, #tpu.memory_space<vmem>> -> memref<8x2048xf32, #tpu.memory_space<vmem>>
    tpu.wait_dma2 semaphore(%arg7 : memref<!tpu.dma_semaphore, #tpu.memory_space<semaphore_mem>>) src(%dma_wait3A_234 : memref<8x2048xf32, #tpu.memory_space<vmem>>) dst(%dma_wait3A_230 : memref<8x2048xf32, #tpu.memory_space<hbm>>)
    %dma_wait3A_235 = arith.constant 1 : i32
    %dma_wait3A_236 = arith.constant 0 : i32
    %dma_wait3A_237 = arith.constant 0 : i32
    %dma_wait3A_238 = arith.constant 0 : i32
    %dma_wait3A_239 = tpu.memref_slice %arg5[%dma_wait3A_235, %dma_wait3A_237, %dma_wait3A_238] : memref<2x8x3072xf32, #tpu.memory_space<vmem>> -> memref<1x8x2048xf32, #tpu.memory_space<vmem>>
    %dma_wait3A_240 = tpu.memref_squeeze %dma_wait3A_239 : memref<1x8x2048xf32, #tpu.memory_space<vmem>> -> memref<8x2048xf32, #tpu.memory_space<vmem>>
    %dma_wait3A_241 = arith.constant 0 : i32
    %dma_wait3A_242 = tpu.memref_slice %arg3[%dma_wait3A_236, %select_n3A, %mul3A_38, %dma_wait3A_241] : memref<1x16x2048x2048xf32, #tpu.memory_space<hbm>> -> memref<1x1x8x2048xf32, #tpu.memory_space<hbm>>
    %dma_wait3A_243 = tpu.memref_squeeze %dma_wait3A_242 : memref<1x1x8x2048xf32, #tpu.memory_space<hbm>> -> memref<8x2048xf32, #tpu.memory_space<hbm>>
    %dma_wait3A_244 = arith.constant 0 : i32
    %dma_wait3A_245 = tpu.memref_slice %arg3[%dma_wait3A_236, %select_n3A, %mul3A_38, %dma_wait3A_244] : memref<1x16x2048x2048xf32, #tpu.memory_space<hbm>> -> memref<1x1x8x2048xf32, #tpu.memory_space<hbm>>
    %dma_wait3A_246 = tpu.memref_squeeze %dma_wait3A_245 : memref<1x1x8x2048xf32, #tpu.memory_space<hbm>> -> memref<8x2048xf32, #tpu.memory_space<hbm>>
    %dma_wait3A_247 = arith.constant 0 : i32
    %dma_wait3A_248 = arith.constant 0 : i32
    %dma_wait3A_249 = tpu.memref_slice %arg5[%dma_wait3A_235, %dma_wait3A_247, %dma_wait3A_248] : memref<2x8x3072xf32, #tpu.memory_space<vmem>> -> memref<1x8x2048xf32, #tpu.memory_space<vmem>>
    %dma_wait3A_250 = tpu.memref_squeeze %dma_wait3A_249 : memref<1x8x2048xf32, #tpu.memory_space<vmem>> -> memref<8x2048xf32, #tpu.memory_space<vmem>>
    tpu.wait_dma2 semaphore(%arg7 : memref<!tpu.dma_semaphore, #tpu.memory_space<semaphore_mem>>) src(%dma_wait3A_250 : memref<8x2048xf32, #tpu.memory_space<vmem>>) dst(%dma_wait3A_246 : memref<8x2048xf32, #tpu.memory_space<hbm>>)
    %dma_wait3A_251 = arith.constant 1 : i32
    %dma_wait3A_252 = arith.constant 0 : i32
    %dma_wait3A_253 = arith.constant 0 : i32
    %dma_wait3A_254 = arith.constant 0 : i32
    %dma_wait3A_255 = tpu.memref_slice %arg5[%dma_wait3A_251, %dma_wait3A_253, %dma_wait3A_254] : memref<2x8x3072xf32, #tpu.memory_space<vmem>> -> memref<1x8x2048xf32, #tpu.memory_space<vmem>>
    %dma_wait3A_256 = tpu.memref_squeeze %dma_wait3A_255 : memref<1x8x2048xf32, #tpu.memory_space<vmem>> -> memref<8x2048xf32, #tpu.memory_space<vmem>>
    %dma_wait3A_257 = arith.constant 0 : i32
    %dma_wait3A_258 = tpu.memref_slice %arg3[%dma_wait3A_252, %select_n3A, %mul3A_38, %dma_wait3A_257] : memref<1x16x2048x2048xf32, #tpu.memory_space<hbm>> -> memref<1x1x8x2048xf32, #tpu.memory_space<hbm>>
    %dma_wait3A_259 = tpu.memref_squeeze %dma_wait3A_258 : memref<1x1x8x2048xf32, #tpu.memory_space<hbm>> -> memref<8x2048xf32, #tpu.memory_space<hbm>>
    %dma_wait3A_260 = arith.constant 0 : i32
    %dma_wait3A_261 = tpu.memref_slice %arg3[%dma_wait3A_252, %select_n3A, %mul3A_38, %dma_wait3A_260] : memref<1x16x2048x2048xf32, #tpu.memory_space<hbm>> -> memref<1x1x8x2048xf32, #tpu.memory_space<hbm>>
    %dma_wait3A_262 = tpu.memref_squeeze %dma_wait3A_261 : memref<1x1x8x2048xf32, #tpu.memory_space<hbm>> -> memref<8x2048xf32, #tpu.memory_space<hbm>>
    %dma_wait3A_263 = arith.constant 0 : i32
    %dma_wait3A_264 = arith.constant 0 : i32
    %dma_wait3A_265 = tpu.memref_slice %arg5[%dma_wait3A_251, %dma_wait3A_263, %dma_wait3A_264] : memref<2x8x3072xf32, #tpu.memory_space<vmem>> -> memref<1x8x2048xf32, #tpu.memory_space<vmem>>
    %dma_wait3A_266 = tpu.memref_squeeze %dma_wait3A_265 : memref<1x8x2048xf32, #tpu.memory_space<vmem>> -> memref<8x2048xf32, #tpu.memory_space<vmem>>
    tpu.wait_dma2 semaphore(%arg7 : memref<!tpu.dma_semaphore, #tpu.memory_space<semaphore_mem>>) src(%dma_wait3A_266 : memref<8x2048xf32, #tpu.memory_space<vmem>>) dst(%dma_wait3A_262 : memref<8x2048xf32, #tpu.memory_space<hbm>>)
    %dma_wait3A_267 = arith.constant 1 : i32
    %dma_wait3A_268 = arith.constant 0 : i32
    %dma_wait3A_269 = arith.constant 0 : i32
    %dma_wait3A_270 = arith.constant 0 : i32
    %dma_wait3A_271 = tpu.memref_slice %arg5[%dma_wait3A_267, %dma_wait3A_269, %dma_wait3A_270] : memref<2x8x3072xf32, #tpu.memory_space<vmem>> -> memref<1x8x2048xf32, #tpu.memory_space<vmem>>
    %dma_wait3A_272 = tpu.memref_squeeze %dma_wait3A_271 : memref<1x8x2048xf32, #tpu.memory_space<vmem>> -> memref<8x2048xf32, #tpu.memory_space<vmem>>
    %dma_wait3A_273 = arith.constant 0 : i32
    %dma_wait3A_274 = tpu.memref_slice %arg3[%dma_wait3A_268, %select_n3A, %mul3A_38, %dma_wait3A_273] : memref<1x16x2048x2048xf32, #tpu.memory_space<hbm>> -> memref<1x1x8x2048xf32, #tpu.memory_space<hbm>>
    %dma_wait3A_275 = tpu.memref_squeeze %dma_wait3A_274 : memref<1x1x8x2048xf32, #tpu.memory_space<hbm>> -> memref<8x2048xf32, #tpu.memory_space<hbm>>
    %dma_wait3A_276 = arith.constant 0 : i32
    %dma_wait3A_277 = tpu.memref_slice %arg3[%dma_wait3A_268, %select_n3A, %mul3A_38, %dma_wait3A_276] : memref<1x16x2048x2048xf32, #tpu.memory_space<hbm>> -> memref<1x1x8x2048xf32, #tpu.memory_space<hbm>>
    %dma_wait3A_278 = tpu.memref_squeeze %dma_wait3A_277 : memref<1x1x8x2048xf32, #tpu.memory_space<hbm>> -> memref<8x2048xf32, #tpu.memory_space<hbm>>
    %dma_wait3A_279 = arith.constant 0 : i32
    %dma_wait3A_280 = arith.constant 0 : i32
    %dma_wait3A_281 = tpu.memref_slice %arg5[%dma_wait3A_267, %dma_wait3A_279, %dma_wait3A_280] : memref<2x8x3072xf32, #tpu.memory_space<vmem>> -> memref<1x8x2048xf32, #tpu.memory_space<vmem>>
    %dma_wait3A_282 = tpu.memref_squeeze %dma_wait3A_281 : memref<1x8x2048xf32, #tpu.memory_space<vmem>> -> memref<8x2048xf32, #tpu.memory_space<vmem>>
    tpu.wait_dma2 semaphore(%arg7 : memref<!tpu.dma_semaphore, #tpu.memory_space<semaphore_mem>>) src(%dma_wait3A_282 : memref<8x2048xf32, #tpu.memory_space<vmem>>) dst(%dma_wait3A_278 : memref<8x2048xf32, #tpu.memory_space<hbm>>)
    %dma_wait3A_283 = arith.constant 1 : i32
    %dma_wait3A_284 = arith.constant 0 : i32
    %dma_wait3A_285 = arith.constant 0 : i32
    %dma_wait3A_286 = arith.constant 0 : i32
    %dma_wait3A_287 = tpu.memref_slice %arg5[%dma_wait3A_283, %dma_wait3A_285, %dma_wait3A_286] : memref<2x8x3072xf32, #tpu.memory_space<vmem>> -> memref<1x8x2048xf32, #tpu.memory_space<vmem>>
    %dma_wait3A_288 = tpu.memref_squeeze %dma_wait3A_287 : memref<1x8x2048xf32, #tpu.memory_space<vmem>> -> memref<8x2048xf32, #tpu.memory_space<vmem>>
    %dma_wait3A_289 = arith.constant 0 : i32
    %dma_wait3A_290 = tpu.memref_slice %arg3[%dma_wait3A_284, %select_n3A, %mul3A_38, %dma_wait3A_289] : memref<1x16x2048x2048xf32, #tpu.memory_space<hbm>> -> memref<1x1x8x2048xf32, #tpu.memory_space<hbm>>
    %dma_wait3A_291 = tpu.memref_squeeze %dma_wait3A_290 : memref<1x1x8x2048xf32, #tpu.memory_space<hbm>> -> memref<8x2048xf32, #tpu.memory_space<hbm>>
    %dma_wait3A_292 = arith.constant 0 : i32
    %dma_wait3A_293 = tpu.memref_slice %arg3[%dma_wait3A_284, %select_n3A, %mul3A_38, %dma_wait3A_292] : memref<1x16x2048x2048xf32, #tpu.memory_space<hbm>> -> memref<1x1x8x2048xf32, #tpu.memory_space<hbm>>
    %dma_wait3A_294 = tpu.memref_squeeze %dma_wait3A_293 : memref<1x1x8x2048xf32, #tpu.memory_space<hbm>> -> memref<8x2048xf32, #tpu.memory_space<hbm>>
    %dma_wait3A_295 = arith.constant 0 : i32
    %dma_wait3A_296 = arith.constant 0 : i32
    %dma_wait3A_297 = tpu.memref_slice %arg5[%dma_wait3A_283, %dma_wait3A_295, %dma_wait3A_296] : memref<2x8x3072xf32, #tpu.memory_space<vmem>> -> memref<1x8x2048xf32, #tpu.memory_space<vmem>>
    %dma_wait3A_298 = tpu.memref_squeeze %dma_wait3A_297 : memref<1x8x2048xf32, #tpu.memory_space<vmem>> -> memref<8x2048xf32, #tpu.memory_space<vmem>>
    tpu.wait_dma2 semaphore(%arg7 : memref<!tpu.dma_semaphore, #tpu.memory_space<semaphore_mem>>) src(%dma_wait3A_298 : memref<8x2048xf32, #tpu.memory_space<vmem>>) dst(%dma_wait3A_294 : memref<8x2048xf32, #tpu.memory_space<hbm>>)
    return
  }
}

module attributes {stable_mosaic.version = 14 : i64} {
  func.func @_tables_tc_kernel(%arg0: memref<16x32xf32, #tpu.memory_space<vmem>>, %arg1: memref<1x1xi32, #tpu.memory_space<smem>>, %arg2: memref<1x1xi32, #tpu.memory_space<smem>>, %arg3: memref<16x16x4096xf32, #tpu.memory_space<vmem>>) attributes {dimension_semantics = [], scalar_prefetch = 0 : i64, scratch_operands = 0 : i64, tpu.core_type = #tpu.core_type<tc>} {
    %get3A = arith.constant 0 : index
    %get3A_0 = arith.constant 0 : index
    %get3A_1 = memref.load %arg1[%get3A, %get3A_0] : memref<1x1xi32, #tpu.memory_space<smem>>
    %get3A_2 = arith.constant 0 : index
    %get3A_3 = arith.constant 0 : index
    %get3A_4 = memref.load %arg2[%get3A_2, %get3A_3] : memref<1x1xi32, #tpu.memory_space<smem>>
    %iota3A = tpu.iota {dimensions = array<i32: 1>} : vector<32x4224xi32>
    %sub3A = arith.constant 2047 : i32
    %sub3A_5 = vector.broadcast %sub3A : i32 to vector<32x4224xi32>
    %sub3A_6 = arith.subi %iota3A, %sub3A_5 : vector<32x4224xi32>
    %add3A = vector.broadcast %get3A_1 : i32 to vector<32x4224xi32>
    %add3A_7 = arith.addi %sub3A_6, %add3A : vector<32x4224xi32>
    %gt3A = arith.constant 0 : i32
    %gt3A_8 = vector.broadcast %gt3A : i32 to vector<32x4224xi32>
    %gt3A_9 = arith.cmpi sgt, %add3A_7, %gt3A_8 : vector<32x4224xi32>
    %convert_element_type3A = arith.extui %gt3A_9 : vector<32x4224xi1> to vector<32x4224xi32>
    %mul3A = arith.constant 16 : i32
    %mul3A_10 = vector.broadcast %mul3A : i32 to vector<32x4224xi32>
    %mul3A_11 = arith.muli %convert_element_type3A, %mul3A_10 : vector<32x4224xi32>
    %mul3A_12 = vector.broadcast %get3A_4 : i32 to vector<32x4224xi32>
    %mul3A_13 = arith.muli %mul3A_11, %mul3A_12 : vector<32x4224xi32>
    %abs3A = math.absi %add3A_7 : vector<32x4224xi32>
    %lt3A = arith.constant 8 : i32
    %lt3A_14 = vector.broadcast %lt3A : i32 to vector<32x4224xi32>
    %lt3A_15 = arith.cmpi slt, %abs3A, %lt3A_14 : vector<32x4224xi32>
    %convert_element_type3A_16 = arith.sitofp %abs3A : vector<32x4224xi32> to vector<32x4224xf32>
    %div3A = arith.constant 8.000000e+00 : f32
    %div3A_17 = vector.broadcast %div3A : f32 to vector<32x4224xf32>
    %div3A_18 = arith.divf %convert_element_type3A_16, %div3A_17 : vector<32x4224xf32>
    %log3A = math.log %div3A_18 : vector<32x4224xf32>
    %div3A_19 = arith.constant 2.77258873 : f32
    %div3A_20 = vector.broadcast %div3A_19 : f32 to vector<32x4224xf32>
    %div3A_21 = arith.divf %log3A, %div3A_20 : vector<32x4224xf32>
    %mul3A_22 = arith.constant 8.000000e+00 : f32
    %mul3A_23 = vector.broadcast %mul3A_22 : f32 to vector<32x4224xf32>
    %mul3A_24 = arith.mulf %div3A_21, %mul3A_23 : vector<32x4224xf32>
    %convert_element_type3A_25 = arith.fptosi %mul3A_24 : vector<32x4224xf32> to vector<32x4224xi32>
    %add3A_26 = arith.constant 8 : i32
    %add3A_27 = vector.broadcast %add3A_26 : i32 to vector<32x4224xi32>
    %add3A_28 = arith.addi %add3A_27, %convert_element_type3A_25 : vector<32x4224xi32>
    %broadcast_in_dim3A = arith.constant 15 : i32
    %broadcast_in_dim3A_29 = vector.broadcast %broadcast_in_dim3A : i32 to vector<32x4224xi32>
    %min3A = arith.minsi %add3A_28, %broadcast_in_dim3A_29 : vector<32x4224xi32>
    %select_n3A = arith.select %lt3A_15, %abs3A, %min3A : vector<32x4224xi1>, vector<32x4224xi32>
    %add3A_30 = arith.addi %select_n3A, %mul3A_13 : vector<32x4224xi32>
    %iota3A_31 = tpu.iota {dimensions = array<i32: 0>} : vector<32x4224xi32>
    %eq3A = arith.cmpi eq, %add3A_30, %iota3A_31 : vector<32x4224xi32>
    %get3A_32 = arith.constant 0 : index
    %get3A_33 = arith.constant 0 : index
    %get3A_34 = vector.load %arg0[%get3A_32, %get3A_33] : memref<16x32xf32, #tpu.memory_space<vmem>>, vector<16x32xf32>
    %convert_element_type3A_35 = arith.extui %eq3A : vector<32x4224xi1> to vector<32x4224xi32>
    %convert_element_type3A_36 = arith.sitofp %convert_element_type3A_35 : vector<32x4224xi32> to vector<32x4224xf32>
    %dot_general3A = arith.constant dense<0.000000e+00> : vector<16x4224xf32>
    %dot_general3A_37 = tpu.matmul %get3A_34, %convert_element_type3A_36, %dot_general3A {dimension_numbers = #tpu.dot_dimension_numbers<[1], [0], [0], [1], [0, 0, 1, 1], [], []>, precision = #tpu.contract_precision<fp32>, transpose_lhs_hint = false} : vector<16x32xf32>, vector<32x4224xf32>, vector<16x4224xf32> -> vector<16x4224xf32>
    %slice3A = vector.extract_strided_slice %dot_general3A_37 {offsets = [0, 0], sizes = [16, 4096], strides = [1, 1]} : vector<16x4224xf32> to vector<16x4096xf32>
    %swap3A = arith.constant 0 : index
    %swap3A_38 = arith.constant 0 : index
    %swap3A_39 = arith.constant 0 : index
    %swap3A_40 = vector.load %arg3[%swap3A, %swap3A_38, %swap3A_39] : memref<16x16x4096xf32, #tpu.memory_space<vmem>>, vector<16x1x4096xf32>
    %swap3A_41 = vector.shape_cast %swap3A_40 : vector<16x1x4096xf32> to vector<16x4096xf32>
    %swap3A_42 = vector.shape_cast %slice3A : vector<16x4096xf32> to vector<16x1x4096xf32>
    tpu.vector_store %arg3[%swap3A, %swap3A_38, %swap3A_39], %swap3A_42 {strides = array<i32>} : memref<16x16x4096xf32, #tpu.memory_space<vmem>>, vector<16x1x4096xf32>,
    %slice3A_43 = vector.extract_strided_slice %dot_general3A_37 {offsets = [0, 1], sizes = [16, 4096], strides = [1, 1]} : vector<16x4224xf32> to vector<16x4096xf32>
    %swap3A_44 = arith.constant 0 : index
    %swap3A_45 = arith.constant 1 : index
    %swap3A_46 = arith.constant 0 : index
    %swap3A_47 = vector.load %arg3[%swap3A_44, %swap3A_45, %swap3A_46] : memref<16x16x4096xf32, #tpu.memory_space<vmem>>, vector<16x1x4096xf32>
    %swap3A_48 = vector.shape_cast %swap3A_47 : vector<16x1x4096xf32> to vector<16x4096xf32>
    %swap3A_49 = vector.shape_cast %slice3A_43 : vector<16x4096xf32> to vector<16x1x4096xf32>
    tpu.vector_store %arg3[%swap3A_44, %swap3A_45, %swap3A_46], %swap3A_49 {strides = array<i32>} : memref<16x16x4096xf32, #tpu.memory_space<vmem>>, vector<16x1x4096xf32>,
    %slice3A_50 = vector.extract_strided_slice %dot_general3A_37 {offsets = [0, 2], sizes = [16, 4096], strides = [1, 1]} : vector<16x4224xf32> to vector<16x4096xf32>
    %swap3A_51 = arith.constant 0 : index
    %swap3A_52 = arith.constant 2 : index
    %swap3A_53 = arith.constant 0 : index
    %swap3A_54 = vector.load %arg3[%swap3A_51, %swap3A_52, %swap3A_53] : memref<16x16x4096xf32, #tpu.memory_space<vmem>>, vector<16x1x4096xf32>
    %swap3A_55 = vector.shape_cast %swap3A_54 : vector<16x1x4096xf32> to vector<16x4096xf32>
    %swap3A_56 = vector.shape_cast %slice3A_50 : vector<16x4096xf32> to vector<16x1x4096xf32>
    tpu.vector_store %arg3[%swap3A_51, %swap3A_52, %swap3A_53], %swap3A_56 {strides = array<i32>} : memref<16x16x4096xf32, #tpu.memory_space<vmem>>, vector<16x1x4096xf32>,
    %slice3A_57 = vector.extract_strided_slice %dot_general3A_37 {offsets = [0, 3], sizes = [16, 4096], strides = [1, 1]} : vector<16x4224xf32> to vector<16x4096xf32>
    %swap3A_58 = arith.constant 0 : index
    %swap3A_59 = arith.constant 3 : index
    %swap3A_60 = arith.constant 0 : index
    %swap3A_61 = vector.load %arg3[%swap3A_58, %swap3A_59, %swap3A_60] : memref<16x16x4096xf32, #tpu.memory_space<vmem>>, vector<16x1x4096xf32>
    %swap3A_62 = vector.shape_cast %swap3A_61 : vector<16x1x4096xf32> to vector<16x4096xf32>
    %swap3A_63 = vector.shape_cast %slice3A_57 : vector<16x4096xf32> to vector<16x1x4096xf32>
    tpu.vector_store %arg3[%swap3A_58, %swap3A_59, %swap3A_60], %swap3A_63 {strides = array<i32>} : memref<16x16x4096xf32, #tpu.memory_space<vmem>>, vector<16x1x4096xf32>,
    %slice3A_64 = vector.extract_strided_slice %dot_general3A_37 {offsets = [0, 4], sizes = [16, 4096], strides = [1, 1]} : vector<16x4224xf32> to vector<16x4096xf32>
    %swap3A_65 = arith.constant 0 : index
    %swap3A_66 = arith.constant 4 : index
    %swap3A_67 = arith.constant 0 : index
    %swap3A_68 = vector.load %arg3[%swap3A_65, %swap3A_66, %swap3A_67] : memref<16x16x4096xf32, #tpu.memory_space<vmem>>, vector<16x1x4096xf32>
    %swap3A_69 = vector.shape_cast %swap3A_68 : vector<16x1x4096xf32> to vector<16x4096xf32>
    %swap3A_70 = vector.shape_cast %slice3A_64 : vector<16x4096xf32> to vector<16x1x4096xf32>
    tpu.vector_store %arg3[%swap3A_65, %swap3A_66, %swap3A_67], %swap3A_70 {strides = array<i32>} : memref<16x16x4096xf32, #tpu.memory_space<vmem>>, vector<16x1x4096xf32>,
    %slice3A_71 = vector.extract_strided_slice %dot_general3A_37 {offsets = [0, 5], sizes = [16, 4096], strides = [1, 1]} : vector<16x4224xf32> to vector<16x4096xf32>
    %swap3A_72 = arith.constant 0 : index
    %swap3A_73 = arith.constant 5 : index
    %swap3A_74 = arith.constant 0 : index
    %swap3A_75 = vector.load %arg3[%swap3A_72, %swap3A_73, %swap3A_74] : memref<16x16x4096xf32, #tpu.memory_space<vmem>>, vector<16x1x4096xf32>
    %swap3A_76 = vector.shape_cast %swap3A_75 : vector<16x1x4096xf32> to vector<16x4096xf32>
    %swap3A_77 = vector.shape_cast %slice3A_71 : vector<16x4096xf32> to vector<16x1x4096xf32>
    tpu.vector_store %arg3[%swap3A_72, %swap3A_73, %swap3A_74], %swap3A_77 {strides = array<i32>} : memref<16x16x4096xf32, #tpu.memory_space<vmem>>, vector<16x1x4096xf32>,
    %slice3A_78 = vector.extract_strided_slice %dot_general3A_37 {offsets = [0, 6], sizes = [16, 4096], strides = [1, 1]} : vector<16x4224xf32> to vector<16x4096xf32>
    %swap3A_79 = arith.constant 0 : index
    %swap3A_80 = arith.constant 6 : index
    %swap3A_81 = arith.constant 0 : index
    %swap3A_82 = vector.load %arg3[%swap3A_79, %swap3A_80, %swap3A_81] : memref<16x16x4096xf32, #tpu.memory_space<vmem>>, vector<16x1x4096xf32>
    %swap3A_83 = vector.shape_cast %swap3A_82 : vector<16x1x4096xf32> to vector<16x4096xf32>
    %swap3A_84 = vector.shape_cast %slice3A_78 : vector<16x4096xf32> to vector<16x1x4096xf32>
    tpu.vector_store %arg3[%swap3A_79, %swap3A_80, %swap3A_81], %swap3A_84 {strides = array<i32>} : memref<16x16x4096xf32, #tpu.memory_space<vmem>>, vector<16x1x4096xf32>,
    %slice3A_85 = vector.extract_strided_slice %dot_general3A_37 {offsets = [0, 7], sizes = [16, 4096], strides = [1, 1]} : vector<16x4224xf32> to vector<16x4096xf32>
    %swap3A_86 = arith.constant 0 : index
    %swap3A_87 = arith.constant 7 : index
    %swap3A_88 = arith.constant 0 : index
    %swap3A_89 = vector.load %arg3[%swap3A_86, %swap3A_87, %swap3A_88] : memref<16x16x4096xf32, #tpu.memory_space<vmem>>, vector<16x1x4096xf32>
    %swap3A_90 = vector.shape_cast %swap3A_89 : vector<16x1x4096xf32> to vector<16x4096xf32>
    %swap3A_91 = vector.shape_cast %slice3A_85 : vector<16x4096xf32> to vector<16x1x4096xf32>
    tpu.vector_store %arg3[%swap3A_86, %swap3A_87, %swap3A_88], %swap3A_91 {strides = array<i32>} : memref<16x16x4096xf32, #tpu.memory_space<vmem>>, vector<16x1x4096xf32>,
    %slice3A_92 = vector.extract_strided_slice %dot_general3A_37 {offsets = [0, 8], sizes = [16, 4096], strides = [1, 1]} : vector<16x4224xf32> to vector<16x4096xf32>
    %swap3A_93 = arith.constant 0 : index
    %swap3A_94 = arith.constant 8 : index
    %swap3A_95 = arith.constant 0 : index
    %swap3A_96 = vector.load %arg3[%swap3A_93, %swap3A_94, %swap3A_95] : memref<16x16x4096xf32, #tpu.memory_space<vmem>>, vector<16x1x4096xf32>
    %swap3A_97 = vector.shape_cast %swap3A_96 : vector<16x1x4096xf32> to vector<16x4096xf32>
    %swap3A_98 = vector.shape_cast %slice3A_92 : vector<16x4096xf32> to vector<16x1x4096xf32>
    tpu.vector_store %arg3[%swap3A_93, %swap3A_94, %swap3A_95], %swap3A_98 {strides = array<i32>} : memref<16x16x4096xf32, #tpu.memory_space<vmem>>, vector<16x1x4096xf32>,
    %slice3A_99 = vector.extract_strided_slice %dot_general3A_37 {offsets = [0, 9], sizes = [16, 4096], strides = [1, 1]} : vector<16x4224xf32> to vector<16x4096xf32>
    %swap3A_100 = arith.constant 0 : index
    %swap3A_101 = arith.constant 9 : index
    %swap3A_102 = arith.constant 0 : index
    %swap3A_103 = vector.load %arg3[%swap3A_100, %swap3A_101, %swap3A_102] : memref<16x16x4096xf32, #tpu.memory_space<vmem>>, vector<16x1x4096xf32>
    %swap3A_104 = vector.shape_cast %swap3A_103 : vector<16x1x4096xf32> to vector<16x4096xf32>
    %swap3A_105 = vector.shape_cast %slice3A_99 : vector<16x4096xf32> to vector<16x1x4096xf32>
    tpu.vector_store %arg3[%swap3A_100, %swap3A_101, %swap3A_102], %swap3A_105 {strides = array<i32>} : memref<16x16x4096xf32, #tpu.memory_space<vmem>>, vector<16x1x4096xf32>,
    %slice3A_106 = vector.extract_strided_slice %dot_general3A_37 {offsets = [0, 10], sizes = [16, 4096], strides = [1, 1]} : vector<16x4224xf32> to vector<16x4096xf32>
    %swap3A_107 = arith.constant 0 : index
    %swap3A_108 = arith.constant 10 : index
    %swap3A_109 = arith.constant 0 : index
    %swap3A_110 = vector.load %arg3[%swap3A_107, %swap3A_108, %swap3A_109] : memref<16x16x4096xf32, #tpu.memory_space<vmem>>, vector<16x1x4096xf32>
    %swap3A_111 = vector.shape_cast %swap3A_110 : vector<16x1x4096xf32> to vector<16x4096xf32>
    %swap3A_112 = vector.shape_cast %slice3A_106 : vector<16x4096xf32> to vector<16x1x4096xf32>
    tpu.vector_store %arg3[%swap3A_107, %swap3A_108, %swap3A_109], %swap3A_112 {strides = array<i32>} : memref<16x16x4096xf32, #tpu.memory_space<vmem>>, vector<16x1x4096xf32>,
    %slice3A_113 = vector.extract_strided_slice %dot_general3A_37 {offsets = [0, 11], sizes = [16, 4096], strides = [1, 1]} : vector<16x4224xf32> to vector<16x4096xf32>
    %swap3A_114 = arith.constant 0 : index
    %swap3A_115 = arith.constant 11 : index
    %swap3A_116 = arith.constant 0 : index
    %swap3A_117 = vector.load %arg3[%swap3A_114, %swap3A_115, %swap3A_116] : memref<16x16x4096xf32, #tpu.memory_space<vmem>>, vector<16x1x4096xf32>
    %swap3A_118 = vector.shape_cast %swap3A_117 : vector<16x1x4096xf32> to vector<16x4096xf32>
    %swap3A_119 = vector.shape_cast %slice3A_113 : vector<16x4096xf32> to vector<16x1x4096xf32>
    tpu.vector_store %arg3[%swap3A_114, %swap3A_115, %swap3A_116], %swap3A_119 {strides = array<i32>} : memref<16x16x4096xf32, #tpu.memory_space<vmem>>, vector<16x1x4096xf32>,
    %slice3A_120 = vector.extract_strided_slice %dot_general3A_37 {offsets = [0, 12], sizes = [16, 4096], strides = [1, 1]} : vector<16x4224xf32> to vector<16x4096xf32>
    %swap3A_121 = arith.constant 0 : index
    %swap3A_122 = arith.constant 12 : index
    %swap3A_123 = arith.constant 0 : index
    %swap3A_124 = vector.load %arg3[%swap3A_121, %swap3A_122, %swap3A_123] : memref<16x16x4096xf32, #tpu.memory_space<vmem>>, vector<16x1x4096xf32>
    %swap3A_125 = vector.shape_cast %swap3A_124 : vector<16x1x4096xf32> to vector<16x4096xf32>
    %swap3A_126 = vector.shape_cast %slice3A_120 : vector<16x4096xf32> to vector<16x1x4096xf32>
    tpu.vector_store %arg3[%swap3A_121, %swap3A_122, %swap3A_123], %swap3A_126 {strides = array<i32>} : memref<16x16x4096xf32, #tpu.memory_space<vmem>>, vector<16x1x4096xf32>,
    %slice3A_127 = vector.extract_strided_slice %dot_general3A_37 {offsets = [0, 13], sizes = [16, 4096], strides = [1, 1]} : vector<16x4224xf32> to vector<16x4096xf32>
    %swap3A_128 = arith.constant 0 : index
    %swap3A_129 = arith.constant 13 : index
    %swap3A_130 = arith.constant 0 : index
    %swap3A_131 = vector.load %arg3[%swap3A_128, %swap3A_129, %swap3A_130] : memref<16x16x4096xf32, #tpu.memory_space<vmem>>, vector<16x1x4096xf32>
    %swap3A_132 = vector.shape_cast %swap3A_131 : vector<16x1x4096xf32> to vector<16x4096xf32>
    %swap3A_133 = vector.shape_cast %slice3A_127 : vector<16x4096xf32> to vector<16x1x4096xf32>
    tpu.vector_store %arg3[%swap3A_128, %swap3A_129, %swap3A_130], %swap3A_133 {strides = array<i32>} : memref<16x16x4096xf32, #tpu.memory_space<vmem>>, vector<16x1x4096xf32>,
    %slice3A_134 = vector.extract_strided_slice %dot_general3A_37 {offsets = [0, 14], sizes = [16, 4096], strides = [1, 1]} : vector<16x4224xf32> to vector<16x4096xf32>
    %swap3A_135 = arith.constant 0 : index
    %swap3A_136 = arith.constant 14 : index
    %swap3A_137 = arith.constant 0 : index
    %swap3A_138 = vector.load %arg3[%swap3A_135, %swap3A_136, %swap3A_137] : memref<16x16x4096xf32, #tpu.memory_space<vmem>>, vector<16x1x4096xf32>
    %swap3A_139 = vector.shape_cast %swap3A_138 : vector<16x1x4096xf32> to vector<16x4096xf32>
    %swap3A_140 = vector.shape_cast %slice3A_134 : vector<16x4096xf32> to vector<16x1x4096xf32>
    tpu.vector_store %arg3[%swap3A_135, %swap3A_136, %swap3A_137], %swap3A_140 {strides = array<i32>} : memref<16x16x4096xf32, #tpu.memory_space<vmem>>, vector<16x1x4096xf32>,
    %slice3A_141 = vector.extract_strided_slice %dot_general3A_37 {offsets = [0, 15], sizes = [16, 4096], strides = [1, 1]} : vector<16x4224xf32> to vector<16x4096xf32>
    %swap3A_142 = arith.constant 0 : index
    %swap3A_143 = arith.constant 15 : index
    %swap3A_144 = arith.constant 0 : index
    %swap3A_145 = vector.load %arg3[%swap3A_142, %swap3A_143, %swap3A_144] : memref<16x16x4096xf32, #tpu.memory_space<vmem>>, vector<16x1x4096xf32>
    %swap3A_146 = vector.shape_cast %swap3A_145 : vector<16x1x4096xf32> to vector<16x4096xf32>
    %swap3A_147 = vector.shape_cast %slice3A_141 : vector<16x4096xf32> to vector<16x1x4096xf32>
    tpu.vector_store %arg3[%swap3A_142, %swap3A_143, %swap3A_144], %swap3A_147 {strides = array<i32>} : memref<16x16x4096xf32, #tpu.memory_space<vmem>>, vector<16x1x4096xf32>,
    return
  }
}

</mosaic_0001>

<sc_bundles>
// kernel: kernel.4.cloned.1.call-start
scs
__scs_entry_jumppad:
0x0: {  	(pc) =	sbr.rel $0x88, $3  }
0x1: {  	(tag) =	ssettag $0x0;
	lr =	simm.s32 $0x1  }
0x2: {  	[smem:$0x3F9D] =	sst lr;
	_ =	strace $0xD0000000  }
0x3: {  	_ = 	snop  }
0x4: {  	_ = 	snop  }
0x5: {  	_ = 	snop  }
0x6: {  	_ = 	snop  }
0x7: {  	_ = 	snop  }
__scs_overlays_trampoline_lowered:
0x8: {  	[smem:$0x3FAC] =	sst s0  }
0x9: {  	[smem:$0x3FAD] =	sst s1  }
0xa: {  	[smem:$0x3FAE] =	sst s2  }
0xb: {  	[smem:$0x3FAF] =	sst s3  }
0xc: {  	[smem:$0x3FB0] =	sst s4  }
0xd: {  	[smem:$0x3FB1] =	sst s5  }
0xe: {  	[smem:$0x3FB2] =	sst s6  }
0xf: {  	[smem:$0x3FB3] =	sst s7  }
0x10: {  	[smem:$0x3FB4] =	sst s8  }
0x11: {  	[smem:$0x3FB5] =	sst s9;
	s0 =	simm.s32 @!p0 $0x0  }
0x12: {  	s1 =	sld [smem:$0x3F9B];
	s0 =	simm.s32 @p0 $0x1  }
0x13: {  	[smem:$0x3FB6] =	sst s0;
	s0 =	simm.s32 @!p1 $0x0  }
0x14: {  	s2 =	sld [smem:$0x3F9A];
	s0 =	simm.s32 @p1 $0x1  }
0x15: {  	[smem:$0x3FB7] =	sst s0;
	s0 =	simm.s32 @!p2 $0x0  }
0x16: {  	s3 =	sld [smem:$0x3FDB];
	s0 =	simm.s32 @p2 $0x1  }
0x17: {  	s4 =	simm.s32 $0x1BF5;
	[smem:$0x3FB9] =	sst s0  }
0x18: {  	s0 =	sld [smem:$0x3F9C];
	_ =	swait.ge [sflag:s4], $0x0  }
0x19: {  	s7 =	sld [smem:$0x3F9D]  }
0x1a: {  	s8 =	sadd.s32 $0xFFFFE003, lr  }
0x1b: {  	s9 =	sadd.s32 $0xFFFFFEF7, lr;
	s5 =	simm.s32 $0xFFFFFFFF;
	p2 =	slt.u32 s8, $0xFFFFF086  }
0x1c: {  	p1 =	slt.u32 s9, $0xF7A;
	s5 =	simm.s32 @!p2 $0x0  }
0x1d: {  	s5 =	simm.s32 @p1 $0x1;
	p0 =	seq.s32 s7, s2  }
0x1e: {  	s7 =	smul.u32 @!p0 $0xF7A, s2;
	p2 =	seq.s32 @!p0 s5, $0x0  }
0x1f: {  	s9 =	smul.u32 $0xF7A, s1;
	s8 =	simm.s32 @!p0 $0x1BF5;
	p2 =	por !p2, p0  }
0x20: {  	[sflag:s8] =	ssyncset.s32 @!p0 $0xFFFFF086;
	s6 =	sadd.s32 @!p0 s3, s7;
	s7 =	simm.s32 @!p0 $0x108  }
0x21: {  	s3 =	sadd.s32 s3, s9;
	s6 =	sadd.s32 @!p0 $0x88, s6;
	s7 =	simm.s32 @p2 $0x1082  }
0x22: {  	[simem:s7], [sflag:s8] =	dma.local @!p0 [hbm:s6], $0xF7A  }
0x23: {  	s9 =	sor.u32 $0xD0000000, s2;
	s6 =	simm.s32 $0x108;
	_ =	swait.ge @!p0 [sflag:s8], $0x0  }
0x24: {  	s3 =	sadd.s32 $0x88, s3;
	s6 =	simm.s32 @!p1 $0x1082;
	[sflag:s4] =	ssyncset.s32 $0xFFFFF086  }
0x25: {  	[simem:s6], [sflag:s4] =	dma.local [hbm:s3], $0xF7A  }
0x26: {  	[smem:$0x3F9D] =	sst s1;
	(tag) =	ssettag s2;
	_ =	strace s9  }
0x27: {  	s1 =	sld [smem:$0x3FAD]  }
0x28: {  	s2 =	sld [smem:$0x3FAE]  }
0x29: {  	s4 =	sld [smem:$0x3FB0]  }
0x2a: {  	p0 =	seq.s32 s5, $0x0;
	s5 =	sld [smem:$0x3FB1]  }
0x2b: {  	s6 =	sld [smem:$0x3FB2]  }
0x2c: {  	s7 =	sld [smem:$0x3FB3]  }
0x2d: {  	s3 =	simm.s32 $0x108;
	s8 =	sld [smem:$0x3FB4]  }
0x2e: {  	s3 =	simm.s32 @!p0 $0x1082;
	s9 =	sld [smem:$0x3FB5]  }
0x2f: {  	lr =	sadd.s32 s0, s3;
	s0 =	sld [smem:$0x3FAC]  }
0x30: {  	s3 =	sld [smem:$0x3FAF]  }
0x31: {  	[smem:$0x3FB8] =	sst s10  }
0x32: {  	s10 =	sld [smem:$0x3FB6];
	_ =	sdelay $0x3  }
0x33: {  	p0 =	seq.s32 s10, $0x1;
	s10 =	sld [smem:$0x3FB8];
	_ =	sdelay $0x3  }
0x34: {  	[smem:$0x3FB8] =	sst s10  }
0x35: {  	s10 =	sld [smem:$0x3FB7];
	_ =	sdelay $0x3  }
0x36: {  	p1 =	seq.s32 s10, $0x1;
	s10 =	sld [smem:$0x3FB8];
	_ =	sdelay $0x3  }
0x37: {  	[smem:$0x3FB8] =	sst s10  }
0x38: {  	s10 =	sld [smem:$0x3FB9]  }
0x39: {  	_ = 	snop;
	(pc) =	sbr.ind lr, $3  }
0x3a: {  	_ = 	snop  }
0x3b: {  	_ = 	snop  }
0x3c: {  	p2 =	seq.s32 s10, $0x1;
	s10 =	sld [smem:$0x3FB8]  }
0x3d: {  	_ =	shalt  }
0x3e: {  	_ =	shalt  }
0x3f: {  	_ =	shalt  }
0x40: {  	_ =	shalt  }
0x41: {  	_ =	shalt  }
0x42: {  	_ =	shalt  }
0x43: {  	_ =	shalt  }
0x44: {  	_ =	shalt  }
0x45: {  	_ =	shalt  }
0x46: {  	_ =	shalt  }
0x47: {  	_ =	shalt  }
0x48: {  	_ =	shalt  }
0x49: {  	_ =	shalt  }
0x4a: {  	_ =	shalt  }
0x4b: {  	_ =	shalt  }
0x4c: {  	_ =	shalt  }
0x4d: {  	_ =	shalt  }
0x4e: {  	_ =	shalt  }
0x4f: {  	_ =	shalt  }
0x50: {  	_ =	shalt  }
0x51: {  	_ =	shalt  }
0x52: {  	_ =	shalt  }
0x53: {  	_ =	shalt  }
0x54: {  	_ =	shalt  }
0x55: {  	_ =	shalt  }
0x56: {  	_ =	shalt  }
0x57: {  	_ =	shalt  }
0x58: {  	_ =	shalt  }
0x59: {  	_ =	shalt  }
0x5a: {  	_ =	shalt  }
0x5b: {  	_ =	shalt  }
0x5c: {  	_ =	shalt  }
0x5d: {  	_ =	shalt  }
0x5e: {  	_ =	shalt  }
0x5f: {  	_ =	shalt  }
0x60: {  	_ =	shalt  }
0x61: {  	_ =	shalt  }
0x62: {  	_ =	shalt  }
0x63: {  	_ =	shalt  }
0x64: {  	_ =	shalt  }
0x65: {  	_ =	shalt  }
0x66: {  	_ =	shalt  }
0x67: {  	_ =	shalt  }
0x68: {  	_ =	shalt  }
0x69: {  	_ =	shalt  }
0x6a: {  	_ =	shalt  }
0x6b: {  	_ =	shalt  }
0x6c: {  	_ =	shalt  }
0x6d: {  	_ =	shalt  }
0x6e: {  	_ =	shalt  }
0x6f: {  	_ =	shalt  }
0x70: {  	_ =	shalt  }
0x71: {  	_ =	shalt  }
0x72: {  	_ =	shalt  }
0x73: {  	_ =	shalt  }
0x74: {  	_ =	shalt  }
0x75: {  	_ =	shalt  }
0x76: {  	_ =	shalt  }
0x77: {  	_ =	shalt  }
0x78: {  	_ =	shalt  }
0x79: {  	_ =	shalt  }
0x7a: {  	_ =	shalt  }
0x7b: {  	_ =	shalt  }
0x7c: {  	_ =	shalt  }
0x7d: {  	_ =	shalt  }
0x7e: {  	_ =	shalt  }
0x7f: {  	_ =	shalt  }
0x80: {  	_ =	shalt  }
0x81: {  	_ =	shalt  }
0x82: {  	_ =	shalt  }
0x83: {  	_ =	shalt  }
0x84: {  	_ =	shalt  }
0x85: {  	_ =	shalt  }
0x86: {  	_ =	shalt  }
0x87: {  	_ =	shalt  }
.Lfunc_end0:
.L_simem_size_0:
called_computation_lowered:
.L_overlay_start_0:
0x88: {  	s2 =	sld [smem:$0x3FD9]  }
0x89: {  	s3 =	sld [smem:$0x3FFE];
	_ =	sdelay $0x1  }
0x8a: {  	s1 =	srdreg.scid  }
0x8b: {  	s0 =	sand.u32 $0x1, s1  }
0x8c: {  	s17 =	sshll.u32 s0, $0xA;
	s2 =	sadd.s32 s3, s2  }
0x8d: {  	s2 =	sadd.s32 s2, s17  }
0x8e: {  	[smem:$0x3FC4] =	sst s2  }
0x8f: {  	_ = 	snop  }
0x90: {  	s2 =	sld [smem:$0x3FD0];
	(tm) =	ssettm $0x1  }
0x91: {  	s18 =	sld [smem:$0x3FFB];
	_ =	sdelay $0x3  }
0x92: {  	_ =	strace s18  }
0x93: {  	s3 =	sld [smem:$0x3FFC];
	_ =	sdelay $0x3  }
0x94: {  	_ =	strace s3  }
0x95: {  	s3 =	sld [smem:$0x3FFD];
	_ =	sdelay $0x3  }
0x96: {  	_ =	strace s3  }
0x97: {  	_ =	strace $0x8FFFFFFF  }
0x98: {  	s19 =	sld [smem:$0x3FDB];
	_ =	sdelay $0x1  }
0x99: {  	s4 =	simm.s32 $_scs_section_size  }
0x9a: {  	s5 =	simm.s32 $_size__tile_overlayer_lowered;
	s6 =	simm.s32 $_tile_overlayer_lowered  }
0x9b: {  	s22 =	simm.s32 $0x1BFF;
	s21 =	sshll.u32 s6, $0x1;
	s3 =	sadd.s32 s4, s19  }
0x9c: {  	s7 =	simm.s32 $0x0;
	s20 =	sshll.u32 s5, $0x1;
	s5 =	sadd.s32 s21, s3  }
0x9d: {  	[timem:s7], [sflag:s22] =	dma.local [hbm:s5], s20  }
0x9e: {  	_ =	swait.ge [sflag:s22], s20  }
0x9f: {  	s4 =	ssub.s32 $0x0, s20;
	[sflag:s22] =	ssyncset.done $0x0  }
0xa0: {  	[sflag:s22] =	ssyncadd.s32 s4;
	_ =	sdelay $0x1  }
0xa1: {  	s23 =	simm.s32 $0x1B8B  }
0xa2: {  	_ =	swait.ge [sflag:s23], $0x1  }
0xa3: {  	[sflag:s23] =	ssyncset.done $0x0  }
0xa4: {  	s25 =	simm.s32 $0x1B8E;
	s24 =	sld [smem:$0x3FFE];
	[sflag:s23] =	ssyncadd.s32 $0xFFFFFFFF  }
0xa5: {  	s26 =	simm.s32 $execute0_lowered;
	[smem:$0x3FD2] =	sst s25  }
0xa6: {  	s5 =	sshll.u32 s26, $0x1;
	_ =	strace $0x80000046;
	[dreg:$0x1] =	wrdreg $0xFFFFFFFF  }
0xa7: {  	s28 =	simm.s32 $_size_execute0_lowered;
	s3 =	sadd.s32 s3, s5;
	[dreg:$0x0] =	wrdreg $0x0  }
0xa8: {  	s5 =	sshll.u32 s28, $0x1;
	[dreg:$0x2] =	wrdreg s3  }
0xa9: {  	[dreg:$0x3] =	wrdreg s5  }
0xaa: {  	[dreg:$0x4] =	wrdreg $0xC0  }
0xab: {  	_ =	task [dreg:s7], $0x5FFFF  }
0xac: {  	[dreg:$0x1] =	wrdreg $0xFFFFFFFF  }
0xad: {  	[dreg:$0x0] =	wrdreg $0x60  }
0xae: {  	[dreg:$0x2] =	wrdreg s24  }
0xaf: {  	[dreg:$0x3] =	wrdreg s2  }
0xb0: {  	[dreg:$0x4] =	wrdreg $0x9  }
0xb1: {  	_ =	task.clear_ibuf [dreg:s7], $0x5FFFF;
	_ =	strace $0x90000046  }
0xb2: {  	s29 =	simm.s32 $0x9;
	_ =	strace $0x80000048  }
0xb3: {  	_ =	swait.ge [sflag:s29], $0x1  }
0xb4: {  	[sflag:s29] =	ssyncadd.s32 $0xFFFFFFFF  }
0xb5: {  	_ =	strace $0x90000048  }
0xb6: {  	_ =	sfence  }
0xb7: {  	s30 =	sld [smem:$0x0];
	_ =	sdelay $0x2  }
0xb8: {  	s31 =	sshll.u32 s1, $0xD;
	s1 =	sshrl.u32 s1, $0x2  }
0xb9: {  	s3 =	sand.u32 $0x4000, s31;
	s1 =	sadd.s32 s1, s30  }
0xba: {  	s0 =	sor.u32 s3, s0;
	s1 =	sshll.u32 s1, $0x11  }
0xbb: {  	s0 =	sor.u32 s1, s0  }
0xbc: {  	s0 =	sadd.s32 $0x8F2B, s0  }
0xbd: {  	[sflag:s0] =	ssyncadd.remote.s32 $0x1  }
0xbe: {  	_ =	sfence.sel $0xFFFF  }
0xbf: {  	[dreg:$0x0] =	wrdreg $0xFFFFFFFF;
	(pc) =	sbr.abs _section_cstart, $3  }
0xc0: {  	[dreg:$0x1] =	wrdreg $0xFFFFFFFF  }
0xc1: {  	_ =	task.clear_ibuf [dreg:s7], $0x2FFFF;
	_ =	strace $0x9FFFFFFF  }
0xc2: {  	(tm) =	ssettm $0x7FFFFFFF  }
0xc3: {  	_ =	shalt  }
tec
execute0_lowered:
.L_overlay_start_1:
0x0: {  	(tag) =	ssettag $0x1  }
0x1: {  	s0 =	srdreg.scid  }
0x2: {  	s5 =	stileid.u32;
	s30 =	rddreg [dreg:$0x0]  }
0x3: {  	s2 =	rddreg [dreg:$0x1];
	s3 =	simm.s32 $0x0;
	s0 =	sand.u32 $0x1, s0  }
0x4: {  	[smem:$0x7FF] =	sst s3;
	s1 =	sor.u32 s0, s5  }
0x5: {  	p1 =	seq.s32 s0, $0x1;
	s6 =	ssub.s32 $0x2, s0;
	s25 =	sshll.u32 s0, $0xA  }
0x6: {  	_ =	strace $0x80000047;
	s0 =	sxor.u32 $0x7FF, s25;
	[dreg:$0x4] =	wrdreg s25  }
0x7: {  	s13 =	sshll.u32 s0, $0x2;
	[dreg:$0x6] =	wrdreg s0  }
0x8: {  	s14 =	sadd.s32 $0xEC71, s0;
	[dreg:$0xf] =	wrdreg s13  }
0x9: {  	s15 =	sadd.s32 $0xDC71, s0;
	[dreg:$0x10] =	wrdreg s14  }
0xa: {  	s16 =	sadd.s32 $0xCC71, s0;
	[dreg:$0x11] =	wrdreg s15  }
0xb: {  	s17 =	sadd.s32 $0xBC71, s0;
	[dreg:$0x12] =	wrdreg s16  }
0xc: {  	s18 =	sadd.s32 $0xAC71, s0;
	[dreg:$0x13] =	wrdreg s17  }
0xd: {  	s19 =	sadd.s32 $0x9C71, s0;
	[dreg:$0x14] =	wrdreg s18  }
0xe: {  	s20 =	sadd.s32 $0x8C71, s0;
	[dreg:$0x15] =	wrdreg s19  }
0xf: {  	s4 =	simm.s32 $0x1;
	s21 =	sadd.s32 $0x7C71, s0;
	[dreg:$0x16] =	wrdreg s20  }
0x10: {  	p0 =	seq.s32 s1, $0x0;
	s22 =	sadd.s32 $0x6C71, s0;
	[dreg:$0x17] =	wrdreg s21  }
0x11: {  	s7 =	sshrl.u32 s6, $0x1;
	s23 =	sadd.s32 $0x5C71, s0;
	[dreg:$0x18] =	wrdreg s22  }
0x12: {  	p0 =	por !p0, !p1;
	s24 =	sadd.s32 $0x4C71, s0;
	[dreg:$0x19] =	wrdreg s23  }
0x13: {  	s31 =	ssub.s32 s6, s7;
	s28 =	sadd.s32 $0x3C71, s0;
	[dreg:$0x1a] =	wrdreg s24  }
0x14: {  	s29 =	sadd.s32 $0x2C71, s0;
	p0 =	por !p0, !p0;
	[dreg:$0x1b] =	wrdreg s28  }
0x15: {  	s12 =	smax.u32 s31, $0x1;
	[dreg:$0x1c] =	wrdreg s29;
	s4 =	simm.s32 @!p0 $0x0  }
0x16: {  	s31 =	sadd.s32 $0xC71, s0;
	[dreg:$0xe] =	wrdreg s12;
	s4 =	ssub.s32 s5, s4  }
0x17: {  	[dreg:$0x1e] =	wrdreg s31;
	s26 =	sshll.u32 s4, $0x16  }
0x18: {  	s5 =	sshll.u32 s4, $0xD;
	s4 =	sor.u32 $0x40000, s26;
	[dreg:$0x5] =	wrdreg s26  }
0x19: {  	s6 =	sor.u32 $0x80000, s26;
	[dreg:$0x7] =	wrdreg s4  }
0x1a: {  	s7 =	sor.u32 $0xC0000, s26;
	[dreg:$0x8] =	wrdreg s6  }
0x1b: {  	s8 =	sor.u32 $0x100000, s26;
	[dreg:$0x9] =	wrdreg s7  }
0x1c: {  	s9 =	sor.u32 $0x140000, s26;
	[dreg:$0xa] =	wrdreg s8  }
0x1d: {  	s10 =	sor.u32 $0x180000, s26;
	[dreg:$0xb] =	wrdreg s9  }
0x1e: {  	s5 =	sand.u32 $0x1FFFE000, s5;
	s11 =	sor.u32 $0x1C0000, s26;
	[dreg:$0xc] =	wrdreg s10  }
0x1f: {  	s1 =	sadd.s32 s5, s30;
	[dreg:$0xd] =	wrdreg s11;
	s30 =	sadd.s32 $0x1C71, s0  }
0x20: {  	s0 =	sadd.s32 $0xFFFFFC71, s0;
	[dreg:$0x1d] =	wrdreg s30  }
0x21: {  	s1 =	sadd.s32 $0x600, s1;
	[dreg:$0x1f] =	wrdreg s0  }
0x22: {  	s4 =	simm.s32 $0x0;
	[dreg:$0x3] =	wrdreg s1  }
.LBB2_1:
0x23: {  	[smem:$0x7FD] =	sst s4  }
0x24: {  	s0 =	rddreg [dreg:$0x3];
	s24 =	simm.s32 $0x3  }
0x25: {  	[tilespmem:s3], [sflag:$0x3] =	stream.linear.gather [hbm4b:s0+s3], $0x10000, $0x38;
	[tilespmem:$0x1C000] =	vst v63  }
0x26: {  	_ =	swait.ge [sflag:s24], $0x10000  }
0x27: {  	s22 =	rddreg [dreg:$0x1f]  }
0x28: {  	s23 =	rddreg [dreg:$0x1e]  }
0x29: {  	s9 =	rddreg [dreg:$0x1c]  }
0x2a: {  	s28 =	rddreg [dreg:$0x1b]  }
0x2b: {  	s16 =	rddreg [dreg:$0x1a]  }
0x2c: {  	s8 =	rddreg [dreg:$0x19]  }
0x2d: {  	s17 =	rddreg [dreg:$0x18]  }
0x2e: {  	s21 =	rddreg [dreg:$0xf]  }
0x2f: {  	s29 =	rddreg [dreg:$0x17]  }
0x30: {  	s20 =	rddreg [dreg:$0x16]  }
0x31: {  	s18 =	rddreg [dreg:$0x15]  }
0x32: {  	s5 =	rddreg [dreg:$0x14]  }
0x33: {  	s14 =	rddreg [dreg:$0x13]  }
0x34: {  	s6 =	rddreg [dreg:$0x12]  }
0x35: {  	s7 =	rddreg [dreg:$0x11]  }
0x36: {  	s30 =	rddreg [dreg:$0x10]  }
0x37: {  	[sflag:s24] =	ssyncset.done $0x0;
	s31 =	rddreg [dreg:$0x6]  }
0x38: {  	s1 =	simm.s32 $0x0;
	[sflag:s24] =	ssyncadd.s32 $0xFFFF0000;
	s24 =	rddreg [dreg:$0x1d]  }
.LBB2_2:
0x39: {  	p0 =	seq.s32 s1, $0x0  }
0x3a: {  	s0 =	simm.s32 @!p0 $0x1  }
0x3b: {  	_ =	swait.ge @!p0 [sflag:s0], $0x4000  }
0x3c: {  	[sflag:s0] =	ssyncset.done @!p0 $0x0  }
0x3d: {  	[sflag:s0] =	ssyncadd.s32 @!p0 $0xFFFFC000  }
0x3e: {  	_ =	swait.ge @!p0 [sflag:s0], $0x4000  }
0x3f: {  	[sflag:s0] =	ssyncset.done @!p0 $0x0  }
0x40: {  	[sflag:s0] =	ssyncadd.s32 @!p0 $0xFFFFC000  }
0x41: {  	_ =	swait.ge @!p0 [sflag:s0], $0x4000  }
0x42: {  	[sflag:s0] =	ssyncset.done @!p0 $0x0  }
0x43: {  	[sflag:s0] =	ssyncadd.s32 @!p0 $0xFFFFC000  }
0x44: {  	_ =	swait.ge @!p0 [sflag:s0], $0x4000  }
0x45: {  	[sflag:s0] =	ssyncset.done @!p0 $0x0  }
0x46: {  	[sflag:s0] =	ssyncadd.s32 @!p0 $0xFFFFC000  }
0x47: {  	_ =	swait.ge @!p0 [sflag:s0], $0x4000  }
0x48: {  	[sflag:s0] =	ssyncset.done @!p0 $0x0  }
0x49: {  	[sflag:s0] =	ssyncadd.s32 @!p0 $0xFFFFC000  }
0x4a: {  	_ =	swait.ge @!p0 [sflag:s0], $0x4000  }
0x4b: {  	[sflag:s0] =	ssyncset.done @!p0 $0x0  }
0x4c: {  	[sflag:s0] =	ssyncadd.s32 @!p0 $0xFFFFC000  }
0x4d: {  	s4 =	sand.u32 $0x3FFFFFF0, s30;
	_ =	swait.ge @!p0 [sflag:s0], $0x4000  }
0x4e: {  	v8 =	vmov s4;
	[sflag:s0] =	ssyncset.done @!p0 $0x0  }
0x4f: {  	[sflag:s0] =	ssyncadd.s32 @!p0 $0xFFFFC000  }
0x50: {  	_ =	swait.ge @!p0 [sflag:s0], $0x4000  }
0x51: {  	[sflag:s0] =	ssyncset.done @!p0 $0x0  }
0x52: {  	s10 =	simm.s32 $0x0;
	[sflag:s0] =	ssyncadd.s32 @!p0 $0xFFFFC000  }
0x53: {  	v1 =	vld.idx.msk [tilespmem:v8+s10+$0x0 ss:$0x1], $0xffff  }
0x54: {  	v0 =	vmov s31;
	_ =	sdelay $0x2  }
0x55: {  	s13 =	simm.s32 $0x10200  }
0x56: {  	[tilespmem:s13+$0xFFFFFE00] =	vst v1  }
0x57: {  	v1 =	vld.idx.msk [tilespmem:v0+s10+$0xEC81 ss:$0x1], $0xffff;
	_ =	sdelay $0x4  }
0x58: {  	[tilespmem:s13+$0xFFFFFE10] =	vst v1  }
0x59: {  	v1 =	vld.idx.msk [tilespmem:v0+s10+$0xEC91 ss:$0x1], $0xffff;
	_ =	sdelay $0x4  }
0x5a: {  	[tilespmem:s13+$0xFFFFFE20] =	vst v1  }
0x5b: {  	v1 =	vld.idx.msk [tilespmem:v0+s10+$0xECA1 ss:$0x1], $0xffff;
	_ =	sdelay $0x4  }
0x5c: {  	[tilespmem:s13+$0xFFFFFE30] =	vst v1  }
0x5d: {  	v1 =	vld.idx.msk [tilespmem:v0+s10+$0xECB1 ss:$0x1], $0xffff;
	_ =	sdelay $0x4  }
0x5e: {  	[tilespmem:s13+$0xFFFFFE40] =	vst v1  }
0x5f: {  	v1 =	vld.idx.msk [tilespmem:v0+s10+$0xECC1 ss:$0x1], $0xffff;
	_ =	sdelay $0x4  }
0x60: {  	[tilespmem:s13+$0xFFFFFE50] =	vst v1  }
0x61: {  	v1 =	vld.idx.msk [tilespmem:v0+s10+$0xECD1 ss:$0x1], $0xffff;
	_ =	sdelay $0x4  }
0x62: {  	[tilespmem:s13+$0xFFFFFE60] =	vst v1  }
0x63: {  	[smem:$0x7EC] =	sst s7  }
0x64: {  	s15 =	sand.u32 $0x3FFFFFF0, s7;
	v1 =	vld.idx.msk [tilespmem:v0+s10+$0xECE1 ss:$0x1], $0xffff  }
0x65: {  	v7 =	vmov s15;
	_ =	sdelay $0x3  }
0x66: {  	[tilespmem:s13+$0xFFFFFE70] =	vst v1  }
0x67: {  	v1 =	vld.idx.msk [tilespmem:v7+s10+$0x0 ss:$0x1], $0xffff;
	_ =	sdelay $0x4  }
0x68: {  	[tilespmem:s13+$0xFFFFFE80] =	vst v1  }
0x69: {  	v1 =	vld.idx.msk [tilespmem:v0+s10+$0xDC81 ss:$0x1], $0xffff;
	_ =	sdelay $0x3  }
0x6a: {  	s12 =	simm.s32 $0x80  }
0x6b: {  	v2 =	vld.idx.msk [tilespmem:v8+s12+$0x0 ss:$0x1], $0xffff;
	[tilespmem:s13+$0xFFFFFE90] =	vst v1  }
0x6c: {  	v1 =	vld.idx.msk [tilespmem:v0+s10+$0xDC91 ss:$0x1], $0xffff;
	_ =	sdelay $0x2  }
0x6d: {  	s11 =	simm.s32 $0x10600  }
0x6e: {  	[tilespmem:s11+$0xFFFFFE00] =	vst v2  }
0x6f: {  	v2 =	vld.idx.msk [tilespmem:v0+s12+$0xEC81 ss:$0x1], $0xffff;
	[tilespmem:s13+$0xFFFFFEA0] =	vst v1  }
0x70: {  	v1 =	vld.idx.msk [tilespmem:v0+s10+$0xDCA1 ss:$0x1], $0xffff;
	_ =	sdelay $0x3  }
0x71: {  	[tilespmem:s11+$0xFFFFFE10] =	vst v2  }
0x72: {  	v2 =	vld.idx.msk [tilespmem:v0+s12+$0xEC91 ss:$0x1], $0xffff;
	[tilespmem:s13+$0xFFFFFEB0] =	vst v1  }
0x73: {  	v1 =	vld.idx.msk [tilespmem:v0+s10+$0xDCB1 ss:$0x1], $0xffff;
	_ =	sdelay $0x3  }
0x74: {  	[tilespmem:s11+$0xFFFFFE20] =	vst v2  }
0x75: {  	v2 =	vld.idx.msk [tilespmem:v0+s12+$0xECA1 ss:$0x1], $0xffff;
	[tilespmem:s13+$0xFFFFFEC0] =	vst v1  }
0x76: {  	v1 =	vld.idx.msk [tilespmem:v0+s10+$0xDCC1 ss:$0x1], $0xffff;
	_ =	sdelay $0x3  }
0x77: {  	[tilespmem:s11+$0xFFFFFE30] =	vst v2  }
0x78: {  	v2 =	vld.idx.msk [tilespmem:v0+s12+$0xECB1 ss:$0x1], $0xffff;
	[tilespmem:s13+$0xFFFFFED0] =	vst v1  }
0x79: {  	v1 =	vld.idx.msk [tilespmem:v0+s10+$0xDCD1 ss:$0x1], $0xffff;
	_ =	sdelay $0x3  }
0x7a: {  	[tilespmem:s11+$0xFFFFFE40] =	vst v2  }
0x7b: {  	[tilespmem:s13+$0xFFFFFEE0] =	vst v1  }
0x7c: {  	v2 =	vld.idx.msk [tilespmem:v0+s12+$0xECC1 ss:$0x1], $0xffff;
	[smem:$0x7ED] =	sst s6  }
0x7d: {  	s19 =	sand.u32 $0x3FFFFFF0, s6;
	v1 =	vld.idx.msk [tilespmem:v0+s10+$0xDCE1 ss:$0x1], $0xffff  }
0x7e: {  	v6 =	vmov s19;
	_ =	sdelay $0x2  }
0x7f: {  	[tilespmem:s11+$0xFFFFFE50] =	vst v2  }
0x80: {  	v2 =	vld.idx.msk [tilespmem:v0+s12+$0xECD1 ss:$0x1], $0xffff;
	[tilespmem:s13+$0xFFFFFEF0] =	vst v1  }
0x81: {  	v1 =	vld.idx.msk [tilespmem:v6+s10+$0x0 ss:$0x1], $0xffff;
	_ =	sdelay $0x3  }
0x82: {  	[tilespmem:s11+$0xFFFFFE60] =	vst v2  }
0x83: {  	v2 =	vld.idx.msk [tilespmem:v0+s12+$0xECE1 ss:$0x1], $0xffff;
	[tilespmem:s13+$0xFFFFFF00] =	vst v1  }
0x84: {  	v1 =	vld.idx.msk [tilespmem:v0+s10+$0xCC81 ss:$0x1], $0xffff;
	_ =	sdelay $0x3  }
0x85: {  	[tilespmem:s11+$0xFFFFFE70] =	vst v2  }
0x86: {  	v2 =	vld.idx.msk [tilespmem:v7+s12+$0x0 ss:$0x1], $0xffff;
	[tilespmem:s13+$0xFFFFFF10] =	vst v1  }
0x87: {  	v1 =	vld.idx.msk [tilespmem:v0+s10+$0xCC91 ss:$0x1], $0xffff;
	_ =	sdelay $0x2  }
0x88: {  	s7 =	simm.s32 $0x100  }
0x89: {  	v3 =	vld.idx.msk [tilespmem:v8+s7+$0x0 ss:$0x1], $0xffff;
	[tilespmem:s11+$0xFFFFFE80] =	vst v2  }
0x8a: {  	v2 =	vld.idx.msk [tilespmem:v0+s12+$0xDC81 ss:$0x1], $0xffff;
	[tilespmem:s13+$0xFFFFFF20] =	vst v1  }
0x8b: {  	v1 =	vld.idx.msk [tilespmem:v0+s10+$0xCCA1 ss:$0x1], $0xffff;
	_ =	sdelay $0x1  }
0x8c: {  	s6 =	simm.s32 $0x10A00  }
0x8d: {  	[tilespmem:s6+$0xFFFFFE00] =	vst v3  }
0x8e: {  	v3 =	vld.idx.msk [tilespmem:v0+s7+$0xEC81 ss:$0x1], $0xffff;
	[tilespmem:s11+$0xFFFFFE90] =	vst v2  }
0x8f: {  	v2 =	vld.idx.msk [tilespmem:v0+s12+$0xDC91 ss:$0x1], $0xffff;
	[tilespmem:s13+$0xFFFFFF30] =	vst v1  }
0x90: {  	v1 =	vld.idx.msk [tilespmem:v0+s10+$0xCCB1 ss:$0x1], $0xffff;
	_ =	sdelay $0x2  }
0x91: {  	[tilespmem:s6+$0xFFFFFE10] =	vst v3  }
0x92: {  	v3 =	vld.idx.msk [tilespmem:v0+s7+$0xEC91 ss:$0x1], $0xffff;
	[tilespmem:s11+$0xFFFFFEA0] =	vst v2  }
0x93: {  	v2 =	vld.idx.msk [tilespmem:v0+s12+$0xDCA1 ss:$0x1], $0xffff;
	[tilespmem:s13+$0xFFFFFF40] =	vst v1  }
0x94: {  	v1 =	vld.idx.msk [tilespmem:v0+s10+$0xCCC1 ss:$0x1], $0xffff;
	_ =	sdelay $0x2  }
0x95: {  	[tilespmem:s6+$0xFFFFFE20] =	vst v3  }
0x96: {  	v3 =	vld.idx.msk [tilespmem:v0+s7+$0xECA1 ss:$0x1], $0xffff;
	[tilespmem:s11+$0xFFFFFEB0] =	vst v2  }
0x97: {  	v2 =	vld.idx.msk [tilespmem:v0+s12+$0xDCB1 ss:$0x1], $0xffff;
	[tilespmem:s13+$0xFFFFFF50] =	vst v1  }
0x98: {  	v1 =	vld.idx.msk [tilespmem:v0+s10+$0xCCD1 ss:$0x1], $0xffff;
	_ =	sdelay $0x2  }
0x99: {  	[tilespmem:s6+$0xFFFFFE30] =	vst v3  }
0x9a: {  	[tilespmem:s11+$0xFFFFFEC0] =	vst v2  }
0x9b: {  	v2 =	vld.idx.msk [tilespmem:v0+s12+$0xDCC1 ss:$0x1], $0xffff;
	[tilespmem:s13+$0xFFFFFF60] =	vst v1  }
0x9c: {  	v3 =	vld.idx.msk [tilespmem:v0+s7+$0xECB1 ss:$0x1], $0xffff;
	[smem:$0x7EE] =	sst s14  }
0x9d: {  	s4 =	sand.u32 $0x3FFFFFF0, s14;
	v1 =	vld.idx.msk [tilespmem:v0+s10+$0xCCE1 ss:$0x1], $0xffff  }
0x9e: {  	v5 =	vmov s4;
	_ =	sdelay $0x1  }
0x9f: {  	[tilespmem:s11+$0xFFFFFED0] =	vst v2  }
0xa0: {  	[tilespmem:s6+$0xFFFFFE40] =	vst v3;
	v2 =	vld.idx.msk [tilespmem:v0+s12+$0xDCD1 ss:$0x1], $0xffff  }
0xa1: {  	v3 =	vld.idx.msk [tilespmem:v0+s7+$0xECC1 ss:$0x1], $0xffff;
	[tilespmem:s13+$0xFFFFFF70] =	vst v1  }
0xa2: {  	v1 =	vld.idx.msk [tilespmem:v5+s10+$0x0 ss:$0x1], $0xffff;
	_ =	sdelay $0x2  }
0xa3: {  	[tilespmem:s11+$0xFFFFFEE0] =	vst v2  }
0xa4: {  	[tilespmem:s6+$0xFFFFFE50] =	vst v3;
	v2 =	vld.idx.msk [tilespmem:v0+s12+$0xDCE1 ss:$0x1], $0xffff  }
0xa5: {  	v3 =	vld.idx.msk [tilespmem:v0+s7+$0xECD1 ss:$0x1], $0xffff;
	[tilespmem:s13+$0xFFFFFF80] =	vst v1  }
0xa6: {  	v1 =	vld.idx.msk [tilespmem:v0+s10+$0xBC81 ss:$0x1], $0xffff;
	_ =	sdelay $0x2  }
0xa7: {  	[tilespmem:s11+$0xFFFFFEF0] =	vst v2  }
0xa8: {  	[tilespmem:s6+$0xFFFFFE60] =	vst v3;
	v2 =	vld.idx.msk [tilespmem:v6+s12+$0x0 ss:$0x1], $0xffff  }
0xa9: {  	v3 =	vld.idx.msk [tilespmem:v0+s7+$0xECE1 ss:$0x1], $0xffff;
	[tilespmem:s13+$0xFFFFFF90] =	vst v1  }
0xaa: {  	v1 =	vld.idx.msk [tilespmem:v0+s10+$0xBC91 ss:$0x1], $0xffff;
	_ =	sdelay $0x2  }
0xab: {  	[tilespmem:s11+$0xFFFFFF00] =	vst v2  }
0xac: {  	[tilespmem:s6+$0xFFFFFE70] =	vst v3;
	v2 =	vld.idx.msk [tilespmem:v0+s12+$0xCC81 ss:$0x1], $0xffff  }
0xad: {  	v3 =	vld.idx.msk [tilespmem:v7+s7+$0x0 ss:$0x1], $0xffff;
	[tilespmem:s13+$0xFFFFFFA0] =	vst v1  }
0xae: {  	v1 =	vld.idx.msk [tilespmem:v0+s10+$0xBCA1 ss:$0x1], $0xffff;
	_ =	sdelay $0x1  }
0xaf: {  	s15 =	simm.s32 $0x180  }
0xb0: {  	v4 =	vld.idx.msk [tilespmem:v8+s15+$0x0 ss:$0x1], $0xffff;
	[tilespmem:s11+$0xFFFFFF10] =	vst v2  }
0xb1: {  	[tilespmem:s6+$0xFFFFFE80] =	vst v3;
	v2 =	vld.idx.msk [tilespmem:v0+s12+$0xCC91 ss:$0x1], $0xffff  }
0xb2: {  	v3 =	vld.idx.msk [tilespmem:v0+s7+$0xDC81 ss:$0x1], $0xffff;
	[tilespmem:s13+$0xFFFFFFB0] =	vst v1  }
0xb3: {  	v1 =	vld.idx.msk [tilespmem:v0+s10+$0xBCB1 ss:$0x1], $0xffff  }
0xb4: {  	s14 =	simm.s32 $0x10E00  }
0xb5: {  	[tilespmem:s14+$0xFFFFFE00] =	vst v4  }
0xb6: {  	v4 =	vld.idx.msk [tilespmem:v0+s15+$0xEC81 ss:$0x1], $0xffff;
	[tilespmem:s11+$0xFFFFFF20] =	vst v2  }
0xb7: {  	[tilespmem:s6+$0xFFFFFE90] =	vst v3;
	v2 =	vld.idx.msk [tilespmem:v0+s12+$0xCCA1 ss:$0x1], $0xffff  }
0xb8: {  	v3 =	vld.idx.msk [tilespmem:v0+s7+$0xDC91 ss:$0x1], $0xffff;
	[tilespmem:s13+$0xFFFFFFC0] =	vst v1  }
0xb9: {  	v1 =	vld.idx.msk [tilespmem:v0+s10+$0xBCC1 ss:$0x1], $0xffff;
	_ =	sdelay $0x1  }
0xba: {  	[tilespmem:s14+$0xFFFFFE10] =	vst v4  }
0xbb: {  	v4 =	vld.idx.msk [tilespmem:v0+s15+$0xEC91 ss:$0x1], $0xffff;
	[tilespmem:s11+$0xFFFFFF30] =	vst v2  }
0xbc: {  	[tilespmem:s6+$0xFFFFFEA0] =	vst v3;
	v2 =	vld.idx.msk [tilespmem:v0+s12+$0xCCB1 ss:$0x1], $0xffff  }
0xbd: {  	v3 =	vld.idx.msk [tilespmem:v0+s7+$0xDCA1 ss:$0x1], $0xffff;
	[tilespmem:s13+$0xFFFFFFD0] =	vst v1  }
0xbe: {  	v1 =	vld.idx.msk [tilespmem:v0+s10+$0xBCD1 ss:$0x1], $0xffff;
	_ =	sdelay $0x1  }
0xbf: {  	[tilespmem:s14+$0xFFFFFE20] =	vst v4  }
0xc0: {  	[tilespmem:s11+$0xFFFFFF40] =	vst v2  }
0xc1: {  	[tilespmem:s6+$0xFFFFFEB0] =	vst v3;
	v2 =	vld.idx.msk [tilespmem:v0+s12+$0xCCC1 ss:$0x1], $0xffff  }
0xc2: {  	v4 =	vld.idx.msk [tilespmem:v0+s7+$0xDCB1 ss:$0x1], $0xffff;
	[tilespmem:s13+$0xFFFFFFE0] =	vst v1  }
0xc3: {  	v9 =	vld.idx.msk [tilespmem:v0+s15+$0xECA1 ss:$0x1], $0xffff;
	[smem:$0x7EF] =	sst s5  }
0xc4: {  	s5 =	sand.u32 $0x3FFFFFF0, s5;
	v1 =	vld.idx.msk [tilespmem:v0+s10+$0xBCE1 ss:$0x1], $0xffff  }
0xc5: {  	v3 =	vmov s5  }
0xc6: {  	[tilespmem:s11+$0xFFFFFF50] =	vst v2  }
0xc7: {  	[tilespmem:s6+$0xFFFFFEC0] =	vst v4;
	v2 =	vld.idx.msk [tilespmem:v0+s12+$0xCCD1 ss:$0x1], $0xffff  }
0xc8: {  	[tilespmem:s14+$0xFFFFFE30] =	vst v9;
	v4 =	vld.idx.msk [tilespmem:v0+s7+$0xDCC1 ss:$0x1], $0xffff  }
0xc9: {  	v9 =	vld.idx.msk [tilespmem:v0+s15+$0xECB1 ss:$0x1], $0xffff;
	[tilespmem:s13+$0xFFFFFFF0] =	vst v1  }
0xca: {  	v1 =	vld.idx.msk [tilespmem:v3+s10+$0x0 ss:$0x1], $0xffff;
	_ =	sdelay $0x1  }
0xcb: {  	[tilespmem:s11+$0xFFFFFF60] =	vst v2  }
0xcc: {  	[tilespmem:s6+$0xFFFFFED0] =	vst v4;
	v2 =	vld.idx.msk [tilespmem:v0+s12+$0xCCE1 ss:$0x1], $0xffff  }
0xcd: {  	[tilespmem:s14+$0xFFFFFE40] =	vst v9;
	v4 =	vld.idx.msk [tilespmem:v0+s7+$0xDCD1 ss:$0x1], $0xffff  }
0xce: {  	v9 =	vld.idx.msk [tilespmem:v0+s15+$0xECC1 ss:$0x1], $0xffff;
	[tilespmem:s13+$0x0] =	vst v1  }
0xcf: {  	v1 =	vld.idx.msk [tilespmem:v0+s10+$0xAC81 ss:$0x1], $0xffff;
	_ =	sdelay $0x1  }
0xd0: {  	[tilespmem:s11+$0xFFFFFF70] =	vst v2  }
0xd1: {  	[tilespmem:s6+$0xFFFFFEE0] =	vst v4;
	v2 =	vld.idx.msk [tilespmem:v5+s12+$0x0 ss:$0x1], $0xffff  }
0xd2: {  	[tilespmem:s14+$0xFFFFFE50] =	vst v9;
	v4 =	vld.idx.msk [tilespmem:v0+s7+$0xDCE1 ss:$0x1], $0xffff  }
0xd3: {  	v9 =	vld.idx.msk [tilespmem:v0+s15+$0xECD1 ss:$0x1], $0xffff;
	[tilespmem:s13+$0x10] =	vst v1  }
0xd4: {  	v1 =	vld.idx.msk [tilespmem:v0+s10+$0xAC91 ss:$0x1], $0xffff;
	_ =	sdelay $0x1  }
0xd5: {  	[tilespmem:s11+$0xFFFFFF80] =	vst v2  }
0xd6: {  	[tilespmem:s6+$0xFFFFFEF0] =	vst v4;
	v2 =	vld.idx.msk [tilespmem:v0+s12+$0xBC81 ss:$0x1], $0xffff  }
0xd7: {  	[tilespmem:s14+$0xFFFFFE60] =	vst v9;
	v4 =	vld.idx.msk [tilespmem:v6+s7+$0x0 ss:$0x1], $0xffff  }
0xd8: {  	v9 =	vld.idx.msk [tilespmem:v0+s15+$0xECE1 ss:$0x1], $0xffff;
	[tilespmem:s13+$0x20] =	vst v1  }
0xd9: {  	v1 =	vld.idx.msk [tilespmem:v0+s10+$0xACA1 ss:$0x1], $0xffff;
	_ =	sdelay $0x1  }
0xda: {  	[tilespmem:s11+$0xFFFFFF90] =	vst v2  }
0xdb: {  	[tilespmem:s6+$0xFFFFFF00] =	vst v4;
	v2 =	vld.idx.msk [tilespmem:v0+s12+$0xBC91 ss:$0x1], $0xffff  }
0xdc: {  	[tilespmem:s14+$0xFFFFFE70] =	vst v9;
	v4 =	vld.idx.msk [tilespmem:v0+s7+$0xCC81 ss:$0x1], $0xffff  }
0xdd: {  	v9 =	vld.idx.msk [tilespmem:v7+s15+$0x0 ss:$0x1], $0xffff;
	[tilespmem:s13+$0x30] =	vst v1  }
0xde: {  	v1 =	vld.idx.msk [tilespmem:v0+s10+$0xACB1 ss:$0x1], $0xffff  }
0xdf: {  	s4 =	simm.s32 $0x200  }
0xe0: {  	v10 =	vld.idx.msk [tilespmem:v8+s4+$0x0 ss:$0x1], $0xffff;
	[tilespmem:s11+$0xFFFFFFA0] =	vst v2  }
0xe1: {  	[tilespmem:s6+$0xFFFFFF10] =	vst v4;
	v2 =	vld.idx.msk [tilespmem:v0+s12+$0xBCA1 ss:$0x1], $0xffff  }
0xe2: {  	[tilespmem:s14+$0xFFFFFE80] =	vst v9;
	v4 =	vld.idx.msk [tilespmem:v0+s7+$0xCC91 ss:$0x1], $0xffff  }
0xe3: {  	v9 =	vld.idx.msk [tilespmem:v0+s15+$0xDC81 ss:$0x1], $0xffff;
	[tilespmem:s13+$0x40] =	vst v1  }
0xe4: {  	s5 =	simm.s32 $0x11200;
	v1 =	vld.idx.msk [tilespmem:v0+s10+$0xACC1 ss:$0x1], $0xffff  }
0xe5: {  	[tilespmem:s5+$0xFFFFFE00] =	vst v10  }
0xe6: {  	v10 =	vld.idx.msk [tilespmem:v0+s4+$0xEC81 ss:$0x1], $0xffff;
	[tilespmem:s11+$0xFFFFFFB0] =	vst v2  }
0xe7: {  	[tilespmem:s6+$0xFFFFFF20] =	vst v4;
	v2 =	vld.idx.msk [tilespmem:v0+s12+$0xBCB1 ss:$0x1], $0xffff  }
0xe8: {  	[tilespmem:s14+$0xFFFFFE90] =	vst v9;
	v4 =	vld.idx.msk [tilespmem:v0+s7+$0xCCA1 ss:$0x1], $0xffff  }
0xe9: {  	v9 =	vld.idx.msk [tilespmem:v0+s15+$0xDC91 ss:$0x1], $0xffff;
	[tilespmem:s13+$0x50] =	vst v1  }
0xea: {  	v1 =	vld.idx.msk [tilespmem:v0+s10+$0xACD1 ss:$0x1], $0xffff  }
0xeb: {  	[tilespmem:s5+$0xFFFFFE10] =	vst v10  }
0xec: {  	[tilespmem:s11+$0xFFFFFFC0] =	vst v2  }
0xed: {  	[tilespmem:s6+$0xFFFFFF30] =	vst v4;
	v2 =	vld.idx.msk [tilespmem:v0+s12+$0xBCC1 ss:$0x1], $0xffff  }
0xee: {  	[tilespmem:s14+$0xFFFFFEA0] =	vst v9;
	v4 =	vld.idx.msk [tilespmem:v0+s7+$0xCCB1 ss:$0x1], $0xffff  }
0xef: {  	v9 =	vld.idx.msk [tilespmem:v0+s15+$0xDCA1 ss:$0x1], $0xffff;
	[tilespmem:s13+$0x60] =	vst v1  }
0xf0: {  	v10 =	vld.idx.msk [tilespmem:v0+s4+$0xEC91 ss:$0x1], $0xffff;
	[smem:$0x7F0] =	sst s18  }
0xf1: {  	s19 =	sand.u32 $0x3FFFFFF0, s18;
	v1 =	vld.idx.msk [tilespmem:v0+s10+$0xACE1 ss:$0x1], $0xffff  }
0xf2: {  	[tilespmem:s11+$0xFFFFFFD0] =	vst v2;
	v2 =	vmov s19  }
0xf3: {  	[tilespmem:s6+$0xFFFFFF40] =	vst v4;
	v4 =	vld.idx.msk [tilespmem:v0+s12+$0xBCD1 ss:$0x1], $0xffff  }
0xf4: {  	[tilespmem:s14+$0xFFFFFEB0] =	vst v9;
	v9 =	vld.idx.msk [tilespmem:v0+s7+$0xCCC1 ss:$0x1], $0xffff  }
0xf5: {  	[tilespmem:s5+$0xFFFFFE20] =	vst v10;
	v10 =	vld.idx.msk [tilespmem:v0+s15+$0xDCB1 ss:$0x1], $0xffff  }
0xf6: {  	v11 =	vld.idx.msk [tilespmem:v0+s4+$0xECA1 ss:$0x1], $0xffff;
	[tilespmem:s13+$0x70] =	vst v1  }
0xf7: {  	v1 =	vld.idx.msk [tilespmem:v2+s10+$0x0 ss:$0x1], $0xffff  }
0xf8: {  	[tilespmem:s11+$0xFFFFFFE0] =	vst v4  }
0xf9: {  	[tilespmem:s6+$0xFFFFFF50] =	vst v9;
	v4 =	vld.idx.msk [tilespmem:v0+s12+$0xBCE1 ss:$0x1], $0xffff  }
0xfa: {  	[tilespmem:s14+$0xFFFFFEC0] =	vst v10;
	v9 =	vld.idx.msk [tilespmem:v0+s7+$0xCCD1 ss:$0x1], $0xffff  }
0xfb: {  	[tilespmem:s5+$0xFFFFFE30] =	vst v11;
	v10 =	vld.idx.msk [tilespmem:v0+s15+$0xDCC1 ss:$0x1], $0xffff  }
0xfc: {  	v11 =	vld.idx.msk [tilespmem:v0+s4+$0xECB1 ss:$0x1], $0xffff;
	[tilespmem:s13+$0x80] =	vst v1  }
0xfd: {  	v1 =	vld.idx.msk [tilespmem:v0+s10+$0x9C81 ss:$0x1], $0xffff  }
0xfe: {  	[tilespmem:s11+$0xFFFFFFF0] =	vst v4  }
0xff: {  	[tilespmem:s6+$0xFFFFFF60] =	vst v9;
	v4 =	vld.idx.msk [tilespmem:v3+s12+$0x0 ss:$0x1], $0xffff  }
0x100: {  	[tilespmem:s14+$0xFFFFFED0] =	vst v10;
	v9 =	vld.idx.msk [tilespmem:v0+s7+$0xCCE1 ss:$0x1], $0xffff  }
0x101: {  	[tilespmem:s5+$0xFFFFFE40] =	vst v11;
	v10 =	vld.idx.msk [tilespmem:v0+s15+$0xDCD1 ss:$0x1], $0xffff  }
0x102: {  	v11 =	vld.idx.msk [tilespmem:v0+s4+$0xECC1 ss:$0x1], $0xffff;
	[tilespmem:s13+$0x90] =	vst v1  }
0x103: {  	v1 =	vld.idx.msk [tilespmem:v0+s10+$0x9C91 ss:$0x1], $0xffff  }
0x104: {  	[tilespmem:s11+$0x0] =	vst v4  }
0x105: {  	[tilespmem:s6+$0xFFFFFF70] =	vst v9;
	v4 =	vld.idx.msk [tilespmem:v0+s12+$0xAC81 ss:$0x1], $0xffff  }
0x106: {  	[tilespmem:s14+$0xFFFFFEE0] =	vst v10;
	v9 =	vld.idx.msk [tilespmem:v5+s7+$0x0 ss:$0x1], $0xffff  }
0x107: {  	[tilespmem:s5+$0xFFFFFE50] =	vst v11;
	v10 =	vld.idx.msk [tilespmem:v0+s15+$0xDCE1 ss:$0x1], $0xffff  }
0x108: {  	v11 =	vld.idx.msk [tilespmem:v0+s4+$0xECD1 ss:$0x1], $0xffff;
	[tilespmem:s13+$0xA0] =	vst v1  }
0x109: {  	v1 =	vld.idx.msk [tilespmem:v0+s10+$0x9CA1 ss:$0x1], $0xffff  }
0x10a: {  	[tilespmem:s11+$0x10] =	vst v4  }
0x10b: {  	[tilespmem:s6+$0xFFFFFF80] =	vst v9;
	v4 =	vld.idx.msk [tilespmem:v0+s12+$0xAC91 ss:$0x1], $0xffff  }
0x10c: {  	[tilespmem:s14+$0xFFFFFEF0] =	vst v10;
	v9 =	vld.idx.msk [tilespmem:v0+s7+$0xBC81 ss:$0x1], $0xffff  }
0x10d: {  	[tilespmem:s5+$0xFFFFFE60] =	vst v11;
	v10 =	vld.idx.msk [tilespmem:v6+s15+$0x0 ss:$0x1], $0xffff  }
0x10e: {  	v11 =	vld.idx.msk [tilespmem:v0+s4+$0xECE1 ss:$0x1], $0xffff;
	[tilespmem:s13+$0xB0] =	vst v1  }
0x10f: {  	v1 =	vld.idx.msk [tilespmem:v0+s10+$0x9CB1 ss:$0x1], $0xffff  }
0x110: {  	[tilespmem:s11+$0x20] =	vst v4  }
0x111: {  	[tilespmem:s6+$0xFFFFFF90] =	vst v9;
	v4 =	vld.idx.msk [tilespmem:v0+s12+$0xACA1 ss:$0x1], $0xffff  }
0x112: {  	[tilespmem:s14+$0xFFFFFF00] =	vst v10;
	v9 =	vld.idx.msk [tilespmem:v0+s7+$0xBC91 ss:$0x1], $0xffff  }
0x113: {  	[tilespmem:s5+$0xFFFFFE70] =	vst v11;
	v10 =	vld.idx.msk [tilespmem:v0+s15+$0xCC81 ss:$0x1], $0xffff  }
0x114: {  	v11 =	vld.idx.msk [tilespmem:v7+s4+$0x0 ss:$0x1], $0xffff;
	[tilespmem:s13+$0xC0] =	vst v1  }
0x115: {  	s18 =	simm.s32 $0x280;
	v1 =	vld.idx.msk [tilespmem:v0+s10+$0x9CC1 ss:$0x1], $0xffff  }
0x116: {  	v12 =	vld.idx.msk [tilespmem:v8+s18+$0x0 ss:$0x1], $0xffff;
	[tilespmem:s11+$0x30] =	vst v4  }
0x117: {  	[tilespmem:s6+$0xFFFFFFA0] =	vst v9;
	v4 =	vld.idx.msk [tilespmem:v0+s12+$0xACB1 ss:$0x1], $0xffff  }
0x118: {  	[tilespmem:s14+$0xFFFFFF10] =	vst v10;
	v9 =	vld.idx.msk [tilespmem:v0+s7+$0xBCA1 ss:$0x1], $0xffff  }
0x119: {  	[tilespmem:s5+$0xFFFFFE80] =	vst v11;
	v10 =	vld.idx.msk [tilespmem:v0+s15+$0xCC91 ss:$0x1], $0xffff  }
0x11a: {  	s19 =	simm.s32 $0x11600;
	v11 =	vld.idx.msk [tilespmem:v0+s4+$0xDC81 ss:$0x1], $0xffff;
	[tilespmem:s13+$0xD0] =	vst v1  }
0x11b: {  	[tilespmem:s19+$0xFFFFFE00] =	vst v12;
	v1 =	vld.idx.msk [tilespmem:v0+s10+$0x9CD1 ss:$0x1], $0xffff  }
0x11c: {  	[tilespmem:s11+$0x40] =	vst v4  }
0x11d: {  	[tilespmem:s6+$0xFFFFFFB0] =	vst v9;
	v4 =	vld.idx.msk [tilespmem:v0+s12+$0xACC1 ss:$0x1], $0xffff  }
0x11e: {  	[tilespmem:s14+$0xFFFFFF20] =	vst v10;
	v9 =	vld.idx.msk [tilespmem:v0+s7+$0xBCB1 ss:$0x1], $0xffff  }
0x11f: {  	[tilespmem:s5+$0xFFFFFE90] =	vst v11;
	v10 =	vld.idx.msk [tilespmem:v0+s15+$0xCCA1 ss:$0x1], $0xffff  }
0x120: {  	v11 =	vld.idx.msk [tilespmem:v0+s4+$0xDC91 ss:$0x1], $0xffff;
	[tilespmem:s13+$0xE0] =	vst v1  }
0x121: {  	v12 =	vld.idx.msk [tilespmem:v0+s18+$0xEC81 ss:$0x1], $0xffff;
	[smem:$0x7F1] =	sst s20  }
0x122: {  	s20 =	sand.u32 $0x3FFFFFF0, s20;
	[tilespmem:s11+$0x50] =	vst v4;
	v4 =	vld.idx.msk [tilespmem:v0+s10+$0x9CE1 ss:$0x1], $0xffff  }
0x123: {  	v1 =	vmov s20;
	[tilespmem:s6+$0xFFFFFFC0] =	vst v9;
	v9 =	vld.idx.msk [tilespmem:v0+s12+$0xACD1 ss:$0x1], $0xffff  }
0x124: {  	[tilespmem:s14+$0xFFFFFF30] =	vst v10;
	v10 =	vld.idx.msk [tilespmem:v0+s7+$0xBCC1 ss:$0x1], $0xffff  }
0x125: {  	[tilespmem:s5+$0xFFFFFEA0] =	vst v11;
	v11 =	vld.idx.msk [tilespmem:v0+s15+$0xCCB1 ss:$0x1], $0xffff  }
0x126: {  	[tilespmem:s19+$0xFFFFFE10] =	vst v12;
	v12 =	vld.idx.msk [tilespmem:v0+s4+$0xDCA1 ss:$0x1], $0xffff  }
0x127: {  	v13 =	vld.idx.msk [tilespmem:v0+s18+$0xEC91 ss:$0x1], $0xffff;
	[tilespmem:s13+$0xF0] =	vst v4  }
0x128: {  	[tilespmem:s11+$0x60] =	vst v9;
	v4 =	vld.idx.msk [tilespmem:v1+s10+$0x0 ss:$0x1], $0xffff  }
0x129: {  	[tilespmem:s6+$0xFFFFFFD0] =	vst v10;
	v9 =	vld.idx.msk [tilespmem:v0+s12+$0xACE1 ss:$0x1], $0xffff  }
0x12a: {  	[tilespmem:s14+$0xFFFFFF40] =	vst v11;
	v10 =	vld.idx.msk [tilespmem:v0+s7+$0xBCD1 ss:$0x1], $0xffff  }
0x12b: {  	[tilespmem:s5+$0xFFFFFEB0] =	vst v12;
	v11 =	vld.idx.msk [tilespmem:v0+s15+$0xCCC1 ss:$0x1], $0xffff  }
0x12c: {  	[tilespmem:s19+$0xFFFFFE20] =	vst v13;
	v12 =	vld.idx.msk [tilespmem:v0+s4+$0xDCB1 ss:$0x1], $0xffff  }
0x12d: {  	v13 =	vld.idx.msk [tilespmem:v0+s18+$0xECA1 ss:$0x1], $0xffff;
	[tilespmem:s13+$0x100] =	vst v4  }
0x12e: {  	[tilespmem:s11+$0x70] =	vst v9;
	v4 =	vld.idx.msk [tilespmem:v0+s10+$0x8C81 ss:$0x1], $0xffff  }
0x12f: {  	[tilespmem:s6+$0xFFFFFFE0] =	vst v10;
	v9 =	vld.idx.msk [tilespmem:v2+s12+$0x0 ss:$0x1], $0xffff  }
0x130: {  	[tilespmem:s14+$0xFFFFFF50] =	vst v11;
	v10 =	vld.idx.msk [tilespmem:v0+s7+$0xBCE1 ss:$0x1], $0xffff  }
0x131: {  	[tilespmem:s5+$0xFFFFFEC0] =	vst v12;
	v11 =	vld.idx.msk [tilespmem:v0+s15+$0xCCD1 ss:$0x1], $0xffff  }
0x132: {  	[tilespmem:s19+$0xFFFFFE30] =	vst v13;
	v12 =	vld.idx.msk [tilespmem:v0+s4+$0xDCC1 ss:$0x1], $0xffff  }
0x133: {  	v13 =	vld.idx.msk [tilespmem:v0+s18+$0xECB1 ss:$0x1], $0xffff;
	[tilespmem:s13+$0x110] =	vst v4  }
0x134: {  	[tilespmem:s11+$0x80] =	vst v9;
	v4 =	vld.idx.msk [tilespmem:v0+s10+$0x8C91 ss:$0x1], $0xffff  }
0x135: {  	[tilespmem:s6+$0xFFFFFFF0] =	vst v10;
	v9 =	vld.idx.msk [tilespmem:v0+s12+$0x9C81 ss:$0x1], $0xffff  }
0x136: {  	[tilespmem:s14+$0xFFFFFF60] =	vst v11;
	v10 =	vld.idx.msk [tilespmem:v3+s7+$0x0 ss:$0x1], $0xffff  }
0x137: {  	[tilespmem:s5+$0xFFFFFED0] =	vst v12;
	v11 =	vld.idx.msk [tilespmem:v0+s15+$0xCCE1 ss:$0x1], $0xffff  }
0x138: {  	[tilespmem:s19+$0xFFFFFE40] =	vst v13;
	v12 =	vld.idx.msk [tilespmem:v0+s4+$0xDCD1 ss:$0x1], $0xffff  }
0x139: {  	v13 =	vld.idx.msk [tilespmem:v0+s18+$0xECC1 ss:$0x1], $0xffff;
	[tilespmem:s13+$0x120] =	vst v4  }
0x13a: {  	[tilespmem:s11+$0x90] =	vst v9;
	v4 =	vld.idx.msk [tilespmem:v0+s10+$0x8CA1 ss:$0x1], $0xffff  }
0x13b: {  	[tilespmem:s6+$0x0] =	vst v10;
	v9 =	vld.idx.msk [tilespmem:v0+s12+$0x9C91 ss:$0x1], $0xffff  }
0x13c: {  	[tilespmem:s14+$0xFFFFFF70] =	vst v11;
	v10 =	vld.idx.msk [tilespmem:v0+s7+$0xAC81 ss:$0x1], $0xffff  }
0x13d: {  	[tilespmem:s5+$0xFFFFFEE0] =	vst v12;
	v11 =	vld.idx.msk [tilespmem:v5+s15+$0x0 ss:$0x1], $0xffff  }
0x13e: {  	[tilespmem:s19+$0xFFFFFE50] =	vst v13;
	v12 =	vld.idx.msk [tilespmem:v0+s4+$0xDCE1 ss:$0x1], $0xffff  }
0x13f: {  	v13 =	vld.idx.msk [tilespmem:v0+s18+$0xECD1 ss:$0x1], $0xffff;
	[tilespmem:s13+$0x130] =	vst v4  }
0x140: {  	[tilespmem:s11+$0xA0] =	vst v9;
	v4 =	vld.idx.msk [tilespmem:v0+s10+$0x8CB1 ss:$0x1], $0xffff  }
0x141: {  	[tilespmem:s6+$0x10] =	vst v10;
	v9 =	vld.idx.msk [tilespmem:v0+s12+$0x9CA1 ss:$0x1], $0xffff  }
0x142: {  	[tilespmem:s14+$0xFFFFFF80] =	vst v11;
	v10 =	vld.idx.msk [tilespmem:v0+s7+$0xAC91 ss:$0x1], $0xffff  }
0x143: {  	[tilespmem:s5+$0xFFFFFEF0] =	vst v12;
	v11 =	vld.idx.msk [tilespmem:v0+s15+$0xBC81 ss:$0x1], $0xffff  }
0x144: {  	[tilespmem:s19+$0xFFFFFE60] =	vst v13;
	v12 =	vld.idx.msk [tilespmem:v6+s4+$0x0 ss:$0x1], $0xffff  }
0x145: {  	v13 =	vld.idx.msk [tilespmem:v0+s18+$0xECE1 ss:$0x1], $0xffff;
	[tilespmem:s13+$0x140] =	vst v4  }
0x146: {  	[tilespmem:s11+$0xB0] =	vst v9  }
0x147: {  	v4 =	vld.idx.msk [tilespmem:v0+s10+$0x8CC1 ss:$0x1], $0xffff;
	[tilespmem:s6+$0x20] =	vst v10  }
0x148: {  	[tilespmem:s14+$0xFFFFFF90] =	vst v11;
	v9 =	vld.idx.msk [tilespmem:v0+s12+$0x9CB1 ss:$0x1], $0xffff  }
0x149: {  	[tilespmem:s5+$0xFFFFFF00] =	vst v12;
	v10 =	vld.idx.msk [tilespmem:v0+s7+$0xACA1 ss:$0x1], $0xffff  }
0x14a: {  	[tilespmem:s19+$0xFFFFFE70] =	vst v13;
	v12 =	vld.idx.msk [tilespmem:v0+s15+$0xBC91 ss:$0x1], $0xffff  }
0x14b: {  	v13 =	vld.idx.msk [tilespmem:v0+s4+$0xCC81 ss:$0x1], $0xffff;
	[smem:$0x7F2] =	sst s17  }
0x14c: {  	[smem:$0x7F3] =	sst s8  }
0x14d: {  	[tilespmem:s13+$0x150] =	vst v4  }
0x14e: {  	v14 =	vld.idx.msk [tilespmem:v7+s18+$0x0 ss:$0x1], $0xffff;
	[smem:$0x7F4] =	sst s16  }
0x14f: {  	[tilespmem:s11+$0xC0] =	vst v9  }
0x150: {  	v11 =	vld.idx.msk [tilespmem:v0+s10+$0x8CD1 ss:$0x1], $0xffff;
	[smem:$0x7F5] =	sst s28  }
0x151: {  	[smem:$0x7F6] =	sst s9  }
0x152: {  	[tilespmem:s6+$0x30] =	vst v10  }
0x153: {  	v10 =	vld.idx.msk [tilespmem:v0+s12+$0x9CC1 ss:$0x1], $0xffff;
	[smem:$0x7F7] =	sst s24;
	s24 =	sshll.u32 s24, $0x2  }
0x154: {  	[tilespmem:s14+$0xFFFFFFA0] =	vst v12;
	s0 =	sand.u32 $0xFFFFFFC0, s24  }
0x155: {  	s20 =	sshll.u32 s17, $0x2;
	v9 =	vld.idx.msk [tilespmem:v0+s7+$0xACB1 ss:$0x1], $0xffff;
	[smem:$0x7F8] =	sst s0  }
0x156: {  	s20 =	sand.u32 $0xFFFFFFC0, s20;
	s17 =	sshll.u32 s8, $0x2;
	[smem:$0x7F9] =	sst s23  }
0x157: {  	s8 =	sshll.u32 s28, $0x2;
	s23 =	sshll.u32 s23, $0x2;
	[smem:$0x7FA] =	sst s22  }
0x158: {  	s17 =	sand.u32 $0xFFFFFFC0, s17;
	s16 =	sshll.u32 s16, $0x2;
	[tilespmem:s5+$0xFFFFFF10] =	vst v13;
	s0 =	sand.u32 $0xFFFFFFC0, s23  }
0x159: {  	s8 =	sand.u32 $0xFFFFFFC0, s8;
	s16 =	sand.u32 $0xFFFFFFC0, s16;
	v12 =	vld.idx.msk [tilespmem:v0+s15+$0xBCA1 ss:$0x1], $0xffff;
	[smem:$0x7FB] =	sst s0  }
0x15a: {  	s9 =	sshll.u32 s9, $0x2;
	s28 =	sshll.u32 s1, $0x4;
	[smem:$0x7FC] =	sst s29  }
0x15b: {  	s9 =	sand.u32 $0xFFFFFFC0, s9;
	s24 =	sshll.u32 s22, $0x2;
	s29 =	sand.u32 $0x3FFFFFF0, s29;
	[tilespmem:s19+$0xFFFFFE80] =	vst v14;
	v13 =	vld.idx.msk [tilespmem:v0+s4+$0xCC91 ss:$0x1], $0xffff  }
0x15c: {  	s22 =	simm.s32 $0x300;
	s23 =	simm.s32 $0xE00;
	s0 =	sand.u32 $0xFFFFFFC0, s24;
	v4 =	vmov s29;
	v14 =	vld.idx.msk [tilespmem:v0+s18+$0xDC81 ss:$0x1], $0xffff  }
.LBB2_3:
0x15d: {  	p1 =	sne.s32 s23, $0x2C00;
	v15 =	vld.idx.msk [tilespmem:v8+s22+$0x0 ss:$0x1], $0xffff;
	[tilespmem:s13+$0x160] =	vst v11;
	s24 =	smov.u32 s11;
	s11 =	smov.u32 s6  }
0x15e: {  	s6 =	smov.u32 s14;
	s14 =	smov.u32 s5;
	s5 =	smov.u32 s19;
	[tilespmem:s24+$0xD0] =	vst v10;
	v10 =	vld.idx.msk [tilespmem:v0+s10+$0x8CE1 ss:$0x1], $0xffff  }
0x15f: {  	[tilespmem:s11+$0x40] =	vst v9;
	v9 =	vld.idx.msk [tilespmem:v0+s12+$0x9CD1 ss:$0x1], $0xffff  }
0x160: {  	[tilespmem:s6+$0xFFFFFFB0] =	vst v12;
	v11 =	vld.idx.msk [tilespmem:v0+s7+$0xACC1 ss:$0x1], $0xffff  }
0x161: {  	[tilespmem:s14+$0xFFFFFF20] =	vst v13;
	v12 =	vld.idx.msk [tilespmem:v0+s15+$0xBCB1 ss:$0x1], $0xffff  }
0x162: {  	s19 =	sadd.s32 $0x400, s19;
	[tilespmem:s5+$0xFFFFFE90] =	vst v14;
	v13 =	vld.idx.msk [tilespmem:v0+s4+$0xCCA1 ss:$0x1], $0xffff  }
0x163: {  	[tilespmem:s19+$0xFFFFFE00] =	vst v15;
	v14 =	vld.idx.msk [tilespmem:v0+s18+$0xDC91 ss:$0x1], $0xffff  }
0x164: {  	v15 =	vld.idx.msk [tilespmem:v0+s22+$0xEC81 ss:$0x1], $0xffff;
	[tilespmem:s13+$0x170] =	vst v10  }
0x165: {  	[tilespmem:s24+$0xE0] =	vst v9;
	v9 =	vld.idx.msk [tilespmem:v4+s10+$0x0 ss:$0x1], $0xffff  }
0x166: {  	[tilespmem:s11+$0x50] =	vst v11;
	v10 =	vld.idx.msk [tilespmem:v0+s12+$0x9CE1 ss:$0x1], $0xffff  }
0x167: {  	[tilespmem:s6+$0xFFFFFFC0] =	vst v12;
	v11 =	vld.idx.msk [tilespmem:v0+s7+$0xACD1 ss:$0x1], $0xffff  }
0x168: {  	[tilespmem:s14+$0xFFFFFF30] =	vst v13;
	v12 =	vld.idx.msk [tilespmem:v0+s15+$0xBCC1 ss:$0x1], $0xffff  }
0x169: {  	[tilespmem:s5+$0xFFFFFEA0] =	vst v14;
	v13 =	vld.idx.msk [tilespmem:v0+s4+$0xCCB1 ss:$0x1], $0xffff  }
0x16a: {  	[tilespmem:s19+$0xFFFFFE10] =	vst v15;
	v14 =	vld.idx.msk [tilespmem:v0+s18+$0xDCA1 ss:$0x1], $0xffff  }
0x16b: {  	v15 =	vld.idx.msk [tilespmem:v0+s22+$0xEC91 ss:$0x1], $0xffff;
	[tilespmem:s13+$0x180] =	vst v9  }
0x16c: {  	[tilespmem:s24+$0xF0] =	vst v10;
	v9 =	vld.idx.msk [tilespmem:v0+s10+$0x7C81 ss:$0x1], $0xffff  }
0x16d: {  	[tilespmem:s11+$0x60] =	vst v11;
	v10 =	vld.idx.msk [tilespmem:v1+s12+$0x0 ss:$0x1], $0xffff  }
0x16e: {  	[tilespmem:s6+$0xFFFFFFD0] =	vst v12;
	v11 =	vld.idx.msk [tilespmem:v0+s7+$0xACE1 ss:$0x1], $0xffff  }
0x16f: {  	[tilespmem:s14+$0xFFFFFF40] =	vst v13;
	v12 =	vld.idx.msk [tilespmem:v0+s15+$0xBCD1 ss:$0x1], $0xffff  }
0x170: {  	[tilespmem:s5+$0xFFFFFEB0] =	vst v14;
	v13 =	vld.idx.msk [tilespmem:v0+s4+$0xCCC1 ss:$0x1], $0xffff  }
0x171: {  	[tilespmem:s19+$0xFFFFFE20] =	vst v15;
	v14 =	vld.idx.msk [tilespmem:v0+s18+$0xDCB1 ss:$0x1], $0xffff  }
0x172: {  	v15 =	vld.idx.msk [tilespmem:v0+s22+$0xECA1 ss:$0x1], $0xffff;
	[tilespmem:s13+$0x190] =	vst v9  }
0x173: {  	[tilespmem:s24+$0x100] =	vst v10;
	v9 =	vld.idx.msk [tilespmem:v0+s10+$0x7C91 ss:$0x1], $0xffff  }
0x174: {  	[tilespmem:s11+$0x70] =	vst v11;
	v10 =	vld.idx.msk [tilespmem:v0+s12+$0x8C81 ss:$0x1], $0xffff  }
0x175: {  	[tilespmem:s6+$0xFFFFFFE0] =	vst v12;
	v11 =	vld.idx.msk [tilespmem:v2+s7+$0x0 ss:$0x1], $0xffff  }
0x176: {  	[tilespmem:s14+$0xFFFFFF50] =	vst v13;
	v12 =	vld.idx.msk [tilespmem:v0+s15+$0xBCE1 ss:$0x1], $0xffff  }
0x177: {  	[tilespmem:s5+$0xFFFFFEC0] =	vst v14;
	v13 =	vld.idx.msk [tilespmem:v0+s4+$0xCCD1 ss:$0x1], $0xffff  }
0x178: {  	[tilespmem:s19+$0xFFFFFE30] =	vst v15;
	v14 =	vld.idx.msk [tilespmem:v0+s18+$0xDCC1 ss:$0x1], $0xffff  }
0x179: {  	v15 =	vld.idx.msk [tilespmem:v0+s22+$0xECB1 ss:$0x1], $0xffff;
	[tilespmem:s13+$0x1A0] =	vst v9  }
0x17a: {  	[tilespmem:s24+$0x110] =	vst v10;
	v9 =	vld.idx.msk [tilespmem:v0+s10+$0x7CA1 ss:$0x1], $0xffff  }
0x17b: {  	[tilespmem:s11+$0x80] =	vst v11;
	v10 =	vld.idx.msk [tilespmem:v0+s12+$0x8C91 ss:$0x1], $0xffff  }
0x17c: {  	[tilespmem:s6+$0xFFFFFFF0] =	vst v12;
	v11 =	vld.idx.msk [tilespmem:v0+s7+$0x9C81 ss:$0x1], $0xffff  }
0x17d: {  	[tilespmem:s14+$0xFFFFFF60] =	vst v13;
	v12 =	vld.idx.msk [tilespmem:v3+s15+$0x0 ss:$0x1], $0xffff  }
0x17e: {  	[tilespmem:s5+$0xFFFFFED0] =	vst v14;
	v13 =	vld.idx.msk [tilespmem:v0+s4+$0xCCE1 ss:$0x1], $0xffff  }
0x17f: {  	[tilespmem:s19+$0xFFFFFE40] =	vst v15;
	v14 =	vld.idx.msk [tilespmem:v0+s18+$0xDCD1 ss:$0x1], $0xffff  }
0x180: {  	v15 =	vld.idx.msk [tilespmem:v0+s22+$0xECC1 ss:$0x1], $0xffff;
	[tilespmem:s13+$0x1B0] =	vst v9  }
0x181: {  	[tilespmem:s24+$0x120] =	vst v10;
	v9 =	vld.idx.msk [tilespmem:v0+s10+$0x7CB1 ss:$0x1], $0xffff  }
0x182: {  	[tilespmem:s11+$0x90] =	vst v11;
	v10 =	vld.idx.msk [tilespmem:v0+s12+$0x8CA1 ss:$0x1], $0xffff  }
0x183: {  	[tilespmem:s6+$0x0] =	vst v12;
	v11 =	vld.idx.msk [tilespmem:v0+s7+$0x9C91 ss:$0x1], $0xffff  }
0x184: {  	[tilespmem:s14+$0xFFFFFF70] =	vst v13;
	v12 =	vld.idx.msk [tilespmem:v0+s15+$0xAC81 ss:$0x1], $0xffff  }
0x185: {  	[tilespmem:s5+$0xFFFFFEE0] =	vst v14;
	v13 =	vld.idx.msk [tilespmem:v5+s4+$0x0 ss:$0x1], $0xffff  }
0x186: {  	[tilespmem:s19+$0xFFFFFE50] =	vst v15;
	v14 =	vld.idx.msk [tilespmem:v0+s18+$0xDCE1 ss:$0x1], $0xffff  }
0x187: {  	v15 =	vld.idx.msk [tilespmem:v0+s22+$0xECD1 ss:$0x1], $0xffff;
	[tilespmem:s13+$0x1C0] =	vst v9  }
0x188: {  	[tilespmem:s24+$0x130] =	vst v10;
	v9 =	vld.idx.msk [tilespmem:v0+s10+$0x7CC1 ss:$0x1], $0xffff  }
0x189: {  	[tilespmem:s11+$0xA0] =	vst v11;
	v10 =	vld.idx.msk [tilespmem:v0+s12+$0x8CB1 ss:$0x1], $0xffff  }
0x18a: {  	[tilespmem:s6+$0x10] =	vst v12;
	v11 =	vld.idx.msk [tilespmem:v0+s7+$0x9CA1 ss:$0x1], $0xffff  }
0x18b: {  	[tilespmem:s14+$0xFFFFFF80] =	vst v13;
	v12 =	vld.idx.msk [tilespmem:v0+s15+$0xAC91 ss:$0x1], $0xffff  }
0x18c: {  	[tilespmem:s5+$0xFFFFFEF0] =	vst v14;
	v13 =	vld.idx.msk [tilespmem:v0+s4+$0xBC81 ss:$0x1], $0xffff  }
0x18d: {  	[tilespmem:s19+$0xFFFFFE60] =	vst v15;
	v14 =	vld.idx.msk [tilespmem:v6+s18+$0x0 ss:$0x1], $0xffff  }
0x18e: {  	v15 =	vld.idx.msk [tilespmem:v0+s22+$0xECE1 ss:$0x1], $0xffff;
	[tilespmem:s13+$0x1D0] =	vst v9  }
0x18f: {  	[tilespmem:s24+$0x140] =	vst v10;
	v9 =	vld.idx.msk [tilespmem:v0+s10+$0x7CD1 ss:$0x1], $0xffff  }
0x190: {  	[tilespmem:s11+$0xB0] =	vst v11;
	v10 =	vld.idx.msk [tilespmem:v0+s12+$0x8CC1 ss:$0x1], $0xffff  }
0x191: {  	[tilespmem:s6+$0x20] =	vst v12;
	v11 =	vld.idx.msk [tilespmem:v0+s7+$0x9CB1 ss:$0x1], $0xffff  }
0x192: {  	[tilespmem:s14+$0xFFFFFF90] =	vst v13;
	v12 =	vld.idx.msk [tilespmem:v0+s15+$0xACA1 ss:$0x1], $0xffff  }
0x193: {  	[tilespmem:s5+$0xFFFFFF00] =	vst v14;
	v13 =	vld.idx.msk [tilespmem:v0+s4+$0xBC91 ss:$0x1], $0xffff  }
0x194: {  	[tilespmem:s19+$0xFFFFFE70] =	vst v15;
	v14 =	vld.idx.msk [tilespmem:v0+s18+$0xCC81 ss:$0x1], $0xffff  }
0x195: {  	v15 =	vld.idx.msk [tilespmem:v7+s22+$0x0 ss:$0x1], $0xffff;
	[tilespmem:s13+$0x1E0] =	vst v9  }
0x196: {  	[tilespmem:s24+$0x150] =	vst v10;
	v16 =	vld.idx.msk [tilespmem:v0+s10+$0x7CE1 ss:$0x1], $0xffff;
	s10 =	smov.u32 s12;
	s12 =	smov.u32 s7;
	s7 =	smov.u32 s15  }
0x197: {  	s15 =	smov.u32 s4;
	s4 =	smov.u32 s18;
	s18 =	smov.u32 s22;
	[tilespmem:s11+$0xC0] =	vst v11;
	v11 =	vld.idx.msk [tilespmem:v0+s10+$0x8CD1 ss:$0x1], $0xffff  }
.Ltmp0:
0x198: {  	[tilespmem:s6+$0x30] =	vst v12;
	v10 =	vld.idx.msk [tilespmem:v0+s12+$0x9CC1 ss:$0x1], $0xffff;
	(pc) =	sbr.rel @p1 .LBB2_3-.Ltmp0, $4  }
0x199: {  	[tilespmem:s14+$0xFFFFFFA0] =	vst v13;
	v9 =	vld.idx.msk [tilespmem:v0+s7+$0xACB1 ss:$0x1], $0xffff  }
0x19a: {  	[tilespmem:s5+$0xFFFFFF10] =	vst v14;
	v12 =	vld.idx.msk [tilespmem:v0+s15+$0xBCA1 ss:$0x1], $0xffff  }
0x19b: {  	[tilespmem:s19+$0xFFFFFE80] =	vst v15;
	v13 =	vld.idx.msk [tilespmem:v0+s4+$0xCC91 ss:$0x1], $0xffff  }
0x19c: {  	s22 =	sshra.s32 s23, $0x2;
	s23 =	sadd.s32 $0x200, s23;
	v14 =	vld.idx.msk [tilespmem:v0+s18+$0xDC81 ss:$0x1], $0xffff;
	[tilespmem:s13+$0x1F0] =	vst v16;
	s13 =	smov.u32 s24  }
0x19d: {  	_ =	sdelay $0x3  }
0x19e: {  	v8 =	vld.idx.msk [tilespmem:v8+s22+$0x0 ss:$0x1], $0xffff;
	_ =	sdelay $0x3  }
0x19f: {  	s23 =	sadd.s32 $0x400, s19  }
0x1a0: {  	[tilespmem:s23+$0xFFFFFE00] =	vst v8  }
0x1a1: {  	[tilespmem:s19+$0xFFFFFE90] =	vst v14;
	v52 =	vld.idx.msk [tilespmem:v0+s22+$0xEC81 ss:$0x1], $0xffff  }
0x1a2: {  	v51 =	vld.idx.msk [tilespmem:v0+s18+$0xDC91 ss:$0x1], $0xffff;
	_ =	sdelay $0x3  }
0x1a3: {  	[tilespmem:s23+$0xFFFFFE10] =	vst v52  }
0x1a4: {  	[tilespmem:s19+$0xFFFFFEA0] =	vst v51;
	v14 =	vld.idx.msk [tilespmem:v0+s22+$0xEC91 ss:$0x1], $0xffff  }
0x1a5: {  	v8 =	vld.idx.msk [tilespmem:v0+s18+$0xDCA1 ss:$0x1], $0xffff;
	_ =	sdelay $0x3  }
0x1a6: {  	[tilespmem:s23+$0xFFFFFE20] =	vst v14  }
0x1a7: {  	[tilespmem:s19+$0xFFFFFEB0] =	vst v8;
	v14 =	vld.idx.msk [tilespmem:v0+s22+$0xECA1 ss:$0x1], $0xffff  }
0x1a8: {  	v8 =	vld.idx.msk [tilespmem:v0+s18+$0xDCB1 ss:$0x1], $0xffff;
	_ =	sdelay $0x3  }
0x1a9: {  	[tilespmem:s23+$0xFFFFFE30] =	vst v14  }
0x1aa: {  	[tilespmem:s19+$0xFFFFFEC0] =	vst v8;
	v14 =	vld.idx.msk [tilespmem:v0+s22+$0xECB1 ss:$0x1], $0xffff  }
0x1ab: {  	v8 =	vld.idx.msk [tilespmem:v0+s18+$0xDCC1 ss:$0x1], $0xffff;
	_ =	sdelay $0x3  }
0x1ac: {  	[tilespmem:s23+$0xFFFFFE40] =	vst v14  }
0x1ad: {  	[tilespmem:s19+$0xFFFFFED0] =	vst v8;
	v14 =	vld.idx.msk [tilespmem:v0+s22+$0xECC1 ss:$0x1], $0xffff  }
0x1ae: {  	v8 =	vld.idx.msk [tilespmem:v0+s18+$0xDCD1 ss:$0x1], $0xffff;
	_ =	sdelay $0x3  }
0x1af: {  	[tilespmem:s23+$0xFFFFFE50] =	vst v14  }
0x1b0: {  	[tilespmem:s19+$0xFFFFFEE0] =	vst v8;
	v14 =	vld.idx.msk [tilespmem:v0+s22+$0xECD1 ss:$0x1], $0xffff  }
0x1b1: {  	v8 =	vld.idx.msk [tilespmem:v0+s18+$0xDCE1 ss:$0x1], $0xffff;
	_ =	sdelay $0x3  }
0x1b2: {  	[tilespmem:s23+$0xFFFFFE60] =	vst v14  }
0x1b3: {  	[tilespmem:s19+$0xFFFFFEF0] =	vst v8;
	v14 =	vld.idx.msk [tilespmem:v0+s22+$0xECE1 ss:$0x1], $0xffff  }
0x1b4: {  	v8 =	vld.idx.msk [tilespmem:v6+s18+$0x0 ss:$0x1], $0xffff;
	_ =	sdelay $0x3  }
0x1b5: {  	[tilespmem:s23+$0xFFFFFE70] =	vst v14  }
0x1b6: {  	[tilespmem:s19+$0xFFFFFF00] =	vst v8;
	v7 =	vld.idx.msk [tilespmem:v7+s22+$0x0 ss:$0x1], $0xffff  }
0x1b7: {  	v8 =	vld.idx.msk [tilespmem:v0+s18+$0xCC81 ss:$0x1], $0xffff;
	_ =	sdelay $0x3  }
0x1b8: {  	[tilespmem:s23+$0xFFFFFE80] =	vst v7  }
0x1b9: {  	[tilespmem:s19+$0xFFFFFF10] =	vst v8;
	v53 =	vld.idx.msk [tilespmem:v0+s22+$0xDC81 ss:$0x1], $0xffff  }
0x1ba: {  	v7 =	vld.idx.msk [tilespmem:v0+s18+$0xCC91 ss:$0x1], $0xffff;
	_ =	sdelay $0x3  }
0x1bb: {  	[tilespmem:s23+$0xFFFFFE90] =	vst v53  }
0x1bc: {  	[tilespmem:s19+$0xFFFFFF20] =	vst v7;
	v8 =	vld.idx.msk [tilespmem:v0+s22+$0xDC91 ss:$0x1], $0xffff  }
0x1bd: {  	v7 =	vld.idx.msk [tilespmem:v0+s18+$0xCCA1 ss:$0x1], $0xffff;
	_ =	sdelay $0x2  }
0x1be: {  	[tilespmem:s5+$0xFFFFFF20] =	vst v13  }
0x1bf: {  	v13 =	vld.idx.msk [tilespmem:v0+s4+$0xCCA1 ss:$0x1], $0xffff;
	[tilespmem:s23+$0xFFFFFEA0] =	vst v8  }
0x1c0: {  	[tilespmem:s19+$0xFFFFFF30] =	vst v7;
	v8 =	vld.idx.msk [tilespmem:v0+s22+$0xDCA1 ss:$0x1], $0xffff  }
0x1c1: {  	v7 =	vld.idx.msk [tilespmem:v0+s18+$0xCCB1 ss:$0x1], $0xffff;
	_ =	sdelay $0x2  }
0x1c2: {  	[tilespmem:s5+$0xFFFFFF30] =	vst v13  }
0x1c3: {  	v13 =	vld.idx.msk [tilespmem:v0+s4+$0xCCB1 ss:$0x1], $0xffff;
	[tilespmem:s23+$0xFFFFFEB0] =	vst v8  }
0x1c4: {  	[tilespmem:s19+$0xFFFFFF40] =	vst v7;
	v8 =	vld.idx.msk [tilespmem:v0+s22+$0xDCB1 ss:$0x1], $0xffff  }
0x1c5: {  	v7 =	vld.idx.msk [tilespmem:v0+s18+$0xCCC1 ss:$0x1], $0xffff;
	_ =	sdelay $0x2  }
0x1c6: {  	[tilespmem:s5+$0xFFFFFF40] =	vst v13  }
0x1c7: {  	v13 =	vld.idx.msk [tilespmem:v0+s4+$0xCCC1 ss:$0x1], $0xffff;
	[tilespmem:s23+$0xFFFFFEC0] =	vst v8  }
0x1c8: {  	[tilespmem:s19+$0xFFFFFF50] =	vst v7;
	v8 =	vld.idx.msk [tilespmem:v0+s22+$0xDCC1 ss:$0x1], $0xffff  }
0x1c9: {  	v7 =	vld.idx.msk [tilespmem:v0+s18+$0xCCD1 ss:$0x1], $0xffff;
	_ =	sdelay $0x2  }
0x1ca: {  	[tilespmem:s5+$0xFFFFFF50] =	vst v13  }
0x1cb: {  	v13 =	vld.idx.msk [tilespmem:v0+s4+$0xCCD1 ss:$0x1], $0xffff;
	[tilespmem:s23+$0xFFFFFED0] =	vst v8  }
0x1cc: {  	[tilespmem:s19+$0xFFFFFF60] =	vst v7;
	v8 =	vld.idx.msk [tilespmem:v0+s22+$0xDCD1 ss:$0x1], $0xffff  }
0x1cd: {  	v7 =	vld.idx.msk [tilespmem:v0+s18+$0xCCE1 ss:$0x1], $0xffff;
	_ =	sdelay $0x2  }
0x1ce: {  	[tilespmem:s5+$0xFFFFFF60] =	vst v13  }
0x1cf: {  	v13 =	vld.idx.msk [tilespmem:v0+s4+$0xCCE1 ss:$0x1], $0xffff;
	[tilespmem:s23+$0xFFFFFEE0] =	vst v8  }
0x1d0: {  	[tilespmem:s19+$0xFFFFFF70] =	vst v7;
	v8 =	vld.idx.msk [tilespmem:v0+s22+$0xDCE1 ss:$0x1], $0xffff  }
0x1d1: {  	v7 =	vld.idx.msk [tilespmem:v5+s18+$0x0 ss:$0x1], $0xffff;
	_ =	sdelay $0x2  }
0x1d2: {  	[tilespmem:s5+$0xFFFFFF70] =	vst v13  }
0x1d3: {  	v13 =	vld.idx.msk [tilespmem:v5+s4+$0x0 ss:$0x1], $0xffff;
	[tilespmem:s23+$0xFFFFFEF0] =	vst v8  }
0x1d4: {  	[tilespmem:s19+$0xFFFFFF80] =	vst v7;
	v6 =	vld.idx.msk [tilespmem:v6+s22+$0x0 ss:$0x1], $0xffff  }
0x1d5: {  	v7 =	vld.idx.msk [tilespmem:v0+s18+$0xBC81 ss:$0x1], $0xffff;
	_ =	sdelay $0x2  }
0x1d6: {  	[tilespmem:s5+$0xFFFFFF80] =	vst v13  }
0x1d7: {  	v13 =	vld.idx.msk [tilespmem:v0+s4+$0xBC81 ss:$0x1], $0xffff;
	[tilespmem:s23+$0xFFFFFF00] =	vst v6  }
0x1d8: {  	[tilespmem:s19+$0xFFFFFF90] =	vst v7;
	v7 =	vld.idx.msk [tilespmem:v0+s22+$0xCC81 ss:$0x1], $0xffff  }
0x1d9: {  	v6 =	vld.idx.msk [tilespmem:v0+s18+$0xBC91 ss:$0x1], $0xffff;
	_ =	sdelay $0x2  }
0x1da: {  	[tilespmem:s5+$0xFFFFFF90] =	vst v13  }
0x1db: {  	v13 =	vld.idx.msk [tilespmem:v0+s4+$0xBC91 ss:$0x1], $0xffff;
	[tilespmem:s23+$0xFFFFFF10] =	vst v7  }
0x1dc: {  	[tilespmem:s19+$0xFFFFFFA0] =	vst v6;
	v7 =	vld.idx.msk [tilespmem:v0+s22+$0xCC91 ss:$0x1], $0xffff  }
0x1dd: {  	v6 =	vld.idx.msk [tilespmem:v0+s18+$0xBCA1 ss:$0x1], $0xffff;
	_ =	sdelay $0x2  }
0x1de: {  	[tilespmem:s5+$0xFFFFFFA0] =	vst v13  }
0x1df: {  	v13 =	vld.idx.msk [tilespmem:v0+s4+$0xBCA1 ss:$0x1], $0xffff;
	[tilespmem:s23+$0xFFFFFF20] =	vst v7  }
0x1e0: {  	[tilespmem:s19+$0xFFFFFFB0] =	vst v6;
	v7 =	vld.idx.msk [tilespmem:v0+s22+$0xCCA1 ss:$0x1], $0xffff  }
0x1e1: {  	v6 =	vld.idx.msk [tilespmem:v0+s18+$0xBCB1 ss:$0x1], $0xffff;
	_ =	sdelay $0x2  }
0x1e2: {  	[tilespmem:s5+$0xFFFFFFB0] =	vst v13  }
0x1e3: {  	v55 =	vld.idx.msk [tilespmem:v0+s4+$0xBCB1 ss:$0x1], $0xffff;
	[tilespmem:s23+$0xFFFFFF30] =	vst v7  }
0x1e4: {  	[tilespmem:s19+$0xFFFFFFC0] =	vst v6;
	v7 =	vld.idx.msk [tilespmem:v0+s22+$0xCCB1 ss:$0x1], $0xffff  }
0x1e5: {  	v6 =	vld.idx.msk [tilespmem:v0+s18+$0xBCC1 ss:$0x1], $0xffff;
	_ =	sdelay $0x1  }
0x1e6: {  	[tilespmem:s14+$0xFFFFFFB0] =	vst v12  }
0x1e7: {  	v54 =	vld.idx.msk [tilespmem:v0+s15+$0xBCB1 ss:$0x1], $0xffff;
	[tilespmem:s5+$0xFFFFFFC0] =	vst v55  }
0x1e8: {  	v12 =	vld.idx.msk [tilespmem:v0+s4+$0xBCC1 ss:$0x1], $0xffff;
	[tilespmem:s23+$0xFFFFFF40] =	vst v7  }
0x1e9: {  	[tilespmem:s19+$0xFFFFFFD0] =	vst v6;
	v7 =	vld.idx.msk [tilespmem:v0+s22+$0xCCC1 ss:$0x1], $0xffff  }
0x1ea: {  	v6 =	vld.idx.msk [tilespmem:v0+s18+$0xBCD1 ss:$0x1], $0xffff;
	_ =	sdelay $0x1  }
0x1eb: {  	[tilespmem:s14+$0xFFFFFFC0] =	vst v54  }
0x1ec: {  	[tilespmem:s5+$0xFFFFFFD0] =	vst v12;
	v8 =	vld.idx.msk [tilespmem:v0+s15+$0xBCC1 ss:$0x1], $0xffff  }
0x1ed: {  	v12 =	vld.idx.msk [tilespmem:v0+s4+$0xBCD1 ss:$0x1], $0xffff;
	[tilespmem:s23+$0xFFFFFF50] =	vst v7  }
0x1ee: {  	[tilespmem:s19+$0xFFFFFFE0] =	vst v6;
	v7 =	vld.idx.msk [tilespmem:v0+s22+$0xCCD1 ss:$0x1], $0xffff  }
0x1ef: {  	v6 =	vld.idx.msk [tilespmem:v0+s18+$0xBCE1 ss:$0x1], $0xffff;
	_ =	sdelay $0x1  }
0x1f0: {  	[tilespmem:s14+$0xFFFFFFD0] =	vst v8  }
0x1f1: {  	[tilespmem:s5+$0xFFFFFFE0] =	vst v12;
	v8 =	vld.idx.msk [tilespmem:v0+s15+$0xBCD1 ss:$0x1], $0xffff  }
0x1f2: {  	v12 =	vld.idx.msk [tilespmem:v0+s4+$0xBCE1 ss:$0x1], $0xffff;
	[tilespmem:s23+$0xFFFFFF60] =	vst v7  }
0x1f3: {  	[tilespmem:s19+$0xFFFFFFF0] =	vst v6;
	v7 =	vld.idx.msk [tilespmem:v0+s22+$0xCCE1 ss:$0x1], $0xffff  }
0x1f4: {  	v6 =	vld.idx.msk [tilespmem:v3+s18+$0x0 ss:$0x1], $0xffff;
	_ =	sdelay $0x1  }
0x1f5: {  	[tilespmem:s14+$0xFFFFFFE0] =	vst v8  }
0x1f6: {  	[tilespmem:s5+$0xFFFFFFF0] =	vst v12;
	v8 =	vld.idx.msk [tilespmem:v0+s15+$0xBCE1 ss:$0x1], $0xffff  }
0x1f7: {  	v12 =	vld.idx.msk [tilespmem:v3+s4+$0x0 ss:$0x1], $0xffff;
	[tilespmem:s23+$0xFFFFFF70] =	vst v7  }
0x1f8: {  	[tilespmem:s19+$0x0] =	vst v6;
	v5 =	vld.idx.msk [tilespmem:v5+s22+$0x0 ss:$0x1], $0xffff  }
0x1f9: {  	v6 =	vld.idx.msk [tilespmem:v0+s18+$0xAC81 ss:$0x1], $0xffff;
	_ =	sdelay $0x1  }
0x1fa: {  	[tilespmem:s14+$0xFFFFFFF0] =	vst v8  }
0x1fb: {  	[tilespmem:s5+$0x0] =	vst v12;
	v8 =	vld.idx.msk [tilespmem:v3+s15+$0x0 ss:$0x1], $0xffff  }
0x1fc: {  	v12 =	vld.idx.msk [tilespmem:v0+s4+$0xAC81 ss:$0x1], $0xffff;
	[tilespmem:s23+$0xFFFFFF80] =	vst v5  }
0x1fd: {  	[tilespmem:s19+$0x10] =	vst v6;
	v6 =	vld.idx.msk [tilespmem:v0+s22+$0xBC81 ss:$0x1], $0xffff  }
0x1fe: {  	v5 =	vld.idx.msk [tilespmem:v0+s18+$0xAC91 ss:$0x1], $0xffff;
	_ =	sdelay $0x1  }
0x1ff: {  	[tilespmem:s14+$0x0] =	vst v8  }
0x200: {  	[tilespmem:s5+$0x10] =	vst v12;
	v8 =	vld.idx.msk [tilespmem:v0+s15+$0xAC81 ss:$0x1], $0xffff  }
0x201: {  	v12 =	vld.idx.msk [tilespmem:v0+s4+$0xAC91 ss:$0x1], $0xffff;
	[tilespmem:s23+$0xFFFFFF90] =	vst v6  }
0x202: {  	[tilespmem:s19+$0x20] =	vst v5;
	v6 =	vld.idx.msk [tilespmem:v0+s22+$0xBC91 ss:$0x1], $0xffff  }
0x203: {  	v5 =	vld.idx.msk [tilespmem:v0+s18+$0xACA1 ss:$0x1], $0xffff;
	_ =	sdelay $0x1  }
0x204: {  	[tilespmem:s14+$0x10] =	vst v8  }
0x205: {  	[tilespmem:s5+$0x20] =	vst v12;
	v8 =	vld.idx.msk [tilespmem:v0+s15+$0xAC91 ss:$0x1], $0xffff  }
0x206: {  	v12 =	vld.idx.msk [tilespmem:v0+s4+$0xACA1 ss:$0x1], $0xffff;
	[tilespmem:s23+$0xFFFFFFA0] =	vst v6  }
0x207: {  	[tilespmem:s19+$0x30] =	vst v5;
	v6 =	vld.idx.msk [tilespmem:v0+s22+$0xBCA1 ss:$0x1], $0xffff  }
0x208: {  	v5 =	vld.idx.msk [tilespmem:v0+s18+$0xACB1 ss:$0x1], $0xffff;
	_ =	sdelay $0x1  }
0x209: {  	[tilespmem:s14+$0x20] =	vst v8  }
0x20a: {  	[tilespmem:s5+$0x30] =	vst v12;
	v8 =	vld.idx.msk [tilespmem:v0+s15+$0xACA1 ss:$0x1], $0xffff  }
0x20b: {  	v56 =	vld.idx.msk [tilespmem:v0+s4+$0xACB1 ss:$0x1], $0xffff;
	[tilespmem:s23+$0xFFFFFFB0] =	vst v6  }
0x20c: {  	[tilespmem:s19+$0x40] =	vst v5;
	v6 =	vld.idx.msk [tilespmem:v0+s22+$0xBCB1 ss:$0x1], $0xffff  }
0x20d: {  	v5 =	vld.idx.msk [tilespmem:v0+s18+$0xACC1 ss:$0x1], $0xffff  }
0x20e: {  	[tilespmem:s13+$0x160] =	vst v11  }
0x20f: {  	[tilespmem:s14+$0x30] =	vst v8  }
0x210: {  	[tilespmem:s5+$0x40] =	vst v56;
	v7 =	vld.idx.msk [tilespmem:v0+s15+$0xACB1 ss:$0x1], $0xffff  }
0x211: {  	v8 =	vld.idx.msk [tilespmem:v0+s4+$0xACC1 ss:$0x1], $0xffff;
	[tilespmem:s23+$0xFFFFFFC0] =	vst v6  }
0x212: {  	[tilespmem:s19+$0x50] =	vst v5;
	v6 =	vld.idx.msk [tilespmem:v0+s22+$0xBCC1 ss:$0x1], $0xffff  }
0x213: {  	[tilespmem:s6+$0x40] =	vst v9;
	v5 =	vld.idx.msk [tilespmem:v0+s18+$0xACD1 ss:$0x1], $0xffff  }
0x214: {  	[tilespmem:s11+$0xD0] =	vst v10;
	v9 =	vld.idx.msk [tilespmem:v0+s7+$0xACC1 ss:$0x1], $0xffff  }
0x215: {  	v57 =	vld.idx.msk [tilespmem:v0+s10+$0x8CE1 ss:$0x1], $0xffff;
	[tilespmem:s14+$0x40] =	vst v7  }
0x216: {  	[tilespmem:s5+$0x50] =	vst v8;
	v7 =	vld.idx.msk [tilespmem:v0+s15+$0xACC1 ss:$0x1], $0xffff  }
0x217: {  	v8 =	vld.idx.msk [tilespmem:v0+s4+$0xACD1 ss:$0x1], $0xffff;
	[tilespmem:s23+$0xFFFFFFD0] =	vst v6  }
0x218: {  	[tilespmem:s19+$0x60] =	vst v5;
	v6 =	vld.idx.msk [tilespmem:v0+s22+$0xBCD1 ss:$0x1], $0xffff  }
0x219: {  	[tilespmem:s6+$0x50] =	vst v9;
	v5 =	vld.idx.msk [tilespmem:v0+s18+$0xACE1 ss:$0x1], $0xffff  }
0x21a: {  	[tilespmem:s13+$0x170] =	vst v57;
	v9 =	vld.idx.msk [tilespmem:v0+s7+$0xACD1 ss:$0x1], $0xffff  }
0x21b: {  	v58 =	vld.idx.msk [tilespmem:v0+s12+$0x9CD1 ss:$0x1], $0xffff;
	[tilespmem:s14+$0x50] =	vst v7  }
0x21c: {  	[tilespmem:s5+$0x60] =	vst v8;
	v7 =	vld.idx.msk [tilespmem:v0+s15+$0xACD1 ss:$0x1], $0xffff  }
0x21d: {  	v8 =	vld.idx.msk [tilespmem:v0+s4+$0xACE1 ss:$0x1], $0xffff;
	[tilespmem:s23+$0xFFFFFFE0] =	vst v6  }
0x21e: {  	[tilespmem:s19+$0x70] =	vst v5;
	v6 =	vld.idx.msk [tilespmem:v0+s22+$0xBCE1 ss:$0x1], $0xffff  }
0x21f: {  	[tilespmem:s6+$0x60] =	vst v9;
	v5 =	vld.idx.msk [tilespmem:v2+s18+$0x0 ss:$0x1], $0xffff  }
0x220: {  	[tilespmem:s11+$0xE0] =	vst v58;
	v9 =	vld.idx.msk [tilespmem:v0+s7+$0xACE1 ss:$0x1], $0xffff  }
0x221: {  	v59 =	vld.idx.msk [tilespmem:v4+s10+$0x0 ss:$0x1], $0xffff;
	[tilespmem:s14+$0x60] =	vst v7  }
0x222: {  	[tilespmem:s5+$0x70] =	vst v8;
	v7 =	vld.idx.msk [tilespmem:v0+s15+$0xACE1 ss:$0x1], $0xffff  }
0x223: {  	v8 =	vld.idx.msk [tilespmem:v2+s4+$0x0 ss:$0x1], $0xffff;
	[tilespmem:s23+$0xFFFFFFF0] =	vst v6  }
0x224: {  	[tilespmem:s19+$0x80] =	vst v5;
	v3 =	vld.idx.msk [tilespmem:v3+s22+$0x0 ss:$0x1], $0xffff  }
0x225: {  	[tilespmem:s6+$0x70] =	vst v9;
	v5 =	vld.idx.msk [tilespmem:v0+s18+$0x9C81 ss:$0x1], $0xffff  }
0x226: {  	[tilespmem:s13+$0x180] =	vst v59;
	v9 =	vld.idx.msk [tilespmem:v2+s7+$0x0 ss:$0x1], $0xffff  }
0x227: {  	v60 =	vld.idx.msk [tilespmem:v0+s12+$0x9CE1 ss:$0x1], $0xffff;
	[tilespmem:s14+$0x70] =	vst v7  }
0x228: {  	[tilespmem:s5+$0x80] =	vst v8;
	v7 =	vld.idx.msk [tilespmem:v2+s15+$0x0 ss:$0x1], $0xffff  }
0x229: {  	v8 =	vld.idx.msk [tilespmem:v0+s4+$0x9C81 ss:$0x1], $0xffff;
	[tilespmem:s23+$0x0] =	vst v3  }
0x22a: {  	[tilespmem:s19+$0x90] =	vst v5;
	v5 =	vld.idx.msk [tilespmem:v0+s22+$0xAC81 ss:$0x1], $0xffff  }
0x22b: {  	[tilespmem:s6+$0x80] =	vst v9;
	v3 =	vld.idx.msk [tilespmem:v0+s18+$0x9C91 ss:$0x1], $0xffff  }
0x22c: {  	[tilespmem:s11+$0xF0] =	vst v60;
	v9 =	vld.idx.msk [tilespmem:v0+s7+$0x9C81 ss:$0x1], $0xffff  }
0x22d: {  	v61 =	vld.idx.msk [tilespmem:v0+s10+$0x7C81 ss:$0x1], $0xffff;
	[tilespmem:s14+$0x80] =	vst v7  }
0x22e: {  	[tilespmem:s5+$0x90] =	vst v8;
	v7 =	vld.idx.msk [tilespmem:v0+s15+$0x9C81 ss:$0x1], $0xffff  }
0x22f: {  	v8 =	vld.idx.msk [tilespmem:v0+s4+$0x9C91 ss:$0x1], $0xffff;
	[tilespmem:s23+$0x10] =	vst v5  }
0x230: {  	[tilespmem:s19+$0xA0] =	vst v3;
	v5 =	vld.idx.msk [tilespmem:v0+s22+$0xAC91 ss:$0x1], $0xffff  }
0x231: {  	[tilespmem:s6+$0x90] =	vst v9;
	v3 =	vld.idx.msk [tilespmem:v0+s18+$0x9CA1 ss:$0x1], $0xffff  }
0x232: {  	[tilespmem:s13+$0x190] =	vst v61;
	v9 =	vld.idx.msk [tilespmem:v0+s7+$0x9C91 ss:$0x1], $0xffff  }
0x233: {  	v62 =	vld.idx.msk [tilespmem:v1+s12+$0x0 ss:$0x1], $0xffff;
	[tilespmem:s14+$0x90] =	vst v7  }
0x234: {  	[tilespmem:s5+$0xA0] =	vst v8;
	v7 =	vld.idx.msk [tilespmem:v0+s15+$0x9C91 ss:$0x1], $0xffff  }
0x235: {  	v8 =	vld.idx.msk [tilespmem:v0+s4+$0x9CA1 ss:$0x1], $0xffff;
	[tilespmem:s23+$0x20] =	vst v5  }
0x236: {  	[tilespmem:s19+$0xB0] =	vst v3;
	v5 =	vld.idx.msk [tilespmem:v0+s22+$0xACA1 ss:$0x1], $0xffff  }
0x237: {  	[tilespmem:s6+$0xA0] =	vst v9;
	v3 =	vld.idx.msk [tilespmem:v0+s18+$0x9CB1 ss:$0x1], $0xffff  }
0x238: {  	[tilespmem:s11+$0x100] =	vst v62;
	v9 =	vld.idx.msk [tilespmem:v0+s7+$0x9CA1 ss:$0x1], $0xffff  }
0x239: {  	v63 =	vld.idx.msk [tilespmem:v0+s10+$0x7C91 ss:$0x1], $0xffff;
	[tilespmem:s14+$0xA0] =	vst v7  }
0x23a: {  	[tilespmem:s5+$0xB0] =	vst v8;
	v7 =	vld.idx.msk [tilespmem:v0+s15+$0x9CA1 ss:$0x1], $0xffff  }
0x23b: {  	v8 =	vld.idx.msk [tilespmem:v0+s4+$0x9CB1 ss:$0x1], $0xffff;
	[tilespmem:s23+$0x30] =	vst v5  }
0x23c: {  	[tilespmem:s19+$0xC0] =	vst v3;
	v5 =	vld.idx.msk [tilespmem:v0+s22+$0xACB1 ss:$0x1], $0xffff  }
0x23d: {  	[tilespmem:s6+$0xB0] =	vst v9;
	v3 =	vld.idx.msk [tilespmem:v0+s18+$0x9CC1 ss:$0x1], $0xffff  }
0x23e: {  	[tilespmem:s13+$0x1A0] =	vst v63;
	v9 =	vld.idx.msk [tilespmem:v0+s7+$0x9CB1 ss:$0x1], $0xffff  }
0x23f: {  	[tilespmem:s14+$0xB0] =	vst v7;
	v6 =	vld.idx.msk [tilespmem:v0+s12+$0x8C81 ss:$0x1], $0xffff  }
0x240: {  	[tilespmem:s5+$0xC0] =	vst v8;
	v7 =	vld.idx.msk [tilespmem:v0+s15+$0x9CB1 ss:$0x1], $0xffff  }
0x241: {  	v8 =	vld.idx.msk [tilespmem:v0+s4+$0x9CC1 ss:$0x1], $0xffff;
	[tilespmem:s23+$0x40] =	vst v5  }
0x242: {  	[tilespmem:s19+$0xD0] =	vst v3;
	v5 =	vld.idx.msk [tilespmem:v0+s22+$0xACC1 ss:$0x1], $0xffff  }
0x243: {  	[tilespmem:s6+$0xC0] =	vst v9;
	v3 =	vld.idx.msk [tilespmem:v0+s18+$0x9CD1 ss:$0x1], $0xffff  }
0x244: {  	v9 =	vld.idx.msk [tilespmem:v0+s7+$0x9CC1 ss:$0x1], $0xffff;
	[tilespmem:s11+$0x110] =	vst v6  }
0x245: {  	v6 =	vld.idx.msk [tilespmem:v0+s10+$0x7CA1 ss:$0x1], $0xffff;
	[tilespmem:s14+$0xC0] =	vst v7  }
0x246: {  	[tilespmem:s5+$0xD0] =	vst v8;
	v7 =	vld.idx.msk [tilespmem:v0+s15+$0x9CC1 ss:$0x1], $0xffff  }
0x247: {  	v8 =	vld.idx.msk [tilespmem:v0+s4+$0x9CD1 ss:$0x1], $0xffff;
	[tilespmem:s23+$0x50] =	vst v5  }
0x248: {  	[tilespmem:s19+$0xE0] =	vst v3;
	v5 =	vld.idx.msk [tilespmem:v0+s22+$0xACD1 ss:$0x1], $0xffff  }
0x249: {  	[tilespmem:s6+$0xD0] =	vst v9;
	v3 =	vld.idx.msk [tilespmem:v0+s18+$0x9CE1 ss:$0x1], $0xffff  }
0x24a: {  	v9 =	vld.idx.msk [tilespmem:v0+s7+$0x9CD1 ss:$0x1], $0xffff;
	[tilespmem:s13+$0x1B0] =	vst v6  }
0x24b: {  	v6 =	vld.idx.msk [tilespmem:v0+s12+$0x8C91 ss:$0x1], $0xffff;
	[tilespmem:s14+$0xD0] =	vst v7  }
0x24c: {  	[tilespmem:s5+$0xE0] =	vst v8;
	v7 =	vld.idx.msk [tilespmem:v0+s15+$0x9CD1 ss:$0x1], $0xffff  }
0x24d: {  	v8 =	vld.idx.msk [tilespmem:v0+s4+$0x9CE1 ss:$0x1], $0xffff;
	[tilespmem:s23+$0x60] =	vst v5  }
0x24e: {  	[tilespmem:s19+$0xF0] =	vst v3;
	v5 =	vld.idx.msk [tilespmem:v0+s22+$0xACE1 ss:$0x1], $0xffff  }
0x24f: {  	[tilespmem:s6+$0xE0] =	vst v9;
	v3 =	vld.idx.msk [tilespmem:v1+s18+$0x0 ss:$0x1], $0xffff  }
0x250: {  	v9 =	vld.idx.msk [tilespmem:v0+s7+$0x9CE1 ss:$0x1], $0xffff;
	[tilespmem:s11+$0x120] =	vst v6  }
0x251: {  	v6 =	vld.idx.msk [tilespmem:v0+s10+$0x7CB1 ss:$0x1], $0xffff;
	[tilespmem:s14+$0xE0] =	vst v7  }
0x252: {  	[tilespmem:s5+$0xF0] =	vst v8;
	v7 =	vld.idx.msk [tilespmem:v0+s15+$0x9CE1 ss:$0x1], $0xffff  }
0x253: {  	v8 =	vld.idx.msk [tilespmem:v1+s4+$0x0 ss:$0x1], $0xffff;
	[tilespmem:s23+$0x70] =	vst v5  }
0x254: {  	[tilespmem:s19+$0x100] =	vst v3;
	v2 =	vld.idx.msk [tilespmem:v2+s22+$0x0 ss:$0x1], $0xffff  }
0x255: {  	[tilespmem:s6+$0xF0] =	vst v9;
	v3 =	vld.idx.msk [tilespmem:v0+s18+$0x8C81 ss:$0x1], $0xffff  }
0x256: {  	v9 =	vld.idx.msk [tilespmem:v1+s7+$0x0 ss:$0x1], $0xffff;
	[tilespmem:s13+$0x1C0] =	vst v6  }
0x257: {  	v6 =	vld.idx.msk [tilespmem:v0+s12+$0x8CA1 ss:$0x1], $0xffff;
	[tilespmem:s14+$0xF0] =	vst v7  }
0x258: {  	[tilespmem:s5+$0x100] =	vst v8;
	v7 =	vld.idx.msk [tilespmem:v1+s15+$0x0 ss:$0x1], $0xffff  }
0x259: {  	v8 =	vld.idx.msk [tilespmem:v0+s4+$0x8C81 ss:$0x1], $0xffff;
	[tilespmem:s23+$0x80] =	vst v2  }
0x25a: {  	[tilespmem:s19+$0x110] =	vst v3;
	v3 =	vld.idx.msk [tilespmem:v0+s22+$0x9C81 ss:$0x1], $0xffff  }
0x25b: {  	[tilespmem:s6+$0x100] =	vst v9;
	v2 =	vld.idx.msk [tilespmem:v0+s18+$0x8C91 ss:$0x1], $0xffff  }
0x25c: {  	v9 =	vld.idx.msk [tilespmem:v0+s7+$0x8C81 ss:$0x1], $0xffff;
	[tilespmem:s11+$0x130] =	vst v6  }
0x25d: {  	v6 =	vld.idx.msk [tilespmem:v0+s10+$0x7CC1 ss:$0x1], $0xffff;
	[tilespmem:s14+$0x100] =	vst v7  }
0x25e: {  	[tilespmem:s5+$0x110] =	vst v8;
	v7 =	vld.idx.msk [tilespmem:v0+s15+$0x8C81 ss:$0x1], $0xffff  }
0x25f: {  	v8 =	vld.idx.msk [tilespmem:v0+s4+$0x8C91 ss:$0x1], $0xffff;
	[tilespmem:s23+$0x90] =	vst v3  }
0x260: {  	[tilespmem:s19+$0x120] =	vst v2;
	v3 =	vld.idx.msk [tilespmem:v0+s22+$0x9C91 ss:$0x1], $0xffff  }
0x261: {  	[tilespmem:s6+$0x110] =	vst v9;
	v2 =	vld.idx.msk [tilespmem:v0+s18+$0x8CA1 ss:$0x1], $0xffff  }
0x262: {  	v9 =	vld.idx.msk [tilespmem:v0+s7+$0x8C91 ss:$0x1], $0xffff;
	[tilespmem:s13+$0x1D0] =	vst v6  }
0x263: {  	v6 =	vld.idx.msk [tilespmem:v0+s12+$0x8CB1 ss:$0x1], $0xffff;
	[tilespmem:s14+$0x110] =	vst v7  }
0x264: {  	[tilespmem:s5+$0x120] =	vst v8;
	v7 =	vld.idx.msk [tilespmem:v0+s15+$0x8C91 ss:$0x1], $0xffff  }
0x265: {  	v8 =	vld.idx.msk [tilespmem:v0+s4+$0x8CA1 ss:$0x1], $0xffff;
	[tilespmem:s23+$0xA0] =	vst v3  }
0x266: {  	[tilespmem:s19+$0x130] =	vst v2;
	v3 =	vld.idx.msk [tilespmem:v0+s22+$0x9CA1 ss:$0x1], $0xffff  }
0x267: {  	[tilespmem:s6+$0x120] =	vst v9;
	v2 =	vld.idx.msk [tilespmem:v0+s18+$0x8CB1 ss:$0x1], $0xffff  }
0x268: {  	v9 =	vld.idx.msk [tilespmem:v0+s7+$0x8CA1 ss:$0x1], $0xffff;
	[tilespmem:s11+$0x140] =	vst v6  }
0x269: {  	v6 =	vld.idx.msk [tilespmem:v0+s10+$0x7CD1 ss:$0x1], $0xffff;
	[tilespmem:s14+$0x120] =	vst v7  }
0x26a: {  	[tilespmem:s5+$0x130] =	vst v8;
	v7 =	vld.idx.msk [tilespmem:v0+s15+$0x8CA1 ss:$0x1], $0xffff  }
0x26b: {  	v8 =	vld.idx.msk [tilespmem:v0+s4+$0x8CB1 ss:$0x1], $0xffff;
	[tilespmem:s23+$0xB0] =	vst v3  }
0x26c: {  	[tilespmem:s19+$0x140] =	vst v2;
	v3 =	vld.idx.msk [tilespmem:v0+s22+$0x9CB1 ss:$0x1], $0xffff  }
0x26d: {  	[tilespmem:s6+$0x130] =	vst v9;
	v2 =	vld.idx.msk [tilespmem:v0+s18+$0x8CC1 ss:$0x1], $0xffff  }
0x26e: {  	[tilespmem:s13+$0x1E0] =	vst v6;
	v6 =	vld.idx.msk [tilespmem:v0+s7+$0x8CB1 ss:$0x1], $0xffff  }
0x26f: {  	[tilespmem:s14+$0x130] =	vst v7;
	v5 =	vld.idx.msk [tilespmem:v0+s12+$0x8CC1 ss:$0x1], $0xffff  }
0x270: {  	[tilespmem:s5+$0x140] =	vst v8;
	v7 =	vld.idx.msk [tilespmem:v0+s15+$0x8CB1 ss:$0x1], $0xffff  }
0x271: {  	v8 =	vld.idx.msk [tilespmem:v0+s4+$0x8CC1 ss:$0x1], $0xffff;
	[tilespmem:s23+$0xC0] =	vst v3  }
0x272: {  	[tilespmem:s19+$0x150] =	vst v2;
	v3 =	vld.idx.msk [tilespmem:v0+s22+$0x9CC1 ss:$0x1], $0xffff  }
0x273: {  	[tilespmem:s6+$0x140] =	vst v6;
	v2 =	vld.idx.msk [tilespmem:v0+s18+$0x8CD1 ss:$0x1], $0xffff  }
0x274: {  	v6 =	vld.idx.msk [tilespmem:v0+s7+$0x8CC1 ss:$0x1], $0xffff;
	[tilespmem:s11+$0x150] =	vst v5  }
0x275: {  	v5 =	vld.idx.msk [tilespmem:v0+s10+$0x7CE1 ss:$0x1], $0xffff;
	[tilespmem:s14+$0x140] =	vst v7  }
0x276: {  	[tilespmem:s5+$0x150] =	vst v8;
	v7 =	vld.idx.msk [tilespmem:v0+s15+$0x8CC1 ss:$0x1], $0xffff  }
0x277: {  	v8 =	vld.idx.msk [tilespmem:v0+s4+$0x8CD1 ss:$0x1], $0xffff;
	[tilespmem:s23+$0xD0] =	vst v3  }
0x278: {  	[tilespmem:s19+$0x160] =	vst v2;
	v3 =	vld.idx.msk [tilespmem:v0+s22+$0x9CD1 ss:$0x1], $0xffff  }
0x279: {  	[tilespmem:s6+$0x150] =	vst v6;
	v2 =	vld.idx.msk [tilespmem:v0+s18+$0x8CE1 ss:$0x1], $0xffff  }
0x27a: {  	v6 =	vld.idx.msk [tilespmem:v0+s7+$0x8CD1 ss:$0x1], $0xffff;
	[tilespmem:s13+$0x1F0] =	vst v5  }
0x27b: {  	v5 =	vld.idx.msk [tilespmem:v0+s12+$0x8CD1 ss:$0x1], $0xffff;
	[tilespmem:s14+$0x150] =	vst v7  }
0x27c: {  	[tilespmem:s5+$0x160] =	vst v8;
	v7 =	vld.idx.msk [tilespmem:v0+s15+$0x8CD1 ss:$0x1], $0xffff  }
0x27d: {  	v8 =	vld.idx.msk [tilespmem:v0+s4+$0x8CE1 ss:$0x1], $0xffff;
	[tilespmem:s23+$0xE0] =	vst v3  }
0x27e: {  	[tilespmem:s19+$0x170] =	vst v2;
	v3 =	vld.idx.msk [tilespmem:v0+s22+$0x9CE1 ss:$0x1], $0xffff  }
0x27f: {  	[tilespmem:s6+$0x160] =	vst v6;
	v2 =	vld.idx.msk [tilespmem:v4+s18+$0x0 ss:$0x1], $0xffff  }
0x280: {  	v6 =	vld.idx.msk [tilespmem:v0+s7+$0x8CE1 ss:$0x1], $0xffff;
	[tilespmem:s11+$0x160] =	vst v5  }
0x281: {  	v5 =	vld.idx.msk [tilespmem:v0+s12+$0x8CE1 ss:$0x1], $0xffff;
	[tilespmem:s14+$0x160] =	vst v7  }
0x282: {  	[tilespmem:s5+$0x170] =	vst v8;
	v7 =	vld.idx.msk [tilespmem:v0+s15+$0x8CE1 ss:$0x1], $0xffff  }
0x283: {  	v8 =	vld.idx.msk [tilespmem:v4+s4+$0x0 ss:$0x1], $0xffff;
	[tilespmem:s23+$0xF0] =	vst v3  }
0x284: {  	[tilespmem:s19+$0x180] =	vst v2;
	v1 =	vld.idx.msk [tilespmem:v1+s22+$0x0 ss:$0x1], $0xffff  }
0x285: {  	[tilespmem:s6+$0x170] =	vst v6;
	v2 =	vld.idx.msk [tilespmem:v0+s18+$0x7C81 ss:$0x1], $0xffff  }
0x286: {  	v6 =	vld.idx.msk [tilespmem:v4+s7+$0x0 ss:$0x1], $0xffff;
	[tilespmem:s11+$0x170] =	vst v5  }
0x287: {  	v5 =	vld.idx.msk [tilespmem:v4+s12+$0x0 ss:$0x1], $0xffff;
	[tilespmem:s14+$0x170] =	vst v7  }
0x288: {  	[tilespmem:s5+$0x180] =	vst v8;
	v7 =	vld.idx.msk [tilespmem:v4+s15+$0x0 ss:$0x1], $0xffff  }
0x289: {  	v8 =	vld.idx.msk [tilespmem:v0+s4+$0x7C81 ss:$0x1], $0xffff;
	[tilespmem:s23+$0x100] =	vst v1  }
0x28a: {  	[tilespmem:s19+$0x190] =	vst v2;
	v2 =	vld.idx.msk [tilespmem:v0+s22+$0x8C81 ss:$0x1], $0xffff  }
0x28b: {  	[tilespmem:s6+$0x180] =	vst v6;
	v1 =	vld.idx.msk [tilespmem:v0+s18+$0x7C91 ss:$0x1], $0xffff  }
0x28c: {  	v6 =	vld.idx.msk [tilespmem:v0+s7+$0x7C81 ss:$0x1], $0xffff;
	[tilespmem:s11+$0x180] =	vst v5  }
0x28d: {  	v5 =	vld.idx.msk [tilespmem:v0+s12+$0x7C81 ss:$0x1], $0xffff;
	[tilespmem:s14+$0x180] =	vst v7  }
0x28e: {  	[tilespmem:s5+$0x190] =	vst v8;
	v7 =	vld.idx.msk [tilespmem:v0+s15+$0x7C81 ss:$0x1], $0xffff  }
0x28f: {  	v8 =	vld.idx.msk [tilespmem:v0+s4+$0x7C91 ss:$0x1], $0xffff;
	[tilespmem:s23+$0x110] =	vst v2  }
0x290: {  	[tilespmem:s19+$0x1A0] =	vst v1;
	v2 =	vld.idx.msk [tilespmem:v0+s22+$0x8C91 ss:$0x1], $0xffff  }
0x291: {  	[tilespmem:s6+$0x190] =	vst v6;
	v1 =	vld.idx.msk [tilespmem:v0+s18+$0x7CA1 ss:$0x1], $0xffff  }
0x292: {  	v6 =	vld.idx.msk [tilespmem:v0+s7+$0x7C91 ss:$0x1], $0xffff;
	[tilespmem:s11+$0x190] =	vst v5  }
0x293: {  	v5 =	vld.idx.msk [tilespmem:v0+s12+$0x7C91 ss:$0x1], $0xffff;
	[tilespmem:s14+$0x190] =	vst v7  }
0x294: {  	[tilespmem:s5+$0x1A0] =	vst v8;
	v7 =	vld.idx.msk [tilespmem:v0+s15+$0x7C91 ss:$0x1], $0xffff  }
0x295: {  	v8 =	vld.idx.msk [tilespmem:v0+s4+$0x7CA1 ss:$0x1], $0xffff;
	[tilespmem:s23+$0x120] =	vst v2  }
0x296: {  	[tilespmem:s19+$0x1B0] =	vst v1;
	v2 =	vld.idx.msk [tilespmem:v0+s22+$0x8CA1 ss:$0x1], $0xffff  }
0x297: {  	[tilespmem:s6+$0x1A0] =	vst v6;
	v1 =	vld.idx.msk [tilespmem:v0+s18+$0x7CB1 ss:$0x1], $0xffff  }
0x298: {  	v6 =	vld.idx.msk [tilespmem:v0+s7+$0x7CA1 ss:$0x1], $0xffff;
	[tilespmem:s11+$0x1A0] =	vst v5  }
0x299: {  	v5 =	vld.idx.msk [tilespmem:v0+s12+$0x7CA1 ss:$0x1], $0xffff;
	[tilespmem:s14+$0x1A0] =	vst v7  }
0x29a: {  	[tilespmem:s5+$0x1B0] =	vst v8;
	v7 =	vld.idx.msk [tilespmem:v0+s15+$0x7CA1 ss:$0x1], $0xffff  }
0x29b: {  	[tilespmem:s23+$0x130] =	vst v2  }
0x29c: {  	[tilespmem:s19+$0x1C0] =	vst v1;
	v2 =	vld.idx.msk [tilespmem:v0+s22+$0x8CB1 ss:$0x1], $0xffff  }
0x29d: {  	[tilespmem:s6+$0x1B0] =	vst v6;
	v1 =	vld.idx.msk [tilespmem:v0+s18+$0x7CC1 ss:$0x1], $0xffff  }
0x29e: {  	[tilespmem:s11+$0x1B0] =	vst v5;
	v5 =	vld.idx.msk [tilespmem:v0+s7+$0x7CB1 ss:$0x1], $0xffff  }
0x29f: {  	[tilespmem:s14+$0x1B0] =	vst v7;
	v7 =	vld.idx.msk [tilespmem:v0+s4+$0x7CB1 ss:$0x1], $0xffff  }
0x2a0: {  	v3 =	vld.idx.msk [tilespmem:v0+s12+$0x7CB1 ss:$0x1], $0xffff  }
0x2a1: {  	v6 =	vld.idx.msk [tilespmem:v0+s15+$0x7CB1 ss:$0x1], $0xffff;
	[tilespmem:s23+$0x140] =	vst v2  }
0x2a2: {  	[tilespmem:s19+$0x1D0] =	vst v1;
	v1 =	vld.idx.msk [tilespmem:v0+s22+$0x8CC1 ss:$0x1], $0xffff  }
0x2a3: {  	[tilespmem:s6+$0x1C0] =	vst v5  }
0x2a4: {  	v5 =	vld.idx.msk [tilespmem:v0+s7+$0x7CC1 ss:$0x1], $0xffff;
	[tilespmem:s5+$0x1C0] =	vst v7  }
0x2a5: {  	[tilespmem:s11+$0x1C0] =	vst v3;
	v7 =	vld.idx.msk [tilespmem:v0+s4+$0x7CC1 ss:$0x1], $0xffff  }
0x2a6: {  	[tilespmem:s14+$0x1C0] =	vst v6;
	v3 =	vld.idx.msk [tilespmem:v0+s12+$0x7CC1 ss:$0x1], $0xffff  }
0x2a7: {  	v6 =	vld.idx.msk [tilespmem:v0+s15+$0x7CC1 ss:$0x1], $0xffff;
	[tilespmem:s23+$0x150] =	vst v1  }
0x2a8: {  	v1 =	vld.idx.msk [tilespmem:v0+s22+$0x8CD1 ss:$0x1], $0xffff  }
0x2a9: {  	[tilespmem:s6+$0x1D0] =	vst v5  }
0x2aa: {  	v5 =	vld.idx.msk [tilespmem:v0+s7+$0x7CD1 ss:$0x1], $0xffff;
	[tilespmem:s5+$0x1D0] =	vst v7  }
0x2ab: {  	[tilespmem:s11+$0x1D0] =	vst v3;
	v7 =	vld.idx.msk [tilespmem:v0+s4+$0x7CD1 ss:$0x1], $0xffff  }
0x2ac: {  	[tilespmem:s14+$0x1D0] =	vst v6;
	v3 =	vld.idx.msk [tilespmem:v0+s12+$0x7CD1 ss:$0x1], $0xffff  }
0x2ad: {  	v6 =	vld.idx.msk [tilespmem:v0+s15+$0x7CD1 ss:$0x1], $0xffff;
	[tilespmem:s23+$0x160] =	vst v1  }
0x2ae: {  	v1 =	vld.idx.msk [tilespmem:v0+s22+$0x8CE1 ss:$0x1], $0xffff  }
0x2af: {  	[tilespmem:s6+$0x1E0] =	vst v5  }
0x2b0: {  	v5 =	vld.idx.msk [tilespmem:v0+s7+$0x7CE1 ss:$0x1], $0xffff;
	[tilespmem:s5+$0x1E0] =	vst v7  }
0x2b1: {  	[tilespmem:s11+$0x1E0] =	vst v3;
	v7 =	vld.idx.msk [tilespmem:v0+s4+$0x7CE1 ss:$0x1], $0xffff  }
0x2b2: {  	[tilespmem:s14+$0x1E0] =	vst v6;
	v3 =	vld.idx.msk [tilespmem:v0+s12+$0x7CE1 ss:$0x1], $0xffff  }
0x2b3: {  	v6 =	vld.idx.msk [tilespmem:v0+s15+$0x7CE1 ss:$0x1], $0xffff;
	[tilespmem:s23+$0x170] =	vst v1  }
0x2b4: {  	v1 =	vld.idx.msk [tilespmem:v4+s22+$0x0 ss:$0x1], $0xffff  }
0x2b5: {  	[tilespmem:s6+$0x1F0] =	vst v5  }
0x2b6: {  	[tilespmem:s5+$0x1F0] =	vst v7  }
0x2b7: {  	[tilespmem:s11+$0x1F0] =	vst v3  }
0x2b8: {  	[tilespmem:s14+$0x1F0] =	vst v6  }
0x2b9: {  	[tilespmem:s23+$0x180] =	vst v1  }
0x2ba: {  	v1 =	vld.idx.msk [tilespmem:v0+s22+$0x7C81 ss:$0x1], $0xffff;
	_ =	sdelay $0x4  }
0x2bb: {  	[tilespmem:s23+$0x190] =	vst v1  }
0x2bc: {  	v1 =	vld.idx.msk [tilespmem:v0+s22+$0x7C91 ss:$0x1], $0xffff;
	_ =	sdelay $0x4  }
0x2bd: {  	[tilespmem:s23+$0x1A0] =	vst v1  }
0x2be: {  	v1 =	vld.idx.msk [tilespmem:v0+s22+$0x7CA1 ss:$0x1], $0xffff;
	_ =	sdelay $0x4  }
0x2bf: {  	[tilespmem:s23+$0x1B0] =	vst v1  }
0x2c0: {  	v1 =	vld.idx.msk [tilespmem:v0+s22+$0x7CB1 ss:$0x1], $0xffff;
	_ =	sdelay $0x4  }
0x2c1: {  	[tilespmem:s23+$0x1C0] =	vst v1  }
0x2c2: {  	v1 =	vld.idx.msk [tilespmem:v0+s22+$0x7CC1 ss:$0x1], $0xffff;
	_ =	sdelay $0x4  }
0x2c3: {  	v2 =	vld.idx.msk [tilespmem:v0+s18+$0x7CD1 ss:$0x1], $0xffff;
	[tilespmem:s23+$0x1D0] =	vst v1  }
0x2c4: {  	v1 =	vld.idx.msk [tilespmem:v0+s22+$0x7CD1 ss:$0x1], $0xffff;
	_ =	sdelay $0x3  }
0x2c5: {  	[tilespmem:s19+$0x1E0] =	vst v2  }
0x2c6: {  	v2 =	vld.idx.msk [tilespmem:v0+s18+$0x7CE1 ss:$0x1], $0xffff;
	[tilespmem:s23+$0x1E0] =	vst v1  }
0x2c7: {  	v0 =	vld.idx.msk [tilespmem:v0+s22+$0x7CE1 ss:$0x1], $0xffff  }
0x2c8: {  	s14 =	sor.u32 s25, s28  }
0x2c9: {  	s4 =	sshll.u32 s14, $0xB  }
0x2ca: {  	s15 =	sor.u32 s26, s4  }
0x2cb: {  	s5 =	sshrl.u32 s15, $0x3;
	[tilespmem:s19+$0x1F0] =	vst v2  }
0x2cc: {  	s5 =	sadd.s32 s2, s5;
	s18 =	simm.s32 $0x11C00;
	[tilespmem:s23+$0x1F0] =	vst v0  }
0x2cd: {  	[hbm4b:s5+s3] =	stream.linear.scatter [tilespmem:s18], [sflag:$0x1], $0x4000, $0x38;
	[tilespmem:$0x1C000] =	vst v63  }
0x2ce: {  	s19 =	rddreg [dreg:$0x7]  }
0x2cf: {  	s5 =	sor.u32 s19, s4  }
0x2d0: {  	s5 =	sshrl.u32 s5, $0x3  }
0x2d1: {  	s22 =	simm.s32 $0x11800;
	s23 =	rddreg [dreg:$0x8];
	s5 =	sadd.s32 s2, s5  }
0x2d2: {  	[hbm4b:s5+s3] =	stream.linear.scatter [tilespmem:s22], [sflag:$0x1], $0x4000, $0x38;
	[tilespmem:$0x1C000] =	vst v63  }
0x2d3: {  	s5 =	sor.u32 s23, s4  }
0x2d4: {  	s5 =	sshrl.u32 s5, $0x3  }
0x2d5: {  	s24 =	simm.s32 $0x11400;
	s25 =	rddreg [dreg:$0x9];
	s5 =	sadd.s32 s2, s5  }
0x2d6: {  	[hbm4b:s5+s3] =	stream.linear.scatter [tilespmem:s24], [sflag:$0x1], $0x4000, $0x38;
	[tilespmem:$0x1C000] =	vst v63  }
0x2d7: {  	s5 =	sor.u32 s25, s4  }
0x2d8: {  	s5 =	sshrl.u32 s5, $0x3  }
0x2d9: {  	s26 =	simm.s32 $0x11000;
	s6 =	rddreg [dreg:$0xa];
	s5 =	sadd.s32 s2, s5  }
0x2da: {  	[hbm4b:s5+s3] =	stream.linear.scatter [tilespmem:s26], [sflag:$0x1], $0x4000, $0x38;
	[tilespmem:$0x1C000] =	vst v63  }
0x2db: {  	s5 =	sor.u32 s6, s4  }
0x2dc: {  	s5 =	sshrl.u32 s5, $0x3  }
0x2dd: {  	s7 =	simm.s32 $0x10C00;
	s10 =	rddreg [dreg:$0xb];
	s5 =	sadd.s32 s2, s5  }
0x2de: {  	[hbm4b:s5+s3] =	stream.linear.scatter [tilespmem:s7], [sflag:$0x1], $0x4000, $0x38;
	[tilespmem:$0x1C000] =	vst v63  }
0x2df: {  	s5 =	sor.u32 s10, s4  }
0x2e0: {  	s5 =	sshrl.u32 s5, $0x3  }
0x2e1: {  	s11 =	simm.s32 $0x10800;
	s12 =	rddreg [dreg:$0xc];
	s5 =	sadd.s32 s2, s5  }
0x2e2: {  	[hbm4b:s5+s3] =	stream.linear.scatter [tilespmem:s11], [sflag:$0x1], $0x4000, $0x38;
	[tilespmem:$0x1C000] =	vst v63  }
0x2e3: {  	s14 =	rddreg [dreg:$0xd];
	s5 =	sor.u32 s12, s4  }
0x2e4: {  	s4 =	sor.u32 s14, s4;
	s5 =	sshrl.u32 s5, $0x3  }
0x2e5: {  	s13 =	simm.s32 $0x10400;
	s4 =	sshrl.u32 s4, $0x3;
	s5 =	sadd.s32 s2, s5  }
0x2e6: {  	[hbm4b:s5+s3] =	stream.linear.scatter [tilespmem:s13], [sflag:$0x1], $0x4000, $0x38;
	[tilespmem:$0x1C000] =	vst v63  }
0x2e7: {  	s15 =	simm.s32 $0x10000;
	s4 =	sadd.s32 s2, s4  }
0x2e8: {  	[hbm4b:s4+s3] =	stream.linear.scatter [tilespmem:s15], [sflag:$0x1], $0x4000, $0x38;
	[tilespmem:$0x1C000] =	vst v63  }
0x2e9: {  	s4 =	simm.s32 @!p0 $0x2  }
0x2ea: {  	_ =	swait.ge @!p0 [sflag:s4], $0x4000  }
0x2eb: {  	[sflag:s4] =	ssyncset.done @!p0 $0x0  }
0x2ec: {  	[sflag:s4] =	ssyncadd.s32 @!p0 $0xFFFFC000  }
0x2ed: {  	_ =	swait.ge @!p0 [sflag:s4], $0x4000  }
0x2ee: {  	[sflag:s4] =	ssyncset.done @!p0 $0x0  }
0x2ef: {  	[sflag:s4] =	ssyncadd.s32 @!p0 $0xFFFFC000  }
0x2f0: {  	_ =	swait.ge @!p0 [sflag:s4], $0x4000  }
0x2f1: {  	[sflag:s4] =	ssyncset.done @!p0 $0x0  }
0x2f2: {  	[sflag:s4] =	ssyncadd.s32 @!p0 $0xFFFFC000  }
0x2f3: {  	_ =	swait.ge @!p0 [sflag:s4], $0x4000  }
0x2f4: {  	[sflag:s4] =	ssyncset.done @!p0 $0x0  }
0x2f5: {  	[sflag:s4] =	ssyncadd.s32 @!p0 $0xFFFFC000  }
0x2f6: {  	_ =	swait.ge @!p0 [sflag:s4], $0x4000  }
0x2f7: {  	[sflag:s4] =	ssyncset.done @!p0 $0x0  }
0x2f8: {  	[sflag:s4] =	ssyncadd.s32 @!p0 $0xFFFFC000  }
0x2f9: {  	_ =	swait.ge @!p0 [sflag:s4], $0x4000  }
0x2fa: {  	[sflag:s4] =	ssyncset.done @!p0 $0x0  }
0x2fb: {  	[sflag:s4] =	ssyncadd.s32 @!p0 $0xFFFFC000  }
0x2fc: {  	_ =	swait.ge @!p0 [sflag:s4], $0x4000  }
0x2fd: {  	[sflag:s4] =	ssyncset.done @!p0 $0x0  }
0x2fe: {  	[sflag:s4] =	ssyncadd.s32 @!p0 $0xFFFFC000  }
0x2ff: {  	_ =	swait.ge @!p0 [sflag:s4], $0x4000  }
0x300: {  	[sflag:s4] =	ssyncset.done @!p0 $0x0  }
0x301: {  	s18 =	sshra.s32 s20, $0x2;
	[sflag:s4] =	ssyncadd.s32 @!p0 $0xFFFFC000  }
0x302: {  	v0 =	vld [tilespmem:s18+$0x0];
	_ =	sdelay $0x3  }
0x303: {  	s18 =	simm.s32 $0x0  }
0x304: {  	s10 =	sshra.s32 s21, $0x2;
	[tilespmem:s18+$0x16000] =	vst v0  }
0x305: {  	v0 =	vld [tilespmem:s10+$0x6C81];
	_ =	sdelay $0x4  }
0x306: {  	[tilespmem:s18+$0x16010] =	vst v0  }
0x307: {  	v0 =	vld [tilespmem:s10+$0x6C91];
	_ =	sdelay $0x4  }
0x308: {  	[tilespmem:s18+$0x16020] =	vst v0  }
0x309: {  	v0 =	vld [tilespmem:s10+$0x6CA1];
	_ =	sdelay $0x4  }
0x30a: {  	[tilespmem:s18+$0x16030] =	vst v0  }
0x30b: {  	v0 =	vld [tilespmem:s10+$0x6CB1];
	_ =	sdelay $0x4  }
0x30c: {  	[tilespmem:s18+$0x16040] =	vst v0  }
0x30d: {  	v0 =	vld [tilespmem:s10+$0x6CC1];
	_ =	sdelay $0x4  }
0x30e: {  	[tilespmem:s18+$0x16050] =	vst v0  }
0x30f: {  	v0 =	vld [tilespmem:s10+$0x6CD1];
	_ =	sdelay $0x4  }
0x310: {  	[tilespmem:s18+$0x16060] =	vst v0  }
0x311: {  	v0 =	vld [tilespmem:s10+$0x6CE1];
	_ =	sdelay $0x4  }
0x312: {  	s19 =	sshra.s32 s17, $0x2;
	[tilespmem:s18+$0x16070] =	vst v0  }
0x313: {  	v0 =	vld [tilespmem:s19+$0x0];
	_ =	sdelay $0x4  }
0x314: {  	[tilespmem:s18+$0x16080] =	vst v0  }
0x315: {  	v0 =	vld [tilespmem:s10+$0x5C81];
	_ =	sdelay $0x4  }
0x316: {  	[tilespmem:s18+$0x16090] =	vst v0  }
0x317: {  	v0 =	vld [tilespmem:s10+$0x5C91];
	_ =	sdelay $0x1  }
0x318: {  	s22 =	sadd.s32 $0x200, s20  }
0x319: {  	s23 =	sshra.s32 s22, $0x2  }
0x31a: {  	v1 =	vld [tilespmem:s23+$0x0]  }
0x31b: {  	[tilespmem:s18+$0x160A0] =	vst v0  }
0x31c: {  	v0 =	vld [tilespmem:s10+$0x5CA1];
	_ =	sdelay $0x1  }
0x31d: {  	s24 =	sadd.s32 $0x200, s21;
	s11 =	simm.s32 $0x400  }
0x31e: {  	s12 =	sshra.s32 s24, $0x2;
	[tilespmem:s11+$0x16000] =	vst v1  }
0x31f: {  	v1 =	vld [tilespmem:s12+$0x6C81]  }
0x320: {  	[tilespmem:s18+$0x160B0] =	vst v0  }
0x321: {  	v0 =	vld [tilespmem:s10+$0x5CB1];
	_ =	sdelay $0x2  }
0x322: {  	[tilespmem:s11+$0x16010] =	vst v1  }
0x323: {  	v1 =	vld [tilespmem:s12+$0x6C91]  }
0x324: {  	[tilespmem:s18+$0x160C0] =	vst v0  }
0x325: {  	v0 =	vld [tilespmem:s10+$0x5CC1];
	_ =	sdelay $0x2  }
0x326: {  	[tilespmem:s11+$0x16020] =	vst v1  }
0x327: {  	v1 =	vld [tilespmem:s12+$0x6CA1]  }
0x328: {  	[tilespmem:s18+$0x160D0] =	vst v0  }
0x329: {  	v0 =	vld [tilespmem:s10+$0x5CD1];
	_ =	sdelay $0x2  }
0x32a: {  	[tilespmem:s11+$0x16030] =	vst v1  }
0x32b: {  	v1 =	vld [tilespmem:s12+$0x6CB1]  }
0x32c: {  	[tilespmem:s18+$0x160E0] =	vst v0  }
0x32d: {  	v0 =	vld [tilespmem:s10+$0x5CE1];
	_ =	sdelay $0x2  }
0x32e: {  	[tilespmem:s11+$0x16040] =	vst v1  }
0x32f: {  	v1 =	vld [tilespmem:s12+$0x6CC1]  }
0x330: {  	s25 =	sshra.s32 s16, $0x2;
	[tilespmem:s18+$0x160F0] =	vst v0  }
0x331: {  	v0 =	vld [tilespmem:s25+$0x0];
	_ =	sdelay $0x2  }
0x332: {  	[tilespmem:s11+$0x16050] =	vst v1  }
0x333: {  	v1 =	vld [tilespmem:s12+$0x6CD1]  }
0x334: {  	[tilespmem:s18+$0x16100] =	vst v0  }
0x335: {  	v0 =	vld [tilespmem:s10+$0x4C81];
	_ =	sdelay $0x2  }
0x336: {  	[tilespmem:s11+$0x16060] =	vst v1  }
0x337: {  	v1 =	vld [tilespmem:s12+$0x6CE1]  }
0x338: {  	[tilespmem:s18+$0x16110] =	vst v0  }
0x339: {  	v0 =	vld [tilespmem:s10+$0x4C91];
	_ =	sdelay $0x1  }
0x33a: {  	s26 =	sadd.s32 $0x200, s17  }
0x33b: {  	s13 =	sshra.s32 s26, $0x2;
	[tilespmem:s11+$0x16070] =	vst v1  }
0x33c: {  	v1 =	vld [tilespmem:s13+$0x0]  }
0x33d: {  	[tilespmem:s18+$0x16120] =	vst v0  }
0x33e: {  	v0 =	vld [tilespmem:s10+$0x4CA1];
	_ =	sdelay $0x2  }
0x33f: {  	[tilespmem:s11+$0x16080] =	vst v1  }
0x340: {  	v1 =	vld [tilespmem:s12+$0x5C81]  }
0x341: {  	[tilespmem:s18+$0x16130] =	vst v0  }
0x342: {  	v0 =	vld [tilespmem:s10+$0x4CB1];
	_ =	sdelay $0x2  }
0x343: {  	[tilespmem:s11+$0x16090] =	vst v1  }
0x344: {  	v1 =	vld [tilespmem:s12+$0x5C91]  }
0x345: {  	[tilespmem:s18+$0x16140] =	vst v0  }
0x346: {  	v0 =	vld [tilespmem:s10+$0x4CC1]  }
0x347: {  	s4 =	sadd.s32 $0x200, s22  }
0x348: {  	s14 =	sshra.s32 s4, $0x2  }
0x349: {  	v2 =	vld [tilespmem:s14+$0x0];
	[tilespmem:s11+$0x160A0] =	vst v1  }
0x34a: {  	v1 =	vld [tilespmem:s12+$0x5CA1]  }
0x34b: {  	[tilespmem:s18+$0x16150] =	vst v0  }
0x34c: {  	v0 =	vld [tilespmem:s10+$0x4CD1]  }
0x34d: {  	s5 =	sadd.s32 $0x200, s24;
	s13 =	simm.s32 $0x800  }
0x34e: {  	s14 =	sshra.s32 s5, $0x2;
	[tilespmem:s13+$0x16000] =	vst v2  }
0x34f: {  	v2 =	vld [tilespmem:s14+$0x6C81];
	[tilespmem:s11+$0x160B0] =	vst v1  }
0x350: {  	v1 =	vld [tilespmem:s12+$0x5CB1]  }
0x351: {  	[tilespmem:s18+$0x16160] =	vst v0  }
0x352: {  	v0 =	vld [tilespmem:s10+$0x4CE1];
	_ =	sdelay $0x1  }
0x353: {  	[tilespmem:s13+$0x16010] =	vst v2  }
0x354: {  	v2 =	vld [tilespmem:s14+$0x6C91];
	[tilespmem:s11+$0x160C0] =	vst v1  }
0x355: {  	v1 =	vld [tilespmem:s12+$0x5CC1]  }
0x356: {  	s15 =	sshra.s32 s8, $0x2;
	[tilespmem:s18+$0x16170] =	vst v0  }
0x357: {  	v0 =	vld [tilespmem:s15+$0x0];
	_ =	sdelay $0x1  }
0x358: {  	[tilespmem:s13+$0x16020] =	vst v2  }
0x359: {  	v2 =	vld [tilespmem:s14+$0x6CA1];
	[tilespmem:s11+$0x160D0] =	vst v1  }
0x35a: {  	v1 =	vld [tilespmem:s12+$0x5CD1]  }
0x35b: {  	[tilespmem:s18+$0x16180] =	vst v0  }
0x35c: {  	v0 =	vld [tilespmem:s10+$0x3C81];
	_ =	sdelay $0x1  }
0x35d: {  	[tilespmem:s13+$0x16030] =	vst v2  }
0x35e: {  	v2 =	vld [tilespmem:s14+$0x6CB1];
	[tilespmem:s11+$0x160E0] =	vst v1  }
0x35f: {  	v1 =	vld [tilespmem:s12+$0x5CE1]  }
0x360: {  	[tilespmem:s18+$0x16190] =	vst v0  }
0x361: {  	v0 =	vld [tilespmem:s10+$0x3C91];
	_ =	sdelay $0x1  }
0x362: {  	s17 =	sadd.s32 $0x200, s16;
	[tilespmem:s13+$0x16040] =	vst v2  }
0x363: {  	s19 =	sshra.s32 s17, $0x2;
	v2 =	vld [tilespmem:s14+$0x6CC1];
	[tilespmem:s11+$0x160F0] =	vst v1  }
0x364: {  	v1 =	vld [tilespmem:s19+$0x0]  }
0x365: {  	[tilespmem:s18+$0x161A0] =	vst v0  }
0x366: {  	v0 =	vld [tilespmem:s10+$0x3CA1];
	_ =	sdelay $0x1  }
0x367: {  	[tilespmem:s13+$0x16050] =	vst v2  }
0x368: {  	v2 =	vld [tilespmem:s14+$0x6CD1];
	[tilespmem:s11+$0x16100] =	vst v1  }
0x369: {  	v1 =	vld [tilespmem:s12+$0x4C81]  }
0x36a: {  	[tilespmem:s18+$0x161B0] =	vst v0  }
0x36b: {  	v0 =	vld [tilespmem:s10+$0x3CB1];
	_ =	sdelay $0x1  }
0x36c: {  	[tilespmem:s13+$0x16060] =	vst v2  }
0x36d: {  	v2 =	vld [tilespmem:s14+$0x6CE1];
	[tilespmem:s11+$0x16110] =	vst v1  }
0x36e: {  	v1 =	vld [tilespmem:s12+$0x4C91]  }
0x36f: {  	[tilespmem:s18+$0x161C0] =	vst v0  }
0x370: {  	v0 =	vld [tilespmem:s10+$0x3CC1]  }
0x371: {  	s20 =	sadd.s32 $0x200, s26  }
0x372: {  	s6 =	sshra.s32 s20, $0x2;
	[tilespmem:s13+$0x16070] =	vst v2  }
0x373: {  	v2 =	vld [tilespmem:s6+$0x0];
	[tilespmem:s11+$0x16120] =	vst v1  }
0x374: {  	v1 =	vld [tilespmem:s12+$0x4CA1]  }
0x375: {  	[tilespmem:s18+$0x161D0] =	vst v0  }
0x376: {  	v0 =	vld [tilespmem:s10+$0x3CD1];
	_ =	sdelay $0x1  }
0x377: {  	[tilespmem:s13+$0x16080] =	vst v2  }
0x378: {  	v2 =	vld [tilespmem:s14+$0x5C81];
	[tilespmem:s11+$0x16130] =	vst v1  }
0x379: {  	v1 =	vld [tilespmem:s12+$0x4CB1]  }
0x37a: {  	[tilespmem:s18+$0x161E0] =	vst v0  }
0x37b: {  	v0 =	vld [tilespmem:s10+$0x3CE1];
	_ =	sdelay $0x1  }
0x37c: {  	[tilespmem:s13+$0x16090] =	vst v2  }
0x37d: {  	s4 =	sadd.s32 $0x200, s4;
	v2 =	vld [tilespmem:s14+$0x5C91];
	[tilespmem:s11+$0x16140] =	vst v1  }
0x37e: {  	s22 =	sshra.s32 s4, $0x2;
	v1 =	vld [tilespmem:s12+$0x4CC1]  }
0x37f: {  	s23 =	sshra.s32 s9, $0x2;
	[tilespmem:s18+$0x161F0] =	vst v0;
	v0 =	vld [tilespmem:s22+$0x0]  }
0x380: {  	v3 =	vld [tilespmem:s23+$0x0];
	_ =	sdelay $0x1  }
0x381: {  	[tilespmem:s13+$0x160A0] =	vst v2  }
0x382: {  	s5 =	sadd.s32 $0x200, s5;
	s6 =	simm.s32 $0xC00;
	v2 =	vld [tilespmem:s14+$0x5CA1];
	[tilespmem:s11+$0x16150] =	vst v1  }
0x383: {  	s7 =	sshra.s32 s5, $0x2;
	v1 =	vld [tilespmem:s12+$0x4CD1];
	[tilespmem:s6+$0x16000] =	vst v0  }
0x384: {  	v0 =	vld [tilespmem:s7+$0x6C81];
	[tilespmem:s18+$0x16200] =	vst v3  }
0x385: {  	v3 =	vld [tilespmem:s10+$0x2C81];
	_ =	sdelay $0x1  }
0x386: {  	[tilespmem:s13+$0x160B0] =	vst v2  }
0x387: {  	v2 =	vld [tilespmem:s14+$0x5CB1];
	[tilespmem:s11+$0x16160] =	vst v1  }
0x388: {  	v1 =	vld [tilespmem:s12+$0x4CE1];
	[tilespmem:s6+$0x16010] =	vst v0  }
0x389: {  	v0 =	vld [tilespmem:s7+$0x6C91];
	[tilespmem:s18+$0x16210] =	vst v3  }
0x38a: {  	v3 =	vld [tilespmem:s10+$0x2C91];
	_ =	sdelay $0x1  }
0x38b: {  	s24 =	sadd.s32 $0x200, s8;
	[tilespmem:s13+$0x160C0] =	vst v2  }
0x38c: {  	s8 =	sshra.s32 s24, $0x2;
	v2 =	vld [tilespmem:s14+$0x5CC1];
	[tilespmem:s11+$0x16170] =	vst v1  }
0x38d: {  	v1 =	vld [tilespmem:s8+$0x0];
	[tilespmem:s6+$0x16020] =	vst v0  }
0x38e: {  	v0 =	vld [tilespmem:s7+$0x6CA1];
	[tilespmem:s18+$0x16220] =	vst v3  }
0x38f: {  	v3 =	vld [tilespmem:s10+$0x2CA1];
	_ =	sdelay $0x1  }
0x390: {  	[tilespmem:s13+$0x160D0] =	vst v2  }
0x391: {  	v2 =	vld [tilespmem:s14+$0x5CD1];
	[tilespmem:s11+$0x16180] =	vst v1  }
0x392: {  	v1 =	vld [tilespmem:s12+$0x3C81];
	[tilespmem:s6+$0x16030] =	vst v0  }
0x393: {  	v0 =	vld [tilespmem:s7+$0x6CB1];
	[tilespmem:s18+$0x16230] =	vst v3  }
0x394: {  	v3 =	vld [tilespmem:s10+$0x2CB1];
	_ =	sdelay $0x1  }
0x395: {  	[tilespmem:s13+$0x160E0] =	vst v2  }
0x396: {  	v2 =	vld [tilespmem:s14+$0x5CE1];
	[tilespmem:s11+$0x16190] =	vst v1  }
0x397: {  	v1 =	vld [tilespmem:s12+$0x3C91];
	[tilespmem:s6+$0x16040] =	vst v0  }
0x398: {  	v0 =	vld [tilespmem:s7+$0x6CC1];
	[tilespmem:s18+$0x16240] =	vst v3  }
0x399: {  	v3 =	vld [tilespmem:s10+$0x2CC1]  }
0x39a: {  	s15 =	sadd.s32 $0x200, s17  }
0x39b: {  	[tilespmem:s13+$0x160F0] =	vst v2;
	s25 =	sshra.s32 s15, $0x2  }
0x39c: {  	v2 =	vld [tilespmem:s25+$0x0];
	[tilespmem:s11+$0x161A0] =	vst v1  }
0x39d: {  	v1 =	vld [tilespmem:s12+$0x3CA1];
	[tilespmem:s6+$0x16050] =	vst v0  }
0x39e: {  	v0 =	vld [tilespmem:s7+$0x6CD1];
	[tilespmem:s18+$0x16250] =	vst v3  }
0x39f: {  	v3 =	vld [tilespmem:s10+$0x2CD1];
	_ =	sdelay $0x1  }
0x3a0: {  	[tilespmem:s13+$0x16100] =	vst v2  }
0x3a1: {  	v2 =	vld [tilespmem:s14+$0x4C81];
	[tilespmem:s11+$0x161B0] =	vst v1  }
0x3a2: {  	v1 =	vld [tilespmem:s12+$0x3CB1];
	[tilespmem:s6+$0x16060] =	vst v0  }
0x3a3: {  	v0 =	vld [tilespmem:s7+$0x6CE1];
	[tilespmem:s18+$0x16260] =	vst v3  }
0x3a4: {  	v3 =	vld [tilespmem:s10+$0x2CE1];
	_ =	sdelay $0x1  }
0x3a5: {  	[tilespmem:s13+$0x16110] =	vst v2  }
0x3a6: {  	[tilespmem:s11+$0x161C0] =	vst v1  }
0x3a7: {  	[tilespmem:s6+$0x16070] =	vst v0  }
0x3a8: {  	[tilespmem:s18+$0x16270] =	vst v3  }
0x3a9: {  	v2 =	vld [tilespmem:s14+$0x4C91];
	s22 =	sld [smem:$0x7F8]  }
0x3aa: {  	s17 =	sadd.s32 $0x200, s20;
	v1 =	vld [tilespmem:s12+$0x3CC1]  }
0x3ab: {  	s26 =	sshra.s32 s17, $0x2  }
0x3ac: {  	v0 =	vld [tilespmem:s26+$0x0];
	s16 =	sshra.s32 s22, $0x2  }
0x3ad: {  	v3 =	vld [tilespmem:s16+$0x0]  }
0x3ae: {  	[tilespmem:s13+$0x16120] =	vst v2  }
0x3af: {  	[tilespmem:s11+$0x161D0] =	vst v1;
	v2 =	vld [tilespmem:s14+$0x4CA1]  }
0x3b0: {  	v1 =	vld [tilespmem:s12+$0x3CD1]  }
0x3b1: {  	[tilespmem:s6+$0x16080] =	vst v0  }
0x3b2: {  	v0 =	vld [tilespmem:s7+$0x5C81];
	[tilespmem:s18+$0x16280] =	vst v3  }
0x3b3: {  	v3 =	vld [tilespmem:s10+$0x1C81]  }
0x3b4: {  	[tilespmem:s13+$0x16130] =	vst v2  }
0x3b5: {  	[tilespmem:s11+$0x161E0] =	vst v1;
	v2 =	vld [tilespmem:s14+$0x4CB1]  }
0x3b6: {  	v1 =	vld [tilespmem:s12+$0x3CE1]  }
0x3b7: {  	[tilespmem:s6+$0x16090] =	vst v0  }
0x3b8: {  	v0 =	vld [tilespmem:s7+$0x5C91];
	[tilespmem:s18+$0x16290] =	vst v3  }
0x3b9: {  	s16 =	sadd.s32 $0x200, s4;
	v3 =	vld [tilespmem:s10+$0x1C91]  }
0x3ba: {  	s20 =	sshra.s32 s16, $0x2;
	[tilespmem:s13+$0x16140] =	vst v2  }
0x3bb: {  	s4 =	sadd.s32 $0x200, s9;
	[tilespmem:s11+$0x161F0] =	vst v1;
	v1 =	vld [tilespmem:s20+$0x0]  }
0x3bc: {  	s23 =	sshra.s32 s4, $0x2;
	v2 =	vld [tilespmem:s14+$0x4CC1]  }
0x3bd: {  	[tilespmem:s6+$0x160A0] =	vst v0;
	v0 =	vld [tilespmem:s23+$0x0]  }
0x3be: {  	v4 =	vld [tilespmem:s7+$0x5CA1];
	[tilespmem:s18+$0x162A0] =	vst v3  }
0x3bf: {  	s5 =	sadd.s32 $0x200, s5;
	s9 =	simm.s32 $0x1000;
	v3 =	vld [tilespmem:s10+$0x1CA1]  }
0x3c0: {  	s8 =	sshra.s32 s5, $0x2;
	[tilespmem:s9+$0x16000] =	vst v1  }
0x3c1: {  	[tilespmem:s13+$0x16150] =	vst v2;
	v1 =	vld [tilespmem:s8+$0x6C81]  }
0x3c2: {  	v2 =	vld [tilespmem:s14+$0x4CD1];
	[tilespmem:s11+$0x16200] =	vst v0  }
0x3c3: {  	[tilespmem:s6+$0x160B0] =	vst v4;
	v0 =	vld [tilespmem:s12+$0x2C81]  }
0x3c4: {  	v4 =	vld [tilespmem:s7+$0x5CB1];
	[tilespmem:s18+$0x162B0] =	vst v3  }
0x3c5: {  	v3 =	vld [tilespmem:s10+$0x1CB1]  }
0x3c6: {  	[tilespmem:s9+$0x16010] =	vst v1  }
0x3c7: {  	[tilespmem:s13+$0x16160] =	vst v2;
	v1 =	vld [tilespmem:s8+$0x6C91]  }
0x3c8: {  	v2 =	vld [tilespmem:s14+$0x4CE1];
	[tilespmem:s11+$0x16210] =	vst v0  }
0x3c9: {  	[tilespmem:s6+$0x160C0] =	vst v4;
	v0 =	vld [tilespmem:s12+$0x2C91]  }
0x3ca: {  	v4 =	vld [tilespmem:s7+$0x5CC1];
	[tilespmem:s18+$0x162C0] =	vst v3  }
0x3cb: {  	v3 =	vld [tilespmem:s10+$0x1CC1]  }
0x3cc: {  	s20 =	sadd.s32 $0x200, s24;
	[tilespmem:s9+$0x16020] =	vst v1  }
0x3cd: {  	s19 =	sshra.s32 s20, $0x2;
	[tilespmem:s13+$0x16170] =	vst v2;
	v1 =	vld [tilespmem:s8+$0x6CA1]  }
0x3ce: {  	v2 =	vld [tilespmem:s19+$0x0];
	[tilespmem:s11+$0x16220] =	vst v0  }
0x3cf: {  	[tilespmem:s6+$0x160D0] =	vst v4;
	v0 =	vld [tilespmem:s12+$0x2CA1]  }
0x3d0: {  	v4 =	vld [tilespmem:s7+$0x5CD1];
	[tilespmem:s18+$0x162D0] =	vst v3  }
0x3d1: {  	v3 =	vld [tilespmem:s10+$0x1CD1]  }
0x3d2: {  	[tilespmem:s9+$0x16030] =	vst v1  }
0x3d3: {  	[tilespmem:s13+$0x16180] =	vst v2;
	v1 =	vld [tilespmem:s8+$0x6CB1]  }
0x3d4: {  	v2 =	vld [tilespmem:s14+$0x3C81];
	[tilespmem:s11+$0x16230] =	vst v0  }
0x3d5: {  	[tilespmem:s6+$0x160E0] =	vst v4;
	v0 =	vld [tilespmem:s12+$0x2CB1]  }
0x3d6: {  	v4 =	vld [tilespmem:s7+$0x5CE1];
	[tilespmem:s18+$0x162E0] =	vst v3  }
0x3d7: {  	v3 =	vld [tilespmem:s10+$0x1CE1]  }
0x3d8: {  	[tilespmem:s9+$0x16040] =	vst v1  }
0x3d9: {  	[tilespmem:s13+$0x16190] =	vst v2  }
0x3da: {  	[tilespmem:s11+$0x16240] =	vst v0  }
0x3db: {  	[tilespmem:s6+$0x160F0] =	vst v4  }
0x3dc: {  	[tilespmem:s18+$0x162F0] =	vst v3  }
0x3dd: {  	v2 =	vld [tilespmem:s14+$0x3C91];
	s26 =	sld [smem:$0x7FB]  }
0x3de: {  	s15 =	sadd.s32 $0x200, s15;
	v1 =	vld [tilespmem:s8+$0x6CC1]  }
0x3df: {  	s24 =	sshra.s32 s15, $0x2;
	v0 =	vld [tilespmem:s12+$0x2CC1]  }
0x3e0: {  	v4 =	vld [tilespmem:s24+$0x0];
	s25 =	sshra.s32 s26, $0x2  }
0x3e1: {  	v3 =	vld [tilespmem:s25+$0x0]  }
0x3e2: {  	[tilespmem:s13+$0x161A0] =	vst v2  }
0x3e3: {  	[tilespmem:s9+$0x16050] =	vst v1;
	v2 =	vld [tilespmem:s14+$0x3CA1]  }
0x3e4: {  	[tilespmem:s11+$0x16250] =	vst v0;
	v1 =	vld [tilespmem:s8+$0x6CD1]  }
0x3e5: {  	[tilespmem:s6+$0x16100] =	vst v4;
	v0 =	vld [tilespmem:s12+$0x2CD1]  }
0x3e6: {  	v4 =	vld [tilespmem:s7+$0x4C81];
	[tilespmem:s18+$0x16300] =	vst v3  }
0x3e7: {  	v3 =	vld [tilespmem:s10+$0xC81]  }
0x3e8: {  	[tilespmem:s13+$0x161B0] =	vst v2  }
0x3e9: {  	[tilespmem:s9+$0x16060] =	vst v1;
	v2 =	vld [tilespmem:s14+$0x3CB1]  }
0x3ea: {  	[tilespmem:s11+$0x16260] =	vst v0;
	v1 =	vld [tilespmem:s8+$0x6CE1]  }
0x3eb: {  	[tilespmem:s6+$0x16110] =	vst v4;
	v0 =	vld [tilespmem:s12+$0x2CE1]  }
0x3ec: {  	v4 =	vld [tilespmem:s7+$0x4C91];
	[tilespmem:s18+$0x16310] =	vst v3  }
0x3ed: {  	v3 =	vld [tilespmem:s10+$0xC91]  }
0x3ee: {  	s24 =	sadd.s32 $0x200, s17;
	[tilespmem:s13+$0x161C0] =	vst v2  }
0x3ef: {  	s19 =	sadd.s32 $0x200, s22;
	s17 =	sshra.s32 s24, $0x2;
	[tilespmem:s9+$0x16070] =	vst v1;
	v2 =	vld [tilespmem:s14+$0x3CC1]  }
0x3f0: {  	s22 =	sshra.s32 s19, $0x2;
	[tilespmem:s11+$0x16270] =	vst v0;
	v1 =	vld [tilespmem:s17+$0x0]  }
0x3f1: {  	[tilespmem:s6+$0x16120] =	vst v4;
	v0 =	vld [tilespmem:s22+$0x0]  }
0x3f2: {  	v4 =	vld [tilespmem:s7+$0x4CA1];
	[tilespmem:s18+$0x16320] =	vst v3  }
0x3f3: {  	v3 =	vld [tilespmem:s10+$0xCA1]  }
0x3f4: {  	[tilespmem:s13+$0x161D0] =	vst v2  }
0x3f5: {  	[tilespmem:s9+$0x16080] =	vst v1;
	v2 =	vld [tilespmem:s14+$0x3CD1]  }
0x3f6: {  	[tilespmem:s11+$0x16280] =	vst v0;
	v1 =	vld [tilespmem:s8+$0x5C81]  }
0x3f7: {  	[tilespmem:s6+$0x16130] =	vst v4;
	v0 =	vld [tilespmem:s12+$0x1C81]  }
0x3f8: {  	v4 =	vld [tilespmem:s7+$0x4CB1];
	[tilespmem:s18+$0x16330] =	vst v3  }
0x3f9: {  	v3 =	vld [tilespmem:s10+$0xCB1]  }
0x3fa: {  	[tilespmem:s13+$0x161E0] =	vst v2  }
0x3fb: {  	[tilespmem:s9+$0x16090] =	vst v1;
	v2 =	vld [tilespmem:s14+$0x3CE1]  }
0x3fc: {  	[tilespmem:s11+$0x16290] =	vst v0;
	v1 =	vld [tilespmem:s8+$0x5C91]  }
0x3fd: {  	[tilespmem:s6+$0x16140] =	vst v4;
	v0 =	vld [tilespmem:s12+$0x1C91]  }
0x3fe: {  	s16 =	sadd.s32 $0x200, s16;
	v4 =	vld [tilespmem:s7+$0x4CC1];
	[tilespmem:s18+$0x16340] =	vst v3  }
0x3ff: {  	s23 =	sshra.s32 s16, $0x2;
	s22 =	sadd.s32 $0x200, s4;
	v3 =	vld [tilespmem:s10+$0xCC1]  }
0x400: {  	s4 =	sshra.s32 s22, $0x2;
	[tilespmem:s13+$0x161F0] =	vst v2;
	v2 =	vld [tilespmem:s23+$0x0]  }
0x401: {  	[tilespmem:s9+$0x160A0] =	vst v1;
	v1 =	vld [tilespmem:s4+$0x0]  }
0x402: {  	[tilespmem:s11+$0x162A0] =	vst v0;
	v5 =	vld [tilespmem:s8+$0x5CA1]  }
0x403: {  	[tilespmem:s6+$0x16150] =	vst v4;
	v0 =	vld [tilespmem:s12+$0x1CA1]  }
0x404: {  	s17 =	sadd.s32 $0x200, s5;
	s4 =	simm.s32 $0x1400;
	v4 =	vld [tilespmem:s7+$0x4CD1];
	[tilespmem:s18+$0x16350] =	vst v3  }
0x405: {  	s5 =	sshra.s32 s17, $0x2;
	[tilespmem:s4+$0x16000] =	vst v2;
	v2 =	vld [tilespmem:s10+$0xCD1]  }
0x406: {  	[tilespmem:s13+$0x16200] =	vst v1;
	v3 =	vld [tilespmem:s5+$0x6C81]  }
0x407: {  	[tilespmem:s9+$0x160B0] =	vst v5;
	v1 =	vld [tilespmem:s14+$0x2C81]  }
0x408: {  	[tilespmem:s11+$0x162B0] =	vst v0;
	v5 =	vld [tilespmem:s8+$0x5CB1]  }
0x409: {  	[tilespmem:s6+$0x16160] =	vst v4;
	v0 =	vld [tilespmem:s12+$0x1CB1]  }
0x40a: {  	v4 =	vld [tilespmem:s7+$0x4CE1];
	[tilespmem:s18+$0x16360] =	vst v2  }
0x40b: {  	[tilespmem:s4+$0x16010] =	vst v3;
	v2 =	vld [tilespmem:s10+$0xCE1]  }
0x40c: {  	[tilespmem:s13+$0x16210] =	vst v1;
	v3 =	vld [tilespmem:s5+$0x6C91]  }
0x40d: {  	[tilespmem:s9+$0x160C0] =	vst v5;
	v1 =	vld [tilespmem:s14+$0x2C91]  }
0x40e: {  	s20 =	sadd.s32 $0x200, s20;
	[tilespmem:s11+$0x162C0] =	vst v0;
	v5 =	vld [tilespmem:s8+$0x5CC1]  }
0x40f: {  	s25 =	sshra.s32 s20, $0x2;
	[tilespmem:s6+$0x16170] =	vst v4;
	v0 =	vld [tilespmem:s12+$0x1CC1]  }
0x410: {  	v4 =	vld [tilespmem:s25+$0x0];
	s25 =	sshra.s32 s0, $0x2;
	[tilespmem:s18+$0x16370] =	vst v2  }
0x411: {  	[tilespmem:s4+$0x16020] =	vst v3;
	v2 =	vld [tilespmem:s25+$0x0]  }
0x412: {  	[tilespmem:s13+$0x16220] =	vst v1;
	v3 =	vld [tilespmem:s5+$0x6CA1]  }
0x413: {  	[tilespmem:s9+$0x160D0] =	vst v5;
	v1 =	vld [tilespmem:s14+$0x2CA1]  }
0x414: {  	[tilespmem:s11+$0x162D0] =	vst v0;
	v5 =	vld [tilespmem:s8+$0x5CD1]  }
0x415: {  	[tilespmem:s6+$0x16180] =	vst v4;
	v0 =	vld [tilespmem:s12+$0x1CD1]  }
0x416: {  	v4 =	vld [tilespmem:s7+$0x3C81];
	[tilespmem:s18+$0x16380] =	vst v2  }
0x417: {  	[tilespmem:s4+$0x16030] =	vst v3;
	v2 =	vld [tilespmem:s10+$0xFFFFFC81]  }
0x418: {  	[tilespmem:s13+$0x16230] =	vst v1;
	v3 =	vld [tilespmem:s5+$0x6CB1]  }
0x419: {  	[tilespmem:s9+$0x160E0] =	vst v5;
	v1 =	vld [tilespmem:s14+$0x2CB1]  }
0x41a: {  	[tilespmem:s11+$0x162E0] =	vst v0;
	v5 =	vld [tilespmem:s8+$0x5CE1]  }
0x41b: {  	[tilespmem:s6+$0x16190] =	vst v4;
	v0 =	vld [tilespmem:s12+$0x1CE1]  }
0x41c: {  	v4 =	vld [tilespmem:s7+$0x3C91];
	[tilespmem:s18+$0x16390] =	vst v2  }
0x41d: {  	[tilespmem:s4+$0x16040] =	vst v3;
	v2 =	vld [tilespmem:s10+$0xFFFFFC91]  }
0x41e: {  	s23 =	sadd.s32 $0x200, s15;
	[tilespmem:s13+$0x16240] =	vst v1;
	v3 =	vld [tilespmem:s5+$0x6CC1]  }
0x41f: {  	s15 =	sadd.s32 $0x200, s26;
	s25 =	sshra.s32 s23, $0x2;
	[tilespmem:s9+$0x160F0] =	vst v5;
	v1 =	vld [tilespmem:s14+$0x2CC1]  }
0x420: {  	s26 =	sshra.s32 s15, $0x2;
	[tilespmem:s11+$0x162F0] =	vst v0;
	v5 =	vld [tilespmem:s25+$0x0]  }
0x421: {  	[tilespmem:s6+$0x161A0] =	vst v4;
	v0 =	vld [tilespmem:s26+$0x0]  }
0x422: {  	v4 =	vld [tilespmem:s7+$0x3CA1];
	[tilespmem:s18+$0x163A0] =	vst v2  }
0x423: {  	[tilespmem:s4+$0x16050] =	vst v3;
	v2 =	vld [tilespmem:s10+$0xFFFFFCA1]  }
0x424: {  	[tilespmem:s13+$0x16250] =	vst v1;
	v3 =	vld [tilespmem:s5+$0x6CD1]  }
0x425: {  	[tilespmem:s9+$0x16100] =	vst v5;
	v1 =	vld [tilespmem:s14+$0x2CD1]  }
0x426: {  	[tilespmem:s11+$0x16300] =	vst v0;
	v5 =	vld [tilespmem:s8+$0x4C81]  }
0x427: {  	[tilespmem:s6+$0x161B0] =	vst v4;
	v0 =	vld [tilespmem:s12+$0xC81]  }
0x428: {  	v4 =	vld [tilespmem:s7+$0x3CB1];
	[tilespmem:s18+$0x163B0] =	vst v2  }
0x429: {  	[tilespmem:s4+$0x16060] =	vst v3;
	v2 =	vld [tilespmem:s10+$0xFFFFFCB1]  }
0x42a: {  	[tilespmem:s13+$0x16260] =	vst v1;
	v3 =	vld [tilespmem:s5+$0x6CE1]  }
0x42b: {  	[tilespmem:s9+$0x16110] =	vst v5;
	v1 =	vld [tilespmem:s14+$0x2CE1]  }
0x42c: {  	[tilespmem:s11+$0x16310] =	vst v0;
	v5 =	vld [tilespmem:s8+$0x4C91]  }
0x42d: {  	[tilespmem:s6+$0x161C0] =	vst v4;
	v0 =	vld [tilespmem:s12+$0xC91]  }
0x42e: {  	s24 =	sadd.s32 $0x200, s24;
	v4 =	vld [tilespmem:s7+$0x3CC1];
	[tilespmem:s18+$0x163C0] =	vst v2  }
0x42f: {  	s19 =	sadd.s32 $0x200, s19;
	s26 =	sshra.s32 s24, $0x2;
	[tilespmem:s4+$0x16070] =	vst v3;
	v2 =	vld [tilespmem:s10+$0xFFFFFCC1]  }
0x430: {  	[tilespmem:s13+$0x16270] =	vst v1;
	v3 =	vld [tilespmem:s26+$0x0];
	s26 =	sshra.s32 s19, $0x2  }
0x431: {  	[tilespmem:s9+$0x16120] =	vst v5;
	v1 =	vld [tilespmem:s26+$0x0]  }
0x432: {  	[tilespmem:s11+$0x16320] =	vst v0;
	v5 =	vld [tilespmem:s8+$0x4CA1]  }
0x433: {  	[tilespmem:s6+$0x161D0] =	vst v4;
	v0 =	vld [tilespmem:s12+$0xCA1]  }
0x434: {  	v4 =	vld [tilespmem:s7+$0x3CD1];
	[tilespmem:s18+$0x163D0] =	vst v2  }
0x435: {  	[tilespmem:s4+$0x16080] =	vst v3;
	v2 =	vld [tilespmem:s10+$0xFFFFFCD1]  }
0x436: {  	v3 =	vld [tilespmem:s5+$0x5C81];
	[tilespmem:s13+$0x16280] =	vst v1  }
0x437: {  	[tilespmem:s9+$0x16130] =	vst v5;
	v1 =	vld [tilespmem:s14+$0x1C81]  }
0x438: {  	[tilespmem:s11+$0x16330] =	vst v0;
	v5 =	vld [tilespmem:s8+$0x4CB1]  }
0x439: {  	[tilespmem:s6+$0x161E0] =	vst v4;
	v0 =	vld [tilespmem:s12+$0xCB1]  }
0x43a: {  	v4 =	vld [tilespmem:s7+$0x3CE1];
	[tilespmem:s18+$0x163E0] =	vst v2  }
0x43b: {  	[tilespmem:s4+$0x16090] =	vst v3;
	v6 =	vld [tilespmem:s10+$0xFFFFFCE1]  }
0x43c: {  	v3 =	vld [tilespmem:s5+$0x5C91];
	[tilespmem:s13+$0x16290] =	vst v1  }
0x43d: {  	[tilespmem:s9+$0x16140] =	vst v5;
	v1 =	vld [tilespmem:s14+$0x1C91]  }
0x43e: {  	s16 =	sadd.s32 $0x200, s16;
	[tilespmem:s11+$0x16340] =	vst v0;
	v2 =	vld [tilespmem:s8+$0x4CC1]  }
0x43f: {  	s29 =	sor.u32 $0x8, s28;
	s28 =	sshra.s32 s16, $0x2;
	s22 =	sadd.s32 $0x200, s22;
	[tilespmem:s6+$0x161F0] =	vst v4;
	v0 =	vld [tilespmem:s12+$0xCC1]  }
0x440: {  	s25 =	simm.s32 $0x6000;
	s26 =	sshra.s32 s22, $0x2;
	v4 =	vld [tilespmem:s28+$0x0];
	s10 =	simm.s32 $0x7000;
	[tilespmem:s18+$0x163F0] =	vst v6  }
.LBB2_5:
0x441: {  	p0 =	sne.s32 s10, $0x16000;
	[tilespmem:s4+$0x160A0] =	vst v3;
	v3 =	vld [tilespmem:s26+$0x0];
	s18 =	smov.u32 s13;
	s13 =	smov.u32 s6  }
0x442: {  	s6 =	smov.u32 s9;
	s9 =	smov.u32 s4;
	v5 =	vld [tilespmem:s5+$0x5CA1];
	[tilespmem:s18+$0x162A0] =	vst v1  }
0x443: {  	[tilespmem:s6+$0x16150] =	vst v2;
	v1 =	vld [tilespmem:s14+$0x1CA1]  }
0x444: {  	s4 =	sshra.s32 s25, $0x2;
	s17 =	sadd.s32 $0x200, s17;
	s25 =	smov.u32 s10;
	v2 =	vld [tilespmem:s8+$0x4CD1];
	[tilespmem:s11+$0x16350] =	vst v0  }
0x445: {  	s26 =	sshra.s32 s17, $0x2;
	[tilespmem:s4+$0x16000] =	vst v4;
	v0 =	vld [tilespmem:s12+$0xCD1]  }
0x446: {  	v4 =	vld [tilespmem:s26+$0x6C81];
	[tilespmem:s13+$0x16200] =	vst v3  }
0x447: {  	[tilespmem:s9+$0x160B0] =	vst v5;
	v3 =	vld [tilespmem:s7+$0x2C81]  }
0x448: {  	v5 =	vld [tilespmem:s5+$0x5CB1];
	[tilespmem:s18+$0x162B0] =	vst v1  }
0x449: {  	[tilespmem:s6+$0x16160] =	vst v2;
	v1 =	vld [tilespmem:s14+$0x1CB1]  }
0x44a: {  	v2 =	vld [tilespmem:s8+$0x4CE1];
	[tilespmem:s11+$0x16360] =	vst v0  }
0x44b: {  	[tilespmem:s4+$0x16010] =	vst v4;
	v0 =	vld [tilespmem:s12+$0xCE1]  }
0x44c: {  	v4 =	vld [tilespmem:s26+$0x6C91];
	[tilespmem:s13+$0x16210] =	vst v3  }
0x44d: {  	[tilespmem:s9+$0x160C0] =	vst v5;
	v3 =	vld [tilespmem:s7+$0x2C91]  }
0x44e: {  	s20 =	sadd.s32 $0x200, s20;
	v5 =	vld [tilespmem:s5+$0x5CC1];
	[tilespmem:s18+$0x162C0] =	vst v1  }
0x44f: {  	s0 =	sadd.s32 $0x200, s0;
	s28 =	sshra.s32 s20, $0x2;
	[tilespmem:s6+$0x16170] =	vst v2;
	v1 =	vld [tilespmem:s14+$0x1CC1]  }
0x450: {  	v2 =	vld [tilespmem:s28+$0x0];
	[tilespmem:s11+$0x16370] =	vst v0;
	s28 =	sshra.s32 s0, $0x2  }
0x451: {  	[tilespmem:s4+$0x16020] =	vst v4;
	v0 =	vld [tilespmem:s28+$0x0]  }
0x452: {  	v4 =	vld [tilespmem:s26+$0x6CA1];
	[tilespmem:s13+$0x16220] =	vst v3  }
0x453: {  	[tilespmem:s9+$0x160D0] =	vst v5;
	v3 =	vld [tilespmem:s7+$0x2CA1]  }
0x454: {  	v5 =	vld [tilespmem:s5+$0x5CD1];
	[tilespmem:s18+$0x162D0] =	vst v1  }
0x455: {  	[tilespmem:s6+$0x16180] =	vst v2;
	v1 =	vld [tilespmem:s14+$0x1CD1]  }
0x456: {  	v2 =	vld [tilespmem:s8+$0x3C81];
	[tilespmem:s11+$0x16380] =	vst v0  }
0x457: {  	[tilespmem:s4+$0x16030] =	vst v4;
	v0 =	vld [tilespmem:s12+$0xFFFFFC81]  }
0x458: {  	v4 =	vld [tilespmem:s26+$0x6CB1];
	[tilespmem:s13+$0x16230] =	vst v3  }
0x459: {  	[tilespmem:s9+$0x160E0] =	vst v5;
	v3 =	vld [tilespmem:s7+$0x2CB1]  }
0x45a: {  	v5 =	vld [tilespmem:s5+$0x5CE1];
	[tilespmem:s18+$0x162E0] =	vst v1  }
0x45b: {  	[tilespmem:s6+$0x16190] =	vst v2;
	v1 =	vld [tilespmem:s14+$0x1CE1]  }
0x45c: {  	v2 =	vld [tilespmem:s8+$0x3C91];
	[tilespmem:s11+$0x16390] =	vst v0  }
0x45d: {  	[tilespmem:s4+$0x16040] =	vst v4;
	v0 =	vld [tilespmem:s12+$0xFFFFFC91]  }
0x45e: {  	s23 =	sadd.s32 $0x200, s23;
	v4 =	vld [tilespmem:s26+$0x6CC1];
	[tilespmem:s13+$0x16240] =	vst v3  }
0x45f: {  	s15 =	sadd.s32 $0x200, s15;
	s28 =	sshra.s32 s23, $0x2;
	[tilespmem:s9+$0x160F0] =	vst v5;
	v3 =	vld [tilespmem:s7+$0x2CC1]  }
0x460: {  	v5 =	vld [tilespmem:s28+$0x0];
	[tilespmem:s18+$0x162F0] =	vst v1;
	s28 =	sshra.s32 s15, $0x2  }
0x461: {  	[tilespmem:s6+$0x161A0] =	vst v2;
	v1 =	vld [tilespmem:s28+$0x0]  }
0x462: {  	v2 =	vld [tilespmem:s8+$0x3CA1];
	[tilespmem:s11+$0x163A0] =	vst v0  }
0x463: {  	[tilespmem:s4+$0x16050] =	vst v4;
	v0 =	vld [tilespmem:s12+$0xFFFFFCA1]  }
0x464: {  	v4 =	vld [tilespmem:s26+$0x6CD1];
	[tilespmem:s13+$0x16250] =	vst v3  }
0x465: {  	[tilespmem:s9+$0x16100] =	vst v5;
	v3 =	vld [tilespmem:s7+$0x2CD1]  }
0x466: {  	v5 =	vld [tilespmem:s5+$0x4C81];
	[tilespmem:s18+$0x16300] =	vst v1  }
0x467: {  	[tilespmem:s6+$0x161B0] =	vst v2;
	v1 =	vld [tilespmem:s14+$0xC81]  }
0x468: {  	v2 =	vld [tilespmem:s8+$0x3CB1];
	[tilespmem:s11+$0x163B0] =	vst v0  }
0x469: {  	[tilespmem:s4+$0x16060] =	vst v4;
	v0 =	vld [tilespmem:s12+$0xFFFFFCB1]  }
0x46a: {  	v4 =	vld [tilespmem:s26+$0x6CE1];
	[tilespmem:s13+$0x16260] =	vst v3  }
0x46b: {  	[tilespmem:s9+$0x16110] =	vst v5;
	v3 =	vld [tilespmem:s7+$0x2CE1]  }
0x46c: {  	v5 =	vld [tilespmem:s5+$0x4C91];
	[tilespmem:s18+$0x16310] =	vst v1  }
0x46d: {  	[tilespmem:s6+$0x161C0] =	vst v2;
	v1 =	vld [tilespmem:s14+$0xC91]  }
0x46e: {  	s24 =	sadd.s32 $0x200, s24;
	v2 =	vld [tilespmem:s8+$0x3CC1];
	[tilespmem:s11+$0x163C0] =	vst v0  }
0x46f: {  	s19 =	sadd.s32 $0x200, s19;
	s28 =	sshra.s32 s24, $0x2;
	[tilespmem:s4+$0x16070] =	vst v4;
	v0 =	vld [tilespmem:s12+$0xFFFFFCC1]  }
0x470: {  	v4 =	vld [tilespmem:s28+$0x0];
	[tilespmem:s13+$0x16270] =	vst v3;
	s28 =	sshra.s32 s19, $0x2  }
0x471: {  	[tilespmem:s9+$0x16120] =	vst v5;
	v3 =	vld [tilespmem:s28+$0x0]  }
0x472: {  	v5 =	vld [tilespmem:s5+$0x4CA1];
	[tilespmem:s18+$0x16320] =	vst v1  }
0x473: {  	[tilespmem:s6+$0x161D0] =	vst v2;
	v1 =	vld [tilespmem:s14+$0xCA1]  }
0x474: {  	v2 =	vld [tilespmem:s8+$0x3CD1];
	[tilespmem:s11+$0x163D0] =	vst v0  }
0x475: {  	[tilespmem:s4+$0x16080] =	vst v4;
	v0 =	vld [tilespmem:s12+$0xFFFFFCD1]  }
0x476: {  	v4 =	vld [tilespmem:s26+$0x5C81];
	[tilespmem:s13+$0x16280] =	vst v3  }
0x477: {  	[tilespmem:s9+$0x16130] =	vst v5;
	v5 =	vld [tilespmem:s7+$0x1C81]  }
0x478: {  	v6 =	vld [tilespmem:s5+$0x4CB1];
	[tilespmem:s18+$0x16330] =	vst v1  }
0x479: {  	[tilespmem:s6+$0x161E0] =	vst v2;
	v7 =	vld [tilespmem:s14+$0xCB1]  }
0x47a: {  	v8 =	vld [tilespmem:s8+$0x3CE1];
	[tilespmem:s11+$0x163E0] =	vst v0  }
0x47b: {  	[tilespmem:s4+$0x16090] =	vst v4;
	v9 =	vld [tilespmem:s12+$0xFFFFFCE1];
	s12 =	smov.u32 s14;
	s14 =	smov.u32 s7;
	s7 =	smov.u32 s8  }
.Ltmp1:
0x47c: {  	s8 =	smov.u32 s5;
	s5 =	smov.u32 s26;
	v3 =	vld [tilespmem:s26+$0x5C91];
	[tilespmem:s13+$0x16290] =	vst v5;
	(pc) =	sbr.rel @p0 .LBB2_5-.Ltmp1, $4  }
0x47d: {  	[tilespmem:s9+$0x16140] =	vst v6;
	v1 =	vld [tilespmem:s14+$0x1C91]  }
0x47e: {  	s16 =	sadd.s32 $0x200, s16;
	v2 =	vld [tilespmem:s8+$0x4CC1];
	[tilespmem:s18+$0x16340] =	vst v7  }
0x47f: {  	s22 =	sadd.s32 $0x200, s22;
	s26 =	sshra.s32 s16, $0x2;
	[tilespmem:s6+$0x161F0] =	vst v8;
	v0 =	vld [tilespmem:s12+$0xCC1]  }
0x480: {  	s10 =	sadd.s32 $0x1000, s10;
	v4 =	vld [tilespmem:s26+$0x0];
	s26 =	sshra.s32 s22, $0x2;
	[tilespmem:s11+$0x163F0] =	vst v9;
	s11 =	smov.u32 s18  }
0x481: {  	_ =	sdelay $0x2  }
0x482: {  	s16 =	sshra.s32 s25, $0x2;
	s10 =	sadd.s32 $0x200, s17  }
0x483: {  	s17 =	sshra.s32 s10, $0x2;
	[tilespmem:s16+$0x16000] =	vst v4  }
0x484: {  	v4 =	vld [tilespmem:s17+$0x6C81];
	_ =	sdelay $0x4  }
0x485: {  	[tilespmem:s16+$0x16010] =	vst v4  }
0x486: {  	v4 =	vld [tilespmem:s17+$0x6C91];
	_ =	sdelay $0x4  }
0x487: {  	[tilespmem:s16+$0x16020] =	vst v4  }
0x488: {  	v4 =	vld [tilespmem:s17+$0x6CA1];
	_ =	sdelay $0x4  }
0x489: {  	[tilespmem:s16+$0x16030] =	vst v4  }
0x48a: {  	v4 =	vld [tilespmem:s17+$0x6CB1];
	_ =	sdelay $0x4  }
0x48b: {  	[tilespmem:s16+$0x16040] =	vst v4  }
0x48c: {  	v4 =	vld [tilespmem:s17+$0x6CC1];
	_ =	sdelay $0x4  }
0x48d: {  	[tilespmem:s16+$0x16050] =	vst v4  }
0x48e: {  	v4 =	vld [tilespmem:s17+$0x6CD1];
	_ =	sdelay $0x4  }
0x48f: {  	[tilespmem:s16+$0x16060] =	vst v4  }
0x490: {  	v4 =	vld [tilespmem:s17+$0x6CE1];
	_ =	sdelay $0x3  }
0x491: {  	s24 =	sadd.s32 $0x200, s24  }
0x492: {  	s10 =	sshra.s32 s24, $0x2;
	[tilespmem:s16+$0x16070] =	vst v4  }
0x493: {  	v4 =	vld [tilespmem:s10+$0x0];
	_ =	sdelay $0x4  }
0x494: {  	[tilespmem:s16+$0x16080] =	vst v4  }
0x495: {  	v4 =	vld [tilespmem:s17+$0x5C81];
	_ =	sdelay $0x4  }
0x496: {  	[tilespmem:s16+$0x16090] =	vst v4  }
0x497: {  	v4 =	vld [tilespmem:s17+$0x5C91];
	_ =	sdelay $0x2  }
0x498: {  	[tilespmem:s4+$0x160A0] =	vst v3  }
0x499: {  	v3 =	vld [tilespmem:s5+$0x5CA1]  }
0x49a: {  	[tilespmem:s16+$0x160A0] =	vst v4  }
0x49b: {  	v4 =	vld [tilespmem:s17+$0x5CA1];
	_ =	sdelay $0x2  }
0x49c: {  	[tilespmem:s4+$0x160B0] =	vst v3  }
0x49d: {  	v3 =	vld [tilespmem:s5+$0x5CB1]  }
0x49e: {  	[tilespmem:s16+$0x160B0] =	vst v4  }
0x49f: {  	v4 =	vld [tilespmem:s17+$0x5CB1];
	_ =	sdelay $0x2  }
0x4a0: {  	[tilespmem:s4+$0x160C0] =	vst v3  }
0x4a1: {  	v3 =	vld [tilespmem:s5+$0x5CC1]  }
0x4a2: {  	[tilespmem:s16+$0x160C0] =	vst v4  }
0x4a3: {  	v4 =	vld [tilespmem:s17+$0x5CC1];
	_ =	sdelay $0x2  }
0x4a4: {  	[tilespmem:s4+$0x160D0] =	vst v3  }
0x4a5: {  	v3 =	vld [tilespmem:s5+$0x5CD1]  }
0x4a6: {  	[tilespmem:s16+$0x160D0] =	vst v4  }
0x4a7: {  	v4 =	vld [tilespmem:s17+$0x5CD1];
	_ =	sdelay $0x2  }
0x4a8: {  	[tilespmem:s4+$0x160E0] =	vst v3  }
0x4a9: {  	v3 =	vld [tilespmem:s5+$0x5CE1]  }
0x4aa: {  	[tilespmem:s16+$0x160E0] =	vst v4  }
0x4ab: {  	v4 =	vld [tilespmem:s17+$0x5CE1];
	_ =	sdelay $0x1  }
0x4ac: {  	s25 =	sadd.s32 $0x200, s23  }
0x4ad: {  	s18 =	sshra.s32 s25, $0x2;
	[tilespmem:s4+$0x160F0] =	vst v3  }
0x4ae: {  	v3 =	vld [tilespmem:s18+$0x0];
	s10 =	sadd.s32 $0x200, s25  }
0x4af: {  	s10 =	sshra.s32 s10, $0x2;
	[tilespmem:s16+$0x160F0] =	vst v4  }
0x4b0: {  	v4 =	vld [tilespmem:s10+$0x0];
	_ =	sdelay $0x2  }
0x4b1: {  	[tilespmem:s4+$0x16100] =	vst v3  }
0x4b2: {  	v3 =	vld [tilespmem:s5+$0x4C81]  }
0x4b3: {  	[tilespmem:s16+$0x16100] =	vst v4  }
0x4b4: {  	v4 =	vld [tilespmem:s17+$0x4C81];
	_ =	sdelay $0x2  }
0x4b5: {  	[tilespmem:s4+$0x16110] =	vst v3  }
0x4b6: {  	v3 =	vld [tilespmem:s5+$0x4C91]  }
0x4b7: {  	[tilespmem:s16+$0x16110] =	vst v4  }
0x4b8: {  	v4 =	vld [tilespmem:s17+$0x4C91];
	_ =	sdelay $0x2  }
0x4b9: {  	[tilespmem:s4+$0x16120] =	vst v3  }
0x4ba: {  	v3 =	vld [tilespmem:s5+$0x4CA1]  }
0x4bb: {  	[tilespmem:s16+$0x16120] =	vst v4  }
0x4bc: {  	v4 =	vld [tilespmem:s17+$0x4CA1];
	_ =	sdelay $0x2  }
0x4bd: {  	[tilespmem:s4+$0x16130] =	vst v3  }
0x4be: {  	v3 =	vld [tilespmem:s5+$0x4CB1]  }
0x4bf: {  	[tilespmem:s16+$0x16130] =	vst v4  }
0x4c0: {  	v4 =	vld [tilespmem:s17+$0x4CB1];
	_ =	sdelay $0x2  }
0x4c1: {  	[tilespmem:s4+$0x16140] =	vst v3  }
0x4c2: {  	v3 =	vld [tilespmem:s5+$0x4CC1]  }
0x4c3: {  	[tilespmem:s16+$0x16140] =	vst v4  }
0x4c4: {  	v4 =	vld [tilespmem:s17+$0x4CC1]  }
0x4c5: {  	[tilespmem:s9+$0x16150] =	vst v2  }
0x4c6: {  	v2 =	vld [tilespmem:s8+$0x4CD1]  }
0x4c7: {  	[tilespmem:s4+$0x16150] =	vst v3  }
0x4c8: {  	v3 =	vld [tilespmem:s5+$0x4CD1]  }
0x4c9: {  	[tilespmem:s16+$0x16150] =	vst v4  }
0x4ca: {  	v4 =	vld [tilespmem:s17+$0x4CD1]  }
0x4cb: {  	[tilespmem:s9+$0x16160] =	vst v2  }
0x4cc: {  	v2 =	vld [tilespmem:s8+$0x4CE1]  }
0x4cd: {  	[tilespmem:s4+$0x16160] =	vst v3  }
0x4ce: {  	v3 =	vld [tilespmem:s5+$0x4CE1]  }
0x4cf: {  	[tilespmem:s16+$0x16160] =	vst v4  }
0x4d0: {  	s20 =	sadd.s32 $0x200, s20;
	v4 =	vld [tilespmem:s17+$0x4CE1]  }
0x4d1: {  	s23 =	sshra.s32 s20, $0x2;
	[tilespmem:s9+$0x16170] =	vst v2  }
0x4d2: {  	v2 =	vld [tilespmem:s23+$0x0];
	s10 =	sadd.s32 $0x200, s20  }
0x4d3: {  	[tilespmem:s4+$0x16170] =	vst v3;
	s24 =	sshra.s32 s10, $0x2  }
0x4d4: {  	s10 =	sadd.s32 $0x200, s10;
	v3 =	vld [tilespmem:s24+$0x0]  }
0x4d5: {  	s10 =	sshra.s32 s10, $0x2;
	[tilespmem:s16+$0x16170] =	vst v4  }
0x4d6: {  	v4 =	vld [tilespmem:s10+$0x0]  }
0x4d7: {  	[tilespmem:s9+$0x16180] =	vst v2  }
0x4d8: {  	v2 =	vld [tilespmem:s8+$0x3C81]  }
0x4d9: {  	[tilespmem:s4+$0x16180] =	vst v3  }
0x4da: {  	v3 =	vld [tilespmem:s5+$0x3C81]  }
0x4db: {  	[tilespmem:s16+$0x16180] =	vst v4  }
0x4dc: {  	v4 =	vld [tilespmem:s17+$0x3C81]  }
0x4dd: {  	[tilespmem:s9+$0x16190] =	vst v2  }
0x4de: {  	v2 =	vld [tilespmem:s8+$0x3C91]  }
0x4df: {  	[tilespmem:s4+$0x16190] =	vst v3  }
0x4e0: {  	v3 =	vld [tilespmem:s5+$0x3C91]  }
0x4e1: {  	[tilespmem:s16+$0x16190] =	vst v4  }
0x4e2: {  	v4 =	vld [tilespmem:s17+$0x3C91]  }
0x4e3: {  	[tilespmem:s9+$0x161A0] =	vst v2  }
0x4e4: {  	v2 =	vld [tilespmem:s8+$0x3CA1]  }
0x4e5: {  	[tilespmem:s4+$0x161A0] =	vst v3  }
0x4e6: {  	v3 =	vld [tilespmem:s5+$0x3CA1]  }
0x4e7: {  	[tilespmem:s16+$0x161A0] =	vst v4  }
0x4e8: {  	v4 =	vld [tilespmem:s17+$0x3CA1]  }
0x4e9: {  	[tilespmem:s9+$0x161B0] =	vst v2  }
0x4ea: {  	v2 =	vld [tilespmem:s8+$0x3CB1]  }
0x4eb: {  	[tilespmem:s4+$0x161B0] =	vst v3  }
0x4ec: {  	v3 =	vld [tilespmem:s5+$0x3CB1]  }
0x4ed: {  	[tilespmem:s16+$0x161B0] =	vst v4  }
0x4ee: {  	v4 =	vld [tilespmem:s17+$0x3CB1]  }
0x4ef: {  	[tilespmem:s9+$0x161C0] =	vst v2  }
0x4f0: {  	v2 =	vld [tilespmem:s8+$0x3CC1]  }
0x4f1: {  	[tilespmem:s4+$0x161C0] =	vst v3  }
0x4f2: {  	v3 =	vld [tilespmem:s5+$0x3CC1]  }
0x4f3: {  	[tilespmem:s16+$0x161C0] =	vst v4  }
0x4f4: {  	v4 =	vld [tilespmem:s17+$0x3CC1]  }
0x4f5: {  	[tilespmem:s9+$0x161D0] =	vst v2  }
0x4f6: {  	v2 =	vld [tilespmem:s8+$0x3CD1]  }
0x4f7: {  	[tilespmem:s4+$0x161D0] =	vst v3  }
0x4f8: {  	v3 =	vld [tilespmem:s5+$0x3CD1]  }
0x4f9: {  	[tilespmem:s16+$0x161D0] =	vst v4  }
0x4fa: {  	v4 =	vld [tilespmem:s17+$0x3CD1]  }
0x4fb: {  	[tilespmem:s9+$0x161E0] =	vst v2  }
0x4fc: {  	v2 =	vld [tilespmem:s8+$0x3CE1]  }
0x4fd: {  	[tilespmem:s4+$0x161E0] =	vst v3  }
0x4fe: {  	v3 =	vld [tilespmem:s5+$0x3CE1]  }
0x4ff: {  	[tilespmem:s16+$0x161E0] =	vst v4  }
0x500: {  	s25 =	sadd.s32 $0x200, s22;
	v4 =	vld [tilespmem:s17+$0x3CE1]  }
0x501: {  	v5 =	vld [tilespmem:s26+$0x0];
	s26 =	sshra.s32 s25, $0x2;
	[tilespmem:s9+$0x161F0] =	vst v2  }
0x502: {  	v2 =	vld [tilespmem:s26+$0x0];
	s10 =	sadd.s32 $0x200, s25  }
0x503: {  	[tilespmem:s4+$0x161F0] =	vst v3;
	s20 =	sshra.s32 s10, $0x2  }
0x504: {  	s10 =	sadd.s32 $0x200, s10;
	v3 =	vld [tilespmem:s20+$0x0]  }
0x505: {  	s10 =	sshra.s32 s10, $0x2;
	[tilespmem:s16+$0x161F0] =	vst v4  }
0x506: {  	[tilespmem:s6+$0x16200] =	vst v5;
	v4 =	vld [tilespmem:s10+$0x0]  }
0x507: {  	v5 =	vld [tilespmem:s7+$0x2C81];
	[tilespmem:s9+$0x16200] =	vst v2  }
0x508: {  	v2 =	vld [tilespmem:s8+$0x2C81]  }
0x509: {  	[tilespmem:s4+$0x16200] =	vst v3  }
0x50a: {  	v3 =	vld [tilespmem:s5+$0x2C81]  }
0x50b: {  	[tilespmem:s16+$0x16200] =	vst v4  }
0x50c: {  	[tilespmem:s6+$0x16210] =	vst v5;
	v4 =	vld [tilespmem:s17+$0x2C81]  }
0x50d: {  	v5 =	vld [tilespmem:s7+$0x2C91];
	[tilespmem:s9+$0x16210] =	vst v2  }
0x50e: {  	v2 =	vld [tilespmem:s8+$0x2C91]  }
0x50f: {  	[tilespmem:s4+$0x16210] =	vst v3  }
0x510: {  	v3 =	vld [tilespmem:s5+$0x2C91]  }
0x511: {  	[tilespmem:s16+$0x16210] =	vst v4  }
0x512: {  	[tilespmem:s6+$0x16220] =	vst v5;
	v4 =	vld [tilespmem:s17+$0x2C91]  }
0x513: {  	v5 =	vld [tilespmem:s7+$0x2CA1];
	[tilespmem:s9+$0x16220] =	vst v2  }
0x514: {  	v2 =	vld [tilespmem:s8+$0x2CA1]  }
0x515: {  	[tilespmem:s4+$0x16220] =	vst v3  }
0x516: {  	v3 =	vld [tilespmem:s5+$0x2CA1]  }
0x517: {  	[tilespmem:s16+$0x16220] =	vst v4  }
0x518: {  	[tilespmem:s6+$0x16230] =	vst v5;
	v4 =	vld [tilespmem:s17+$0x2CA1]  }
0x519: {  	v5 =	vld [tilespmem:s7+$0x2CB1];
	[tilespmem:s9+$0x16230] =	vst v2  }
0x51a: {  	v2 =	vld [tilespmem:s8+$0x2CB1]  }
0x51b: {  	[tilespmem:s4+$0x16230] =	vst v3  }
0x51c: {  	v3 =	vld [tilespmem:s5+$0x2CB1]  }
0x51d: {  	[tilespmem:s16+$0x16230] =	vst v4  }
0x51e: {  	[tilespmem:s6+$0x16240] =	vst v5;
	v4 =	vld [tilespmem:s17+$0x2CB1]  }
0x51f: {  	v5 =	vld [tilespmem:s7+$0x2CC1];
	[tilespmem:s9+$0x16240] =	vst v2  }
0x520: {  	v2 =	vld [tilespmem:s8+$0x2CC1]  }
0x521: {  	[tilespmem:s4+$0x16240] =	vst v3  }
0x522: {  	v3 =	vld [tilespmem:s5+$0x2CC1]  }
0x523: {  	[tilespmem:s16+$0x16240] =	vst v4  }
0x524: {  	[tilespmem:s6+$0x16250] =	vst v5;
	v4 =	vld [tilespmem:s17+$0x2CC1]  }
0x525: {  	v5 =	vld [tilespmem:s7+$0x2CD1];
	[tilespmem:s9+$0x16250] =	vst v2  }
0x526: {  	v2 =	vld [tilespmem:s8+$0x2CD1]  }
0x527: {  	[tilespmem:s4+$0x16250] =	vst v3  }
0x528: {  	v3 =	vld [tilespmem:s5+$0x2CD1]  }
0x529: {  	[tilespmem:s16+$0x16250] =	vst v4  }
0x52a: {  	[tilespmem:s6+$0x16260] =	vst v5;
	v4 =	vld [tilespmem:s17+$0x2CD1]  }
0x52b: {  	v5 =	vld [tilespmem:s7+$0x2CE1];
	[tilespmem:s9+$0x16260] =	vst v2  }
0x52c: {  	v2 =	vld [tilespmem:s8+$0x2CE1]  }
0x52d: {  	[tilespmem:s4+$0x16260] =	vst v3  }
0x52e: {  	v3 =	vld [tilespmem:s5+$0x2CE1]  }
0x52f: {  	s22 =	sadd.s32 $0x200, s19;
	[tilespmem:s16+$0x16260] =	vst v4  }
0x530: {  	[tilespmem:s6+$0x16270] =	vst v5;
	s23 =	sshra.s32 s22, $0x2;
	s10 =	sadd.s32 $0x200, s22;
	v4 =	vld [tilespmem:s17+$0x2CE1]  }
0x531: {  	v5 =	vld [tilespmem:s23+$0x0];
	[tilespmem:s9+$0x16270] =	vst v2;
	s24 =	sshra.s32 s10, $0x2  }
0x532: {  	s10 =	sadd.s32 $0x200, s10;
	v2 =	vld [tilespmem:s24+$0x0]  }
0x533: {  	[tilespmem:s4+$0x16270] =	vst v3;
	s25 =	sshra.s32 s10, $0x2  }
0x534: {  	s10 =	sadd.s32 $0x200, s10;
	v3 =	vld [tilespmem:s25+$0x0]  }
0x535: {  	s10 =	sshra.s32 s10, $0x2;
	[tilespmem:s16+$0x16270] =	vst v4  }
0x536: {  	[tilespmem:s6+$0x16280] =	vst v5;
	v4 =	vld [tilespmem:s10+$0x0]  }
0x537: {  	v5 =	vld [tilespmem:s7+$0x1C81];
	[tilespmem:s9+$0x16280] =	vst v2  }
0x538: {  	v2 =	vld [tilespmem:s8+$0x1C81]  }
0x539: {  	[tilespmem:s4+$0x16280] =	vst v3  }
0x53a: {  	v3 =	vld [tilespmem:s5+$0x1C81]  }
0x53b: {  	[tilespmem:s16+$0x16280] =	vst v4  }
0x53c: {  	[tilespmem:s6+$0x16290] =	vst v5;
	v4 =	vld [tilespmem:s17+$0x1C81]  }
0x53d: {  	v5 =	vld [tilespmem:s7+$0x1C91];
	[tilespmem:s9+$0x16290] =	vst v2  }
0x53e: {  	[tilespmem:s13+$0x162A0] =	vst v1;
	v2 =	vld [tilespmem:s8+$0x1C91]  }
0x53f: {  	v1 =	vld [tilespmem:s14+$0x1CA1];
	[tilespmem:s4+$0x16290] =	vst v3  }
0x540: {  	v3 =	vld [tilespmem:s5+$0x1C91]  }
0x541: {  	[tilespmem:s16+$0x16290] =	vst v4  }
0x542: {  	[tilespmem:s6+$0x162A0] =	vst v5;
	v4 =	vld [tilespmem:s17+$0x1C91]  }
0x543: {  	v5 =	vld [tilespmem:s7+$0x1CA1];
	[tilespmem:s9+$0x162A0] =	vst v2  }
0x544: {  	[tilespmem:s13+$0x162B0] =	vst v1;
	v2 =	vld [tilespmem:s8+$0x1CA1]  }
0x545: {  	v1 =	vld [tilespmem:s14+$0x1CB1];
	[tilespmem:s4+$0x162A0] =	vst v3  }
0x546: {  	v3 =	vld [tilespmem:s5+$0x1CA1]  }
0x547: {  	[tilespmem:s16+$0x162A0] =	vst v4  }
0x548: {  	[tilespmem:s6+$0x162B0] =	vst v5;
	v4 =	vld [tilespmem:s17+$0x1CA1]  }
0x549: {  	v5 =	vld [tilespmem:s7+$0x1CB1];
	[tilespmem:s9+$0x162B0] =	vst v2  }
0x54a: {  	[tilespmem:s13+$0x162C0] =	vst v1;
	v2 =	vld [tilespmem:s8+$0x1CB1]  }
0x54b: {  	v1 =	vld [tilespmem:s14+$0x1CC1];
	[tilespmem:s4+$0x162B0] =	vst v3  }
0x54c: {  	v3 =	vld [tilespmem:s5+$0x1CB1]  }
0x54d: {  	[tilespmem:s16+$0x162B0] =	vst v4  }
0x54e: {  	[tilespmem:s6+$0x162C0] =	vst v5;
	v4 =	vld [tilespmem:s17+$0x1CB1]  }
0x54f: {  	v5 =	vld [tilespmem:s7+$0x1CC1];
	[tilespmem:s9+$0x162C0] =	vst v2  }
0x550: {  	[tilespmem:s13+$0x162D0] =	vst v1;
	v2 =	vld [tilespmem:s8+$0x1CC1]  }
0x551: {  	v1 =	vld [tilespmem:s14+$0x1CD1];
	[tilespmem:s4+$0x162C0] =	vst v3  }
0x552: {  	v3 =	vld [tilespmem:s5+$0x1CC1]  }
0x553: {  	[tilespmem:s16+$0x162C0] =	vst v4  }
0x554: {  	[tilespmem:s6+$0x162D0] =	vst v5;
	v4 =	vld [tilespmem:s17+$0x1CC1]  }
0x555: {  	v5 =	vld [tilespmem:s7+$0x1CD1];
	[tilespmem:s9+$0x162D0] =	vst v2  }
0x556: {  	[tilespmem:s13+$0x162E0] =	vst v1;
	v2 =	vld [tilespmem:s8+$0x1CD1]  }
0x557: {  	v1 =	vld [tilespmem:s14+$0x1CE1];
	[tilespmem:s4+$0x162D0] =	vst v3  }
0x558: {  	v3 =	vld [tilespmem:s5+$0x1CD1]  }
0x559: {  	[tilespmem:s16+$0x162D0] =	vst v4  }
0x55a: {  	[tilespmem:s6+$0x162E0] =	vst v5;
	v4 =	vld [tilespmem:s17+$0x1CD1]  }
0x55b: {  	s26 =	sadd.s32 $0x200, s15;
	v5 =	vld [tilespmem:s7+$0x1CE1];
	[tilespmem:s9+$0x162E0] =	vst v2  }
0x55c: {  	[tilespmem:s13+$0x162F0] =	vst v1;
	s15 =	sshra.s32 s26, $0x2;
	v2 =	vld [tilespmem:s8+$0x1CE1]  }
0x55d: {  	v1 =	vld [tilespmem:s15+$0x0];
	[tilespmem:s4+$0x162E0] =	vst v3  }
0x55e: {  	v3 =	vld [tilespmem:s5+$0x1CE1]  }
0x55f: {  	s10 =	sadd.s32 $0x200, s26;
	[tilespmem:s16+$0x162E0] =	vst v4  }
0x560: {  	[tilespmem:s6+$0x162F0] =	vst v5;
	s18 =	sshra.s32 s10, $0x2;
	s10 =	sadd.s32 $0x200, s10;
	v4 =	vld [tilespmem:s17+$0x1CE1]  }
0x561: {  	[tilespmem:s9+$0x162F0] =	vst v2;
	v5 =	vld [tilespmem:s18+$0x0];
	s19 =	sshra.s32 s10, $0x2  }
0x562: {  	[tilespmem:s13+$0x16300] =	vst v1;
	s10 =	sadd.s32 $0x200, s10;
	v2 =	vld [tilespmem:s19+$0x0]  }
0x563: {  	v1 =	vld [tilespmem:s14+$0xC81];
	[tilespmem:s4+$0x162F0] =	vst v3;
	s20 =	sshra.s32 s10, $0x2  }
0x564: {  	s10 =	sadd.s32 $0x200, s10;
	v3 =	vld [tilespmem:s20+$0x0]  }
0x565: {  	s10 =	sshra.s32 s10, $0x2;
	[tilespmem:s16+$0x162F0] =	vst v4  }
0x566: {  	[tilespmem:s6+$0x16300] =	vst v5;
	v4 =	vld [tilespmem:s10+$0x0]  }
0x567: {  	v5 =	vld [tilespmem:s7+$0xC81];
	[tilespmem:s9+$0x16300] =	vst v2  }
0x568: {  	[tilespmem:s13+$0x16310] =	vst v1;
	v2 =	vld [tilespmem:s8+$0xC81]  }
0x569: {  	v1 =	vld [tilespmem:s14+$0xC91];
	[tilespmem:s4+$0x16300] =	vst v3  }
0x56a: {  	v3 =	vld [tilespmem:s5+$0xC81]  }
0x56b: {  	[tilespmem:s16+$0x16300] =	vst v4  }
0x56c: {  	[tilespmem:s6+$0x16310] =	vst v5;
	v4 =	vld [tilespmem:s17+$0xC81]  }
0x56d: {  	v5 =	vld [tilespmem:s7+$0xC91];
	[tilespmem:s9+$0x16310] =	vst v2  }
0x56e: {  	[tilespmem:s13+$0x16320] =	vst v1;
	v2 =	vld [tilespmem:s8+$0xC91]  }
0x56f: {  	v1 =	vld [tilespmem:s14+$0xCA1];
	[tilespmem:s4+$0x16310] =	vst v3  }
0x570: {  	v3 =	vld [tilespmem:s5+$0xC91]  }
0x571: {  	[tilespmem:s16+$0x16310] =	vst v4  }
0x572: {  	[tilespmem:s6+$0x16320] =	vst v5;
	v4 =	vld [tilespmem:s17+$0xC91]  }
0x573: {  	v5 =	vld [tilespmem:s7+$0xCA1];
	[tilespmem:s9+$0x16320] =	vst v2  }
0x574: {  	[tilespmem:s13+$0x16330] =	vst v1;
	v2 =	vld [tilespmem:s8+$0xCA1]  }
0x575: {  	v1 =	vld [tilespmem:s14+$0xCB1];
	[tilespmem:s4+$0x16320] =	vst v3  }
0x576: {  	v3 =	vld [tilespmem:s5+$0xCA1]  }
0x577: {  	[tilespmem:s16+$0x16320] =	vst v4  }
0x578: {  	[tilespmem:s6+$0x16330] =	vst v5;
	v4 =	vld [tilespmem:s17+$0xCA1]  }
0x579: {  	v5 =	vld [tilespmem:s7+$0xCB1];
	[tilespmem:s9+$0x16330] =	vst v2  }
0x57a: {  	[tilespmem:s13+$0x16340] =	vst v1;
	v2 =	vld [tilespmem:s8+$0xCB1]  }
0x57b: {  	v1 =	vld [tilespmem:s14+$0xCC1];
	[tilespmem:s4+$0x16330] =	vst v3  }
0x57c: {  	v3 =	vld [tilespmem:s5+$0xCB1]  }
0x57d: {  	[tilespmem:s16+$0x16330] =	vst v4  }
0x57e: {  	[tilespmem:s6+$0x16340] =	vst v5;
	v4 =	vld [tilespmem:s17+$0xCB1]  }
0x57f: {  	v5 =	vld [tilespmem:s7+$0xCC1];
	[tilespmem:s9+$0x16340] =	vst v2  }
0x580: {  	[tilespmem:s13+$0x16350] =	vst v1;
	v2 =	vld [tilespmem:s8+$0xCC1]  }
0x581: {  	v1 =	vld [tilespmem:s14+$0xCD1];
	[tilespmem:s4+$0x16340] =	vst v3  }
0x582: {  	[tilespmem:s11+$0x16350] =	vst v0;
	v3 =	vld [tilespmem:s5+$0xCC1]  }
0x583: {  	v63 =	vld [tilespmem:s12+$0xCD1];
	[tilespmem:s16+$0x16340] =	vst v4  }
0x584: {  	[tilespmem:s6+$0x16350] =	vst v5;
	v62 =	vld [tilespmem:s17+$0xCC1]  }
0x585: {  	v5 =	vld [tilespmem:s7+$0xCD1];
	[tilespmem:s9+$0x16350] =	vst v2  }
0x586: {  	[tilespmem:s13+$0x16360] =	vst v1;
	v2 =	vld [tilespmem:s8+$0xCD1]  }
0x587: {  	v1 =	vld [tilespmem:s14+$0xCE1];
	[tilespmem:s4+$0x16350] =	vst v3  }
0x588: {  	[tilespmem:s11+$0x16360] =	vst v63;
	v3 =	vld [tilespmem:s5+$0xCD1]  }
0x589: {  	v4 =	vld [tilespmem:s12+$0xCE1];
	[tilespmem:s16+$0x16350] =	vst v62  }
0x58a: {  	s0 =	sadd.s32 $0x200, s0;
	[tilespmem:s6+$0x16360] =	vst v5;
	v0 =	vld [tilespmem:s17+$0xCD1]  }
0x58b: {  	s22 =	sshra.s32 s0, $0x2;
	s0 =	sadd.s32 $0x200, s0;
	v5 =	vld [tilespmem:s7+$0xCE1];
	[tilespmem:s9+$0x16360] =	vst v2  }
0x58c: {  	[tilespmem:s13+$0x16370] =	vst v1;
	s23 =	sshra.s32 s0, $0x2;
	v2 =	vld [tilespmem:s8+$0xCE1]  }
0x58d: {  	v1 =	vld [tilespmem:s23+$0x0];
	[tilespmem:s4+$0x16360] =	vst v3  }
0x58e: {  	v3 =	vld [tilespmem:s5+$0xCE1];
	[tilespmem:s11+$0x16370] =	vst v4  }
0x58f: {  	s0 =	sadd.s32 $0x200, s0;
	v4 =	vld [tilespmem:s22+$0x0];
	[tilespmem:s16+$0x16360] =	vst v0  }
0x590: {  	s24 =	sshra.s32 s0, $0x2;
	s0 =	sadd.s32 $0x200, s0;
	[tilespmem:s6+$0x16370] =	vst v5;
	v0 =	vld [tilespmem:s17+$0xCE1]  }
0x591: {  	s25 =	sshra.s32 s0, $0x2;
	v5 =	vld [tilespmem:s24+$0x0];
	[tilespmem:s9+$0x16370] =	vst v2  }
0x592: {  	s0 =	sadd.s32 $0x200, s0;
	[tilespmem:s13+$0x16380] =	vst v1;
	v2 =	vld [tilespmem:s25+$0x0]  }
0x593: {  	v1 =	vld [tilespmem:s14+$0xFFFFFC81];
	s26 =	sshra.s32 s0, $0x2;
	[tilespmem:s4+$0x16370] =	vst v3  }
0x594: {  	s0 =	sadd.s32 $0x200, s0;
	v3 =	vld [tilespmem:s26+$0x0];
	[tilespmem:s11+$0x16380] =	vst v4  }
0x595: {  	s0 =	sshra.s32 s0, $0x2;
	v4 =	vld [tilespmem:s12+$0xFFFFFC81];
	[tilespmem:s16+$0x16370] =	vst v0  }
0x596: {  	[tilespmem:s6+$0x16380] =	vst v5;
	v0 =	vld [tilespmem:s0+$0x0]  }
0x597: {  	v5 =	vld [tilespmem:s7+$0xFFFFFC81];
	[tilespmem:s9+$0x16380] =	vst v2  }
0x598: {  	[tilespmem:s13+$0x16390] =	vst v1;
	v2 =	vld [tilespmem:s8+$0xFFFFFC81]  }
0x599: {  	v1 =	vld [tilespmem:s14+$0xFFFFFC91];
	[tilespmem:s4+$0x16380] =	vst v3  }
0x59a: {  	v3 =	vld [tilespmem:s5+$0xFFFFFC81];
	[tilespmem:s11+$0x16390] =	vst v4  }
0x59b: {  	v4 =	vld [tilespmem:s12+$0xFFFFFC91];
	[tilespmem:s16+$0x16380] =	vst v0  }
0x59c: {  	[tilespmem:s6+$0x16390] =	vst v5;
	v0 =	vld [tilespmem:s17+$0xFFFFFC81]  }
0x59d: {  	v5 =	vld [tilespmem:s7+$0xFFFFFC91];
	[tilespmem:s9+$0x16390] =	vst v2  }
0x59e: {  	[tilespmem:s13+$0x163A0] =	vst v1;
	v2 =	vld [tilespmem:s8+$0xFFFFFC91]  }
0x59f: {  	v1 =	vld [tilespmem:s14+$0xFFFFFCA1];
	[tilespmem:s4+$0x16390] =	vst v3  }
0x5a0: {  	v3 =	vld [tilespmem:s5+$0xFFFFFC91];
	[tilespmem:s11+$0x163A0] =	vst v4  }
0x5a1: {  	v4 =	vld [tilespmem:s12+$0xFFFFFCA1];
	[tilespmem:s16+$0x16390] =	vst v0  }
0x5a2: {  	[tilespmem:s6+$0x163A0] =	vst v5;
	v0 =	vld [tilespmem:s17+$0xFFFFFC91]  }
0x5a3: {  	v5 =	vld [tilespmem:s7+$0xFFFFFCA1];
	[tilespmem:s9+$0x163A0] =	vst v2  }
0x5a4: {  	[tilespmem:s13+$0x163B0] =	vst v1;
	v2 =	vld [tilespmem:s8+$0xFFFFFCA1]  }
0x5a5: {  	v1 =	vld [tilespmem:s14+$0xFFFFFCB1];
	[tilespmem:s4+$0x163A0] =	vst v3  }
0x5a6: {  	v3 =	vld [tilespmem:s5+$0xFFFFFCA1];
	[tilespmem:s11+$0x163B0] =	vst v4  }
0x5a7: {  	v4 =	vld [tilespmem:s12+$0xFFFFFCB1];
	[tilespmem:s16+$0x163A0] =	vst v0  }
0x5a8: {  	[tilespmem:s6+$0x163B0] =	vst v5;
	v0 =	vld [tilespmem:s17+$0xFFFFFCA1]  }
0x5a9: {  	v5 =	vld [tilespmem:s7+$0xFFFFFCB1];
	[tilespmem:s9+$0x163B0] =	vst v2  }
0x5aa: {  	[tilespmem:s13+$0x163C0] =	vst v1;
	v2 =	vld [tilespmem:s8+$0xFFFFFCB1]  }
0x5ab: {  	v1 =	vld [tilespmem:s14+$0xFFFFFCC1];
	[tilespmem:s4+$0x163B0] =	vst v3  }
0x5ac: {  	v3 =	vld [tilespmem:s5+$0xFFFFFCB1];
	[tilespmem:s11+$0x163C0] =	vst v4  }
0x5ad: {  	v4 =	vld [tilespmem:s12+$0xFFFFFCC1];
	[tilespmem:s16+$0x163B0] =	vst v0  }
0x5ae: {  	[tilespmem:s6+$0x163C0] =	vst v5;
	v0 =	vld [tilespmem:s17+$0xFFFFFCB1]  }
0x5af: {  	v5 =	vld [tilespmem:s7+$0xFFFFFCC1];
	[tilespmem:s9+$0x163C0] =	vst v2  }
0x5b0: {  	[tilespmem:s13+$0x163D0] =	vst v1;
	v2 =	vld [tilespmem:s8+$0xFFFFFCC1]  }
0x5b1: {  	v1 =	vld [tilespmem:s14+$0xFFFFFCD1];
	[tilespmem:s4+$0x163C0] =	vst v3  }
0x5b2: {  	v3 =	vld [tilespmem:s5+$0xFFFFFCC1];
	[tilespmem:s11+$0x163D0] =	vst v4  }
0x5b3: {  	v4 =	vld [tilespmem:s12+$0xFFFFFCD1];
	[tilespmem:s16+$0x163C0] =	vst v0  }
0x5b4: {  	[tilespmem:s6+$0x163D0] =	vst v5;
	v0 =	vld [tilespmem:s17+$0xFFFFFCC1]  }
0x5b5: {  	v5 =	vld [tilespmem:s7+$0xFFFFFCD1];
	[tilespmem:s9+$0x163D0] =	vst v2  }
0x5b6: {  	[tilespmem:s13+$0x163E0] =	vst v1;
	v2 =	vld [tilespmem:s8+$0xFFFFFCD1]  }
0x5b7: {  	v1 =	vld [tilespmem:s14+$0xFFFFFCE1];
	[tilespmem:s4+$0x163D0] =	vst v3  }
0x5b8: {  	v3 =	vld [tilespmem:s5+$0xFFFFFCD1];
	[tilespmem:s11+$0x163E0] =	vst v4  }
0x5b9: {  	v4 =	vld [tilespmem:s12+$0xFFFFFCE1];
	[tilespmem:s16+$0x163D0] =	vst v0  }
0x5ba: {  	[tilespmem:s6+$0x163E0] =	vst v5;
	v0 =	vld [tilespmem:s17+$0xFFFFFCD1]  }
0x5bb: {  	v5 =	vld [tilespmem:s7+$0xFFFFFCE1];
	[tilespmem:s9+$0x163E0] =	vst v2  }
0x5bc: {  	[tilespmem:s13+$0x163F0] =	vst v1;
	v2 =	vld [tilespmem:s8+$0xFFFFFCE1]  }
0x5bd: {  	[tilespmem:s4+$0x163E0] =	vst v3  }
0x5be: {  	[tilespmem:s11+$0x163F0] =	vst v4  }
0x5bf: {  	v3 =	vld [tilespmem:s5+$0xFFFFFCE1];
	[tilespmem:s16+$0x163E0] =	vst v0  }
0x5c0: {  	v0 =	vld [tilespmem:s17+$0xFFFFFCE1];
	s25 =	rddreg [dreg:$0x4];
	[tilespmem:s6+$0x163F0] =	vst v5  }
0x5c1: {  	[tilespmem:s9+$0x163F0] =	vst v2;
	s8 =	sor.u32 s25, s29  }
0x5c2: {  	s26 =	rddreg [dreg:$0x5];
	s0 =	sshll.u32 s8, $0xB  }
0x5c3: {  	s0 =	sor.u32 s26, s0  }
0x5c4: {  	s1 =	sadd.s32 $0x1, s1;
	s31 =	sadd.s32 $0xFFFFFFF0, s31;
	[tilespmem:s4+$0x163F0] =	vst v3;
	s0 =	sshrl.u32 s0, $0x3  }
0x5c5: {  	s30 =	sadd.s32 $0xFFFFFFF0, s30;
	s10 =	simm.s32 $0x17C00;
	[tilespmem:s16+$0x163F0] =	vst v0;
	s9 =	sadd.s32 s2, s0  }
0x5c6: {  	[hbm4b:s9+s3] =	stream.linear.scatter [tilespmem:s10], [sflag:$0x2], $0x4000, $0x38;
	[tilespmem:$0x1C000] =	vst v63  }
0x5c7: {  	s21 =	sadd.s32 $0xFFFFFFC0, s21;
	p0 =	sne.s32 s1, $0x8;
	s6 =	sld [smem:$0x7ED]  }
0x5c8: {  	s23 =	simm.s32 $0x16400;
	s14 =	simm.s32 $0x17400;
	s5 =	sld [smem:$0x7EE]  }
0x5c9: {  	s18 =	simm.s32 $0x16C00;
	s20 =	simm.s32 $0x16800;
	s8 =	sld [smem:$0x7EF]  }
0x5ca: {  	s24 =	simm.s32 $0x16000;
	s12 =	simm.s32 $0x17800;
	s9 =	sld [smem:$0x7F0]  }
0x5cb: {  	s11 =	sor.u32 $0x8000, s0;
	s13 =	sor.u32 $0x10000, s0;
	s10 =	sld [smem:$0x7F1]  }
0x5cc: {  	s15 =	sor.u32 $0x18000, s0;
	s17 =	sor.u32 $0x20000, s0;
	s29 =	sld [smem:$0x7FC]  }
0x5cd: {  	s19 =	sor.u32 $0x28000, s0;
	s4 =	sadd.s32 s2, s11;
	s11 =	sld [smem:$0x7F2]  }
0x5ce: {  	s22 =	sor.u32 $0x30000, s0;
	s0 =	sor.u32 $0x38000, s0;
	s28 =	sld [smem:$0x7F5]  }
0x5cf: {  	[hbm4b:s4+s3] =	stream.linear.scatter [tilespmem:s12], [sflag:$0x2], $0x4000, $0x38;
	[tilespmem:$0x1C000] =	vst v63  }
0x5d0: {  	s16 =	simm.s32 $0x17000;
	s0 =	sadd.s32 s2, s0;
	s12 =	sld [smem:$0x7F3]  }
0x5d1: {  	s4 =	sadd.s32 s2, s13;
	s13 =	sld [smem:$0x7F7];
	s6 =	sadd.s32 $0xFFFFFFF0, s6  }
0x5d2: {  	[hbm4b:s4+s3] =	stream.linear.scatter [tilespmem:s14], [sflag:$0x2], $0x4000, $0x38;
	[tilespmem:$0x1C000] =	vst v63  }
0x5d3: {  	s29 =	sadd.s32 $0xFFFFFFF0, s29;
	s28 =	sadd.s32 $0xFFFFFFF0, s28;
	s4 =	sadd.s32 s2, s15  }
0x5d4: {  	[hbm4b:s4+s3] =	stream.linear.scatter [tilespmem:s16], [sflag:$0x2], $0x4000, $0x38;
	[tilespmem:$0x1C000] =	vst v63  }
0x5d5: {  	s14 =	sadd.s32 $0xFFFFFFF0, s5;
	s4 =	sadd.s32 s2, s17;
	s16 =	sld [smem:$0x7F4]  }
0x5d6: {  	[hbm4b:s4+s3] =	stream.linear.scatter [tilespmem:s18], [sflag:$0x2], $0x4000, $0x38;
	[tilespmem:$0x1C000] =	vst v63  }
0x5d7: {  	s4 =	sadd.s32 s2, s19;
	s18 =	sadd.s32 $0xFFFFFFF0, s9;
	s9 =	sld [smem:$0x7F6]  }
0x5d8: {  	[hbm4b:s4+s3] =	stream.linear.scatter [tilespmem:s20], [sflag:$0x2], $0x4000, $0x38;
	[tilespmem:$0x1C000] =	vst v63  }
0x5d9: {  	s5 =	sadd.s32 $0xFFFFFFF0, s8;
	s19 =	sld [smem:$0x7FA];
	s4 =	sadd.s32 s2, s22  }
0x5da: {  	[hbm4b:s4+s3] =	stream.linear.scatter [tilespmem:s23], [sflag:$0x2], $0x4000, $0x38;
	[tilespmem:$0x1C000] =	vst v63  }
.Ltmp2:
0x5db: {  	s15 =	sld [smem:$0x7F9];
	s8 =	sadd.s32 $0xFFFFFFF0, s12;
	(pc) =	sbr.rel @p0 .LBB2_2-.Ltmp2, $4  }
0x5dc: {  	s17 =	sadd.s32 $0xFFFFFFF0, s11;
	s16 =	sadd.s32 $0xFFFFFFF0, s16;
	s4 =	sld [smem:$0x7EC]  }
0x5dd: {  	s20 =	sadd.s32 $0xFFFFFFF0, s10;
	s9 =	sadd.s32 $0xFFFFFFF0, s9;
	s22 =	sadd.s32 $0xFFFFFFF0, s19  }
0x5de: {  	[hbm4b:s0+s3] =	stream.linear.scatter [tilespmem:s24], [sflag:$0x2], $0x4000, $0x38;
	[tilespmem:$0x1C000] =	vst v63  }
0x5df: {  	s23 =	sadd.s32 $0xFFFFFFF0, s15;
	s24 =	sadd.s32 $0xFFFFFFF0, s13;
	s7 =	sadd.s32 $0xFFFFFFF0, s4  }
0x5e0: {  	s0 =	simm.s32 $0x1  }
0x5e1: {  	_ =	swait.ge [sflag:s0], $0x4000  }
0x5e2: {  	[sflag:s0] =	ssyncset.done $0x0  }
0x5e3: {  	[sflag:s0] =	ssyncadd.s32 $0xFFFFC000  }
0x5e4: {  	_ =	swait.ge [sflag:s0], $0x4000  }
0x5e5: {  	[sflag:s0] =	ssyncset.done $0x0  }
0x5e6: {  	[sflag:s0] =	ssyncadd.s32 $0xFFFFC000  }
0x5e7: {  	_ =	swait.ge [sflag:s0], $0x4000  }
0x5e8: {  	[sflag:s0] =	ssyncset.done $0x0  }
0x5e9: {  	[sflag:s0] =	ssyncadd.s32 $0xFFFFC000  }
0x5ea: {  	_ =	swait.ge [sflag:s0], $0x4000  }
0x5eb: {  	[sflag:s0] =	ssyncset.done $0x0  }
0x5ec: {  	[sflag:s0] =	ssyncadd.s32 $0xFFFFC000  }
0x5ed: {  	_ =	swait.ge [sflag:s0], $0x4000  }
0x5ee: {  	[sflag:s0] =	ssyncset.done $0x0  }
0x5ef: {  	[sflag:s0] =	ssyncadd.s32 $0xFFFFC000  }
0x5f0: {  	_ =	swait.ge [sflag:s0], $0x4000  }
0x5f1: {  	[sflag:s0] =	ssyncset.done $0x0  }
0x5f2: {  	[sflag:s0] =	ssyncadd.s32 $0xFFFFC000  }
0x5f3: {  	_ =	swait.ge [sflag:s0], $0x4000  }
0x5f4: {  	[sflag:s0] =	ssyncset.done $0x0  }
0x5f5: {  	[sflag:s0] =	ssyncadd.s32 $0xFFFFC000  }
0x5f6: {  	_ =	swait.ge [sflag:s0], $0x4000  }
0x5f7: {  	[sflag:s0] =	ssyncset.done $0x0  }
0x5f8: {  	s1 =	simm.s32 $0x2;
	[sflag:s0] =	ssyncadd.s32 $0xFFFFC000  }
0x5f9: {  	_ =	swait.ge [sflag:s1], $0x4000  }
0x5fa: {  	[sflag:s1] =	ssyncset.done $0x0  }
0x5fb: {  	[sflag:s1] =	ssyncadd.s32 $0xFFFFC000  }
0x5fc: {  	_ =	swait.ge [sflag:s1], $0x4000  }
0x5fd: {  	[sflag:s1] =	ssyncset.done $0x0  }
0x5fe: {  	[sflag:s1] =	ssyncadd.s32 $0xFFFFC000  }
0x5ff: {  	_ =	swait.ge [sflag:s1], $0x4000  }
0x600: {  	[sflag:s1] =	ssyncset.done $0x0  }
0x601: {  	[sflag:s1] =	ssyncadd.s32 $0xFFFFC000  }
0x602: {  	_ =	swait.ge [sflag:s1], $0x4000  }
0x603: {  	[sflag:s1] =	ssyncset.done $0x0  }
0x604: {  	[sflag:s1] =	ssyncadd.s32 $0xFFFFC000  }
0x605: {  	_ =	swait.ge [sflag:s1], $0x4000  }
0x606: {  	[sflag:s1] =	ssyncset.done $0x0  }
0x607: {  	[sflag:s1] =	ssyncadd.s32 $0xFFFFC000  }
0x608: {  	_ =	swait.ge [sflag:s1], $0x4000  }
0x609: {  	[sflag:s1] =	ssyncset.done $0x0  }
0x60a: {  	[sflag:s1] =	ssyncadd.s32 $0xFFFFC000  }
0x60b: {  	_ =	swait.ge [sflag:s1], $0x4000  }
0x60c: {  	[sflag:s1] =	ssyncset.done $0x0  }
0x60d: {  	[sflag:s1] =	ssyncadd.s32 $0xFFFFC000  }
0x60e: {  	_ =	swait.ge [sflag:s1], $0x4000  }
0x60f: {  	s4 =	sld [smem:$0x7FD];
	_ =	sdelay $0x2  }
0x610: {  	s31 =	rddreg [dreg:$0xe];
	s4 =	sadd.s32 $0x1, s4  }
0x611: {  	p0 =	sne.s32 s4, s31  }
.Ltmp3:
0x612: {  	_ = 	snop;
	(pc) =	sbr.rel @p0 .LBB2_1-.Ltmp3, $3  }
0x613: {  	_ =	sdelay $0x1  }
0x614: {  	[sflag:s1] =	ssyncset.done $0x0  }
0x615: {  	[sflag:s1] =	ssyncadd.s32 $0xFFFFC000  }
0x616: {  	_ =	sfence.sel $0x180000  }
0x617: {  	[bflag:$0x0] =	sbarrier.arrive $0xFFFF  }
0x618: {  	_ =	strace $0x90000047  }
0x619: {  	s0 =	stileid.u32;
	[bflag:$0x2] =	sbarrier.arrive $0xFFFF  }
0x61a: {  	p0 =	sne.s32 s0, $0x0;
	s0 =	rddreg [dreg:$0x2]  }
0x61b: {  	s0 =	sadd.s32 @!p0 $0x100000, s0  }
0x61c: {  	[sflag:s0] =	ssyncadd.tile.s32 @!p0 $0x1;
	_ =	shalt  }
.Lfunc_end2:
_tile_overlayer_lowered:
.L_overlay_start_2:
0x61d: {  	(tag) =	ssettag $0x2  }
0x61e: {  	s0 =	rddreg [dreg:$0x0];
	s2 =	stileid.u32  }
0x61f: {  	s1 =	rddreg [dreg:$0x1];
	p0 =	sne.s32 s2, $0x0  }
0x620: {  	s3 =	rddreg [dreg:$0x2];
	[bflag:$0x3] =	sbarrier.arrive $0xFFFF;
	s2 =	simm.s32 @!p0 $0x1C03  }
0x621: {  	[timem:s3], [sflag:s2] =	dma.local @!p0 [hbm:s0], s1  }
0x622: {  	s0 =	simm.s32 @!p0 $0x3  }
0x623: {  	_ =	swait.ge @!p0 [sflag:s0], s1  }
0x624: {  	s1 =	ssub.s32 @!p0 $0x0, s1;
	[sflag:s0] =	ssyncset.done @!p0 $0x0  }
0x625: {  	[sflag:s0] =	ssyncadd.s32 @!p0 s1  }
0x626: {  	[bflag:$0x3] =	sbarrier.arrive $0xFFFF  }
0x627: {  	_ =	shalt  }

</sc_bundles>
